<compile_context>
chip_gen: v7x
topology: tpu7x:2x2x1
jax: 0.10.2.dev20260603
libtpu: 0.0.44.dev20260713+nightly
codegen_flags: <defaults>
</compile_context>

<pallas_src>
import functools

import jax
import jax.numpy as jnp
from jax import lax
from jax.experimental import pallas as pl
from jax.experimental.pallas import tpu as pltpu
from jax.experimental.pallas import tpu_sc as plsc

NUM_TAGS = 100000
D = 32
B = 4096
H = 50
L = 16
NC, NS = 2, 16
NW = NC * NS
RPW = B // NW
NBUF = 4


def _sc_kernel(ct_hbm, ui_hbm, table_hbm, out_hbm,
               cidx, uidx, outv, cbufs, ubufs, semcs, semus):
    wid = lax.axis_index("s") * NC + lax.axis_index("c")
    row0 = wid * RPW

    pltpu.sync_copy(ct_hbm.at[pl.ds(row0, RPW)], cidx)
    pltpu.sync_copy(ui_hbm.at[pl.ds(row0, RPW)], uidx)

    lane = lax.broadcasted_iota(jnp.int32, (L,), 0)
    last_lane = lane == (L - 1)

    def start(j, b):
        pltpu.async_copy(table_hbm.at[cidx.at[j]], cbufs[b], semcs[b])
        pltpu.async_copy(table_hbm.at[uidx.at[j]], ubufs[b], semus[b])

    def wait(b):
        pltpu.make_async_copy(
            table_hbm.at[cidx.at[0]], cbufs[b], semcs[b]).wait()
        pltpu.make_async_copy(
            table_hbm.at[uidx.at[0]], ubufs[b], semus[b]).wait()

    def compute(j, b):
        cb, ub = cbufs[b], ubufs[b]
        c0 = jnp.zeros((L,), jnp.float32)
        c1 = jnp.zeros((L,), jnp.float32)
        u0 = jnp.zeros((L,), jnp.float32)
        u1 = jnp.zeros((L,), jnp.float32)
        for r in range(H):
            c0 = c0 + cb[r, pl.ds(0, L)]
            c1 = c1 + cb[r, pl.ds(L, L)]
            u0 = u0 + ub[r, pl.ds(0, L)]
            u1 = u1 + ub[r, pl.ds(L, L)]
        cs = plsc.cumsum(c0 * u0 + c1 * u1) * (1.0 / (H * H))
        row_idx = jnp.full((L,), j, jnp.int32)
        plsc.store_scatter(outv, [row_idx], cs, mask=last_lane)

    for p in range(NBUF - 1):
        start(p, p)

    @pl.loop(0, RPW, step=NBUF)
    def _chunks(j):
        for b in range(NBUF):
            wait(b)

            @pl.when(j + b + NBUF - 1 < RPW)
            def _():
                start(j + b + NBUF - 1, (b + NBUF - 1) % NBUF)

            compute(j + b, b)

    pltpu.sync_copy(outv, out_hbm.at[pl.ds(row0, RPW)])


@jax.jit
def kernel(course_tags, user_interests, tag_embedding):
    ct = course_tags.astype(jnp.int32)
    ui = user_interests.astype(jnp.int32)

    run = functools.partial(
        pl.kernel,
        out_type=jax.ShapeDtypeStruct((B,), jnp.float32),
        mesh=plsc.VectorSubcoreMesh(core_axis_name="c", subcore_axis_name="s"),
        compiler_params=pltpu.CompilerParams(
            needs_layout_passes=False, use_tc_tiling_on_sc=False),
        scratch_types=[
            pltpu.VMEM((RPW, H), jnp.int32),
            pltpu.VMEM((RPW, H), jnp.int32),
            pltpu.VMEM((RPW,), jnp.float32),
            [pltpu.VMEM((H, D), jnp.float32) for _ in range(NBUF)],
            [pltpu.VMEM((H, D), jnp.float32) for _ in range(NBUF)],
            [pltpu.SemaphoreType.DMA for _ in range(NBUF)],
            [pltpu.SemaphoreType.DMA for _ in range(NBUF)],
        ],
    )(_sc_kernel)

    sim = run(ct, ui, tag_embedding)
    return sim.reshape(B, 1)

# --- scband reference (transcript-rebuilt; emitter-appended) ---
"""Pipeline reference for scband-recommendation-model-37288906064156 (READ-ONLY COPY).

The authoritative reference and input builder live on the scoring server;
editing this copy changes nothing except your own understanding.
"""

import jax, jax.numpy as jnp
import numpy as np

NUM_TAGS = 100000
EMBED_DIM = 32
BATCH = 4096
HIST = 50

def setup_inputs(seed: int = 0) -> dict:
    key = jax.random.key(seed)
    k1, k2, k3 = jax.random.split(key, 3)
    course_tags = jax.random.randint(k1, (BATCH, HIST), 0, NUM_TAGS, dtype=jnp.int64 if jax.config.jax_enable_x64 else jnp.int32)
    user_interests = jax.random.randint(k2, (BATCH, HIST), 0, NUM_TAGS, dtype=jnp.int64 if jax.config.jax_enable_x64 else jnp.int32)
    tag_embedding = jax.random.normal(k3, (NUM_TAGS, EMBED_DIM), dtype=jnp.float32)
    return {"course_tags": course_tags, "user_interests": user_interests, "tag_embedding": tag_embedding}

def reference(course_tags, user_interests, tag_embedding):
    # nn.Embedding lookup -> gather rows from the shared tag embedding table
    course_embedding = jnp.take(tag_embedding, course_tags, axis=0)  # [B, HIST, D]
    user_embedding = jnp.take(tag_embedding, user_interests, axis=0)  # [B, HIST, D]
    # mean over the tag/history dimension
    course_embedding = jnp.mean(course_embedding, axis=1)  # [B, D]
    user_embedding = jnp.mean(user_embedding, axis=1)      # [B, D]
    # dot-product similarity per example
    similarity = jnp.sum(course_embedding * user_embedding, axis=1, keepdims=True)  # [B, 1]
    return similarity

if __name__ == "__main__":
    import jax
    _d = setup_inputs()
    print(jax.jit(kernel)(*tuple(_d.values())))

</pallas_src>

<mosaic_0001>
#map = affine_map<(d0, d1) -> (0, 0)>
#map1 = affine_map<(d0, d1) -> (0)>
module attributes {stable_mosaic.version = 14 : i64} {
  func.func @_sc_kernel(%arg0: i32, %arg1: i32, %arg2: memref<4096x50xi32, #tpu.memory_space<hbm>>, %arg3: memref<4096x50xi32, #tpu.memory_space<hbm>>, %arg4: memref<100000x32xf32, #tpu.memory_space<hbm>>, %arg5: memref<4096xf32, #tpu.memory_space<hbm>>, %arg6: memref<128x50xi32, #tpu.memory_space<vmem>>, %arg7: memref<128x50xi32, #tpu.memory_space<vmem>>, %arg8: memref<128xf32, #tpu.memory_space<vmem>>, %arg9: memref<50x32xf32, #tpu.memory_space<vmem>>, %arg10: memref<50x32xf32, #tpu.memory_space<vmem>>, %arg11: memref<50x32xf32, #tpu.memory_space<vmem>>, %arg12: memref<50x32xf32, #tpu.memory_space<vmem>>, %arg13: memref<50x32xf32, #tpu.memory_space<vmem>>, %arg14: memref<50x32xf32, #tpu.memory_space<vmem>>, %arg15: memref<50x32xf32, #tpu.memory_space<vmem>>, %arg16: memref<50x32xf32, #tpu.memory_space<vmem>>, %arg17: memref<!tpu.dma_semaphore, #tpu.memory_space<semaphore_mem>>, %arg18: memref<!tpu.dma_semaphore, #tpu.memory_space<semaphore_mem>>, %arg19: memref<!tpu.dma_semaphore, #tpu.memory_space<semaphore_mem>>, %arg20: memref<!tpu.dma_semaphore, #tpu.memory_space<semaphore_mem>>, %arg21: memref<!tpu.dma_semaphore, #tpu.memory_space<semaphore_mem>>, %arg22: memref<!tpu.dma_semaphore, #tpu.memory_space<semaphore_mem>>, %arg23: memref<!tpu.dma_semaphore, #tpu.memory_space<semaphore_mem>>, %arg24: memref<!tpu.dma_semaphore, #tpu.memory_space<semaphore_mem>>) attributes {dimension_semantics = [#tpu.dimension_semantics<core_parallel>, #tpu.dimension_semantics<subcore_parallel>], iteration_bounds = array<i64: 2, 16>, scalar_prefetch = 0 : i64, scratch_operands = 19 : i64, tpu.core_type = #tpu.core_type<sc_vector_subcore>, window_params = [{transform_indices = #map}, {transform_indices = #map}, {transform_indices = #map}, {transform_indices = #map1}]} {
    %mul3A = arith.constant 2 : i32
    %mul3A_0 = arith.muli %arg1, %mul3A : i32
    %add3A = arith.addi %mul3A_0, %arg0 : i32
    %mul3A_1 = arith.constant 128 : i32
    %mul3A_2 = arith.muli %add3A, %mul3A_1 : i32
    "tpu.region"() ({
      %run_scoped3A = tpu.sem_alloc : memref<!tpu.dma_semaphore, #tpu.memory_space<semaphore_mem>>
      %dma_start3A_50 = arith.constant 0 : i32
      %dma_start3A_51 = tpu.memref_slice %arg2[%mul3A_2, %dma_start3A_50] : memref<4096x50xi32, #tpu.memory_space<hbm>> -> memref<128x50xi32, #tpu.memory_space<hbm>>
      %dma_start3A_52 = arith.constant 0 : i32
      %dma_start3A_53 = tpu.memref_slice %arg2[%mul3A_2, %dma_start3A_52] : memref<4096x50xi32, #tpu.memory_space<hbm>> -> memref<128x50xi32, #tpu.memory_space<hbm>>
      tpu.enqueue_dma source(%dma_start3A_53 : memref<128x50xi32, #tpu.memory_space<hbm>>) target(%arg6 : memref<128x50xi32, #tpu.memory_space<vmem>>) target_semaphore(%run_scoped3A : memref<!tpu.dma_semaphore, #tpu.memory_space<semaphore_mem>>)
      %dma_wait3A = arith.constant 0 : i32
      %dma_wait3A_54 = tpu.memref_slice %arg2[%mul3A_2, %dma_wait3A] : memref<4096x50xi32, #tpu.memory_space<hbm>> -> memref<128x50xi32, #tpu.memory_space<hbm>>
      %dma_wait3A_55 = arith.constant 0 : i32
      %dma_wait3A_56 = tpu.memref_slice %arg2[%mul3A_2, %dma_wait3A_55] : memref<4096x50xi32, #tpu.memory_space<hbm>> -> memref<128x50xi32, #tpu.memory_space<hbm>>
      tpu.wait_dma2 semaphore(%run_scoped3A : memref<!tpu.dma_semaphore, #tpu.memory_space<semaphore_mem>>) src(%dma_wait3A_56 : memref<128x50xi32, #tpu.memory_space<hbm>>) dst(%arg6 : memref<128x50xi32, #tpu.memory_space<vmem>>)
      tpu.yield
    }) : () -> ()
    "tpu.region"() ({
      %run_scoped3A = tpu.sem_alloc : memref<!tpu.dma_semaphore, #tpu.memory_space<semaphore_mem>>
      %dma_start3A_50 = arith.constant 0 : i32
      %dma_start3A_51 = tpu.memref_slice %arg3[%mul3A_2, %dma_start3A_50] : memref<4096x50xi32, #tpu.memory_space<hbm>> -> memref<128x50xi32, #tpu.memory_space<hbm>>
      %dma_start3A_52 = arith.constant 0 : i32
      %dma_start3A_53 = tpu.memref_slice %arg3[%mul3A_2, %dma_start3A_52] : memref<4096x50xi32, #tpu.memory_space<hbm>> -> memref<128x50xi32, #tpu.memory_space<hbm>>
      tpu.enqueue_dma source(%dma_start3A_53 : memref<128x50xi32, #tpu.memory_space<hbm>>) target(%arg7 : memref<128x50xi32, #tpu.memory_space<vmem>>) target_semaphore(%run_scoped3A : memref<!tpu.dma_semaphore, #tpu.memory_space<semaphore_mem>>)
      %dma_wait3A = arith.constant 0 : i32
      %dma_wait3A_54 = tpu.memref_slice %arg3[%mul3A_2, %dma_wait3A] : memref<4096x50xi32, #tpu.memory_space<hbm>> -> memref<128x50xi32, #tpu.memory_space<hbm>>
      %dma_wait3A_55 = arith.constant 0 : i32
      %dma_wait3A_56 = tpu.memref_slice %arg3[%mul3A_2, %dma_wait3A_55] : memref<4096x50xi32, #tpu.memory_space<hbm>> -> memref<128x50xi32, #tpu.memory_space<hbm>>
      tpu.wait_dma2 semaphore(%run_scoped3A : memref<!tpu.dma_semaphore, #tpu.memory_space<semaphore_mem>>) src(%dma_wait3A_56 : memref<128x50xi32, #tpu.memory_space<hbm>>) dst(%arg7 : memref<128x50xi32, #tpu.memory_space<vmem>>)
      tpu.yield
    }) : () -> ()
    %iota3A = tpu.iota {dimensions = array<i32: 0>} : vector<16xi32>
    %eq3A = arith.constant 15 : i32
    %eq3A_3 = vector.broadcast %eq3A : i32 to vector<16xi32>
    %eq3A_4 = arith.cmpi eq, %iota3A, %eq3A_3 : vector<16xi32>
    %dma_start3A = arith.constant 0 : i32
    %dma_start3A_5 = arith.constant 0 : i32
    %dma_start3A_6 = tpu.memref_slice %arg6[%dma_start3A, %dma_start3A_5] : memref<128x50xi32, #tpu.memory_space<vmem>> -> memref<1x50xi32, #tpu.memory_space<vmem>>
    %dma_start3A_7 = tpu.memref_squeeze %dma_start3A_6 : memref<1x50xi32, #tpu.memory_space<vmem>> -> memref<50xi32, #tpu.memory_space<vmem>>
    %dma_start3A_8 = arith.constant 0 : i32
    %dma_start3A_9 = arith.constant 0 : i32
    %dma_start3A_10 = tpu.memref_slice %arg4[%dma_start3A_8, %dma_start3A_9] : memref<100000x32xf32, #tpu.memory_space<hbm>> -> memref<100000x32xf32, #tpu.memory_space<hbm>>
    tpu.enqueue_indirect_dma source(%dma_start3A_10 : memref<100000x32xf32, #tpu.memory_space<hbm>>) target(%arg9 : memref<50x32xf32, #tpu.memory_space<vmem>>) offsets(%dma_start3A_7 : memref<50xi32, #tpu.memory_space<vmem>>) semaphore(%arg17 : memref<!tpu.dma_semaphore, #tpu.memory_space<semaphore_mem>>)
    %dma_start3A_11 = arith.constant 0 : i32
    %dma_start3A_12 = arith.constant 0 : i32
    %dma_start3A_13 = tpu.memref_slice %arg7[%dma_start3A_11, %dma_start3A_12] : memref<128x50xi32, #tpu.memory_space<vmem>> -> memref<1x50xi32, #tpu.memory_space<vmem>>
    %dma_start3A_14 = tpu.memref_squeeze %dma_start3A_13 : memref<1x50xi32, #tpu.memory_space<vmem>> -> memref<50xi32, #tpu.memory_space<vmem>>
    %dma_start3A_15 = arith.constant 0 : i32
    %dma_start3A_16 = arith.constant 0 : i32
    %dma_start3A_17 = tpu.memref_slice %arg4[%dma_start3A_15, %dma_start3A_16] : memref<100000x32xf32, #tpu.memory_space<hbm>> -> memref<100000x32xf32, #tpu.memory_space<hbm>>
    tpu.enqueue_indirect_dma source(%dma_start3A_17 : memref<100000x32xf32, #tpu.memory_space<hbm>>) target(%arg13 : memref<50x32xf32, #tpu.memory_space<vmem>>) offsets(%dma_start3A_14 : memref<50xi32, #tpu.memory_space<vmem>>) semaphore(%arg21 : memref<!tpu.dma_semaphore, #tpu.memory_space<semaphore_mem>>)
    %dma_start3A_18 = arith.constant 1 : i32
    %dma_start3A_19 = arith.constant 0 : i32
    %dma_start3A_20 = tpu.memref_slice %arg6[%dma_start3A_18, %dma_start3A_19] : memref<128x50xi32, #tpu.memory_space<vmem>> -> memref<1x50xi32, #tpu.memory_space<vmem>>
    %dma_start3A_21 = tpu.memref_squeeze %dma_start3A_20 : memref<1x50xi32, #tpu.memory_space<vmem>> -> memref<50xi32, #tpu.memory_space<vmem>>
    %dma_start3A_22 = arith.constant 0 : i32
    %dma_start3A_23 = arith.constant 0 : i32
    %dma_start3A_24 = tpu.memref_slice %arg4[%dma_start3A_22, %dma_start3A_23] : memref<100000x32xf32, #tpu.memory_space<hbm>> -> memref<100000x32xf32, #tpu.memory_space<hbm>>
    tpu.enqueue_indirect_dma source(%dma_start3A_24 : memref<100000x32xf32, #tpu.memory_space<hbm>>) target(%arg10 : memref<50x32xf32, #tpu.memory_space<vmem>>) offsets(%dma_start3A_21 : memref<50xi32, #tpu.memory_space<vmem>>) semaphore(%arg18 : memref<!tpu.dma_semaphore, #tpu.memory_space<semaphore_mem>>)
    %dma_start3A_25 = arith.constant 1 : i32
    %dma_start3A_26 = arith.constant 0 : i32
    %dma_start3A_27 = tpu.memref_slice %arg7[%dma_start3A_25, %dma_start3A_26] : memref<128x50xi32, #tpu.memory_space<vmem>> -> memref<1x50xi32, #tpu.memory_space<vmem>>
    %dma_start3A_28 = tpu.memref_squeeze %dma_start3A_27 : memref<1x50xi32, #tpu.memory_space<vmem>> -> memref<50xi32, #tpu.memory_space<vmem>>
    %dma_start3A_29 = arith.constant 0 : i32
    %dma_start3A_30 = arith.constant 0 : i32
    %dma_start3A_31 = tpu.memref_slice %arg4[%dma_start3A_29, %dma_start3A_30] : memref<100000x32xf32, #tpu.memory_space<hbm>> -> memref<100000x32xf32, #tpu.memory_space<hbm>>
    tpu.enqueue_indirect_dma source(%dma_start3A_31 : memref<100000x32xf32, #tpu.memory_space<hbm>>) target(%arg14 : memref<50x32xf32, #tpu.memory_space<vmem>>) offsets(%dma_start3A_28 : memref<50xi32, #tpu.memory_space<vmem>>) semaphore(%arg22 : memref<!tpu.dma_semaphore, #tpu.memory_space<semaphore_mem>>)
    %dma_start3A_32 = arith.constant 2 : i32
    %dma_start3A_33 = arith.constant 0 : i32
    %dma_start3A_34 = tpu.memref_slice %arg6[%dma_start3A_32, %dma_start3A_33] : memref<128x50xi32, #tpu.memory_space<vmem>> -> memref<1x50xi32, #tpu.memory_space<vmem>>
    %dma_start3A_35 = tpu.memref_squeeze %dma_start3A_34 : memref<1x50xi32, #tpu.memory_space<vmem>> -> memref<50xi32, #tpu.memory_space<vmem>>
    %dma_start3A_36 = arith.constant 0 : i32
    %dma_start3A_37 = arith.constant 0 : i32
    %dma_start3A_38 = tpu.memref_slice %arg4[%dma_start3A_36, %dma_start3A_37] : memref<100000x32xf32, #tpu.memory_space<hbm>> -> memref<100000x32xf32, #tpu.memory_space<hbm>>
    tpu.enqueue_indirect_dma source(%dma_start3A_38 : memref<100000x32xf32, #tpu.memory_space<hbm>>) target(%arg11 : memref<50x32xf32, #tpu.memory_space<vmem>>) offsets(%dma_start3A_35 : memref<50xi32, #tpu.memory_space<vmem>>) semaphore(%arg19 : memref<!tpu.dma_semaphore, #tpu.memory_space<semaphore_mem>>)
    %dma_start3A_39 = arith.constant 2 : i32
    %dma_start3A_40 = arith.constant 0 : i32
    %dma_start3A_41 = tpu.memref_slice %arg7[%dma_start3A_39, %dma_start3A_40] : memref<128x50xi32, #tpu.memory_space<vmem>> -> memref<1x50xi32, #tpu.memory_space<vmem>>
    %dma_start3A_42 = tpu.memref_squeeze %dma_start3A_41 : memref<1x50xi32, #tpu.memory_space<vmem>> -> memref<50xi32, #tpu.memory_space<vmem>>
    %dma_start3A_43 = arith.constant 0 : i32
    %dma_start3A_44 = arith.constant 0 : i32
    %dma_start3A_45 = tpu.memref_slice %arg4[%dma_start3A_43, %dma_start3A_44] : memref<100000x32xf32, #tpu.memory_space<hbm>> -> memref<100000x32xf32, #tpu.memory_space<hbm>>
    tpu.enqueue_indirect_dma source(%dma_start3A_45 : memref<100000x32xf32, #tpu.memory_space<hbm>>) target(%arg15 : memref<50x32xf32, #tpu.memory_space<vmem>>) offsets(%dma_start3A_42 : memref<50xi32, #tpu.memory_space<vmem>>) semaphore(%arg23 : memref<!tpu.dma_semaphore, #tpu.memory_space<semaphore_mem>>)
    %scan3A = arith.constant 0 : i32
    %scan3A_46 = arith.constant 32 : i32
    %scan3A_47 = arith.addi %scan3A, %scan3A_46 : i32
    %scan3A_48 = arith.constant 1 : i32
    scf.for %scan3A_50 = %scan3A to %scan3A_47 step %scan3A_48  : i32 {
      %mul3A_51 = arith.constant 4 : i32
      %mul3A_52 = arith.muli %scan3A_50, %mul3A_51 : i32
      %add3A_53 = arith.constant 0 : i32
      %add3A_54 = arith.addi %add3A_53, %mul3A_52 : i32
      %dma_wait3A = arith.constant 0 : i32
      %dma_wait3A_55 = arith.constant 0 : i32
      %dma_wait3A_56 = tpu.memref_slice %arg6[%dma_wait3A, %dma_wait3A_55] : memref<128x50xi32, #tpu.memory_space<vmem>> -> memref<1x50xi32, #tpu.memory_space<vmem>>
      %dma_wait3A_57 = tpu.memref_squeeze %dma_wait3A_56 : memref<1x50xi32, #tpu.memory_space<vmem>> -> memref<50xi32, #tpu.memory_space<vmem>>
      %dma_wait3A_58 = arith.constant 0 : i32
      %dma_wait3A_59 = arith.constant 0 : i32
      %dma_wait3A_60 = tpu.memref_slice %arg4[%dma_wait3A_58, %dma_wait3A_59] : memref<100000x32xf32, #tpu.memory_space<hbm>> -> memref<100000x32xf32, #tpu.memory_space<hbm>>
      tpu.wait_indirect_dma semaphore(%arg17 : memref<!tpu.dma_semaphore, #tpu.memory_space<semaphore_mem>>) src(%dma_wait3A_60 : memref<100000x32xf32, #tpu.memory_space<hbm>>) dst(%arg9 : memref<50x32xf32, #tpu.memory_space<vmem>>)
      %dma_wait3A_61 = arith.constant 0 : i32
      %dma_wait3A_62 = arith.constant 0 : i32
      %dma_wait3A_63 = tpu.memref_slice %arg7[%dma_wait3A_61, %dma_wait3A_62] : memref<128x50xi32, #tpu.memory_space<vmem>> -> memref<1x50xi32, #tpu.memory_space<vmem>>
      %dma_wait3A_64 = tpu.memref_squeeze %dma_wait3A_63 : memref<1x50xi32, #tpu.memory_space<vmem>> -> memref<50xi32, #tpu.memory_space<vmem>>
      %dma_wait3A_65 = arith.constant 0 : i32
      %dma_wait3A_66 = arith.constant 0 : i32
      %dma_wait3A_67 = tpu.memref_slice %arg4[%dma_wait3A_65, %dma_wait3A_66] : memref<100000x32xf32, #tpu.memory_space<hbm>> -> memref<100000x32xf32, #tpu.memory_space<hbm>>
      tpu.wait_indirect_dma semaphore(%arg21 : memref<!tpu.dma_semaphore, #tpu.memory_space<semaphore_mem>>) src(%dma_wait3A_67 : memref<100000x32xf32, #tpu.memory_space<hbm>>) dst(%arg13 : memref<50x32xf32, #tpu.memory_space<vmem>>)
      %add3A_68 = arith.constant 0 : i32
      %add3A_69 = arith.addi %add3A_54, %add3A_68 : i32
      %add3A_70 = arith.constant 4 : i32
      %add3A_71 = arith.addi %add3A_69, %add3A_70 : i32
      %sub3A = arith.constant 1 : i32
      %sub3A_72 = arith.subi %add3A_71, %sub3A : i32
      %lt3A = arith.constant 128 : i32
      %lt3A_73 = arith.cmpi slt, %sub3A_72, %lt3A : i32
      %convert_element_type3A = arith.extui %lt3A_73 : i1 to i32
      %cond3A = arith.constant 0 : i32
      %cond3A_74 = arith.cmpi ne, %convert_element_type3A, %cond3A : i32
      scf.if %cond3A_74 {
        %add3A_4227 = arith.constant 0 : i32
        %add3A_4228 = arith.addi %add3A_54, %add3A_4227 : i32
        %add3A_4229 = arith.constant 4 : i32
        %add3A_4230 = arith.addi %add3A_4228, %add3A_4229 : i32
        %sub3A_4231 = arith.constant 1 : i32
        %sub3A_4232 = arith.subi %add3A_4230, %sub3A_4231 : i32
        %dma_start3A_4233 = arith.constant 0 : i32
        %dma_start3A_4234 = tpu.memref_slice %arg6[%sub3A_4232, %dma_start3A_4233] : memref<128x50xi32, #tpu.memory_space<vmem>> -> memref<1x50xi32, #tpu.memory_space<vmem>>
        %dma_start3A_4235 = tpu.memref_squeeze %dma_start3A_4234 : memref<1x50xi32, #tpu.memory_space<vmem>> -> memref<50xi32, #tpu.memory_space<vmem>>
        %dma_start3A_4236 = arith.constant 0 : i32
        %dma_start3A_4237 = arith.constant 0 : i32
        %dma_start3A_4238 = tpu.memref_slice %arg4[%dma_start3A_4236, %dma_start3A_4237] : memref<100000x32xf32, #tpu.memory_space<hbm>> -> memref<100000x32xf32, #tpu.memory_space<hbm>>
        tpu.enqueue_indirect_dma source(%dma_start3A_4238 : memref<100000x32xf32, #tpu.memory_space<hbm>>) target(%arg12 : memref<50x32xf32, #tpu.memory_space<vmem>>) offsets(%dma_start3A_4235 : memref<50xi32, #tpu.memory_space<vmem>>) semaphore(%arg20 : memref<!tpu.dma_semaphore, #tpu.memory_space<semaphore_mem>>)
        %dma_start3A_4239 = arith.constant 0 : i32
        %dma_start3A_4240 = tpu.memref_slice %arg7[%sub3A_4232, %dma_start3A_4239] : memref<128x50xi32, #tpu.memory_space<vmem>> -> memref<1x50xi32, #tpu.memory_space<vmem>>
        %dma_start3A_4241 = tpu.memref_squeeze %dma_start3A_4240 : memref<1x50xi32, #tpu.memory_space<vmem>> -> memref<50xi32, #tpu.memory_space<vmem>>
        %dma_start3A_4242 = arith.constant 0 : i32
        %dma_start3A_4243 = arith.constant 0 : i32
        %dma_start3A_4244 = tpu.memref_slice %arg4[%dma_start3A_4242, %dma_start3A_4243] : memref<100000x32xf32, #tpu.memory_space<hbm>> -> memref<100000x32xf32, #tpu.memory_space<hbm>>
        tpu.enqueue_indirect_dma source(%dma_start3A_4244 : memref<100000x32xf32, #tpu.memory_space<hbm>>) target(%arg16 : memref<50x32xf32, #tpu.memory_space<vmem>>) offsets(%dma_start3A_4241 : memref<50xi32, #tpu.memory_space<vmem>>) semaphore(%arg24 : memref<!tpu.dma_semaphore, #tpu.memory_space<semaphore_mem>>)
      } else {
      }
      %add3A_75 = arith.constant 0 : i32
      %add3A_76 = arith.addi %add3A_54, %add3A_75 : i32
      %broadcast_in_dim3A = arith.constant 0.000000e+00 : f32
      %broadcast_in_dim3A_77 = vector.broadcast %broadcast_in_dim3A : f32 to vector<16xf32>
      %broadcast_in_dim3A_78 = arith.constant 0.000000e+00 : f32
      %broadcast_in_dim3A_79 = vector.broadcast %broadcast_in_dim3A_78 : f32 to vector<16xf32>
      %broadcast_in_dim3A_80 = arith.constant 0.000000e+00 : f32
      %broadcast_in_dim3A_81 = vector.broadcast %broadcast_in_dim3A_80 : f32 to vector<16xf32>
      %broadcast_in_dim3A_82 = arith.constant 0.000000e+00 : f32
      %broadcast_in_dim3A_83 = vector.broadcast %broadcast_in_dim3A_82 : f32 to vector<16xf32>
      %get3A = arith.constant 0 : i32
      %get3A_84 = arith.index_cast %get3A : i32 to index
      %get3A_85 = arith.constant 0 : index
      %get3A_86 = tpu.vector_load %arg9[%get3A_84, %get3A_85] {strides = array<i32>} : memref<50x32xf32, #tpu.memory_space<vmem>>, vector<16xf32>,
      %add3A_87 = arith.addf %broadcast_in_dim3A_77, %get3A_86 : vector<16xf32>
      %get3A_88 = arith.constant 0 : i32
      %get3A_89 = arith.index_cast %get3A_88 : i32 to index
      %get3A_90 = arith.constant 16 : index
      %get3A_91 = tpu.vector_load %arg9[%get3A_89, %get3A_90] {strides = array<i32>} : memref<50x32xf32, #tpu.memory_space<vmem>>, vector<16xf32>,
      %add3A_92 = arith.addf %broadcast_in_dim3A_79, %get3A_91 : vector<16xf32>
      %get3A_93 = arith.constant 0 : i32
      %get3A_94 = arith.index_cast %get3A_93 : i32 to index
      %get3A_95 = arith.constant 0 : index
      %get3A_96 = tpu.vector_load %arg13[%get3A_94, %get3A_95] {strides = array<i32>} : memref<50x32xf32, #tpu.memory_space<vmem>>, vector<16xf32>,
      %add3A_97 = arith.addf %broadcast_in_dim3A_81, %get3A_96 : vector<16xf32>
      %get3A_98 = arith.constant 0 : i32
      %get3A_99 = arith.index_cast %get3A_98 : i32 to index
      %get3A_100 = arith.constant 16 : index
      %get3A_101 = tpu.vector_load %arg13[%get3A_99, %get3A_100] {strides = array<i32>} : memref<50x32xf32, #tpu.memory_space<vmem>>, vector<16xf32>,
      %add3A_102 = arith.addf %broadcast_in_dim3A_83, %get3A_101 : vector<16xf32>
      %get3A_103 = arith.constant 1 : i32
      %get3A_104 = arith.index_cast %get3A_103 : i32 to index
      %get3A_105 = arith.constant 0 : index
      %get3A_106 = tpu.vector_load %arg9[%get3A_104, %get3A_105] {strides = array<i32>} : memref<50x32xf32, #tpu.memory_space<vmem>>, vector<16xf32>,
      %add3A_107 = arith.addf %add3A_87, %get3A_106 : vector<16xf32>
      %get3A_108 = arith.constant 1 : i32
      %get3A_109 = arith.index_cast %get3A_108 : i32 to index
      %get3A_110 = arith.constant 16 : index
      %get3A_111 = tpu.vector_load %arg9[%get3A_109, %get3A_110] {strides = array<i32>} : memref<50x32xf32, #tpu.memory_space<vmem>>, vector<16xf32>,
      %add3A_112 = arith.addf %add3A_92, %get3A_111 : vector<16xf32>
      %get3A_113 = arith.constant 1 : i32
      %get3A_114 = arith.index_cast %get3A_113 : i32 to index
      %get3A_115 = arith.constant 0 : index
      %get3A_116 = tpu.vector_load %arg13[%get3A_114, %get3A_115] {strides = array<i32>} : memref<50x32xf32, #tpu.memory_space<vmem>>, vector<16xf32>,
      %add3A_117 = arith.addf %add3A_97, %get3A_116 : vector<16xf32>
      %get3A_118 = arith.constant 1 : i32
      %get3A_119 = arith.index_cast %get3A_118 : i32 to index
      %get3A_120 = arith.constant 16 : index
      %get3A_121 = tpu.vector_load %arg13[%get3A_119, %get3A_120] {strides = array<i32>} : memref<50x32xf32, #tpu.memory_space<vmem>>, vector<16xf32>,
      %add3A_122 = arith.addf %add3A_102, %get3A_121 : vector<16xf32>
      %get3A_123 = arith.constant 2 : i32
      %get3A_124 = arith.index_cast %get3A_123 : i32 to index
      %get3A_125 = arith.constant 0 : index
      %get3A_126 = tpu.vector_load %arg9[%get3A_124, %get3A_125] {strides = array<i32>} : memref<50x32xf32, #tpu.memory_space<vmem>>, vector<16xf32>,
      %add3A_127 = arith.addf %add3A_107, %get3A_126 : vector<16xf32>
      %get3A_128 = arith.constant 2 : i32
      %get3A_129 = arith.index_cast %get3A_128 : i32 to index
      %get3A_130 = arith.constant 16 : index
      %get3A_131 = tpu.vector_load %arg9[%get3A_129, %get3A_130] {strides = array<i32>} : memref<50x32xf32, #tpu.memory_space<vmem>>, vector<16xf32>,
      %add3A_132 = arith.addf %add3A_112, %get3A_131 : vector<16xf32>
      %get3A_133 = arith.constant 2 : i32
      %get3A_134 = arith.index_cast %get3A_133 : i32 to index
      %get3A_135 = arith.constant 0 : index
      %get3A_136 = tpu.vector_load %arg13[%get3A_134, %get3A_135] {strides = array<i32>} : memref<50x32xf32, #tpu.memory_space<vmem>>, vector<16xf32>,
      %add3A_137 = arith.addf %add3A_117, %get3A_136 : vector<16xf32>
      %get3A_138 = arith.constant 2 : i32
      %get3A_139 = arith.index_cast %get3A_138 : i32 to index
      %get3A_140 = arith.constant 16 : index
      %get3A_141 = tpu.vector_load %arg13[%get3A_139, %get3A_140] {strides = array<i32>} : memref<50x32xf32, #tpu.memory_space<vmem>>, vector<16xf32>,
      %add3A_142 = arith.addf %add3A_122, %get3A_141 : vector<16xf32>
      %get3A_143 = arith.constant 3 : i32
      %get3A_144 = arith.index_cast %get3A_143 : i32 to index
      %get3A_145 = arith.constant 0 : index
      %get3A_146 = tpu.vector_load %arg9[%get3A_144, %get3A_145] {strides = array<i32>} : memref<50x32xf32, #tpu.memory_space<vmem>>, vector<16xf32>,
      %add3A_147 = arith.addf %add3A_127, %get3A_146 : vector<16xf32>
      %get3A_148 = arith.constant 3 : i32
      %get3A_149 = arith.index_cast %get3A_148 : i32 to index
      %get3A_150 = arith.constant 16 : index
      %get3A_151 = tpu.vector_load %arg9[%get3A_149, %get3A_150] {strides = array<i32>} : memref<50x32xf32, #tpu.memory_space<vmem>>, vector<16xf32>,
      %add3A_152 = arith.addf %add3A_132, %get3A_151 : vector<16xf32>
      %get3A_153 = arith.constant 3 : i32
      %get3A_154 = arith.index_cast %get3A_153 : i32 to index
      %get3A_155 = arith.constant 0 : index
      %get3A_156 = tpu.vector_load %arg13[%get3A_154, %get3A_155] {strides = array<i32>} : memref<50x32xf32, #tpu.memory_space<vmem>>, vector<16xf32>,
      %add3A_157 = arith.addf %add3A_137, %get3A_156 : vector<16xf32>
      %get3A_158 = arith.constant 3 : i32
      %get3A_159 = arith.index_cast %get3A_158 : i32 to index
      %get3A_160 = arith.constant 16 : index
      %get3A_161 = tpu.vector_load %arg13[%get3A_159, %get3A_160] {strides = array<i32>} : memref<50x32xf32, #tpu.memory_space<vmem>>, vector<16xf32>,
      %add3A_162 = arith.addf %add3A_142, %get3A_161 : vector<16xf32>
      %get3A_163 = arith.constant 4 : i32
      %get3A_164 = arith.index_cast %get3A_163 : i32 to index
      %get3A_165 = arith.constant 0 : index
      %get3A_166 = tpu.vector_load %arg9[%get3A_164, %get3A_165] {strides = array<i32>} : memref<50x32xf32, #tpu.memory_space<vmem>>, vector<16xf32>,
      %add3A_167 = arith.addf %add3A_147, %get3A_166 : vector<16xf32>
      %get3A_168 = arith.constant 4 : i32
      %get3A_169 = arith.index_cast %get3A_168 : i32 to index
      %get3A_170 = arith.constant 16 : index
      %get3A_171 = tpu.vector_load %arg9[%get3A_169, %get3A_170] {strides = array<i32>} : memref<50x32xf32, #tpu.memory_space<vmem>>, vector<16xf32>,
      %add3A_172 = arith.addf %add3A_152, %get3A_171 : vector<16xf32>
      %get3A_173 = arith.constant 4 : i32
      %get3A_174 = arith.index_cast %get3A_173 : i32 to index
      %get3A_175 = arith.constant 0 : index
      %get3A_176 = tpu.vector_load %arg13[%get3A_174, %get3A_175] {strides = array<i32>} : memref<50x32xf32, #tpu.memory_space<vmem>>, vector<16xf32>,
      %add3A_177 = arith.addf %add3A_157, %get3A_176 : vector<16xf32>
      %get3A_178 = arith.constant 4 : i32
      %get3A_179 = arith.index_cast %get3A_178 : i32 to index
      %get3A_180 = arith.constant 16 : index
      %get3A_181 = tpu.vector_load %arg13[%get3A_179, %get3A_180] {strides = array<i32>} : memref<50x32xf32, #tpu.memory_space<vmem>>, vector<16xf32>,
      %add3A_182 = arith.addf %add3A_162, %get3A_181 : vector<16xf32>
      %get3A_183 = arith.constant 5 : i32
      %get3A_184 = arith.index_cast %get3A_183 : i32 to index
      %get3A_185 = arith.constant 0 : index
      %get3A_186 = tpu.vector_load %arg9[%get3A_184, %get3A_185] {strides = array<i32>} : memref<50x32xf32, #tpu.memory_space<vmem>>, vector<16xf32>,
      %add3A_187 = arith.addf %add3A_167, %get3A_186 : vector<16xf32>
      %get3A_188 = arith.constant 5 : i32
      %get3A_189 = arith.index_cast %get3A_188 : i32 to index
      %get3A_190 = arith.constant 16 : index
      %get3A_191 = tpu.vector_load %arg9[%get3A_189, %get3A_190] {strides = array<i32>} : memref<50x32xf32, #tpu.memory_space<vmem>>, vector<16xf32>,
      %add3A_192 = arith.addf %add3A_172, %get3A_191 : vector<16xf32>
      %get3A_193 = arith.constant 5 : i32
      %get3A_194 = arith.index_cast %get3A_193 : i32 to index
      %get3A_195 = arith.constant 0 : index
      %get3A_196 = tpu.vector_load %arg13[%get3A_194, %get3A_195] {strides = array<i32>} : memref<50x32xf32, #tpu.memory_space<vmem>>, vector<16xf32>,
      %add3A_197 = arith.addf %add3A_177, %get3A_196 : vector<16xf32>
      %get3A_198 = arith.constant 5 : i32
      %get3A_199 = arith.index_cast %get3A_198 : i32 to index
      %get3A_200 = arith.constant 16 : index
      %get3A_201 = tpu.vector_load %arg13[%get3A_199, %get3A_200] {strides = array<i32>} : memref<50x32xf32, #tpu.memory_space<vmem>>, vector<16xf32>,
      %add3A_202 = arith.addf %add3A_182, %get3A_201 : vector<16xf32>
      %get3A_203 = arith.constant 6 : i32
      %get3A_204 = arith.index_cast %get3A_203 : i32 to index
      %get3A_205 = arith.constant 0 : index
      %get3A_206 = tpu.vector_load %arg9[%get3A_204, %get3A_205] {strides = array<i32>} : memref<50x32xf32, #tpu.memory_space<vmem>>, vector<16xf32>,
      %add3A_207 = arith.addf %add3A_187, %get3A_206 : vector<16xf32>
      %get3A_208 = arith.constant 6 : i32
      %get3A_209 = arith.index_cast %get3A_208 : i32 to index
      %get3A_210 = arith.constant 16 : index
      %get3A_211 = tpu.vector_load %arg9[%get3A_209, %get3A_210] {strides = array<i32>} : memref<50x32xf32, #tpu.memory_space<vmem>>, vector<16xf32>,
      %add3A_212 = arith.addf %add3A_192, %get3A_211 : vector<16xf32>
      %get3A_213 = arith.constant 6 : i32
      %get3A_214 = arith.index_cast %get3A_213 : i32 to index
      %get3A_215 = arith.constant 0 : index
      %get3A_216 = tpu.vector_load %arg13[%get3A_214, %get3A_215] {strides = array<i32>} : memref<50x32xf32, #tpu.memory_space<vmem>>, vector<16xf32>,
      %add3A_217 = arith.addf %add3A_197, %get3A_216 : vector<16xf32>
      %get3A_218 = arith.constant 6 : i32
      %get3A_219 = arith.index_cast %get3A_218 : i32 to index
      %get3A_220 = arith.constant 16 : index
      %get3A_221 = tpu.vector_load %arg13[%get3A_219, %get3A_220] {strides = array<i32>} : memref<50x32xf32, #tpu.memory_space<vmem>>, vector<16xf32>,
      %add3A_222 = arith.addf %add3A_202, %get3A_221 : vector<16xf32>
      %get3A_223 = arith.constant 7 : i32
      %get3A_224 = arith.index_cast %get3A_223 : i32 to index
      %get3A_225 = arith.constant 0 : index
      %get3A_226 = tpu.vector_load %arg9[%get3A_224, %get3A_225] {strides = array<i32>} : memref<50x32xf32, #tpu.memory_space<vmem>>, vector<16xf32>,
      %add3A_227 = arith.addf %add3A_207, %get3A_226 : vector<16xf32>
      %get3A_228 = arith.constant 7 : i32
      %get3A_229 = arith.index_cast %get3A_228 : i32 to index
      %get3A_230 = arith.constant 16 : index
      %get3A_231 = tpu.vector_load %arg9[%get3A_229, %get3A_230] {strides = array<i32>} : memref<50x32xf32, #tpu.memory_space<vmem>>, vector<16xf32>,
      %add3A_232 = arith.addf %add3A_212, %get3A_231 : vector<16xf32>
      %get3A_233 = arith.constant 7 : i32
      %get3A_234 = arith.index_cast %get3A_233 : i32 to index
      %get3A_235 = arith.constant 0 : index
      %get3A_236 = tpu.vector_load %arg13[%get3A_234, %get3A_235] {strides = array<i32>} : memref<50x32xf32, #tpu.memory_space<vmem>>, vector<16xf32>,
      %add3A_237 = arith.addf %add3A_217, %get3A_236 : vector<16xf32>
      %get3A_238 = arith.constant 7 : i32
      %get3A_239 = arith.index_cast %get3A_238 : i32 to index
      %get3A_240 = arith.constant 16 : index
      %get3A_241 = tpu.vector_load %arg13[%get3A_239, %get3A_240] {strides = array<i32>} : memref<50x32xf32, #tpu.memory_space<vmem>>, vector<16xf32>,
      %add3A_242 = arith.addf %add3A_222, %get3A_241 : vector<16xf32>
      %get3A_243 = arith.constant 8 : i32
      %get3A_244 = arith.index_cast %get3A_243 : i32 to index
      %get3A_245 = arith.constant 0 : index
      %get3A_246 = tpu.vector_load %arg9[%get3A_244, %get3A_245] {strides = array<i32>} : memref<50x32xf32, #tpu.memory_space<vmem>>, vector<16xf32>,
      %add3A_247 = arith.addf %add3A_227, %get3A_246 : vector<16xf32>
      %get3A_248 = arith.constant 8 : i32
      %get3A_249 = arith.index_cast %get3A_248 : i32 to index
      %get3A_250 = arith.constant 16 : index
      %get3A_251 = tpu.vector_load %arg9[%get3A_249, %get3A_250] {strides = array<i32>} : memref<50x32xf32, #tpu.memory_space<vmem>>, vector<16xf32>,
      %add3A_252 = arith.addf %add3A_232, %get3A_251 : vector<16xf32>
      %get3A_253 = arith.constant 8 : i32
      %get3A_254 = arith.index_cast %get3A_253 : i32 to index
      %get3A_255 = arith.constant 0 : index
      %get3A_256 = tpu.vector_load %arg13[%get3A_254, %get3A_255] {strides = array<i32>} : memref<50x32xf32, #tpu.memory_space<vmem>>, vector<16xf32>,
      %add3A_257 = arith.addf %add3A_237, %get3A_256 : vector<16xf32>
      %get3A_258 = arith.constant 8 : i32
      %get3A_259 = arith.index_cast %get3A_258 : i32 to index
      %get3A_260 = arith.constant 16 : index
      %get3A_261 = tpu.vector_load %arg13[%get3A_259, %get3A_260] {strides = array<i32>} : memref<50x32xf32, #tpu.memory_space<vmem>>, vector<16xf32>,
      %add3A_262 = arith.addf %add3A_242, %get3A_261 : vector<16xf32>
      %get3A_263 = arith.constant 9 : i32
      %get3A_264 = arith.index_cast %get3A_263 : i32 to index
      %get3A_265 = arith.constant 0 : index
      %get3A_266 = tpu.vector_load %arg9[%get3A_264, %get3A_265] {strides = array<i32>} : memref<50x32xf32, #tpu.memory_space<vmem>>, vector<16xf32>,
      %add3A_267 = arith.addf %add3A_247, %get3A_266 : vector<16xf32>
      %get3A_268 = arith.constant 9 : i32
      %get3A_269 = arith.index_cast %get3A_268 : i32 to index
      %get3A_270 = arith.constant 16 : index
      %get3A_271 = tpu.vector_load %arg9[%get3A_269, %get3A_270] {strides = array<i32>} : memref<50x32xf32, #tpu.memory_space<vmem>>, vector<16xf32>,
      %add3A_272 = arith.addf %add3A_252, %get3A_271 : vector<16xf32>
      %get3A_273 = arith.constant 9 : i32
      %get3A_274 = arith.index_cast %get3A_273 : i32 to index
      %get3A_275 = arith.constant 0 : index
      %get3A_276 = tpu.vector_load %arg13[%get3A_274, %get3A_275] {strides = array<i32>} : memref<50x32xf32, #tpu.memory_space<vmem>>, vector<16xf32>,
      %add3A_277 = arith.addf %add3A_257, %get3A_276 : vector<16xf32>
      %get3A_278 = arith.constant 9 : i32
      %get3A_279 = arith.index_cast %get3A_278 : i32 to index
      %get3A_280 = arith.constant 16 : index
      %get3A_281 = tpu.vector_load %arg13[%get3A_279, %get3A_280] {strides = array<i32>} : memref<50x32xf32, #tpu.memory_space<vmem>>, vector<16xf32>,
      %add3A_282 = arith.addf %add3A_262, %get3A_281 : vector<16xf32>
      %get3A_283 = arith.constant 10 : i32
      %get3A_284 = arith.index_cast %get3A_283 : i32 to index
      %get3A_285 = arith.constant 0 : index
      %get3A_286 = tpu.vector_load %arg9[%get3A_284, %get3A_285] {strides = array<i32>} : memref<50x32xf32, #tpu.memory_space<vmem>>, vector<16xf32>,
      %add3A_287 = arith.addf %add3A_267, %get3A_286 : vector<16xf32>
      %get3A_288 = arith.constant 10 : i32
      %get3A_289 = arith.index_cast %get3A_288 : i32 to index
      %get3A_290 = arith.constant 16 : index
      %get3A_291 = tpu.vector_load %arg9[%get3A_289, %get3A_290] {strides = array<i32>} : memref<50x32xf32, #tpu.memory_space<vmem>>, vector<16xf32>,
      %add3A_292 = arith.addf %add3A_272, %get3A_291 : vector<16xf32>
      %get3A_293 = arith.constant 10 : i32
      %get3A_294 = arith.index_cast %get3A_293 : i32 to index
      %get3A_295 = arith.constant 0 : index
      %get3A_296 = tpu.vector_load %arg13[%get3A_294, %get3A_295] {strides = array<i32>} : memref<50x32xf32, #tpu.memory_space<vmem>>, vector<16xf32>,
      %add3A_297 = arith.addf %add3A_277, %get3A_296 : vector<16xf32>
      %get3A_298 = arith.constant 10 : i32
      %get3A_299 = arith.index_cast %get3A_298 : i32 to index
      %get3A_300 = arith.constant 16 : index
      %get3A_301 = tpu.vector_load %arg13[%get3A_299, %get3A_300] {strides = array<i32>} : memref<50x32xf32, #tpu.memory_space<vmem>>, vector<16xf32>,
      %add3A_302 = arith.addf %add3A_282, %get3A_301 : vector<16xf32>
      %get3A_303 = arith.constant 11 : i32
      %get3A_304 = arith.index_cast %get3A_303 : i32 to index
      %get3A_305 = arith.constant 0 : index
      %get3A_306 = tpu.vector_load %arg9[%get3A_304, %get3A_305] {strides = array<i32>} : memref<50x32xf32, #tpu.memory_space<vmem>>, vector<16xf32>,
      %add3A_307 = arith.addf %add3A_287, %get3A_306 : vector<16xf32>
      %get3A_308 = arith.constant 11 : i32
      %get3A_309 = arith.index_cast %get3A_308 : i32 to index
      %get3A_310 = arith.constant 16 : index
      %get3A_311 = tpu.vector_load %arg9[%get3A_309, %get3A_310] {strides = array<i32>} : memref<50x32xf32, #tpu.memory_space<vmem>>, vector<16xf32>,
      %add3A_312 = arith.addf %add3A_292, %get3A_311 : vector<16xf32>
      %get3A_313 = arith.constant 11 : i32
      %get3A_314 = arith.index_cast %get3A_313 : i32 to index
      %get3A_315 = arith.constant 0 : index
      %get3A_316 = tpu.vector_load %arg13[%get3A_314, %get3A_315] {strides = array<i32>} : memref<50x32xf32, #tpu.memory_space<vmem>>, vector<16xf32>,
      %add3A_317 = arith.addf %add3A_297, %get3A_316 : vector<16xf32>
      %get3A_318 = arith.constant 11 : i32
      %get3A_319 = arith.index_cast %get3A_318 : i32 to index
      %get3A_320 = arith.constant 16 : index
      %get3A_321 = tpu.vector_load %arg13[%get3A_319, %get3A_320] {strides = array<i32>} : memref<50x32xf32, #tpu.memory_space<vmem>>, vector<16xf32>,
      %add3A_322 = arith.addf %add3A_302, %get3A_321 : vector<16xf32>
      %get3A_323 = arith.constant 12 : i32
      %get3A_324 = arith.index_cast %get3A_323 : i32 to index
      %get3A_325 = arith.constant 0 : index
      %get3A_326 = tpu.vector_load %arg9[%get3A_324, %get3A_325] {strides = array<i32>} : memref<50x32xf32, #tpu.memory_space<vmem>>, vector<16xf32>,
      %add3A_327 = arith.addf %add3A_307, %get3A_326 : vector<16xf32>
      %get3A_328 = arith.constant 12 : i32
      %get3A_329 = arith.index_cast %get3A_328 : i32 to index
      %get3A_330 = arith.constant 16 : index
      %get3A_331 = tpu.vector_load %arg9[%get3A_329, %get3A_330] {strides = array<i32>} : memref<50x32xf32, #tpu.memory_space<vmem>>, vector<16xf32>,
      %add3A_332 = arith.addf %add3A_312, %get3A_331 : vector<16xf32>
      %get3A_333 = arith.constant 12 : i32
      %get3A_334 = arith.index_cast %get3A_333 : i32 to index
      %get3A_335 = arith.constant 0 : index
      %get3A_336 = tpu.vector_load %arg13[%get3A_334, %get3A_335] {strides = array<i32>} : memref<50x32xf32, #tpu.memory_space<vmem>>, vector<16xf32>,
      %add3A_337 = arith.addf %add3A_317, %get3A_336 : vector<16xf32>
      %get3A_338 = arith.constant 12 : i32
      %get3A_339 = arith.index_cast %get3A_338 : i32 to index
      %get3A_340 = arith.constant 16 : index
      %get3A_341 = tpu.vector_load %arg13[%get3A_339, %get3A_340] {strides = array<i32>} : memref<50x32xf32, #tpu.memory_space<vmem>>, vector<16xf32>,
      %add3A_342 = arith.addf %add3A_322, %get3A_341 : vector<16xf32>
      %get3A_343 = arith.constant 13 : i32
      %get3A_344 = arith.index_cast %get3A_343 : i32 to index
      %get3A_345 = arith.constant 0 : index
      %get3A_346 = tpu.vector_load %arg9[%get3A_344, %get3A_345] {strides = array<i32>} : memref<50x32xf32, #tpu.memory_space<vmem>>, vector<16xf32>,
      %add3A_347 = arith.addf %add3A_327, %get3A_346 : vector<16xf32>
      %get3A_348 = arith.constant 13 : i32
      %get3A_349 = arith.index_cast %get3A_348 : i32 to index
      %get3A_350 = arith.constant 16 : index
      %get3A_351 = tpu.vector_load %arg9[%get3A_349, %get3A_350] {strides = array<i32>} : memref<50x32xf32, #tpu.memory_space<vmem>>, vector<16xf32>,
      %add3A_352 = arith.addf %add3A_332, %get3A_351 : vector<16xf32>
      %get3A_353 = arith.constant 13 : i32
      %get3A_354 = arith.index_cast %get3A_353 : i32 to index
      %get3A_355 = arith.constant 0 : index
      %get3A_356 = tpu.vector_load %arg13[%get3A_354, %get3A_355] {strides = array<i32>} : memref<50x32xf32, #tpu.memory_space<vmem>>, vector<16xf32>,
      %add3A_357 = arith.addf %add3A_337, %get3A_356 : vector<16xf32>
      %get3A_358 = arith.constant 13 : i32
      %get3A_359 = arith.index_cast %get3A_358 : i32 to index
      %get3A_360 = arith.constant 16 : index
      %get3A_361 = tpu.vector_load %arg13[%get3A_359, %get3A_360] {strides = array<i32>} : memref<50x32xf32, #tpu.memory_space<vmem>>, vector<16xf32>,
      %add3A_362 = arith.addf %add3A_342, %get3A_361 : vector<16xf32>
      %get3A_363 = arith.constant 14 : i32
      %get3A_364 = arith.index_cast %get3A_363 : i32 to index
      %get3A_365 = arith.constant 0 : index
      %get3A_366 = tpu.vector_load %arg9[%get3A_364, %get3A_365] {strides = array<i32>} : memref<50x32xf32, #tpu.memory_space<vmem>>, vector<16xf32>,
      %add3A_367 = arith.addf %add3A_347, %get3A_366 : vector<16xf32>
      %get3A_368 = arith.constant 14 : i32
      %get3A_369 = arith.index_cast %get3A_368 : i32 to index
      %get3A_370 = arith.constant 16 : index
      %get3A_371 = tpu.vector_load %arg9[%get3A_369, %get3A_370] {strides = array<i32>} : memref<50x32xf32, #tpu.memory_space<vmem>>, vector<16xf32>,
      %add3A_372 = arith.addf %add3A_352, %get3A_371 : vector<16xf32>
      %get3A_373 = arith.constant 14 : i32
      %get3A_374 = arith.index_cast %get3A_373 : i32 to index
      %get3A_375 = arith.constant 0 : index
      %get3A_376 = tpu.vector_load %arg13[%get3A_374, %get3A_375] {strides = array<i32>} : memref<50x32xf32, #tpu.memory_space<vmem>>, vector<16xf32>,
      %add3A_377 = arith.addf %add3A_357, %get3A_376 : vector<16xf32>
      %get3A_378 = arith.constant 14 : i32
      %get3A_379 = arith.index_cast %get3A_378 : i32 to index
      %get3A_380 = arith.constant 16 : index
      %get3A_381 = tpu.vector_load %arg13[%get3A_379, %get3A_380] {strides = array<i32>} : memref<50x32xf32, #tpu.memory_space<vmem>>, vector<16xf32>,
      %add3A_382 = arith.addf %add3A_362, %get3A_381 : vector<16xf32>
      %get3A_383 = arith.constant 15 : i32
      %get3A_384 = arith.index_cast %get3A_383 : i32 to index
      %get3A_385 = arith.constant 0 : index
      %get3A_386 = tpu.vector_load %arg9[%get3A_384, %get3A_385] {strides = array<i32>} : memref<50x32xf32, #tpu.memory_space<vmem>>, vector<16xf32>,
      %add3A_387 = arith.addf %add3A_367, %get3A_386 : vector<16xf32>
      %get3A_388 = arith.constant 15 : i32
      %get3A_389 = arith.index_cast %get3A_388 : i32 to index
      %get3A_390 = arith.constant 16 : index
      %get3A_391 = tpu.vector_load %arg9[%get3A_389, %get3A_390] {strides = array<i32>} : memref<50x32xf32, #tpu.memory_space<vmem>>, vector<16xf32>,
      %add3A_392 = arith.addf %add3A_372, %get3A_391 : vector<16xf32>
      %get3A_393 = arith.constant 15 : i32
      %get3A_394 = arith.index_cast %get3A_393 : i32 to index
      %get3A_395 = arith.constant 0 : index
      %get3A_396 = tpu.vector_load %arg13[%get3A_394, %get3A_395] {strides = array<i32>} : memref<50x32xf32, #tpu.memory_space<vmem>>, vector<16xf32>,
      %add3A_397 = arith.addf %add3A_377, %get3A_396 : vector<16xf32>
      %get3A_398 = arith.constant 15 : i32
      %get3A_399 = arith.index_cast %get3A_398 : i32 to index
      %get3A_400 = arith.constant 16 : index
      %get3A_401 = tpu.vector_load %arg13[%get3A_399, %get3A_400] {strides = array<i32>} : memref<50x32xf32, #tpu.memory_space<vmem>>, vector<16xf32>,
      %add3A_402 = arith.addf %add3A_382, %get3A_401 : vector<16xf32>
      %get3A_403 = arith.constant 16 : i32
      %get3A_404 = arith.index_cast %get3A_403 : i32 to index
      %get3A_405 = arith.constant 0 : index
      %get3A_406 = tpu.vector_load %arg9[%get3A_404, %get3A_405] {strides = array<i32>} : memref<50x32xf32, #tpu.memory_space<vmem>>, vector<16xf32>,
      %add3A_407 = arith.addf %add3A_387, %get3A_406 : vector<16xf32>
      %get3A_408 = arith.constant 16 : i32
      %get3A_409 = arith.index_cast %get3A_408 : i32 to index
      %get3A_410 = arith.constant 16 : index
      %get3A_411 = tpu.vector_load %arg9[%get3A_409, %get3A_410] {strides = array<i32>} : memref<50x32xf32, #tpu.memory_space<vmem>>, vector<16xf32>,
      %add3A_412 = arith.addf %add3A_392, %get3A_411 : vector<16xf32>
      %get3A_413 = arith.constant 16 : i32
      %get3A_414 = arith.index_cast %get3A_413 : i32 to index
      %get3A_415 = arith.constant 0 : index
      %get3A_416 = tpu.vector_load %arg13[%get3A_414, %get3A_415] {strides = array<i32>} : memref<50x32xf32, #tpu.memory_space<vmem>>, vector<16xf32>,
      %add3A_417 = arith.addf %add3A_397, %get3A_416 : vector<16xf32>
      %get3A_418 = arith.constant 16 : i32
      %get3A_419 = arith.index_cast %get3A_418 : i32 to index
      %get3A_420 = arith.constant 16 : index
      %get3A_421 = tpu.vector_load %arg13[%get3A_419, %get3A_420] {strides = array<i32>} : memref<50x32xf32, #tpu.memory_space<vmem>>, vector<16xf32>,
      %add3A_422 = arith.addf %add3A_402, %get3A_421 : vector<16xf32>
      %get3A_423 = arith.constant 17 : i32
      %get3A_424 = arith.index_cast %get3A_423 : i32 to index
      %get3A_425 = arith.constant 0 : index
      %get3A_426 = tpu.vector_load %arg9[%get3A_424, %get3A_425] {strides = array<i32>} : memref<50x32xf32, #tpu.memory_space<vmem>>, vector<16xf32>,
      %add3A_427 = arith.addf %add3A_407, %get3A_426 : vector<16xf32>
      %get3A_428 = arith.constant 17 : i32
      %get3A_429 = arith.index_cast %get3A_428 : i32 to index
      %get3A_430 = arith.constant 16 : index
      %get3A_431 = tpu.vector_load %arg9[%get3A_429, %get3A_430] {strides = array<i32>} : memref<50x32xf32, #tpu.memory_space<vmem>>, vector<16xf32>,
      %add3A_432 = arith.addf %add3A_412, %get3A_431 : vector<16xf32>
      %get3A_433 = arith.constant 17 : i32
      %get3A_434 = arith.index_cast %get3A_433 : i32 to index
      %get3A_435 = arith.constant 0 : index
      %get3A_436 = tpu.vector_load %arg13[%get3A_434, %get3A_435] {strides = array<i32>} : memref<50x32xf32, #tpu.memory_space<vmem>>, vector<16xf32>,
      %add3A_437 = arith.addf %add3A_417, %get3A_436 : vector<16xf32>
      %get3A_438 = arith.constant 17 : i32
      %get3A_439 = arith.index_cast %get3A_438 : i32 to index
      %get3A_440 = arith.constant 16 : index
      %get3A_441 = tpu.vector_load %arg13[%get3A_439, %get3A_440] {strides = array<i32>} : memref<50x32xf32, #tpu.memory_space<vmem>>, vector<16xf32>,
      %add3A_442 = arith.addf %add3A_422, %get3A_441 : vector<16xf32>
      %get3A_443 = arith.constant 18 : i32
      %get3A_444 = arith.index_cast %get3A_443 : i32 to index
      %get3A_445 = arith.constant 0 : index
      %get3A_446 = tpu.vector_load %arg9[%get3A_444, %get3A_445] {strides = array<i32>} : memref<50x32xf32, #tpu.memory_space<vmem>>, vector<16xf32>,
      %add3A_447 = arith.addf %add3A_427, %get3A_446 : vector<16xf32>
      %get3A_448 = arith.constant 18 : i32
      %get3A_449 = arith.index_cast %get3A_448 : i32 to index
      %get3A_450 = arith.constant 16 : index
      %get3A_451 = tpu.vector_load %arg9[%get3A_449, %get3A_450] {strides = array<i32>} : memref<50x32xf32, #tpu.memory_space<vmem>>, vector<16xf32>,
      %add3A_452 = arith.addf %add3A_432, %get3A_451 : vector<16xf32>
      %get3A_453 = arith.constant 18 : i32
      %get3A_454 = arith.index_cast %get3A_453 : i32 to index
      %get3A_455 = arith.constant 0 : index
      %get3A_456 = tpu.vector_load %arg13[%get3A_454, %get3A_455] {strides = array<i32>} : memref<50x32xf32, #tpu.memory_space<vmem>>, vector<16xf32>,
      %add3A_457 = arith.addf %add3A_437, %get3A_456 : vector<16xf32>
      %get3A_458 = arith.constant 18 : i32
      %get3A_459 = arith.index_cast %get3A_458 : i32 to index
      %get3A_460 = arith.constant 16 : index
      %get3A_461 = tpu.vector_load %arg13[%get3A_459, %get3A_460] {strides = array<i32>} : memref<50x32xf32, #tpu.memory_space<vmem>>, vector<16xf32>,
      %add3A_462 = arith.addf %add3A_442, %get3A_461 : vector<16xf32>
      %get3A_463 = arith.constant 19 : i32
      %get3A_464 = arith.index_cast %get3A_463 : i32 to index
      %get3A_465 = arith.constant 0 : index
      %get3A_466 = tpu.vector_load %arg9[%get3A_464, %get3A_465] {strides = array<i32>} : memref<50x32xf32, #tpu.memory_space<vmem>>, vector<16xf32>,
      %add3A_467 = arith.addf %add3A_447, %get3A_466 : vector<16xf32>
      %get3A_468 = arith.constant 19 : i32
      %get3A_469 = arith.index_cast %get3A_468 : i32 to index
      %get3A_470 = arith.constant 16 : index
      %get3A_471 = tpu.vector_load %arg9[%get3A_469, %get3A_470] {strides = array<i32>} : memref<50x32xf32, #tpu.memory_space<vmem>>, vector<16xf32>,
      %add3A_472 = arith.addf %add3A_452, %get3A_471 : vector<16xf32>
      %get3A_473 = arith.constant 19 : i32
      %get3A_474 = arith.index_cast %get3A_473 : i32 to index
      %get3A_475 = arith.constant 0 : index
      %get3A_476 = tpu.vector_load %arg13[%get3A_474, %get3A_475] {strides = array<i32>} : memref<50x32xf32, #tpu.memory_space<vmem>>, vector<16xf32>,
      %add3A_477 = arith.addf %add3A_457, %get3A_476 : vector<16xf32>
      %get3A_478 = arith.constant 19 : i32
      %get3A_479 = arith.index_cast %get3A_478 : i32 to index
      %get3A_480 = arith.constant 16 : index
      %get3A_481 = tpu.vector_load %arg13[%get3A_479, %get3A_480] {strides = array<i32>} : memref<50x32xf32, #tpu.memory_space<vmem>>, vector<16xf32>,
      %add3A_482 = arith.addf %add3A_462, %get3A_481 : vector<16xf32>
      %get3A_483 = arith.constant 20 : i32
      %get3A_484 = arith.index_cast %get3A_483 : i32 to index
      %get3A_485 = arith.constant 0 : index
      %get3A_486 = tpu.vector_load %arg9[%get3A_484, %get3A_485] {strides = array<i32>} : memref<50x32xf32, #tpu.memory_space<vmem>>, vector<16xf32>,
      %add3A_487 = arith.addf %add3A_467, %get3A_486 : vector<16xf32>
      %get3A_488 = arith.constant 20 : i32
      %get3A_489 = arith.index_cast %get3A_488 : i32 to index
      %get3A_490 = arith.constant 16 : index
      %get3A_491 = tpu.vector_load %arg9[%get3A_489, %get3A_490] {strides = array<i32>} : memref<50x32xf32, #tpu.memory_space<vmem>>, vector<16xf32>,
      %add3A_492 = arith.addf %add3A_472, %get3A_491 : vector<16xf32>
      %get3A_493 = arith.constant 20 : i32
      %get3A_494 = arith.index_cast %get3A_493 : i32 to index
      %get3A_495 = arith.constant 0 : index
      %get3A_496 = tpu.vector_load %arg13[%get3A_494, %get3A_495] {strides = array<i32>} : memref<50x32xf32, #tpu.memory_space<vmem>>, vector<16xf32>,
      %add3A_497 = arith.addf %add3A_477, %get3A_496 : vector<16xf32>
      %get3A_498 = arith.constant 20 : i32
      %get3A_499 = arith.index_cast %get3A_498 : i32 to index
      %get3A_500 = arith.constant 16 : index
      %get3A_501 = tpu.vector_load %arg13[%get3A_499, %get3A_500] {strides = array<i32>} : memref<50x32xf32, #tpu.memory_space<vmem>>, vector<16xf32>,
      %add3A_502 = arith.addf %add3A_482, %get3A_501 : vector<16xf32>
      %get3A_503 = arith.constant 21 : i32
      %get3A_504 = arith.index_cast %get3A_503 : i32 to index
      %get3A_505 = arith.constant 0 : index
      %get3A_506 = tpu.vector_load %arg9[%get3A_504, %get3A_505] {strides = array<i32>} : memref<50x32xf32, #tpu.memory_space<vmem>>, vector<16xf32>,
      %add3A_507 = arith.addf %add3A_487, %get3A_506 : vector<16xf32>
      %get3A_508 = arith.constant 21 : i32
      %get3A_509 = arith.index_cast %get3A_508 : i32 to index
      %get3A_510 = arith.constant 16 : index
      %get3A_511 = tpu.vector_load %arg9[%get3A_509, %get3A_510] {strides = array<i32>} : memref<50x32xf32, #tpu.memory_space<vmem>>, vector<16xf32>,
      %add3A_512 = arith.addf %add3A_492, %get3A_511 : vector<16xf32>
      %get3A_513 = arith.constant 21 : i32
      %get3A_514 = arith.index_cast %get3A_513 : i32 to index
      %get3A_515 = arith.constant 0 : index
      %get3A_516 = tpu.vector_load %arg13[%get3A_514, %get3A_515] {strides = array<i32>} : memref<50x32xf32, #tpu.memory_space<vmem>>, vector<16xf32>,
      %add3A_517 = arith.addf %add3A_497, %get3A_516 : vector<16xf32>
      %get3A_518 = arith.constant 21 : i32
      %get3A_519 = arith.index_cast %get3A_518 : i32 to index
      %get3A_520 = arith.constant 16 : index
      %get3A_521 = tpu.vector_load %arg13[%get3A_519, %get3A_520] {strides = array<i32>} : memref<50x32xf32, #tpu.memory_space<vmem>>, vector<16xf32>,
      %add3A_522 = arith.addf %add3A_502, %get3A_521 : vector<16xf32>
      %get3A_523 = arith.constant 22 : i32
      %get3A_524 = arith.index_cast %get3A_523 : i32 to index
      %get3A_525 = arith.constant 0 : index
      %get3A_526 = tpu.vector_load %arg9[%get3A_524, %get3A_525] {strides = array<i32>} : memref<50x32xf32, #tpu.memory_space<vmem>>, vector<16xf32>,
      %add3A_527 = arith.addf %add3A_507, %get3A_526 : vector<16xf32>
      %get3A_528 = arith.constant 22 : i32
      %get3A_529 = arith.index_cast %get3A_528 : i32 to index
      %get3A_530 = arith.constant 16 : index
      %get3A_531 = tpu.vector_load %arg9[%get3A_529, %get3A_530] {strides = array<i32>} : memref<50x32xf32, #tpu.memory_space<vmem>>, vector<16xf32>,
      %add3A_532 = arith.addf %add3A_512, %get3A_531 : vector<16xf32>
      %get3A_533 = arith.constant 22 : i32
      %get3A_534 = arith.index_cast %get3A_533 : i32 to index
      %get3A_535 = arith.constant 0 : index
      %get3A_536 = tpu.vector_load %arg13[%get3A_534, %get3A_535] {strides = array<i32>} : memref<50x32xf32, #tpu.memory_space<vmem>>, vector<16xf32>,
      %add3A_537 = arith.addf %add3A_517, %get3A_536 : vector<16xf32>
      %get3A_538 = arith.constant 22 : i32
      %get3A_539 = arith.index_cast %get3A_538 : i32 to index
      %get3A_540 = arith.constant 16 : index
      %get3A_541 = tpu.vector_load %arg13[%get3A_539, %get3A_540] {strides = array<i32>} : memref<50x32xf32, #tpu.memory_space<vmem>>, vector<16xf32>,
      %add3A_542 = arith.addf %add3A_522, %get3A_541 : vector<16xf32>
      %get3A_543 = arith.constant 23 : i32
      %get3A_544 = arith.index_cast %get3A_543 : i32 to index
      %get3A_545 = arith.constant 0 : index
      %get3A_546 = tpu.vector_load %arg9[%get3A_544, %get3A_545] {strides = array<i32>} : memref<50x32xf32, #tpu.memory_space<vmem>>, vector<16xf32>,
      %add3A_547 = arith.addf %add3A_527, %get3A_546 : vector<16xf32>
      %get3A_548 = arith.constant 23 : i32
      %get3A_549 = arith.index_cast %get3A_548 : i32 to index
      %get3A_550 = arith.constant 16 : index
      %get3A_551 = tpu.vector_load %arg9[%get3A_549, %get3A_550] {strides = array<i32>} : memref<50x32xf32, #tpu.memory_space<vmem>>, vector<16xf32>,
      %add3A_552 = arith.addf %add3A_532, %get3A_551 : vector<16xf32>
      %get3A_553 = arith.constant 23 : i32
      %get3A_554 = arith.index_cast %get3A_553 : i32 to index
      %get3A_555 = arith.constant 0 : index
      %get3A_556 = tpu.vector_load %arg13[%get3A_554, %get3A_555] {strides = array<i32>} : memref<50x32xf32, #tpu.memory_space<vmem>>, vector<16xf32>,
      %add3A_557 = arith.addf %add3A_537, %get3A_556 : vector<16xf32>
      %get3A_558 = arith.constant 23 : i32
      %get3A_559 = arith.index_cast %get3A_558 : i32 to index
      %get3A_560 = arith.constant 16 : index
      %get3A_561 = tpu.vector_load %arg13[%get3A_559, %get3A_560] {strides = array<i32>} : memref<50x32xf32, #tpu.memory_space<vmem>>, vector<16xf32>,
      %add3A_562 = arith.addf %add3A_542, %get3A_561 : vector<16xf32>
      %get3A_563 = arith.constant 24 : i32
      %get3A_564 = arith.index_cast %get3A_563 : i32 to index
      %get3A_565 = arith.constant 0 : index
      %get3A_566 = tpu.vector_load %arg9[%get3A_564, %get3A_565] {strides = array<i32>} : memref<50x32xf32, #tpu.memory_space<vmem>>, vector<16xf32>,
      %add3A_567 = arith.addf %add3A_547, %get3A_566 : vector<16xf32>
      %get3A_568 = arith.constant 24 : i32
      %get3A_569 = arith.index_cast %get3A_568 : i32 to index
      %get3A_570 = arith.constant 16 : index
      %get3A_571 = tpu.vector_load %arg9[%get3A_569, %get3A_570] {strides = array<i32>} : memref<50x32xf32, #tpu.memory_space<vmem>>, vector<16xf32>,
      %add3A_572 = arith.addf %add3A_552, %get3A_571 : vector<16xf32>
      %get3A_573 = arith.constant 24 : i32
      %get3A_574 = arith.index_cast %get3A_573 : i32 to index
      %get3A_575 = arith.constant 0 : index
      %get3A_576 = tpu.vector_load %arg13[%get3A_574, %get3A_575] {strides = array<i32>} : memref<50x32xf32, #tpu.memory_space<vmem>>, vector<16xf32>,
      %add3A_577 = arith.addf %add3A_557, %get3A_576 : vector<16xf32>
      %get3A_578 = arith.constant 24 : i32
      %get3A_579 = arith.index_cast %get3A_578 : i32 to index
      %get3A_580 = arith.constant 16 : index
      %get3A_581 = tpu.vector_load %arg13[%get3A_579, %get3A_580] {strides = array<i32>} : memref<50x32xf32, #tpu.memory_space<vmem>>, vector<16xf32>,
      %add3A_582 = arith.addf %add3A_562, %get3A_581 : vector<16xf32>
      %get3A_583 = arith.constant 25 : i32
      %get3A_584 = arith.index_cast %get3A_583 : i32 to index
      %get3A_585 = arith.constant 0 : index
      %get3A_586 = tpu.vector_load %arg9[%get3A_584, %get3A_585] {strides = array<i32>} : memref<50x32xf32, #tpu.memory_space<vmem>>, vector<16xf32>,
      %add3A_587 = arith.addf %add3A_567, %get3A_586 : vector<16xf32>
      %get3A_588 = arith.constant 25 : i32
      %get3A_589 = arith.index_cast %get3A_588 : i32 to index
      %get3A_590 = arith.constant 16 : index
      %get3A_591 = tpu.vector_load %arg9[%get3A_589, %get3A_590] {strides = array<i32>} : memref<50x32xf32, #tpu.memory_space<vmem>>, vector<16xf32>,
      %add3A_592 = arith.addf %add3A_572, %get3A_591 : vector<16xf32>
      %get3A_593 = arith.constant 25 : i32
      %get3A_594 = arith.index_cast %get3A_593 : i32 to index
      %get3A_595 = arith.constant 0 : index
      %get3A_596 = tpu.vector_load %arg13[%get3A_594, %get3A_595] {strides = array<i32>} : memref<50x32xf32, #tpu.memory_space<vmem>>, vector<16xf32>,
      %add3A_597 = arith.addf %add3A_577, %get3A_596 : vector<16xf32>
      %get3A_598 = arith.constant 25 : i32
      %get3A_599 = arith.index_cast %get3A_598 : i32 to index
      %get3A_600 = arith.constant 16 : index
      %get3A_601 = tpu.vector_load %arg13[%get3A_599, %get3A_600] {strides = array<i32>} : memref<50x32xf32, #tpu.memory_space<vmem>>, vector<16xf32>,
      %add3A_602 = arith.addf %add3A_582, %get3A_601 : vector<16xf32>
      %get3A_603 = arith.constant 26 : i32
      %get3A_604 = arith.index_cast %get3A_603 : i32 to index
      %get3A_605 = arith.constant 0 : index
      %get3A_606 = tpu.vector_load %arg9[%get3A_604, %get3A_605] {strides = array<i32>} : memref<50x32xf32, #tpu.memory_space<vmem>>, vector<16xf32>,
      %add3A_607 = arith.addf %add3A_587, %get3A_606 : vector<16xf32>
      %get3A_608 = arith.constant 26 : i32
      %get3A_609 = arith.index_cast %get3A_608 : i32 to index
      %get3A_610 = arith.constant 16 : index
      %get3A_611 = tpu.vector_load %arg9[%get3A_609, %get3A_610] {strides = array<i32>} : memref<50x32xf32, #tpu.memory_space<vmem>>, vector<16xf32>,
      %add3A_612 = arith.addf %add3A_592, %get3A_611 : vector<16xf32>
      %get3A_613 = arith.constant 26 : i32
      %get3A_614 = arith.index_cast %get3A_613 : i32 to index
      %get3A_615 = arith.constant 0 : index
      %get3A_616 = tpu.vector_load %arg13[%get3A_614, %get3A_615] {strides = array<i32>} : memref<50x32xf32, #tpu.memory_space<vmem>>, vector<16xf32>,
      %add3A_617 = arith.addf %add3A_597, %get3A_616 : vector<16xf32>
      %get3A_618 = arith.constant 26 : i32
      %get3A_619 = arith.index_cast %get3A_618 : i32 to index
      %get3A_620 = arith.constant 16 : index
      %get3A_621 = tpu.vector_load %arg13[%get3A_619, %get3A_620] {strides = array<i32>} : memref<50x32xf32, #tpu.memory_space<vmem>>, vector<16xf32>,
      %add3A_622 = arith.addf %add3A_602, %get3A_621 : vector<16xf32>
      %get3A_623 = arith.constant 27 : i32
      %get3A_624 = arith.index_cast %get3A_623 : i32 to index
      %get3A_625 = arith.constant 0 : index
      %get3A_626 = tpu.vector_load %arg9[%get3A_624, %get3A_625] {strides = array<i32>} : memref<50x32xf32, #tpu.memory_space<vmem>>, vector<16xf32>,
      %add3A_627 = arith.addf %add3A_607, %get3A_626 : vector<16xf32>
      %get3A_628 = arith.constant 27 : i32
      %get3A_629 = arith.index_cast %get3A_628 : i32 to index
      %get3A_630 = arith.constant 16 : index
      %get3A_631 = tpu.vector_load %arg9[%get3A_629, %get3A_630] {strides = array<i32>} : memref<50x32xf32, #tpu.memory_space<vmem>>, vector<16xf32>,
      %add3A_632 = arith.addf %add3A_612, %get3A_631 : vector<16xf32>
      %get3A_633 = arith.constant 27 : i32
      %get3A_634 = arith.index_cast %get3A_633 : i32 to index
      %get3A_635 = arith.constant 0 : index
      %get3A_636 = tpu.vector_load %arg13[%get3A_634, %get3A_635] {strides = array<i32>} : memref<50x32xf32, #tpu.memory_space<vmem>>, vector<16xf32>,
      %add3A_637 = arith.addf %add3A_617, %get3A_636 : vector<16xf32>
      %get3A_638 = arith.constant 27 : i32
      %get3A_639 = arith.index_cast %get3A_638 : i32 to index
      %get3A_640 = arith.constant 16 : index
      %get3A_641 = tpu.vector_load %arg13[%get3A_639, %get3A_640] {strides = array<i32>} : memref<50x32xf32, #tpu.memory_space<vmem>>, vector<16xf32>,
      %add3A_642 = arith.addf %add3A_622, %get3A_641 : vector<16xf32>
      %get3A_643 = arith.constant 28 : i32
      %get3A_644 = arith.index_cast %get3A_643 : i32 to index
      %get3A_645 = arith.constant 0 : index
      %get3A_646 = tpu.vector_load %arg9[%get3A_644, %get3A_645] {strides = array<i32>} : memref<50x32xf32, #tpu.memory_space<vmem>>, vector<16xf32>,
      %add3A_647 = arith.addf %add3A_627, %get3A_646 : vector<16xf32>
      %get3A_648 = arith.constant 28 : i32
      %get3A_649 = arith.index_cast %get3A_648 : i32 to index
      %get3A_650 = arith.constant 16 : index
      %get3A_651 = tpu.vector_load %arg9[%get3A_649, %get3A_650] {strides = array<i32>} : memref<50x32xf32, #tpu.memory_space<vmem>>, vector<16xf32>,
      %add3A_652 = arith.addf %add3A_632, %get3A_651 : vector<16xf32>
      %get3A_653 = arith.constant 28 : i32
      %get3A_654 = arith.index_cast %get3A_653 : i32 to index
      %get3A_655 = arith.constant 0 : index
      %get3A_656 = tpu.vector_load %arg13[%get3A_654, %get3A_655] {strides = array<i32>} : memref<50x32xf32, #tpu.memory_space<vmem>>, vector<16xf32>,
      %add3A_657 = arith.addf %add3A_637, %get3A_656 : vector<16xf32>
      %get3A_658 = arith.constant 28 : i32
      %get3A_659 = arith.index_cast %get3A_658 : i32 to index
      %get3A_660 = arith.constant 16 : index
      %get3A_661 = tpu.vector_load %arg13[%get3A_659, %get3A_660] {strides = array<i32>} : memref<50x32xf32, #tpu.memory_space<vmem>>, vector<16xf32>,
      %add3A_662 = arith.addf %add3A_642, %get3A_661 : vector<16xf32>
      %get3A_663 = arith.constant 29 : i32
      %get3A_664 = arith.index_cast %get3A_663 : i32 to index
      %get3A_665 = arith.constant 0 : index
      %get3A_666 = tpu.vector_load %arg9[%get3A_664, %get3A_665] {strides = array<i32>} : memref<50x32xf32, #tpu.memory_space<vmem>>, vector<16xf32>,
      %add3A_667 = arith.addf %add3A_647, %get3A_666 : vector<16xf32>
      %get3A_668 = arith.constant 29 : i32
      %get3A_669 = arith.index_cast %get3A_668 : i32 to index
      %get3A_670 = arith.constant 16 : index
      %get3A_671 = tpu.vector_load %arg9[%get3A_669, %get3A_670] {strides = array<i32>} : memref<50x32xf32, #tpu.memory_space<vmem>>, vector<16xf32>,
      %add3A_672 = arith.addf %add3A_652, %get3A_671 : vector<16xf32>
      %get3A_673 = arith.constant 29 : i32
      %get3A_674 = arith.index_cast %get3A_673 : i32 to index
      %get3A_675 = arith.constant 0 : index
      %get3A_676 = tpu.vector_load %arg13[%get3A_674, %get3A_675] {strides = array<i32>} : memref<50x32xf32, #tpu.memory_space<vmem>>, vector<16xf32>,
      %add3A_677 = arith.addf %add3A_657, %get3A_676 : vector<16xf32>
      %get3A_678 = arith.constant 29 : i32
      %get3A_679 = arith.index_cast %get3A_678 : i32 to index
      %get3A_680 = arith.constant 16 : index
      %get3A_681 = tpu.vector_load %arg13[%get3A_679, %get3A_680] {strides = array<i32>} : memref<50x32xf32, #tpu.memory_space<vmem>>, vector<16xf32>,
      %add3A_682 = arith.addf %add3A_662, %get3A_681 : vector<16xf32>
      %get3A_683 = arith.constant 30 : i32
      %get3A_684 = arith.index_cast %get3A_683 : i32 to index
      %get3A_685 = arith.constant 0 : index
      %get3A_686 = tpu.vector_load %arg9[%get3A_684, %get3A_685] {strides = array<i32>} : memref<50x32xf32, #tpu.memory_space<vmem>>, vector<16xf32>,
      %add3A_687 = arith.addf %add3A_667, %get3A_686 : vector<16xf32>
      %get3A_688 = arith.constant 30 : i32
      %get3A_689 = arith.index_cast %get3A_688 : i32 to index
      %get3A_690 = arith.constant 16 : index
      %get3A_691 = tpu.vector_load %arg9[%get3A_689, %get3A_690] {strides = array<i32>} : memref<50x32xf32, #tpu.memory_space<vmem>>, vector<16xf32>,
      %add3A_692 = arith.addf %add3A_672, %get3A_691 : vector<16xf32>
      %get3A_693 = arith.constant 30 : i32
      %get3A_694 = arith.index_cast %get3A_693 : i32 to index
      %get3A_695 = arith.constant 0 : index
      %get3A_696 = tpu.vector_load %arg13[%get3A_694, %get3A_695] {strides = array<i32>} : memref<50x32xf32, #tpu.memory_space<vmem>>, vector<16xf32>,
      %add3A_697 = arith.addf %add3A_677, %get3A_696 : vector<16xf32>
      %get3A_698 = arith.constant 30 : i32
      %get3A_699 = arith.index_cast %get3A_698 : i32 to index
      %get3A_700 = arith.constant 16 : index
      %get3A_701 = tpu.vector_load %arg13[%get3A_699, %get3A_700] {strides = array<i32>} : memref<50x32xf32, #tpu.memory_space<vmem>>, vector<16xf32>,
      %add3A_702 = arith.addf %add3A_682, %get3A_701 : vector<16xf32>
      %get3A_703 = arith.constant 31 : i32
      %get3A_704 = arith.index_cast %get3A_703 : i32 to index
      %get3A_705 = arith.constant 0 : index
      %get3A_706 = tpu.vector_load %arg9[%get3A_704, %get3A_705] {strides = array<i32>} : memref<50x32xf32, #tpu.memory_space<vmem>>, vector<16xf32>,
      %add3A_707 = arith.addf %add3A_687, %get3A_706 : vector<16xf32>
      %get3A_708 = arith.constant 31 : i32
      %get3A_709 = arith.index_cast %get3A_708 : i32 to index
      %get3A_710 = arith.constant 16 : index
      %get3A_711 = tpu.vector_load %arg9[%get3A_709, %get3A_710] {strides = array<i32>} : memref<50x32xf32, #tpu.memory_space<vmem>>, vector<16xf32>,
      %add3A_712 = arith.addf %add3A_692, %get3A_711 : vector<16xf32>
      %get3A_713 = arith.constant 31 : i32
      %get3A_714 = arith.index_cast %get3A_713 : i32 to index
      %get3A_715 = arith.constant 0 : index
      %get3A_716 = tpu.vector_load %arg13[%get3A_714, %get3A_715] {strides = array<i32>} : memref<50x32xf32, #tpu.memory_space<vmem>>, vector<16xf32>,
      %add3A_717 = arith.addf %add3A_697, %get3A_716 : vector<16xf32>
      %get3A_718 = arith.constant 31 : i32
      %get3A_719 = arith.index_cast %get3A_718 : i32 to index
      %get3A_720 = arith.constant 16 : index
      %get3A_721 = tpu.vector_load %arg13[%get3A_719, %get3A_720] {strides = array<i32>} : memref<50x32xf32, #tpu.memory_space<vmem>>, vector<16xf32>,
      %add3A_722 = arith.addf %add3A_702, %get3A_721 : vector<16xf32>
      %get3A_723 = arith.constant 32 : i32
      %get3A_724 = arith.index_cast %get3A_723 : i32 to index
      %get3A_725 = arith.constant 0 : index
      %get3A_726 = tpu.vector_load %arg9[%get3A_724, %get3A_725] {strides = array<i32>} : memref<50x32xf32, #tpu.memory_space<vmem>>, vector<16xf32>,
      %add3A_727 = arith.addf %add3A_707, %get3A_726 : vector<16xf32>
      %get3A_728 = arith.constant 32 : i32
      %get3A_729 = arith.index_cast %get3A_728 : i32 to index
      %get3A_730 = arith.constant 16 : index
      %get3A_731 = tpu.vector_load %arg9[%get3A_729, %get3A_730] {strides = array<i32>} : memref<50x32xf32, #tpu.memory_space<vmem>>, vector<16xf32>,
      %add3A_732 = arith.addf %add3A_712, %get3A_731 : vector<16xf32>
      %get3A_733 = arith.constant 32 : i32
      %get3A_734 = arith.index_cast %get3A_733 : i32 to index
      %get3A_735 = arith.constant 0 : index
      %get3A_736 = tpu.vector_load %arg13[%get3A_734, %get3A_735] {strides = array<i32>} : memref<50x32xf32, #tpu.memory_space<vmem>>, vector<16xf32>,
      %add3A_737 = arith.addf %add3A_717, %get3A_736 : vector<16xf32>
      %get3A_738 = arith.constant 32 : i32
      %get3A_739 = arith.index_cast %get3A_738 : i32 to index
      %get3A_740 = arith.constant 16 : index
      %get3A_741 = tpu.vector_load %arg13[%get3A_739, %get3A_740] {strides = array<i32>} : memref<50x32xf32, #tpu.memory_space<vmem>>, vector<16xf32>,
      %add3A_742 = arith.addf %add3A_722, %get3A_741 : vector<16xf32>
      %get3A_743 = arith.constant 33 : i32
      %get3A_744 = arith.index_cast %get3A_743 : i32 to index
      %get3A_745 = arith.constant 0 : index
      %get3A_746 = tpu.vector_load %arg9[%get3A_744, %get3A_745] {strides = array<i32>} : memref<50x32xf32, #tpu.memory_space<vmem>>, vector<16xf32>,
      %add3A_747 = arith.addf %add3A_727, %get3A_746 : vector<16xf32>
      %get3A_748 = arith.constant 33 : i32
      %get3A_749 = arith.index_cast %get3A_748 : i32 to index
      %get3A_750 = arith.constant 16 : index
      %get3A_751 = tpu.vector_load %arg9[%get3A_749, %get3A_750] {strides = array<i32>} : memref<50x32xf32, #tpu.memory_space<vmem>>, vector<16xf32>,
      %add3A_752 = arith.addf %add3A_732, %get3A_751 : vector<16xf32>
      %get3A_753 = arith.constant 33 : i32
      %get3A_754 = arith.index_cast %get3A_753 : i32 to index
      %get3A_755 = arith.constant 0 : index
      %get3A_756 = tpu.vector_load %arg13[%get3A_754, %get3A_755] {strides = array<i32>} : memref<50x32xf32, #tpu.memory_space<vmem>>, vector<16xf32>,
      %add3A_757 = arith.addf %add3A_737, %get3A_756 : vector<16xf32>
      %get3A_758 = arith.constant 33 : i32
      %get3A_759 = arith.index_cast %get3A_758 : i32 to index
      %get3A_760 = arith.constant 16 : index
      %get3A_761 = tpu.vector_load %arg13[%get3A_759, %get3A_760] {strides = array<i32>} : memref<50x32xf32, #tpu.memory_space<vmem>>, vector<16xf32>,
      %add3A_762 = arith.addf %add3A_742, %get3A_761 : vector<16xf32>
      %get3A_763 = arith.constant 34 : i32
      %get3A_764 = arith.index_cast %get3A_763 : i32 to index
      %get3A_765 = arith.constant 0 : index
      %get3A_766 = tpu.vector_load %arg9[%get3A_764, %get3A_765] {strides = array<i32>} : memref<50x32xf32, #tpu.memory_space<vmem>>, vector<16xf32>,
      %add3A_767 = arith.addf %add3A_747, %get3A_766 : vector<16xf32>
      %get3A_768 = arith.constant 34 : i32
      %get3A_769 = arith.index_cast %get3A_768 : i32 to index
      %get3A_770 = arith.constant 16 : index
      %get3A_771 = tpu.vector_load %arg9[%get3A_769, %get3A_770] {strides = array<i32>} : memref<50x32xf32, #tpu.memory_space<vmem>>, vector<16xf32>,
      %add3A_772 = arith.addf %add3A_752, %get3A_771 : vector<16xf32>
      %get3A_773 = arith.constant 34 : i32
      %get3A_774 = arith.index_cast %get3A_773 : i32 to index
      %get3A_775 = arith.constant 0 : index
      %get3A_776 = tpu.vector_load %arg13[%get3A_774, %get3A_775] {strides = array<i32>} : memref<50x32xf32, #tpu.memory_space<vmem>>, vector<16xf32>,
      %add3A_777 = arith.addf %add3A_757, %get3A_776 : vector<16xf32>
      %get3A_778 = arith.constant 34 : i32
      %get3A_779 = arith.index_cast %get3A_778 : i32 to index
      %get3A_780 = arith.constant 16 : index
      %get3A_781 = tpu.vector_load %arg13[%get3A_779, %get3A_780] {strides = array<i32>} : memref<50x32xf32, #tpu.memory_space<vmem>>, vector<16xf32>,
      %add3A_782 = arith.addf %add3A_762, %get3A_781 : vector<16xf32>
      %get3A_783 = arith.constant 35 : i32
      %get3A_784 = arith.index_cast %get3A_783 : i32 to index
      %get3A_785 = arith.constant 0 : index
      %get3A_786 = tpu.vector_load %arg9[%get3A_784, %get3A_785] {strides = array<i32>} : memref<50x32xf32, #tpu.memory_space<vmem>>, vector<16xf32>,
      %add3A_787 = arith.addf %add3A_767, %get3A_786 : vector<16xf32>
      %get3A_788 = arith.constant 35 : i32
      %get3A_789 = arith.index_cast %get3A_788 : i32 to index
      %get3A_790 = arith.constant 16 : index
      %get3A_791 = tpu.vector_load %arg9[%get3A_789, %get3A_790] {strides = array<i32>} : memref<50x32xf32, #tpu.memory_space<vmem>>, vector<16xf32>,
      %add3A_792 = arith.addf %add3A_772, %get3A_791 : vector<16xf32>
      %get3A_793 = arith.constant 35 : i32
      %get3A_794 = arith.index_cast %get3A_793 : i32 to index
      %get3A_795 = arith.constant 0 : index
      %get3A_796 = tpu.vector_load %arg13[%get3A_794, %get3A_795] {strides = array<i32>} : memref<50x32xf32, #tpu.memory_space<vmem>>, vector<16xf32>,
      %add3A_797 = arith.addf %add3A_777, %get3A_796 : vector<16xf32>
      %get3A_798 = arith.constant 35 : i32
      %get3A_799 = arith.index_cast %get3A_798 : i32 to index
      %get3A_800 = arith.constant 16 : index
      %get3A_801 = tpu.vector_load %arg13[%get3A_799, %get3A_800] {strides = array<i32>} : memref<50x32xf32, #tpu.memory_space<vmem>>, vector<16xf32>,
      %add3A_802 = arith.addf %add3A_782, %get3A_801 : vector<16xf32>
      %get3A_803 = arith.constant 36 : i32
      %get3A_804 = arith.index_cast %get3A_803 : i32 to index
      %get3A_805 = arith.constant 0 : index
      %get3A_806 = tpu.vector_load %arg9[%get3A_804, %get3A_805] {strides = array<i32>} : memref<50x32xf32, #tpu.memory_space<vmem>>, vector<16xf32>,
      %add3A_807 = arith.addf %add3A_787, %get3A_806 : vector<16xf32>
      %get3A_808 = arith.constant 36 : i32
      %get3A_809 = arith.index_cast %get3A_808 : i32 to index
      %get3A_810 = arith.constant 16 : index
      %get3A_811 = tpu.vector_load %arg9[%get3A_809, %get3A_810] {strides = array<i32>} : memref<50x32xf32, #tpu.memory_space<vmem>>, vector<16xf32>,
      %add3A_812 = arith.addf %add3A_792, %get3A_811 : vector<16xf32>
      %get3A_813 = arith.constant 36 : i32
      %get3A_814 = arith.index_cast %get3A_813 : i32 to index
      %get3A_815 = arith.constant 0 : index
      %get3A_816 = tpu.vector_load %arg13[%get3A_814, %get3A_815] {strides = array<i32>} : memref<50x32xf32, #tpu.memory_space<vmem>>, vector<16xf32>,
      %add3A_817 = arith.addf %add3A_797, %get3A_816 : vector<16xf32>
      %get3A_818 = arith.constant 36 : i32
      %get3A_819 = arith.index_cast %get3A_818 : i32 to index
      %get3A_820 = arith.constant 16 : index
      %get3A_821 = tpu.vector_load %arg13[%get3A_819, %get3A_820] {strides = array<i32>} : memref<50x32xf32, #tpu.memory_space<vmem>>, vector<16xf32>,
      %add3A_822 = arith.addf %add3A_802, %get3A_821 : vector<16xf32>
      %get3A_823 = arith.constant 37 : i32
      %get3A_824 = arith.index_cast %get3A_823 : i32 to index
      %get3A_825 = arith.constant 0 : index
      %get3A_826 = tpu.vector_load %arg9[%get3A_824, %get3A_825] {strides = array<i32>} : memref<50x32xf32, #tpu.memory_space<vmem>>, vector<16xf32>,
      %add3A_827 = arith.addf %add3A_807, %get3A_826 : vector<16xf32>
      %get3A_828 = arith.constant 37 : i32
      %get3A_829 = arith.index_cast %get3A_828 : i32 to index
      %get3A_830 = arith.constant 16 : index
      %get3A_831 = tpu.vector_load %arg9[%get3A_829, %get3A_830] {strides = array<i32>} : memref<50x32xf32, #tpu.memory_space<vmem>>, vector<16xf32>,
      %add3A_832 = arith.addf %add3A_812, %get3A_831 : vector<16xf32>
      %get3A_833 = arith.constant 37 : i32
      %get3A_834 = arith.index_cast %get3A_833 : i32 to index
      %get3A_835 = arith.constant 0 : index
      %get3A_836 = tpu.vector_load %arg13[%get3A_834, %get3A_835] {strides = array<i32>} : memref<50x32xf32, #tpu.memory_space<vmem>>, vector<16xf32>,
      %add3A_837 = arith.addf %add3A_817, %get3A_836 : vector<16xf32>
      %get3A_838 = arith.constant 37 : i32
      %get3A_839 = arith.index_cast %get3A_838 : i32 to index
      %get3A_840 = arith.constant 16 : index
      %get3A_841 = tpu.vector_load %arg13[%get3A_839, %get3A_840] {strides = array<i32>} : memref<50x32xf32, #tpu.memory_space<vmem>>, vector<16xf32>,
      %add3A_842 = arith.addf %add3A_822, %get3A_841 : vector<16xf32>
      %get3A_843 = arith.constant 38 : i32
      %get3A_844 = arith.index_cast %get3A_843 : i32 to index
      %get3A_845 = arith.constant 0 : index
      %get3A_846 = tpu.vector_load %arg9[%get3A_844, %get3A_845] {strides = array<i32>} : memref<50x32xf32, #tpu.memory_space<vmem>>, vector<16xf32>,
      %add3A_847 = arith.addf %add3A_827, %get3A_846 : vector<16xf32>
      %get3A_848 = arith.constant 38 : i32
      %get3A_849 = arith.index_cast %get3A_848 : i32 to index
      %get3A_850 = arith.constant 16 : index
      %get3A_851 = tpu.vector_load %arg9[%get3A_849, %get3A_850] {strides = array<i32>} : memref<50x32xf32, #tpu.memory_space<vmem>>, vector<16xf32>,
      %add3A_852 = arith.addf %add3A_832, %get3A_851 : vector<16xf32>
      %get3A_853 = arith.constant 38 : i32
      %get3A_854 = arith.index_cast %get3A_853 : i32 to index
      %get3A_855 = arith.constant 0 : index
      %get3A_856 = tpu.vector_load %arg13[%get3A_854, %get3A_855] {strides = array<i32>} : memref<50x32xf32, #tpu.memory_space<vmem>>, vector<16xf32>,
      %add3A_857 = arith.addf %add3A_837, %get3A_856 : vector<16xf32>
      %get3A_858 = arith.constant 38 : i32
      %get3A_859 = arith.index_cast %get3A_858 : i32 to index
      %get3A_860 = arith.constant 16 : index
      %get3A_861 = tpu.vector_load %arg13[%get3A_859, %get3A_860] {strides = array<i32>} : memref<50x32xf32, #tpu.memory_space<vmem>>, vector<16xf32>,
      %add3A_862 = arith.addf %add3A_842, %get3A_861 : vector<16xf32>
      %get3A_863 = arith.constant 39 : i32
      %get3A_864 = arith.index_cast %get3A_863 : i32 to index
      %get3A_865 = arith.constant 0 : index
      %get3A_866 = tpu.vector_load %arg9[%get3A_864, %get3A_865] {strides = array<i32>} : memref<50x32xf32, #tpu.memory_space<vmem>>, vector<16xf32>,
      %add3A_867 = arith.addf %add3A_847, %get3A_866 : vector<16xf32>
      %get3A_868 = arith.constant 39 : i32
      %get3A_869 = arith.index_cast %get3A_868 : i32 to index
      %get3A_870 = arith.constant 16 : index
      %get3A_871 = tpu.vector_load %arg9[%get3A_869, %get3A_870] {strides = array<i32>} : memref<50x32xf32, #tpu.memory_space<vmem>>, vector<16xf32>,
      %add3A_872 = arith.addf %add3A_852, %get3A_871 : vector<16xf32>
      %get3A_873 = arith.constant 39 : i32
      %get3A_874 = arith.index_cast %get3A_873 : i32 to index
      %get3A_875 = arith.constant 0 : index
      %get3A_876 = tpu.vector_load %arg13[%get3A_874, %get3A_875] {strides = array<i32>} : memref<50x32xf32, #tpu.memory_space<vmem>>, vector<16xf32>,
      %add3A_877 = arith.addf %add3A_857, %get3A_876 : vector<16xf32>
      %get3A_878 = arith.constant 39 : i32
      %get3A_879 = arith.index_cast %get3A_878 : i32 to index
      %get3A_880 = arith.constant 16 : index
      %get3A_881 = tpu.vector_load %arg13[%get3A_879, %get3A_880] {strides = array<i32>} : memref<50x32xf32, #tpu.memory_space<vmem>>, vector<16xf32>,
      %add3A_882 = arith.addf %add3A_862, %get3A_881 : vector<16xf32>
      %get3A_883 = arith.constant 40 : i32
      %get3A_884 = arith.index_cast %get3A_883 : i32 to index
      %get3A_885 = arith.constant 0 : index
      %get3A_886 = tpu.vector_load %arg9[%get3A_884, %get3A_885] {strides = array<i32>} : memref<50x32xf32, #tpu.memory_space<vmem>>, vector<16xf32>,
      %add3A_887 = arith.addf %add3A_867, %get3A_886 : vector<16xf32>
      %get3A_888 = arith.constant 40 : i32
      %get3A_889 = arith.index_cast %get3A_888 : i32 to index
      %get3A_890 = arith.constant 16 : index
      %get3A_891 = tpu.vector_load %arg9[%get3A_889, %get3A_890] {strides = array<i32>} : memref<50x32xf32, #tpu.memory_space<vmem>>, vector<16xf32>,
      %add3A_892 = arith.addf %add3A_872, %get3A_891 : vector<16xf32>
      %get3A_893 = arith.constant 40 : i32
      %get3A_894 = arith.index_cast %get3A_893 : i32 to index
      %get3A_895 = arith.constant 0 : index
      %get3A_896 = tpu.vector_load %arg13[%get3A_894, %get3A_895] {strides = array<i32>} : memref<50x32xf32, #tpu.memory_space<vmem>>, vector<16xf32>,
      %add3A_897 = arith.addf %add3A_877, %get3A_896 : vector<16xf32>
      %get3A_898 = arith.constant 40 : i32
      %get3A_899 = arith.index_cast %get3A_898 : i32 to index
      %get3A_900 = arith.constant 16 : index
      %get3A_901 = tpu.vector_load %arg13[%get3A_899, %get3A_900] {strides = array<i32>} : memref<50x32xf32, #tpu.memory_space<vmem>>, vector<16xf32>,
      %add3A_902 = arith.addf %add3A_882, %get3A_901 : vector<16xf32>
      %get3A_903 = arith.constant 41 : i32
      %get3A_904 = arith.index_cast %get3A_903 : i32 to index
      %get3A_905 = arith.constant 0 : index
      %get3A_906 = tpu.vector_load %arg9[%get3A_904, %get3A_905] {strides = array<i32>} : memref<50x32xf32, #tpu.memory_space<vmem>>, vector<16xf32>,
      %add3A_907 = arith.addf %add3A_887, %get3A_906 : vector<16xf32>
      %get3A_908 = arith.constant 41 : i32
      %get3A_909 = arith.index_cast %get3A_908 : i32 to index
      %get3A_910 = arith.constant 16 : index
      %get3A_911 = tpu.vector_load %arg9[%get3A_909, %get3A_910] {strides = array<i32>} : memref<50x32xf32, #tpu.memory_space<vmem>>, vector<16xf32>,
      %add3A_912 = arith.addf %add3A_892, %get3A_911 : vector<16xf32>
      %get3A_913 = arith.constant 41 : i32
      %get3A_914 = arith.index_cast %get3A_913 : i32 to index
      %get3A_915 = arith.constant 0 : index
      %get3A_916 = tpu.vector_load %arg13[%get3A_914, %get3A_915] {strides = array<i32>} : memref<50x32xf32, #tpu.memory_space<vmem>>, vector<16xf32>,
      %add3A_917 = arith.addf %add3A_897, %get3A_916 : vector<16xf32>
      %get3A_918 = arith.constant 41 : i32
      %get3A_919 = arith.index_cast %get3A_918 : i32 to index
      %get3A_920 = arith.constant 16 : index
      %get3A_921 = tpu.vector_load %arg13[%get3A_919, %get3A_920] {strides = array<i32>} : memref<50x32xf32, #tpu.memory_space<vmem>>, vector<16xf32>,
      %add3A_922 = arith.addf %add3A_902, %get3A_921 : vector<16xf32>
      %get3A_923 = arith.constant 42 : i32
      %get3A_924 = arith.index_cast %get3A_923 : i32 to index
      %get3A_925 = arith.constant 0 : index
      %get3A_926 = tpu.vector_load %arg9[%get3A_924, %get3A_925] {strides = array<i32>} : memref<50x32xf32, #tpu.memory_space<vmem>>, vector<16xf32>,
      %add3A_927 = arith.addf %add3A_907, %get3A_926 : vector<16xf32>
      %get3A_928 = arith.constant 42 : i32
      %get3A_929 = arith.index_cast %get3A_928 : i32 to index
      %get3A_930 = arith.constant 16 : index
      %get3A_931 = tpu.vector_load %arg9[%get3A_929, %get3A_930] {strides = array<i32>} : memref<50x32xf32, #tpu.memory_space<vmem>>, vector<16xf32>,
      %add3A_932 = arith.addf %add3A_912, %get3A_931 : vector<16xf32>
      %get3A_933 = arith.constant 42 : i32
      %get3A_934 = arith.index_cast %get3A_933 : i32 to index
      %get3A_935 = arith.constant 0 : index
      %get3A_936 = tpu.vector_load %arg13[%get3A_934, %get3A_935] {strides = array<i32>} : memref<50x32xf32, #tpu.memory_space<vmem>>, vector<16xf32>,
      %add3A_937 = arith.addf %add3A_917, %get3A_936 : vector<16xf32>
      %get3A_938 = arith.constant 42 : i32
      %get3A_939 = arith.index_cast %get3A_938 : i32 to index
      %get3A_940 = arith.constant 16 : index
      %get3A_941 = tpu.vector_load %arg13[%get3A_939, %get3A_940] {strides = array<i32>} : memref<50x32xf32, #tpu.memory_space<vmem>>, vector<16xf32>,
      %add3A_942 = arith.addf %add3A_922, %get3A_941 : vector<16xf32>
      %get3A_943 = arith.constant 43 : i32
      %get3A_944 = arith.index_cast %get3A_943 : i32 to index
      %get3A_945 = arith.constant 0 : index
      %get3A_946 = tpu.vector_load %arg9[%get3A_944, %get3A_945] {strides = array<i32>} : memref<50x32xf32, #tpu.memory_space<vmem>>, vector<16xf32>,
      %add3A_947 = arith.addf %add3A_927, %get3A_946 : vector<16xf32>
      %get3A_948 = arith.constant 43 : i32
      %get3A_949 = arith.index_cast %get3A_948 : i32 to index
      %get3A_950 = arith.constant 16 : index
      %get3A_951 = tpu.vector_load %arg9[%get3A_949, %get3A_950] {strides = array<i32>} : memref<50x32xf32, #tpu.memory_space<vmem>>, vector<16xf32>,
      %add3A_952 = arith.addf %add3A_932, %get3A_951 : vector<16xf32>
      %get3A_953 = arith.constant 43 : i32
      %get3A_954 = arith.index_cast %get3A_953 : i32 to index
      %get3A_955 = arith.constant 0 : index
      %get3A_956 = tpu.vector_load %arg13[%get3A_954, %get3A_955] {strides = array<i32>} : memref<50x32xf32, #tpu.memory_space<vmem>>, vector<16xf32>,
      %add3A_957 = arith.addf %add3A_937, %get3A_956 : vector<16xf32>
      %get3A_958 = arith.constant 43 : i32
      %get3A_959 = arith.index_cast %get3A_958 : i32 to index
      %get3A_960 = arith.constant 16 : index
      %get3A_961 = tpu.vector_load %arg13[%get3A_959, %get3A_960] {strides = array<i32>} : memref<50x32xf32, #tpu.memory_space<vmem>>, vector<16xf32>,
      %add3A_962 = arith.addf %add3A_942, %get3A_961 : vector<16xf32>
      %get3A_963 = arith.constant 44 : i32
      %get3A_964 = arith.index_cast %get3A_963 : i32 to index
      %get3A_965 = arith.constant 0 : index
      %get3A_966 = tpu.vector_load %arg9[%get3A_964, %get3A_965] {strides = array<i32>} : memref<50x32xf32, #tpu.memory_space<vmem>>, vector<16xf32>,
      %add3A_967 = arith.addf %add3A_947, %get3A_966 : vector<16xf32>
      %get3A_968 = arith.constant 44 : i32
      %get3A_969 = arith.index_cast %get3A_968 : i32 to index
      %get3A_970 = arith.constant 16 : index
      %get3A_971 = tpu.vector_load %arg9[%get3A_969, %get3A_970] {strides = array<i32>} : memref<50x32xf32, #tpu.memory_space<vmem>>, vector<16xf32>,
      %add3A_972 = arith.addf %add3A_952, %get3A_971 : vector<16xf32>
      %get3A_973 = arith.constant 44 : i32
      %get3A_974 = arith.index_cast %get3A_973 : i32 to index
      %get3A_975 = arith.constant 0 : index
      %get3A_976 = tpu.vector_load %arg13[%get3A_974, %get3A_975] {strides = array<i32>} : memref<50x32xf32, #tpu.memory_space<vmem>>, vector<16xf32>,
      %add3A_977 = arith.addf %add3A_957, %get3A_976 : vector<16xf32>
      %get3A_978 = arith.constant 44 : i32
      %get3A_979 = arith.index_cast %get3A_978 : i32 to index
      %get3A_980 = arith.constant 16 : index
      %get3A_981 = tpu.vector_load %arg13[%get3A_979, %get3A_980] {strides = array<i32>} : memref<50x32xf32, #tpu.memory_space<vmem>>, vector<16xf32>,
      %add3A_982 = arith.addf %add3A_962, %get3A_981 : vector<16xf32>
      %get3A_983 = arith.constant 45 : i32
      %get3A_984 = arith.index_cast %get3A_983 : i32 to index
      %get3A_985 = arith.constant 0 : index
      %get3A_986 = tpu.vector_load %arg9[%get3A_984, %get3A_985] {strides = array<i32>} : memref<50x32xf32, #tpu.memory_space<vmem>>, vector<16xf32>,
      %add3A_987 = arith.addf %add3A_967, %get3A_986 : vector<16xf32>
      %get3A_988 = arith.constant 45 : i32
      %get3A_989 = arith.index_cast %get3A_988 : i32 to index
      %get3A_990 = arith.constant 16 : index
      %get3A_991 = tpu.vector_load %arg9[%get3A_989, %get3A_990] {strides = array<i32>} : memref<50x32xf32, #tpu.memory_space<vmem>>, vector<16xf32>,
      %add3A_992 = arith.addf %add3A_972, %get3A_991 : vector<16xf32>
      %get3A_993 = arith.constant 45 : i32
      %get3A_994 = arith.index_cast %get3A_993 : i32 to index
      %get3A_995 = arith.constant 0 : index
      %get3A_996 = tpu.vector_load %arg13[%get3A_994, %get3A_995] {strides = array<i32>} : memref<50x32xf32, #tpu.memory_space<vmem>>, vector<16xf32>,
      %add3A_997 = arith.addf %add3A_977, %get3A_996 : vector<16xf32>
      %get3A_998 = arith.constant 45 : i32
      %get3A_999 = arith.index_cast %get3A_998 : i32 to index
      %get3A_1000 = arith.constant 16 : index
      %get3A_1001 = tpu.vector_load %arg13[%get3A_999, %get3A_1000] {strides = array<i32>} : memref<50x32xf32, #tpu.memory_space<vmem>>, vector<16xf32>,
      %add3A_1002 = arith.addf %add3A_982, %get3A_1001 : vector<16xf32>
      %get3A_1003 = arith.constant 46 : i32
      %get3A_1004 = arith.index_cast %get3A_1003 : i32 to index
      %get3A_1005 = arith.constant 0 : index
      %get3A_1006 = tpu.vector_load %arg9[%get3A_1004, %get3A_1005] {strides = array<i32>} : memref<50x32xf32, #tpu.memory_space<vmem>>, vector<16xf32>,
      %add3A_1007 = arith.addf %add3A_987, %get3A_1006 : vector<16xf32>
      %get3A_1008 = arith.constant 46 : i32
      %get3A_1009 = arith.index_cast %get3A_1008 : i32 to index
      %get3A_1010 = arith.constant 16 : index
      %get3A_1011 = tpu.vector_load %arg9[%get3A_1009, %get3A_1010] {strides = array<i32>} : memref<50x32xf32, #tpu.memory_space<vmem>>, vector<16xf32>,
      %add3A_1012 = arith.addf %add3A_992, %get3A_1011 : vector<16xf32>
      %get3A_1013 = arith.constant 46 : i32
      %get3A_1014 = arith.index_cast %get3A_1013 : i32 to index
      %get3A_1015 = arith.constant 0 : index
      %get3A_1016 = tpu.vector_load %arg13[%get3A_1014, %get3A_1015] {strides = array<i32>} : memref<50x32xf32, #tpu.memory_space<vmem>>, vector<16xf32>,
      %add3A_1017 = arith.addf %add3A_997, %get3A_1016 : vector<16xf32>
      %get3A_1018 = arith.constant 46 : i32
      %get3A_1019 = arith.index_cast %get3A_1018 : i32 to index
      %get3A_1020 = arith.constant 16 : index
      %get3A_1021 = tpu.vector_load %arg13[%get3A_1019, %get3A_1020] {strides = array<i32>} : memref<50x32xf32, #tpu.memory_space<vmem>>, vector<16xf32>,
      %add3A_1022 = arith.addf %add3A_1002, %get3A_1021 : vector<16xf32>
      %get3A_1023 = arith.constant 47 : i32
      %get3A_1024 = arith.index_cast %get3A_1023 : i32 to index
      %get3A_1025 = arith.constant 0 : index
      %get3A_1026 = tpu.vector_load %arg9[%get3A_1024, %get3A_1025] {strides = array<i32>} : memref<50x32xf32, #tpu.memory_space<vmem>>, vector<16xf32>,
      %add3A_1027 = arith.addf %add3A_1007, %get3A_1026 : vector<16xf32>
      %get3A_1028 = arith.constant 47 : i32
      %get3A_1029 = arith.index_cast %get3A_1028 : i32 to index
      %get3A_1030 = arith.constant 16 : index
      %get3A_1031 = tpu.vector_load %arg9[%get3A_1029, %get3A_1030] {strides = array<i32>} : memref<50x32xf32, #tpu.memory_space<vmem>>, vector<16xf32>,
      %add3A_1032 = arith.addf %add3A_1012, %get3A_1031 : vector<16xf32>
      %get3A_1033 = arith.constant 47 : i32
      %get3A_1034 = arith.index_cast %get3A_1033 : i32 to index
      %get3A_1035 = arith.constant 0 : index
      %get3A_1036 = tpu.vector_load %arg13[%get3A_1034, %get3A_1035] {strides = array<i32>} : memref<50x32xf32, #tpu.memory_space<vmem>>, vector<16xf32>,
      %add3A_1037 = arith.addf %add3A_1017, %get3A_1036 : vector<16xf32>
      %get3A_1038 = arith.constant 47 : i32
      %get3A_1039 = arith.index_cast %get3A_1038 : i32 to index
      %get3A_1040 = arith.constant 16 : index
      %get3A_1041 = tpu.vector_load %arg13[%get3A_1039, %get3A_1040] {strides = array<i32>} : memref<50x32xf32, #tpu.memory_space<vmem>>, vector<16xf32>,
      %add3A_1042 = arith.addf %add3A_1022, %get3A_1041 : vector<16xf32>
      %get3A_1043 = arith.constant 48 : i32
      %get3A_1044 = arith.index_cast %get3A_1043 : i32 to index
      %get3A_1045 = arith.constant 0 : index
      %get3A_1046 = tpu.vector_load %arg9[%get3A_1044, %get3A_1045] {strides = array<i32>} : memref<50x32xf32, #tpu.memory_space<vmem>>, vector<16xf32>,
      %add3A_1047 = arith.addf %add3A_1027, %get3A_1046 : vector<16xf32>
      %get3A_1048 = arith.constant 48 : i32
      %get3A_1049 = arith.index_cast %get3A_1048 : i32 to index
      %get3A_1050 = arith.constant 16 : index
      %get3A_1051 = tpu.vector_load %arg9[%get3A_1049, %get3A_1050] {strides = array<i32>} : memref<50x32xf32, #tpu.memory_space<vmem>>, vector<16xf32>,
      %add3A_1052 = arith.addf %add3A_1032, %get3A_1051 : vector<16xf32>
      %get3A_1053 = arith.constant 48 : i32
      %get3A_1054 = arith.index_cast %get3A_1053 : i32 to index
      %get3A_1055 = arith.constant 0 : index
      %get3A_1056 = tpu.vector_load %arg13[%get3A_1054, %get3A_1055] {strides = array<i32>} : memref<50x32xf32, #tpu.memory_space<vmem>>, vector<16xf32>,
      %add3A_1057 = arith.addf %add3A_1037, %get3A_1056 : vector<16xf32>
      %get3A_1058 = arith.constant 48 : i32
      %get3A_1059 = arith.index_cast %get3A_1058 : i32 to index
      %get3A_1060 = arith.constant 16 : index
      %get3A_1061 = tpu.vector_load %arg13[%get3A_1059, %get3A_1060] {strides = array<i32>} : memref<50x32xf32, #tpu.memory_space<vmem>>, vector<16xf32>,
      %add3A_1062 = arith.addf %add3A_1042, %get3A_1061 : vector<16xf32>
      %get3A_1063 = arith.constant 49 : i32
      %get3A_1064 = arith.index_cast %get3A_1063 : i32 to index
      %get3A_1065 = arith.constant 0 : index
      %get3A_1066 = tpu.vector_load %arg9[%get3A_1064, %get3A_1065] {strides = array<i32>} : memref<50x32xf32, #tpu.memory_space<vmem>>, vector<16xf32>,
      %add3A_1067 = arith.addf %add3A_1047, %get3A_1066 : vector<16xf32>
      %get3A_1068 = arith.constant 49 : i32
      %get3A_1069 = arith.index_cast %get3A_1068 : i32 to index
      %get3A_1070 = arith.constant 16 : index
      %get3A_1071 = tpu.vector_load %arg9[%get3A_1069, %get3A_1070] {strides = array<i32>} : memref<50x32xf32, #tpu.memory_space<vmem>>, vector<16xf32>,
      %add3A_1072 = arith.addf %add3A_1052, %get3A_1071 : vector<16xf32>
      %get3A_1073 = arith.constant 49 : i32
      %get3A_1074 = arith.index_cast %get3A_1073 : i32 to index
      %get3A_1075 = arith.constant 0 : index
      %get3A_1076 = tpu.vector_load %arg13[%get3A_1074, %get3A_1075] {strides = array<i32>} : memref<50x32xf32, #tpu.memory_space<vmem>>, vector<16xf32>,
      %add3A_1077 = arith.addf %add3A_1057, %get3A_1076 : vector<16xf32>
      %get3A_1078 = arith.constant 49 : i32
      %get3A_1079 = arith.index_cast %get3A_1078 : i32 to index
      %get3A_1080 = arith.constant 16 : index
      %get3A_1081 = tpu.vector_load %arg13[%get3A_1079, %get3A_1080] {strides = array<i32>} : memref<50x32xf32, #tpu.memory_space<vmem>>, vector<16xf32>,
      %add3A_1082 = arith.addf %add3A_1062, %get3A_1081 : vector<16xf32>
      %mul3A_1083 = arith.mulf %add3A_1067, %add3A_1077 : vector<16xf32>
      %mul3A_1084 = arith.mulf %add3A_1072, %add3A_1082 : vector<16xf32>
      %add3A_1085 = arith.addf %mul3A_1083, %mul3A_1084 : vector<16xf32>
      %broadcast_in_dim3A_1086 = arith.constant true
      %broadcast_in_dim3A_1087 = vector.broadcast %broadcast_in_dim3A_1086 : i1 to vector<16xi1>
      %masked_cumsum3A = tpu.scan <sum>, %add3A_1085 masked %broadcast_in_dim3A_1087 : vector<16xf32>, vector<16xi1> -> vector<16xf32>
      %mul3A_1088 = arith.constant 4.000000e-04 : f32
      %mul3A_1089 = vector.broadcast %mul3A_1088 : f32 to vector<16xf32>
      %mul3A_1090 = arith.mulf %masked_cumsum3A, %mul3A_1089 : vector<16xf32>
      %broadcast_in_dim3A_1091 = vector.broadcast %add3A_76 : i32 to vector<16xi32>
      tpu.vector_store_idx %arg8[%broadcast_in_dim3A_1091], %mul3A_1090 masked %eq3A_4 : memref<128xf32, #tpu.memory_space<vmem>>[vector<16xi32>], vector<16xf32>, vector<16xi1>
      %dma_wait3A_1092 = arith.constant 0 : i32
      %dma_wait3A_1093 = arith.constant 0 : i32
      %dma_wait3A_1094 = tpu.memref_slice %arg6[%dma_wait3A_1092, %dma_wait3A_1093] : memref<128x50xi32, #tpu.memory_space<vmem>> -> memref<1x50xi32, #tpu.memory_space<vmem>>
      %dma_wait3A_1095 = tpu.memref_squeeze %dma_wait3A_1094 : memref<1x50xi32, #tpu.memory_space<vmem>> -> memref<50xi32, #tpu.memory_space<vmem>>
      %dma_wait3A_1096 = arith.constant 0 : i32
      %dma_wait3A_1097 = arith.constant 0 : i32
      %dma_wait3A_1098 = tpu.memref_slice %arg4[%dma_wait3A_1096, %dma_wait3A_1097] : memref<100000x32xf32, #tpu.memory_space<hbm>> -> memref<100000x32xf32, #tpu.memory_space<hbm>>
      tpu.wait_indirect_dma semaphore(%arg18 : memref<!tpu.dma_semaphore, #tpu.memory_space<semaphore_mem>>) src(%dma_wait3A_1098 : memref<100000x32xf32, #tpu.memory_space<hbm>>) dst(%arg10 : memref<50x32xf32, #tpu.memory_space<vmem>>)
      %dma_wait3A_1099 = arith.constant 0 : i32
      %dma_wait3A_1100 = arith.constant 0 : i32
      %dma_wait3A_1101 = tpu.memref_slice %arg7[%dma_wait3A_1099, %dma_wait3A_1100] : memref<128x50xi32, #tpu.memory_space<vmem>> -> memref<1x50xi32, #tpu.memory_space<vmem>>
      %dma_wait3A_1102 = tpu.memref_squeeze %dma_wait3A_1101 : memref<1x50xi32, #tpu.memory_space<vmem>> -> memref<50xi32, #tpu.memory_space<vmem>>
      %dma_wait3A_1103 = arith.constant 0 : i32
      %dma_wait3A_1104 = arith.constant 0 : i32
      %dma_wait3A_1105 = tpu.memref_slice %arg4[%dma_wait3A_1103, %dma_wait3A_1104] : memref<100000x32xf32, #tpu.memory_space<hbm>> -> memref<100000x32xf32, #tpu.memory_space<hbm>>
      tpu.wait_indirect_dma semaphore(%arg22 : memref<!tpu.dma_semaphore, #tpu.memory_space<semaphore_mem>>) src(%dma_wait3A_1105 : memref<100000x32xf32, #tpu.memory_space<hbm>>) dst(%arg14 : memref<50x32xf32, #tpu.memory_space<vmem>>)
      %add3A_1106 = arith.constant 1 : i32
      %add3A_1107 = arith.addi %add3A_54, %add3A_1106 : i32
      %add3A_1108 = arith.constant 4 : i32
      %add3A_1109 = arith.addi %add3A_1107, %add3A_1108 : i32
      %sub3A_1110 = arith.constant 1 : i32
      %sub3A_1111 = arith.subi %add3A_1109, %sub3A_1110 : i32
      %lt3A_1112 = arith.constant 128 : i32
      %lt3A_1113 = arith.cmpi slt, %sub3A_1111, %lt3A_1112 : i32
      %convert_element_type3A_1114 = arith.extui %lt3A_1113 : i1 to i32
      %cond3A_1115 = arith.constant 0 : i32
      %cond3A_1116 = arith.cmpi ne, %convert_element_type3A_1114, %cond3A_1115 : i32
      scf.if %cond3A_1116 {
        %add3A_4227 = arith.constant 1 : i32
        %add3A_4228 = arith.addi %add3A_54, %add3A_4227 : i32
        %add3A_4229 = arith.constant 4 : i32
        %add3A_4230 = arith.addi %add3A_4228, %add3A_4229 : i32
        %sub3A_4231 = arith.constant 1 : i32
        %sub3A_4232 = arith.subi %add3A_4230, %sub3A_4231 : i32
        %dma_start3A_4233 = arith.constant 0 : i32
        %dma_start3A_4234 = tpu.memref_slice %arg6[%sub3A_4232, %dma_start3A_4233] : memref<128x50xi32, #tpu.memory_space<vmem>> -> memref<1x50xi32, #tpu.memory_space<vmem>>
        %dma_start3A_4235 = tpu.memref_squeeze %dma_start3A_4234 : memref<1x50xi32, #tpu.memory_space<vmem>> -> memref<50xi32, #tpu.memory_space<vmem>>
        %dma_start3A_4236 = arith.constant 0 : i32
        %dma_start3A_4237 = arith.constant 0 : i32
        %dma_start3A_4238 = tpu.memref_slice %arg4[%dma_start3A_4236, %dma_start3A_4237] : memref<100000x32xf32, #tpu.memory_space<hbm>> -> memref<100000x32xf32, #tpu.memory_space<hbm>>
        tpu.enqueue_indirect_dma source(%dma_start3A_4238 : memref<100000x32xf32, #tpu.memory_space<hbm>>) target(%arg9 : memref<50x32xf32, #tpu.memory_space<vmem>>) offsets(%dma_start3A_4235 : memref<50xi32, #tpu.memory_space<vmem>>) semaphore(%arg17 : memref<!tpu.dma_semaphore, #tpu.memory_space<semaphore_mem>>)
        %dma_start3A_4239 = arith.constant 0 : i32
        %dma_start3A_4240 = tpu.memref_slice %arg7[%sub3A_4232, %dma_start3A_4239] : memref<128x50xi32, #tpu.memory_space<vmem>> -> memref<1x50xi32, #tpu.memory_space<vmem>>
        %dma_start3A_4241 = tpu.memref_squeeze %dma_start3A_4240 : memref<1x50xi32, #tpu.memory_space<vmem>> -> memref<50xi32, #tpu.memory_space<vmem>>
        %dma_start3A_4242 = arith.constant 0 : i32
        %dma_start3A_4243 = arith.constant 0 : i32
        %dma_start3A_4244 = tpu.memref_slice %arg4[%dma_start3A_4242, %dma_start3A_4243] : memref<100000x32xf32, #tpu.memory_space<hbm>> -> memref<100000x32xf32, #tpu.memory_space<hbm>>
        tpu.enqueue_indirect_dma source(%dma_start3A_4244 : memref<100000x32xf32, #tpu.memory_space<hbm>>) target(%arg13 : memref<50x32xf32, #tpu.memory_space<vmem>>) offsets(%dma_start3A_4241 : memref<50xi32, #tpu.memory_space<vmem>>) semaphore(%arg21 : memref<!tpu.dma_semaphore, #tpu.memory_space<semaphore_mem>>)
      } else {
      }
      %add3A_1117 = arith.constant 1 : i32
      %add3A_1118 = arith.addi %add3A_54, %add3A_1117 : i32
      %broadcast_in_dim3A_1119 = arith.constant 0.000000e+00 : f32
      %broadcast_in_dim3A_1120 = vector.broadcast %broadcast_in_dim3A_1119 : f32 to vector<16xf32>
      %broadcast_in_dim3A_1121 = arith.constant 0.000000e+00 : f32
      %broadcast_in_dim3A_1122 = vector.broadcast %broadcast_in_dim3A_1121 : f32 to vector<16xf32>
      %broadcast_in_dim3A_1123 = arith.constant 0.000000e+00 : f32
      %broadcast_in_dim3A_1124 = vector.broadcast %broadcast_in_dim3A_1123 : f32 to vector<16xf32>
      %broadcast_in_dim3A_1125 = arith.constant 0.000000e+00 : f32
      %broadcast_in_dim3A_1126 = vector.broadcast %broadcast_in_dim3A_1125 : f32 to vector<16xf32>
      %get3A_1127 = arith.constant 0 : i32
      %get3A_1128 = arith.index_cast %get3A_1127 : i32 to index
      %get3A_1129 = arith.constant 0 : index
      %get3A_1130 = tpu.vector_load %arg10[%get3A_1128, %get3A_1129] {strides = array<i32>} : memref<50x32xf32, #tpu.memory_space<vmem>>, vector<16xf32>,
      %add3A_1131 = arith.addf %broadcast_in_dim3A_1120, %get3A_1130 : vector<16xf32>
      %get3A_1132 = arith.constant 0 : i32
      %get3A_1133 = arith.index_cast %get3A_1132 : i32 to index
      %get3A_1134 = arith.constant 16 : index
      %get3A_1135 = tpu.vector_load %arg10[%get3A_1133, %get3A_1134] {strides = array<i32>} : memref<50x32xf32, #tpu.memory_space<vmem>>, vector<16xf32>,
      %add3A_1136 = arith.addf %broadcast_in_dim3A_1122, %get3A_1135 : vector<16xf32>
      %get3A_1137 = arith.constant 0 : i32
      %get3A_1138 = arith.index_cast %get3A_1137 : i32 to index
      %get3A_1139 = arith.constant 0 : index
      %get3A_1140 = tpu.vector_load %arg14[%get3A_1138, %get3A_1139] {strides = array<i32>} : memref<50x32xf32, #tpu.memory_space<vmem>>, vector<16xf32>,
      %add3A_1141 = arith.addf %broadcast_in_dim3A_1124, %get3A_1140 : vector<16xf32>
      %get3A_1142 = arith.constant 0 : i32
      %get3A_1143 = arith.index_cast %get3A_1142 : i32 to index
      %get3A_1144 = arith.constant 16 : index
      %get3A_1145 = tpu.vector_load %arg14[%get3A_1143, %get3A_1144] {strides = array<i32>} : memref<50x32xf32, #tpu.memory_space<vmem>>, vector<16xf32>,
      %add3A_1146 = arith.addf %broadcast_in_dim3A_1126, %get3A_1145 : vector<16xf32>
      %get3A_1147 = arith.constant 1 : i32
      %get3A_1148 = arith.index_cast %get3A_1147 : i32 to index
      %get3A_1149 = arith.constant 0 : index
      %get3A_1150 = tpu.vector_load %arg10[%get3A_1148, %get3A_1149] {strides = array<i32>} : memref<50x32xf32, #tpu.memory_space<vmem>>, vector<16xf32>,
      %add3A_1151 = arith.addf %add3A_1131, %get3A_1150 : vector<16xf32>
      %get3A_1152 = arith.constant 1 : i32
      %get3A_1153 = arith.index_cast %get3A_1152 : i32 to index
      %get3A_1154 = arith.constant 16 : index
      %get3A_1155 = tpu.vector_load %arg10[%get3A_1153, %get3A_1154] {strides = array<i32>} : memref<50x32xf32, #tpu.memory_space<vmem>>, vector<16xf32>,
      %add3A_1156 = arith.addf %add3A_1136, %get3A_1155 : vector<16xf32>
      %get3A_1157 = arith.constant 1 : i32
      %get3A_1158 = arith.index_cast %get3A_1157 : i32 to index
      %get3A_1159 = arith.constant 0 : index
      %get3A_1160 = tpu.vector_load %arg14[%get3A_1158, %get3A_1159] {strides = array<i32>} : memref<50x32xf32, #tpu.memory_space<vmem>>, vector<16xf32>,
      %add3A_1161 = arith.addf %add3A_1141, %get3A_1160 : vector<16xf32>
      %get3A_1162 = arith.constant 1 : i32
      %get3A_1163 = arith.index_cast %get3A_1162 : i32 to index
      %get3A_1164 = arith.constant 16 : index
      %get3A_1165 = tpu.vector_load %arg14[%get3A_1163, %get3A_1164] {strides = array<i32>} : memref<50x32xf32, #tpu.memory_space<vmem>>, vector<16xf32>,
      %add3A_1166 = arith.addf %add3A_1146, %get3A_1165 : vector<16xf32>
      %get3A_1167 = arith.constant 2 : i32
      %get3A_1168 = arith.index_cast %get3A_1167 : i32 to index
      %get3A_1169 = arith.constant 0 : index
      %get3A_1170 = tpu.vector_load %arg10[%get3A_1168, %get3A_1169] {strides = array<i32>} : memref<50x32xf32, #tpu.memory_space<vmem>>, vector<16xf32>,
      %add3A_1171 = arith.addf %add3A_1151, %get3A_1170 : vector<16xf32>
      %get3A_1172 = arith.constant 2 : i32
      %get3A_1173 = arith.index_cast %get3A_1172 : i32 to index
      %get3A_1174 = arith.constant 16 : index
      %get3A_1175 = tpu.vector_load %arg10[%get3A_1173, %get3A_1174] {strides = array<i32>} : memref<50x32xf32, #tpu.memory_space<vmem>>, vector<16xf32>,
      %add3A_1176 = arith.addf %add3A_1156, %get3A_1175 : vector<16xf32>
      %get3A_1177 = arith.constant 2 : i32
      %get3A_1178 = arith.index_cast %get3A_1177 : i32 to index
      %get3A_1179 = arith.constant 0 : index
      %get3A_1180 = tpu.vector_load %arg14[%get3A_1178, %get3A_1179] {strides = array<i32>} : memref<50x32xf32, #tpu.memory_space<vmem>>, vector<16xf32>,
      %add3A_1181 = arith.addf %add3A_1161, %get3A_1180 : vector<16xf32>
      %get3A_1182 = arith.constant 2 : i32
      %get3A_1183 = arith.index_cast %get3A_1182 : i32 to index
      %get3A_1184 = arith.constant 16 : index
      %get3A_1185 = tpu.vector_load %arg14[%get3A_1183, %get3A_1184] {strides = array<i32>} : memref<50x32xf32, #tpu.memory_space<vmem>>, vector<16xf32>,
      %add3A_1186 = arith.addf %add3A_1166, %get3A_1185 : vector<16xf32>
      %get3A_1187 = arith.constant 3 : i32
      %get3A_1188 = arith.index_cast %get3A_1187 : i32 to index
      %get3A_1189 = arith.constant 0 : index
      %get3A_1190 = tpu.vector_load %arg10[%get3A_1188, %get3A_1189] {strides = array<i32>} : memref<50x32xf32, #tpu.memory_space<vmem>>, vector<16xf32>,
      %add3A_1191 = arith.addf %add3A_1171, %get3A_1190 : vector<16xf32>
      %get3A_1192 = arith.constant 3 : i32
      %get3A_1193 = arith.index_cast %get3A_1192 : i32 to index
      %get3A_1194 = arith.constant 16 : index
      %get3A_1195 = tpu.vector_load %arg10[%get3A_1193, %get3A_1194] {strides = array<i32>} : memref<50x32xf32, #tpu.memory_space<vmem>>, vector<16xf32>,
      %add3A_1196 = arith.addf %add3A_1176, %get3A_1195 : vector<16xf32>
      %get3A_1197 = arith.constant 3 : i32
      %get3A_1198 = arith.index_cast %get3A_1197 : i32 to index
      %get3A_1199 = arith.constant 0 : index
      %get3A_1200 = tpu.vector_load %arg14[%get3A_1198, %get3A_1199] {strides = array<i32>} : memref<50x32xf32, #tpu.memory_space<vmem>>, vector<16xf32>,
      %add3A_1201 = arith.addf %add3A_1181, %get3A_1200 : vector<16xf32>
      %get3A_1202 = arith.constant 3 : i32
      %get3A_1203 = arith.index_cast %get3A_1202 : i32 to index
      %get3A_1204 = arith.constant 16 : index
      %get3A_1205 = tpu.vector_load %arg14[%get3A_1203, %get3A_1204] {strides = array<i32>} : memref<50x32xf32, #tpu.memory_space<vmem>>, vector<16xf32>,
      %add3A_1206 = arith.addf %add3A_1186, %get3A_1205 : vector<16xf32>
      %get3A_1207 = arith.constant 4 : i32
      %get3A_1208 = arith.index_cast %get3A_1207 : i32 to index
      %get3A_1209 = arith.constant 0 : index
      %get3A_1210 = tpu.vector_load %arg10[%get3A_1208, %get3A_1209] {strides = array<i32>} : memref<50x32xf32, #tpu.memory_space<vmem>>, vector<16xf32>,
      %add3A_1211 = arith.addf %add3A_1191, %get3A_1210 : vector<16xf32>
      %get3A_1212 = arith.constant 4 : i32
      %get3A_1213 = arith.index_cast %get3A_1212 : i32 to index
      %get3A_1214 = arith.constant 16 : index
      %get3A_1215 = tpu.vector_load %arg10[%get3A_1213, %get3A_1214] {strides = array<i32>} : memref<50x32xf32, #tpu.memory_space<vmem>>, vector<16xf32>,
      %add3A_1216 = arith.addf %add3A_1196, %get3A_1215 : vector<16xf32>
      %get3A_1217 = arith.constant 4 : i32
      %get3A_1218 = arith.index_cast %get3A_1217 : i32 to index
      %get3A_1219 = arith.constant 0 : index
      %get3A_1220 = tpu.vector_load %arg14[%get3A_1218, %get3A_1219] {strides = array<i32>} : memref<50x32xf32, #tpu.memory_space<vmem>>, vector<16xf32>,
      %add3A_1221 = arith.addf %add3A_1201, %get3A_1220 : vector<16xf32>
      %get3A_1222 = arith.constant 4 : i32
      %get3A_1223 = arith.index_cast %get3A_1222 : i32 to index
      %get3A_1224 = arith.constant 16 : index
      %get3A_1225 = tpu.vector_load %arg14[%get3A_1223, %get3A_1224] {strides = array<i32>} : memref<50x32xf32, #tpu.memory_space<vmem>>, vector<16xf32>,
      %add3A_1226 = arith.addf %add3A_1206, %get3A_1225 : vector<16xf32>
      %get3A_1227 = arith.constant 5 : i32
      %get3A_1228 = arith.index_cast %get3A_1227 : i32 to index
      %get3A_1229 = arith.constant 0 : index
      %get3A_1230 = tpu.vector_load %arg10[%get3A_1228, %get3A_1229] {strides = array<i32>} : memref<50x32xf32, #tpu.memory_space<vmem>>, vector<16xf32>,
      %add3A_1231 = arith.addf %add3A_1211, %get3A_1230 : vector<16xf32>
      %get3A_1232 = arith.constant 5 : i32
      %get3A_1233 = arith.index_cast %get3A_1232 : i32 to index
      %get3A_1234 = arith.constant 16 : index
      %get3A_1235 = tpu.vector_load %arg10[%get3A_1233, %get3A_1234] {strides = array<i32>} : memref<50x32xf32, #tpu.memory_space<vmem>>, vector<16xf32>,
      %add3A_1236 = arith.addf %add3A_1216, %get3A_1235 : vector<16xf32>
      %get3A_1237 = arith.constant 5 : i32
      %get3A_1238 = arith.index_cast %get3A_1237 : i32 to index
      %get3A_1239 = arith.constant 0 : index
      %get3A_1240 = tpu.vector_load %arg14[%get3A_1238, %get3A_1239] {strides = array<i32>} : memref<50x32xf32, #tpu.memory_space<vmem>>, vector<16xf32>,
      %add3A_1241 = arith.addf %add3A_1221, %get3A_1240 : vector<16xf32>
      %get3A_1242 = arith.constant 5 : i32
      %get3A_1243 = arith.index_cast %get3A_1242 : i32 to index
      %get3A_1244 = arith.constant 16 : index
      %get3A_1245 = tpu.vector_load %arg14[%get3A_1243, %get3A_1244] {strides = array<i32>} : memref<50x32xf32, #tpu.memory_space<vmem>>, vector<16xf32>,
      %add3A_1246 = arith.addf %add3A_1226, %get3A_1245 : vector<16xf32>
      %get3A_1247 = arith.constant 6 : i32
      %get3A_1248 = arith.index_cast %get3A_1247 : i32 to index
      %get3A_1249 = arith.constant 0 : index
      %get3A_1250 = tpu.vector_load %arg10[%get3A_1248, %get3A_1249] {strides = array<i32>} : memref<50x32xf32, #tpu.memory_space<vmem>>, vector<16xf32>,
      %add3A_1251 = arith.addf %add3A_1231, %get3A_1250 : vector<16xf32>
      %get3A_1252 = arith.constant 6 : i32
      %get3A_1253 = arith.index_cast %get3A_1252 : i32 to index
      %get3A_1254 = arith.constant 16 : index
      %get3A_1255 = tpu.vector_load %arg10[%get3A_1253, %get3A_1254] {strides = array<i32>} : memref<50x32xf32, #tpu.memory_space<vmem>>, vector<16xf32>,
      %add3A_1256 = arith.addf %add3A_1236, %get3A_1255 : vector<16xf32>
      %get3A_1257 = arith.constant 6 : i32
      %get3A_1258 = arith.index_cast %get3A_1257 : i32 to index
      %get3A_1259 = arith.constant 0 : index
      %get3A_1260 = tpu.vector_load %arg14[%get3A_1258, %get3A_1259] {strides = array<i32>} : memref<50x32xf32, #tpu.memory_space<vmem>>, vector<16xf32>,
      %add3A_1261 = arith.addf %add3A_1241, %get3A_1260 : vector<16xf32>
      %get3A_1262 = arith.constant 6 : i32
      %get3A_1263 = arith.index_cast %get3A_1262 : i32 to index
      %get3A_1264 = arith.constant 16 : index
      %get3A_1265 = tpu.vector_load %arg14[%get3A_1263, %get3A_1264] {strides = array<i32>} : memref<50x32xf32, #tpu.memory_space<vmem>>, vector<16xf32>,
      %add3A_1266 = arith.addf %add3A_1246, %get3A_1265 : vector<16xf32>
      %get3A_1267 = arith.constant 7 : i32
      %get3A_1268 = arith.index_cast %get3A_1267 : i32 to index
      %get3A_1269 = arith.constant 0 : index
      %get3A_1270 = tpu.vector_load %arg10[%get3A_1268, %get3A_1269] {strides = array<i32>} : memref<50x32xf32, #tpu.memory_space<vmem>>, vector<16xf32>,
      %add3A_1271 = arith.addf %add3A_1251, %get3A_1270 : vector<16xf32>
      %get3A_1272 = arith.constant 7 : i32
      %get3A_1273 = arith.index_cast %get3A_1272 : i32 to index
      %get3A_1274 = arith.constant 16 : index
      %get3A_1275 = tpu.vector_load %arg10[%get3A_1273, %get3A_1274] {strides = array<i32>} : memref<50x32xf32, #tpu.memory_space<vmem>>, vector<16xf32>,
      %add3A_1276 = arith.addf %add3A_1256, %get3A_1275 : vector<16xf32>
      %get3A_1277 = arith.constant 7 : i32
      %get3A_1278 = arith.index_cast %get3A_1277 : i32 to index
      %get3A_1279 = arith.constant 0 : index
      %get3A_1280 = tpu.vector_load %arg14[%get3A_1278, %get3A_1279] {strides = array<i32>} : memref<50x32xf32, #tpu.memory_space<vmem>>, vector<16xf32>,
      %add3A_1281 = arith.addf %add3A_1261, %get3A_1280 : vector<16xf32>
      %get3A_1282 = arith.constant 7 : i32
      %get3A_1283 = arith.index_cast %get3A_1282 : i32 to index
      %get3A_1284 = arith.constant 16 : index
      %get3A_1285 = tpu.vector_load %arg14[%get3A_1283, %get3A_1284] {strides = array<i32>} : memref<50x32xf32, #tpu.memory_space<vmem>>, vector<16xf32>,
      %add3A_1286 = arith.addf %add3A_1266, %get3A_1285 : vector<16xf32>
      %get3A_1287 = arith.constant 8 : i32
      %get3A_1288 = arith.index_cast %get3A_1287 : i32 to index
      %get3A_1289 = arith.constant 0 : index
      %get3A_1290 = tpu.vector_load %arg10[%get3A_1288, %get3A_1289] {strides = array<i32>} : memref<50x32xf32, #tpu.memory_space<vmem>>, vector<16xf32>,
      %add3A_1291 = arith.addf %add3A_1271, %get3A_1290 : vector<16xf32>
      %get3A_1292 = arith.constant 8 : i32
      %get3A_1293 = arith.index_cast %get3A_1292 : i32 to index
      %get3A_1294 = arith.constant 16 : index
      %get3A_1295 = tpu.vector_load %arg10[%get3A_1293, %get3A_1294] {strides = array<i32>} : memref<50x32xf32, #tpu.memory_space<vmem>>, vector<16xf32>,
      %add3A_1296 = arith.addf %add3A_1276, %get3A_1295 : vector<16xf32>
      %get3A_1297 = arith.constant 8 : i32
      %get3A_1298 = arith.index_cast %get3A_1297 : i32 to index
      %get3A_1299 = arith.constant 0 : index
      %get3A_1300 = tpu.vector_load %arg14[%get3A_1298, %get3A_1299] {strides = array<i32>} : memref<50x32xf32, #tpu.memory_space<vmem>>, vector<16xf32>,
      %add3A_1301 = arith.addf %add3A_1281, %get3A_1300 : vector<16xf32>
      %get3A_1302 = arith.constant 8 : i32
      %get3A_1303 = arith.index_cast %get3A_1302 : i32 to index
      %get3A_1304 = arith.constant 16 : index
      %get3A_1305 = tpu.vector_load %arg14[%get3A_1303, %get3A_1304] {strides = array<i32>} : memref<50x32xf32, #tpu.memory_space<vmem>>, vector<16xf32>,
      %add3A_1306 = arith.addf %add3A_1286, %get3A_1305 : vector<16xf32>
      %get3A_1307 = arith.constant 9 : i32
      %get3A_1308 = arith.index_cast %get3A_1307 : i32 to index
      %get3A_1309 = arith.constant 0 : index
      %get3A_1310 = tpu.vector_load %arg10[%get3A_1308, %get3A_1309] {strides = array<i32>} : memref<50x32xf32, #tpu.memory_space<vmem>>, vector<16xf32>,
      %add3A_1311 = arith.addf %add3A_1291, %get3A_1310 : vector<16xf32>
      %get3A_1312 = arith.constant 9 : i32
      %get3A_1313 = arith.index_cast %get3A_1312 : i32 to index
      %get3A_1314 = arith.constant 16 : index
      %get3A_1315 = tpu.vector_load %arg10[%get3A_1313, %get3A_1314] {strides = array<i32>} : memref<50x32xf32, #tpu.memory_space<vmem>>, vector<16xf32>,
      %add3A_1316 = arith.addf %add3A_1296, %get3A_1315 : vector<16xf32>
      %get3A_1317 = arith.constant 9 : i32
      %get3A_1318 = arith.index_cast %get3A_1317 : i32 to index
      %get3A_1319 = arith.constant 0 : index
      %get3A_1320 = tpu.vector_load %arg14[%get3A_1318, %get3A_1319] {strides = array<i32>} : memref<50x32xf32, #tpu.memory_space<vmem>>, vector<16xf32>,
      %add3A_1321 = arith.addf %add3A_1301, %get3A_1320 : vector<16xf32>
      %get3A_1322 = arith.constant 9 : i32
      %get3A_1323 = arith.index_cast %get3A_1322 : i32 to index
      %get3A_1324 = arith.constant 16 : index
      %get3A_1325 = tpu.vector_load %arg14[%get3A_1323, %get3A_1324] {strides = array<i32>} : memref<50x32xf32, #tpu.memory_space<vmem>>, vector<16xf32>,
      %add3A_1326 = arith.addf %add3A_1306, %get3A_1325 : vector<16xf32>
      %get3A_1327 = arith.constant 10 : i32
      %get3A_1328 = arith.index_cast %get3A_1327 : i32 to index
      %get3A_1329 = arith.constant 0 : index
      %get3A_1330 = tpu.vector_load %arg10[%get3A_1328, %get3A_1329] {strides = array<i32>} : memref<50x32xf32, #tpu.memory_space<vmem>>, vector<16xf32>,
      %add3A_1331 = arith.addf %add3A_1311, %get3A_1330 : vector<16xf32>
      %get3A_1332 = arith.constant 10 : i32
      %get3A_1333 = arith.index_cast %get3A_1332 : i32 to index
      %get3A_1334 = arith.constant 16 : index
      %get3A_1335 = tpu.vector_load %arg10[%get3A_1333, %get3A_1334] {strides = array<i32>} : memref<50x32xf32, #tpu.memory_space<vmem>>, vector<16xf32>,
      %add3A_1336 = arith.addf %add3A_1316, %get3A_1335 : vector<16xf32>
      %get3A_1337 = arith.constant 10 : i32
      %get3A_1338 = arith.index_cast %get3A_1337 : i32 to index
      %get3A_1339 = arith.constant 0 : index
      %get3A_1340 = tpu.vector_load %arg14[%get3A_1338, %get3A_1339] {strides = array<i32>} : memref<50x32xf32, #tpu.memory_space<vmem>>, vector<16xf32>,
      %add3A_1341 = arith.addf %add3A_1321, %get3A_1340 : vector<16xf32>
      %get3A_1342 = arith.constant 10 : i32
      %get3A_1343 = arith.index_cast %get3A_1342 : i32 to index
      %get3A_1344 = arith.constant 16 : index
      %get3A_1345 = tpu.vector_load %arg14[%get3A_1343, %get3A_1344] {strides = array<i32>} : memref<50x32xf32, #tpu.memory_space<vmem>>, vector<16xf32>,
      %add3A_1346 = arith.addf %add3A_1326, %get3A_1345 : vector<16xf32>
      %get3A_1347 = arith.constant 11 : i32
      %get3A_1348 = arith.index_cast %get3A_1347 : i32 to index
      %get3A_1349 = arith.constant 0 : index
      %get3A_1350 = tpu.vector_load %arg10[%get3A_1348, %get3A_1349] {strides = array<i32>} : memref<50x32xf32, #tpu.memory_space<vmem>>, vector<16xf32>,
      %add3A_1351 = arith.addf %add3A_1331, %get3A_1350 : vector<16xf32>
      %get3A_1352 = arith.constant 11 : i32
      %get3A_1353 = arith.index_cast %get3A_1352 : i32 to index
      %get3A_1354 = arith.constant 16 : index
      %get3A_1355 = tpu.vector_load %arg10[%get3A_1353, %get3A_1354] {strides = array<i32>} : memref<50x32xf32, #tpu.memory_space<vmem>>, vector<16xf32>,
      %add3A_1356 = arith.addf %add3A_1336, %get3A_1355 : vector<16xf32>
      %get3A_1357 = arith.constant 11 : i32
      %get3A_1358 = arith.index_cast %get3A_1357 : i32 to index
      %get3A_1359 = arith.constant 0 : index
      %get3A_1360 = tpu.vector_load %arg14[%get3A_1358, %get3A_1359] {strides = array<i32>} : memref<50x32xf32, #tpu.memory_space<vmem>>, vector<16xf32>,
      %add3A_1361 = arith.addf %add3A_1341, %get3A_1360 : vector<16xf32>
      %get3A_1362 = arith.constant 11 : i32
      %get3A_1363 = arith.index_cast %get3A_1362 : i32 to index
      %get3A_1364 = arith.constant 16 : index
      %get3A_1365 = tpu.vector_load %arg14[%get3A_1363, %get3A_1364] {strides = array<i32>} : memref<50x32xf32, #tpu.memory_space<vmem>>, vector<16xf32>,
      %add3A_1366 = arith.addf %add3A_1346, %get3A_1365 : vector<16xf32>
      %get3A_1367 = arith.constant 12 : i32
      %get3A_1368 = arith.index_cast %get3A_1367 : i32 to index
      %get3A_1369 = arith.constant 0 : index
      %get3A_1370 = tpu.vector_load %arg10[%get3A_1368, %get3A_1369] {strides = array<i32>} : memref<50x32xf32, #tpu.memory_space<vmem>>, vector<16xf32>,
      %add3A_1371 = arith.addf %add3A_1351, %get3A_1370 : vector<16xf32>
      %get3A_1372 = arith.constant 12 : i32
      %get3A_1373 = arith.index_cast %get3A_1372 : i32 to index
      %get3A_1374 = arith.constant 16 : index
      %get3A_1375 = tpu.vector_load %arg10[%get3A_1373, %get3A_1374] {strides = array<i32>} : memref<50x32xf32, #tpu.memory_space<vmem>>, vector<16xf32>,
      %add3A_1376 = arith.addf %add3A_1356, %get3A_1375 : vector<16xf32>
      %get3A_1377 = arith.constant 12 : i32
      %get3A_1378 = arith.index_cast %get3A_1377 : i32 to index
      %get3A_1379 = arith.constant 0 : index
      %get3A_1380 = tpu.vector_load %arg14[%get3A_1378, %get3A_1379] {strides = array<i32>} : memref<50x32xf32, #tpu.memory_space<vmem>>, vector<16xf32>,
      %add3A_1381 = arith.addf %add3A_1361, %get3A_1380 : vector<16xf32>
      %get3A_1382 = arith.constant 12 : i32
      %get3A_1383 = arith.index_cast %get3A_1382 : i32 to index
      %get3A_1384 = arith.constant 16 : index
      %get3A_1385 = tpu.vector_load %arg14[%get3A_1383, %get3A_1384] {strides = array<i32>} : memref<50x32xf32, #tpu.memory_space<vmem>>, vector<16xf32>,
      %add3A_1386 = arith.addf %add3A_1366, %get3A_1385 : vector<16xf32>
      %get3A_1387 = arith.constant 13 : i32
      %get3A_1388 = arith.index_cast %get3A_1387 : i32 to index
      %get3A_1389 = arith.constant 0 : index
      %get3A_1390 = tpu.vector_load %arg10[%get3A_1388, %get3A_1389] {strides = array<i32>} : memref<50x32xf32, #tpu.memory_space<vmem>>, vector<16xf32>,
      %add3A_1391 = arith.addf %add3A_1371, %get3A_1390 : vector<16xf32>
      %get3A_1392 = arith.constant 13 : i32
      %get3A_1393 = arith.index_cast %get3A_1392 : i32 to index
      %get3A_1394 = arith.constant 16 : index
      %get3A_1395 = tpu.vector_load %arg10[%get3A_1393, %get3A_1394] {strides = array<i32>} : memref<50x32xf32, #tpu.memory_space<vmem>>, vector<16xf32>,
      %add3A_1396 = arith.addf %add3A_1376, %get3A_1395 : vector<16xf32>
      %get3A_1397 = arith.constant 13 : i32
      %get3A_1398 = arith.index_cast %get3A_1397 : i32 to index
      %get3A_1399 = arith.constant 0 : index
      %get3A_1400 = tpu.vector_load %arg14[%get3A_1398, %get3A_1399] {strides = array<i32>} : memref<50x32xf32, #tpu.memory_space<vmem>>, vector<16xf32>,
      %add3A_1401 = arith.addf %add3A_1381, %get3A_1400 : vector<16xf32>
      %get3A_1402 = arith.constant 13 : i32
      %get3A_1403 = arith.index_cast %get3A_1402 : i32 to index
      %get3A_1404 = arith.constant 16 : index
      %get3A_1405 = tpu.vector_load %arg14[%get3A_1403, %get3A_1404] {strides = array<i32>} : memref<50x32xf32, #tpu.memory_space<vmem>>, vector<16xf32>,
      %add3A_1406 = arith.addf %add3A_1386, %get3A_1405 : vector<16xf32>
      %get3A_1407 = arith.constant 14 : i32
      %get3A_1408 = arith.index_cast %get3A_1407 : i32 to index
      %get3A_1409 = arith.constant 0 : index
      %get3A_1410 = tpu.vector_load %arg10[%get3A_1408, %get3A_1409] {strides = array<i32>} : memref<50x32xf32, #tpu.memory_space<vmem>>, vector<16xf32>,
      %add3A_1411 = arith.addf %add3A_1391, %get3A_1410 : vector<16xf32>
      %get3A_1412 = arith.constant 14 : i32
      %get3A_1413 = arith.index_cast %get3A_1412 : i32 to index
      %get3A_1414 = arith.constant 16 : index
      %get3A_1415 = tpu.vector_load %arg10[%get3A_1413, %get3A_1414] {strides = array<i32>} : memref<50x32xf32, #tpu.memory_space<vmem>>, vector<16xf32>,
      %add3A_1416 = arith.addf %add3A_1396, %get3A_1415 : vector<16xf32>
      %get3A_1417 = arith.constant 14 : i32
      %get3A_1418 = arith.index_cast %get3A_1417 : i32 to index
      %get3A_1419 = arith.constant 0 : index
      %get3A_1420 = tpu.vector_load %arg14[%get3A_1418, %get3A_1419] {strides = array<i32>} : memref<50x32xf32, #tpu.memory_space<vmem>>, vector<16xf32>,
      %add3A_1421 = arith.addf %add3A_1401, %get3A_1420 : vector<16xf32>
      %get3A_1422 = arith.constant 14 : i32
      %get3A_1423 = arith.index_cast %get3A_1422 : i32 to index
      %get3A_1424 = arith.constant 16 : index
      %get3A_1425 = tpu.vector_load %arg14[%get3A_1423, %get3A_1424] {strides = array<i32>} : memref<50x32xf32, #tpu.memory_space<vmem>>, vector<16xf32>,
      %add3A_1426 = arith.addf %add3A_1406, %get3A_1425 : vector<16xf32>
      %get3A_1427 = arith.constant 15 : i32
      %get3A_1428 = arith.index_cast %get3A_1427 : i32 to index
      %get3A_1429 = arith.constant 0 : index
      %get3A_1430 = tpu.vector_load %arg10[%get3A_1428, %get3A_1429] {strides = array<i32>} : memref<50x32xf32, #tpu.memory_space<vmem>>, vector<16xf32>,
      %add3A_1431 = arith.addf %add3A_1411, %get3A_1430 : vector<16xf32>
      %get3A_1432 = arith.constant 15 : i32
      %get3A_1433 = arith.index_cast %get3A_1432 : i32 to index
      %get3A_1434 = arith.constant 16 : index
      %get3A_1435 = tpu.vector_load %arg10[%get3A_1433, %get3A_1434] {strides = array<i32>} : memref<50x32xf32, #tpu.memory_space<vmem>>, vector<16xf32>,
      %add3A_1436 = arith.addf %add3A_1416, %get3A_1435 : vector<16xf32>
      %get3A_1437 = arith.constant 15 : i32
      %get3A_1438 = arith.index_cast %get3A_1437 : i32 to index
      %get3A_1439 = arith.constant 0 : index
      %get3A_1440 = tpu.vector_load %arg14[%get3A_1438, %get3A_1439] {strides = array<i32>} : memref<50x32xf32, #tpu.memory_space<vmem>>, vector<16xf32>,
      %add3A_1441 = arith.addf %add3A_1421, %get3A_1440 : vector<16xf32>
      %get3A_1442 = arith.constant 15 : i32
      %get3A_1443 = arith.index_cast %get3A_1442 : i32 to index
      %get3A_1444 = arith.constant 16 : index
      %get3A_1445 = tpu.vector_load %arg14[%get3A_1443, %get3A_1444] {strides = array<i32>} : memref<50x32xf32, #tpu.memory_space<vmem>>, vector<16xf32>,
      %add3A_1446 = arith.addf %add3A_1426, %get3A_1445 : vector<16xf32>
      %get3A_1447 = arith.constant 16 : i32
      %get3A_1448 = arith.index_cast %get3A_1447 : i32 to index
      %get3A_1449 = arith.constant 0 : index
      %get3A_1450 = tpu.vector_load %arg10[%get3A_1448, %get3A_1449] {strides = array<i32>} : memref<50x32xf32, #tpu.memory_space<vmem>>, vector<16xf32>,
      %add3A_1451 = arith.addf %add3A_1431, %get3A_1450 : vector<16xf32>
      %get3A_1452 = arith.constant 16 : i32
      %get3A_1453 = arith.index_cast %get3A_1452 : i32 to index
      %get3A_1454 = arith.constant 16 : index
      %get3A_1455 = tpu.vector_load %arg10[%get3A_1453, %get3A_1454] {strides = array<i32>} : memref<50x32xf32, #tpu.memory_space<vmem>>, vector<16xf32>,
      %add3A_1456 = arith.addf %add3A_1436, %get3A_1455 : vector<16xf32>
      %get3A_1457 = arith.constant 16 : i32
      %get3A_1458 = arith.index_cast %get3A_1457 : i32 to index
      %get3A_1459 = arith.constant 0 : index
      %get3A_1460 = tpu.vector_load %arg14[%get3A_1458, %get3A_1459] {strides = array<i32>} : memref<50x32xf32, #tpu.memory_space<vmem>>, vector<16xf32>,
      %add3A_1461 = arith.addf %add3A_1441, %get3A_1460 : vector<16xf32>
      %get3A_1462 = arith.constant 16 : i32
      %get3A_1463 = arith.index_cast %get3A_1462 : i32 to index
      %get3A_1464 = arith.constant 16 : index
      %get3A_1465 = tpu.vector_load %arg14[%get3A_1463, %get3A_1464] {strides = array<i32>} : memref<50x32xf32, #tpu.memory_space<vmem>>, vector<16xf32>,
      %add3A_1466 = arith.addf %add3A_1446, %get3A_1465 : vector<16xf32>
      %get3A_1467 = arith.constant 17 : i32
      %get3A_1468 = arith.index_cast %get3A_1467 : i32 to index
      %get3A_1469 = arith.constant 0 : index
      %get3A_1470 = tpu.vector_load %arg10[%get3A_1468, %get3A_1469] {strides = array<i32>} : memref<50x32xf32, #tpu.memory_space<vmem>>, vector<16xf32>,
      %add3A_1471 = arith.addf %add3A_1451, %get3A_1470 : vector<16xf32>
      %get3A_1472 = arith.constant 17 : i32
      %get3A_1473 = arith.index_cast %get3A_1472 : i32 to index
      %get3A_1474 = arith.constant 16 : index
      %get3A_1475 = tpu.vector_load %arg10[%get3A_1473, %get3A_1474] {strides = array<i32>} : memref<50x32xf32, #tpu.memory_space<vmem>>, vector<16xf32>,
      %add3A_1476 = arith.addf %add3A_1456, %get3A_1475 : vector<16xf32>
      %get3A_1477 = arith.constant 17 : i32
      %get3A_1478 = arith.index_cast %get3A_1477 : i32 to index
      %get3A_1479 = arith.constant 0 : index
      %get3A_1480 = tpu.vector_load %arg14[%get3A_1478, %get3A_1479] {strides = array<i32>} : memref<50x32xf32, #tpu.memory_space<vmem>>, vector<16xf32>,
      %add3A_1481 = arith.addf %add3A_1461, %get3A_1480 : vector<16xf32>
      %get3A_1482 = arith.constant 17 : i32
      %get3A_1483 = arith.index_cast %get3A_1482 : i32 to index
      %get3A_1484 = arith.constant 16 : index
      %get3A_1485 = tpu.vector_load %arg14[%get3A_1483, %get3A_1484] {strides = array<i32>} : memref<50x32xf32, #tpu.memory_space<vmem>>, vector<16xf32>,
      %add3A_1486 = arith.addf %add3A_1466, %get3A_1485 : vector<16xf32>
      %get3A_1487 = arith.constant 18 : i32
      %get3A_1488 = arith.index_cast %get3A_1487 : i32 to index
      %get3A_1489 = arith.constant 0 : index
      %get3A_1490 = tpu.vector_load %arg10[%get3A_1488, %get3A_1489] {strides = array<i32>} : memref<50x32xf32, #tpu.memory_space<vmem>>, vector<16xf32>,
      %add3A_1491 = arith.addf %add3A_1471, %get3A_1490 : vector<16xf32>
      %get3A_1492 = arith.constant 18 : i32
      %get3A_1493 = arith.index_cast %get3A_1492 : i32 to index
      %get3A_1494 = arith.constant 16 : index
      %get3A_1495 = tpu.vector_load %arg10[%get3A_1493, %get3A_1494] {strides = array<i32>} : memref<50x32xf32, #tpu.memory_space<vmem>>, vector<16xf32>,
      %add3A_1496 = arith.addf %add3A_1476, %get3A_1495 : vector<16xf32>
      %get3A_1497 = arith.constant 18 : i32
      %get3A_1498 = arith.index_cast %get3A_1497 : i32 to index
      %get3A_1499 = arith.constant 0 : index
      %get3A_1500 = tpu.vector_load %arg14[%get3A_1498, %get3A_1499] {strides = array<i32>} : memref<50x32xf32, #tpu.memory_space<vmem>>, vector<16xf32>,
      %add3A_1501 = arith.addf %add3A_1481, %get3A_1500 : vector<16xf32>
      %get3A_1502 = arith.constant 18 : i32
      %get3A_1503 = arith.index_cast %get3A_1502 : i32 to index
      %get3A_1504 = arith.constant 16 : index
      %get3A_1505 = tpu.vector_load %arg14[%get3A_1503, %get3A_1504] {strides = array<i32>} : memref<50x32xf32, #tpu.memory_space<vmem>>, vector<16xf32>,
      %add3A_1506 = arith.addf %add3A_1486, %get3A_1505 : vector<16xf32>
      %get3A_1507 = arith.constant 19 : i32
      %get3A_1508 = arith.index_cast %get3A_1507 : i32 to index
      %get3A_1509 = arith.constant 0 : index
      %get3A_1510 = tpu.vector_load %arg10[%get3A_1508, %get3A_1509] {strides = array<i32>} : memref<50x32xf32, #tpu.memory_space<vmem>>, vector<16xf32>,
      %add3A_1511 = arith.addf %add3A_1491, %get3A_1510 : vector<16xf32>
      %get3A_1512 = arith.constant 19 : i32
      %get3A_1513 = arith.index_cast %get3A_1512 : i32 to index
      %get3A_1514 = arith.constant 16 : index
      %get3A_1515 = tpu.vector_load %arg10[%get3A_1513, %get3A_1514] {strides = array<i32>} : memref<50x32xf32, #tpu.memory_space<vmem>>, vector<16xf32>,
      %add3A_1516 = arith.addf %add3A_1496, %get3A_1515 : vector<16xf32>
      %get3A_1517 = arith.constant 19 : i32
      %get3A_1518 = arith.index_cast %get3A_1517 : i32 to index
      %get3A_1519 = arith.constant 0 : index
      %get3A_1520 = tpu.vector_load %arg14[%get3A_1518, %get3A_1519] {strides = array<i32>} : memref<50x32xf32, #tpu.memory_space<vmem>>, vector<16xf32>,
      %add3A_1521 = arith.addf %add3A_1501, %get3A_1520 : vector<16xf32>
      %get3A_1522 = arith.constant 19 : i32
      %get3A_1523 = arith.index_cast %get3A_1522 : i32 to index
      %get3A_1524 = arith.constant 16 : index
      %get3A_1525 = tpu.vector_load %arg14[%get3A_1523, %get3A_1524] {strides = array<i32>} : memref<50x32xf32, #tpu.memory_space<vmem>>, vector<16xf32>,
      %add3A_1526 = arith.addf %add3A_1506, %get3A_1525 : vector<16xf32>
      %get3A_1527 = arith.constant 20 : i32
      %get3A_1528 = arith.index_cast %get3A_1527 : i32 to index
      %get3A_1529 = arith.constant 0 : index
      %get3A_1530 = tpu.vector_load %arg10[%get3A_1528, %get3A_1529] {strides = array<i32>} : memref<50x32xf32, #tpu.memory_space<vmem>>, vector<16xf32>,
      %add3A_1531 = arith.addf %add3A_1511, %get3A_1530 : vector<16xf32>
      %get3A_1532 = arith.constant 20 : i32
      %get3A_1533 = arith.index_cast %get3A_1532 : i32 to index
      %get3A_1534 = arith.constant 16 : index
      %get3A_1535 = tpu.vector_load %arg10[%get3A_1533, %get3A_1534] {strides = array<i32>} : memref<50x32xf32, #tpu.memory_space<vmem>>, vector<16xf32>,
      %add3A_1536 = arith.addf %add3A_1516, %get3A_1535 : vector<16xf32>
      %get3A_1537 = arith.constant 20 : i32
      %get3A_1538 = arith.index_cast %get3A_1537 : i32 to index
      %get3A_1539 = arith.constant 0 : index
      %get3A_1540 = tpu.vector_load %arg14[%get3A_1538, %get3A_1539] {strides = array<i32>} : memref<50x32xf32, #tpu.memory_space<vmem>>, vector<16xf32>,
      %add3A_1541 = arith.addf %add3A_1521, %get3A_1540 : vector<16xf32>
      %get3A_1542 = arith.constant 20 : i32
      %get3A_1543 = arith.index_cast %get3A_1542 : i32 to index
      %get3A_1544 = arith.constant 16 : index
      %get3A_1545 = tpu.vector_load %arg14[%get3A_1543, %get3A_1544] {strides = array<i32>} : memref<50x32xf32, #tpu.memory_space<vmem>>, vector<16xf32>,
      %add3A_1546 = arith.addf %add3A_1526, %get3A_1545 : vector<16xf32>
      %get3A_1547 = arith.constant 21 : i32
      %get3A_1548 = arith.index_cast %get3A_1547 : i32 to index
      %get3A_1549 = arith.constant 0 : index
      %get3A_1550 = tpu.vector_load %arg10[%get3A_1548, %get3A_1549] {strides = array<i32>} : memref<50x32xf32, #tpu.memory_space<vmem>>, vector<16xf32>,
      %add3A_1551 = arith.addf %add3A_1531, %get3A_1550 : vector<16xf32>
      %get3A_1552 = arith.constant 21 : i32
      %get3A_1553 = arith.index_cast %get3A_1552 : i32 to index
      %get3A_1554 = arith.constant 16 : index
      %get3A_1555 = tpu.vector_load %arg10[%get3A_1553, %get3A_1554] {strides = array<i32>} : memref<50x32xf32, #tpu.memory_space<vmem>>, vector<16xf32>,
      %add3A_1556 = arith.addf %add3A_1536, %get3A_1555 : vector<16xf32>
      %get3A_1557 = arith.constant 21 : i32
      %get3A_1558 = arith.index_cast %get3A_1557 : i32 to index
      %get3A_1559 = arith.constant 0 : index
      %get3A_1560 = tpu.vector_load %arg14[%get3A_1558, %get3A_1559] {strides = array<i32>} : memref<50x32xf32, #tpu.memory_space<vmem>>, vector<16xf32>,
      %add3A_1561 = arith.addf %add3A_1541, %get3A_1560 : vector<16xf32>
      %get3A_1562 = arith.constant 21 : i32
      %get3A_1563 = arith.index_cast %get3A_1562 : i32 to index
      %get3A_1564 = arith.constant 16 : index
      %get3A_1565 = tpu.vector_load %arg14[%get3A_1563, %get3A_1564] {strides = array<i32>} : memref<50x32xf32, #tpu.memory_space<vmem>>, vector<16xf32>,
      %add3A_1566 = arith.addf %add3A_1546, %get3A_1565 : vector<16xf32>
      %get3A_1567 = arith.constant 22 : i32
      %get3A_1568 = arith.index_cast %get3A_1567 : i32 to index
      %get3A_1569 = arith.constant 0 : index
      %get3A_1570 = tpu.vector_load %arg10[%get3A_1568, %get3A_1569] {strides = array<i32>} : memref<50x32xf32, #tpu.memory_space<vmem>>, vector<16xf32>,
      %add3A_1571 = arith.addf %add3A_1551, %get3A_1570 : vector<16xf32>
      %get3A_1572 = arith.constant 22 : i32
      %get3A_1573 = arith.index_cast %get3A_1572 : i32 to index
      %get3A_1574 = arith.constant 16 : index
      %get3A_1575 = tpu.vector_load %arg10[%get3A_1573, %get3A_1574] {strides = array<i32>} : memref<50x32xf32, #tpu.memory_space<vmem>>, vector<16xf32>,
      %add3A_1576 = arith.addf %add3A_1556, %get3A_1575 : vector<16xf32>
      %get3A_1577 = arith.constant 22 : i32
      %get3A_1578 = arith.index_cast %get3A_1577 : i32 to index
      %get3A_1579 = arith.constant 0 : index
      %get3A_1580 = tpu.vector_load %arg14[%get3A_1578, %get3A_1579] {strides = array<i32>} : memref<50x32xf32, #tpu.memory_space<vmem>>, vector<16xf32>,
      %add3A_1581 = arith.addf %add3A_1561, %get3A_1580 : vector<16xf32>
      %get3A_1582 = arith.constant 22 : i32
      %get3A_1583 = arith.index_cast %get3A_1582 : i32 to index
      %get3A_1584 = arith.constant 16 : index
      %get3A_1585 = tpu.vector_load %arg14[%get3A_1583, %get3A_1584] {strides = array<i32>} : memref<50x32xf32, #tpu.memory_space<vmem>>, vector<16xf32>,
      %add3A_1586 = arith.addf %add3A_1566, %get3A_1585 : vector<16xf32>
      %get3A_1587 = arith.constant 23 : i32
      %get3A_1588 = arith.index_cast %get3A_1587 : i32 to index
      %get3A_1589 = arith.constant 0 : index
      %get3A_1590 = tpu.vector_load %arg10[%get3A_1588, %get3A_1589] {strides = array<i32>} : memref<50x32xf32, #tpu.memory_space<vmem>>, vector<16xf32>,
      %add3A_1591 = arith.addf %add3A_1571, %get3A_1590 : vector<16xf32>
      %get3A_1592 = arith.constant 23 : i32
      %get3A_1593 = arith.index_cast %get3A_1592 : i32 to index
      %get3A_1594 = arith.constant 16 : index
      %get3A_1595 = tpu.vector_load %arg10[%get3A_1593, %get3A_1594] {strides = array<i32>} : memref<50x32xf32, #tpu.memory_space<vmem>>, vector<16xf32>,
      %add3A_1596 = arith.addf %add3A_1576, %get3A_1595 : vector<16xf32>
      %get3A_1597 = arith.constant 23 : i32
      %get3A_1598 = arith.index_cast %get3A_1597 : i32 to index
      %get3A_1599 = arith.constant 0 : index
      %get3A_1600 = tpu.vector_load %arg14[%get3A_1598, %get3A_1599] {strides = array<i32>} : memref<50x32xf32, #tpu.memory_space<vmem>>, vector<16xf32>,
      %add3A_1601 = arith.addf %add3A_1581, %get3A_1600 : vector<16xf32>
      %get3A_1602 = arith.constant 23 : i32
      %get3A_1603 = arith.index_cast %get3A_1602 : i32 to index
      %get3A_1604 = arith.constant 16 : index
      %get3A_1605 = tpu.vector_load %arg14[%get3A_1603, %get3A_1604] {strides = array<i32>} : memref<50x32xf32, #tpu.memory_space<vmem>>, vector<16xf32>,
      %add3A_1606 = arith.addf %add3A_1586, %get3A_1605 : vector<16xf32>
      %get3A_1607 = arith.constant 24 : i32
      %get3A_1608 = arith.index_cast %get3A_1607 : i32 to index
      %get3A_1609 = arith.constant 0 : index
      %get3A_1610 = tpu.vector_load %arg10[%get3A_1608, %get3A_1609] {strides = array<i32>} : memref<50x32xf32, #tpu.memory_space<vmem>>, vector<16xf32>,
      %add3A_1611 = arith.addf %add3A_1591, %get3A_1610 : vector<16xf32>
      %get3A_1612 = arith.constant 24 : i32
      %get3A_1613 = arith.index_cast %get3A_1612 : i32 to index
      %get3A_1614 = arith.constant 16 : index
      %get3A_1615 = tpu.vector_load %arg10[%get3A_1613, %get3A_1614] {strides = array<i32>} : memref<50x32xf32, #tpu.memory_space<vmem>>, vector<16xf32>,
      %add3A_1616 = arith.addf %add3A_1596, %get3A_1615 : vector<16xf32>
      %get3A_1617 = arith.constant 24 : i32
      %get3A_1618 = arith.index_cast %get3A_1617 : i32 to index
      %get3A_1619 = arith.constant 0 : index
      %get3A_1620 = tpu.vector_load %arg14[%get3A_1618, %get3A_1619] {strides = array<i32>} : memref<50x32xf32, #tpu.memory_space<vmem>>, vector<16xf32>,
      %add3A_1621 = arith.addf %add3A_1601, %get3A_1620 : vector<16xf32>
      %get3A_1622 = arith.constant 24 : i32
      %get3A_1623 = arith.index_cast %get3A_1622 : i32 to index
      %get3A_1624 = arith.constant 16 : index
      %get3A_1625 = tpu.vector_load %arg14[%get3A_1623, %get3A_1624] {strides = array<i32>} : memref<50x32xf32, #tpu.memory_space<vmem>>, vector<16xf32>,
      %add3A_1626 = arith.addf %add3A_1606, %get3A_1625 : vector<16xf32>
      %get3A_1627 = arith.constant 25 : i32
      %get3A_1628 = arith.index_cast %get3A_1627 : i32 to index
      %get3A_1629 = arith.constant 0 : index
      %get3A_1630 = tpu.vector_load %arg10[%get3A_1628, %get3A_1629] {strides = array<i32>} : memref<50x32xf32, #tpu.memory_space<vmem>>, vector<16xf32>,
      %add3A_1631 = arith.addf %add3A_1611, %get3A_1630 : vector<16xf32>
      %get3A_1632 = arith.constant 25 : i32
      %get3A_1633 = arith.index_cast %get3A_1632 : i32 to index
      %get3A_1634 = arith.constant 16 : index
      %get3A_1635 = tpu.vector_load %arg10[%get3A_1633, %get3A_1634] {strides = array<i32>} : memref<50x32xf32, #tpu.memory_space<vmem>>, vector<16xf32>,
      %add3A_1636 = arith.addf %add3A_1616, %get3A_1635 : vector<16xf32>
      %get3A_1637 = arith.constant 25 : i32
      %get3A_1638 = arith.index_cast %get3A_1637 : i32 to index
      %get3A_1639 = arith.constant 0 : index
      %get3A_1640 = tpu.vector_load %arg14[%get3A_1638, %get3A_1639] {strides = array<i32>} : memref<50x32xf32, #tpu.memory_space<vmem>>, vector<16xf32>,
      %add3A_1641 = arith.addf %add3A_1621, %get3A_1640 : vector<16xf32>
      %get3A_1642 = arith.constant 25 : i32
      %get3A_1643 = arith.index_cast %get3A_1642 : i32 to index
      %get3A_1644 = arith.constant 16 : index
      %get3A_1645 = tpu.vector_load %arg14[%get3A_1643, %get3A_1644] {strides = array<i32>} : memref<50x32xf32, #tpu.memory_space<vmem>>, vector<16xf32>,
      %add3A_1646 = arith.addf %add3A_1626, %get3A_1645 : vector<16xf32>
      %get3A_1647 = arith.constant 26 : i32
      %get3A_1648 = arith.index_cast %get3A_1647 : i32 to index
      %get3A_1649 = arith.constant 0 : index
      %get3A_1650 = tpu.vector_load %arg10[%get3A_1648, %get3A_1649] {strides = array<i32>} : memref<50x32xf32, #tpu.memory_space<vmem>>, vector<16xf32>,
      %add3A_1651 = arith.addf %add3A_1631, %get3A_1650 : vector<16xf32>
      %get3A_1652 = arith.constant 26 : i32
      %get3A_1653 = arith.index_cast %get3A_1652 : i32 to index
      %get3A_1654 = arith.constant 16 : index
      %get3A_1655 = tpu.vector_load %arg10[%get3A_1653, %get3A_1654] {strides = array<i32>} : memref<50x32xf32, #tpu.memory_space<vmem>>, vector<16xf32>,
      %add3A_1656 = arith.addf %add3A_1636, %get3A_1655 : vector<16xf32>
      %get3A_1657 = arith.constant 26 : i32
      %get3A_1658 = arith.index_cast %get3A_1657 : i32 to index
      %get3A_1659 = arith.constant 0 : index
      %get3A_1660 = tpu.vector_load %arg14[%get3A_1658, %get3A_1659] {strides = array<i32>} : memref<50x32xf32, #tpu.memory_space<vmem>>, vector<16xf32>,
      %add3A_1661 = arith.addf %add3A_1641, %get3A_1660 : vector<16xf32>
      %get3A_1662 = arith.constant 26 : i32
      %get3A_1663 = arith.index_cast %get3A_1662 : i32 to index
      %get3A_1664 = arith.constant 16 : index
      %get3A_1665 = tpu.vector_load %arg14[%get3A_1663, %get3A_1664] {strides = array<i32>} : memref<50x32xf32, #tpu.memory_space<vmem>>, vector<16xf32>,
      %add3A_1666 = arith.addf %add3A_1646, %get3A_1665 : vector<16xf32>
      %get3A_1667 = arith.constant 27 : i32
      %get3A_1668 = arith.index_cast %get3A_1667 : i32 to index
      %get3A_1669 = arith.constant 0 : index
      %get3A_1670 = tpu.vector_load %arg10[%get3A_1668, %get3A_1669] {strides = array<i32>} : memref<50x32xf32, #tpu.memory_space<vmem>>, vector<16xf32>,
      %add3A_1671 = arith.addf %add3A_1651, %get3A_1670 : vector<16xf32>
      %get3A_1672 = arith.constant 27 : i32
      %get3A_1673 = arith.index_cast %get3A_1672 : i32 to index
      %get3A_1674 = arith.constant 16 : index
      %get3A_1675 = tpu.vector_load %arg10[%get3A_1673, %get3A_1674] {strides = array<i32>} : memref<50x32xf32, #tpu.memory_space<vmem>>, vector<16xf32>,
      %add3A_1676 = arith.addf %add3A_1656, %get3A_1675 : vector<16xf32>
      %get3A_1677 = arith.constant 27 : i32
      %get3A_1678 = arith.index_cast %get3A_1677 : i32 to index
      %get3A_1679 = arith.constant 0 : index
      %get3A_1680 = tpu.vector_load %arg14[%get3A_1678, %get3A_1679] {strides = array<i32>} : memref<50x32xf32, #tpu.memory_space<vmem>>, vector<16xf32>,
      %add3A_1681 = arith.addf %add3A_1661, %get3A_1680 : vector<16xf32>
      %get3A_1682 = arith.constant 27 : i32
      %get3A_1683 = arith.index_cast %get3A_1682 : i32 to index
      %get3A_1684 = arith.constant 16 : index
      %get3A_1685 = tpu.vector_load %arg14[%get3A_1683, %get3A_1684] {strides = array<i32>} : memref<50x32xf32, #tpu.memory_space<vmem>>, vector<16xf32>,
      %add3A_1686 = arith.addf %add3A_1666, %get3A_1685 : vector<16xf32>
      %get3A_1687 = arith.constant 28 : i32
      %get3A_1688 = arith.index_cast %get3A_1687 : i32 to index
      %get3A_1689 = arith.constant 0 : index
      %get3A_1690 = tpu.vector_load %arg10[%get3A_1688, %get3A_1689] {strides = array<i32>} : memref<50x32xf32, #tpu.memory_space<vmem>>, vector<16xf32>,
      %add3A_1691 = arith.addf %add3A_1671, %get3A_1690 : vector<16xf32>
      %get3A_1692 = arith.constant 28 : i32
      %get3A_1693 = arith.index_cast %get3A_1692 : i32 to index
      %get3A_1694 = arith.constant 16 : index
      %get3A_1695 = tpu.vector_load %arg10[%get3A_1693, %get3A_1694] {strides = array<i32>} : memref<50x32xf32, #tpu.memory_space<vmem>>, vector<16xf32>,
      %add3A_1696 = arith.addf %add3A_1676, %get3A_1695 : vector<16xf32>
      %get3A_1697 = arith.constant 28 : i32
      %get3A_1698 = arith.index_cast %get3A_1697 : i32 to index
      %get3A_1699 = arith.constant 0 : index
      %get3A_1700 = tpu.vector_load %arg14[%get3A_1698, %get3A_1699] {strides = array<i32>} : memref<50x32xf32, #tpu.memory_space<vmem>>, vector<16xf32>,
      %add3A_1701 = arith.addf %add3A_1681, %get3A_1700 : vector<16xf32>
      %get3A_1702 = arith.constant 28 : i32
      %get3A_1703 = arith.index_cast %get3A_1702 : i32 to index
      %get3A_1704 = arith.constant 16 : index
      %get3A_1705 = tpu.vector_load %arg14[%get3A_1703, %get3A_1704] {strides = array<i32>} : memref<50x32xf32, #tpu.memory_space<vmem>>, vector<16xf32>,
      %add3A_1706 = arith.addf %add3A_1686, %get3A_1705 : vector<16xf32>
      %get3A_1707 = arith.constant 29 : i32
      %get3A_1708 = arith.index_cast %get3A_1707 : i32 to index
      %get3A_1709 = arith.constant 0 : index
      %get3A_1710 = tpu.vector_load %arg10[%get3A_1708, %get3A_1709] {strides = array<i32>} : memref<50x32xf32, #tpu.memory_space<vmem>>, vector<16xf32>,
      %add3A_1711 = arith.addf %add3A_1691, %get3A_1710 : vector<16xf32>
      %get3A_1712 = arith.constant 29 : i32
      %get3A_1713 = arith.index_cast %get3A_1712 : i32 to index
      %get3A_1714 = arith.constant 16 : index
      %get3A_1715 = tpu.vector_load %arg10[%get3A_1713, %get3A_1714] {strides = array<i32>} : memref<50x32xf32, #tpu.memory_space<vmem>>, vector<16xf32>,
      %add3A_1716 = arith.addf %add3A_1696, %get3A_1715 : vector<16xf32>
      %get3A_1717 = arith.constant 29 : i32
      %get3A_1718 = arith.index_cast %get3A_1717 : i32 to index
      %get3A_1719 = arith.constant 0 : index
      %get3A_1720 = tpu.vector_load %arg14[%get3A_1718, %get3A_1719] {strides = array<i32>} : memref<50x32xf32, #tpu.memory_space<vmem>>, vector<16xf32>,
      %add3A_1721 = arith.addf %add3A_1701, %get3A_1720 : vector<16xf32>
      %get3A_1722 = arith.constant 29 : i32
      %get3A_1723 = arith.index_cast %get3A_1722 : i32 to index
      %get3A_1724 = arith.constant 16 : index
      %get3A_1725 = tpu.vector_load %arg14[%get3A_1723, %get3A_1724] {strides = array<i32>} : memref<50x32xf32, #tpu.memory_space<vmem>>, vector<16xf32>,
      %add3A_1726 = arith.addf %add3A_1706, %get3A_1725 : vector<16xf32>
      %get3A_1727 = arith.constant 30 : i32
      %get3A_1728 = arith.index_cast %get3A_1727 : i32 to index
      %get3A_1729 = arith.constant 0 : index
      %get3A_1730 = tpu.vector_load %arg10[%get3A_1728, %get3A_1729] {strides = array<i32>} : memref<50x32xf32, #tpu.memory_space<vmem>>, vector<16xf32>,
      %add3A_1731 = arith.addf %add3A_1711, %get3A_1730 : vector<16xf32>
      %get3A_1732 = arith.constant 30 : i32
      %get3A_1733 = arith.index_cast %get3A_1732 : i32 to index
      %get3A_1734 = arith.constant 16 : index
      %get3A_1735 = tpu.vector_load %arg10[%get3A_1733, %get3A_1734] {strides = array<i32>} : memref<50x32xf32, #tpu.memory_space<vmem>>, vector<16xf32>,
      %add3A_1736 = arith.addf %add3A_1716, %get3A_1735 : vector<16xf32>
      %get3A_1737 = arith.constant 30 : i32
      %get3A_1738 = arith.index_cast %get3A_1737 : i32 to index
      %get3A_1739 = arith.constant 0 : index
      %get3A_1740 = tpu.vector_load %arg14[%get3A_1738, %get3A_1739] {strides = array<i32>} : memref<50x32xf32, #tpu.memory_space<vmem>>, vector<16xf32>,
      %add3A_1741 = arith.addf %add3A_1721, %get3A_1740 : vector<16xf32>
      %get3A_1742 = arith.constant 30 : i32
      %get3A_1743 = arith.index_cast %get3A_1742 : i32 to index
      %get3A_1744 = arith.constant 16 : index
      %get3A_1745 = tpu.vector_load %arg14[%get3A_1743, %get3A_1744] {strides = array<i32>} : memref<50x32xf32, #tpu.memory_space<vmem>>, vector<16xf32>,
      %add3A_1746 = arith.addf %add3A_1726, %get3A_1745 : vector<16xf32>
      %get3A_1747 = arith.constant 31 : i32
      %get3A_1748 = arith.index_cast %get3A_1747 : i32 to index
      %get3A_1749 = arith.constant 0 : index
      %get3A_1750 = tpu.vector_load %arg10[%get3A_1748, %get3A_1749] {strides = array<i32>} : memref<50x32xf32, #tpu.memory_space<vmem>>, vector<16xf32>,
      %add3A_1751 = arith.addf %add3A_1731, %get3A_1750 : vector<16xf32>
      %get3A_1752 = arith.constant 31 : i32
      %get3A_1753 = arith.index_cast %get3A_1752 : i32 to index
      %get3A_1754 = arith.constant 16 : index
      %get3A_1755 = tpu.vector_load %arg10[%get3A_1753, %get3A_1754] {strides = array<i32>} : memref<50x32xf32, #tpu.memory_space<vmem>>, vector<16xf32>,
      %add3A_1756 = arith.addf %add3A_1736, %get3A_1755 : vector<16xf32>
      %get3A_1757 = arith.constant 31 : i32
      %get3A_1758 = arith.index_cast %get3A_1757 : i32 to index
      %get3A_1759 = arith.constant 0 : index
      %get3A_1760 = tpu.vector_load %arg14[%get3A_1758, %get3A_1759] {strides = array<i32>} : memref<50x32xf32, #tpu.memory_space<vmem>>, vector<16xf32>,
      %add3A_1761 = arith.addf %add3A_1741, %get3A_1760 : vector<16xf32>
      %get3A_1762 = arith.constant 31 : i32
      %get3A_1763 = arith.index_cast %get3A_1762 : i32 to index
      %get3A_1764 = arith.constant 16 : index
      %get3A_1765 = tpu.vector_load %arg14[%get3A_1763, %get3A_1764] {strides = array<i32>} : memref<50x32xf32, #tpu.memory_space<vmem>>, vector<16xf32>,
      %add3A_1766 = arith.addf %add3A_1746, %get3A_1765 : vector<16xf32>
      %get3A_1767 = arith.constant 32 : i32
      %get3A_1768 = arith.index_cast %get3A_1767 : i32 to index
      %get3A_1769 = arith.constant 0 : index
      %get3A_1770 = tpu.vector_load %arg10[%get3A_1768, %get3A_1769] {strides = array<i32>} : memref<50x32xf32, #tpu.memory_space<vmem>>, vector<16xf32>,
      %add3A_1771 = arith.addf %add3A_1751, %get3A_1770 : vector<16xf32>
      %get3A_1772 = arith.constant 32 : i32
      %get3A_1773 = arith.index_cast %get3A_1772 : i32 to index
      %get3A_1774 = arith.constant 16 : index
      %get3A_1775 = tpu.vector_load %arg10[%get3A_1773, %get3A_1774] {strides = array<i32>} : memref<50x32xf32, #tpu.memory_space<vmem>>, vector<16xf32>,
      %add3A_1776 = arith.addf %add3A_1756, %get3A_1775 : vector<16xf32>
      %get3A_1777 = arith.constant 32 : i32
      %get3A_1778 = arith.index_cast %get3A_1777 : i32 to index
      %get3A_1779 = arith.constant 0 : index
      %get3A_1780 = tpu.vector_load %arg14[%get3A_1778, %get3A_1779] {strides = array<i32>} : memref<50x32xf32, #tpu.memory_space<vmem>>, vector<16xf32>,
      %add3A_1781 = arith.addf %add3A_1761, %get3A_1780 : vector<16xf32>
      %get3A_1782 = arith.constant 32 : i32
      %get3A_1783 = arith.index_cast %get3A_1782 : i32 to index
      %get3A_1784 = arith.constant 16 : index
      %get3A_1785 = tpu.vector_load %arg14[%get3A_1783, %get3A_1784] {strides = array<i32>} : memref<50x32xf32, #tpu.memory_space<vmem>>, vector<16xf32>,
      %add3A_1786 = arith.addf %add3A_1766, %get3A_1785 : vector<16xf32>
      %get3A_1787 = arith.constant 33 : i32
      %get3A_1788 = arith.index_cast %get3A_1787 : i32 to index
      %get3A_1789 = arith.constant 0 : index
      %get3A_1790 = tpu.vector_load %arg10[%get3A_1788, %get3A_1789] {strides = array<i32>} : memref<50x32xf32, #tpu.memory_space<vmem>>, vector<16xf32>,
      %add3A_1791 = arith.addf %add3A_1771, %get3A_1790 : vector<16xf32>
      %get3A_1792 = arith.constant 33 : i32
      %get3A_1793 = arith.index_cast %get3A_1792 : i32 to index
      %get3A_1794 = arith.constant 16 : index
      %get3A_1795 = tpu.vector_load %arg10[%get3A_1793, %get3A_1794] {strides = array<i32>} : memref<50x32xf32, #tpu.memory_space<vmem>>, vector<16xf32>,
      %add3A_1796 = arith.addf %add3A_1776, %get3A_1795 : vector<16xf32>
      %get3A_1797 = arith.constant 33 : i32
      %get3A_1798 = arith.index_cast %get3A_1797 : i32 to index
      %get3A_1799 = arith.constant 0 : index
      %get3A_1800 = tpu.vector_load %arg14[%get3A_1798, %get3A_1799] {strides = array<i32>} : memref<50x32xf32, #tpu.memory_space<vmem>>, vector<16xf32>,
      %add3A_1801 = arith.addf %add3A_1781, %get3A_1800 : vector<16xf32>
      %get3A_1802 = arith.constant 33 : i32
      %get3A_1803 = arith.index_cast %get3A_1802 : i32 to index
      %get3A_1804 = arith.constant 16 : index
      %get3A_1805 = tpu.vector_load %arg14[%get3A_1803, %get3A_1804] {strides = array<i32>} : memref<50x32xf32, #tpu.memory_space<vmem>>, vector<16xf32>,
      %add3A_1806 = arith.addf %add3A_1786, %get3A_1805 : vector<16xf32>
      %get3A_1807 = arith.constant 34 : i32
      %get3A_1808 = arith.index_cast %get3A_1807 : i32 to index
      %get3A_1809 = arith.constant 0 : index
      %get3A_1810 = tpu.vector_load %arg10[%get3A_1808, %get3A_1809] {strides = array<i32>} : memref<50x32xf32, #tpu.memory_space<vmem>>, vector<16xf32>,
      %add3A_1811 = arith.addf %add3A_1791, %get3A_1810 : vector<16xf32>
      %get3A_1812 = arith.constant 34 : i32
      %get3A_1813 = arith.index_cast %get3A_1812 : i32 to index
      %get3A_1814 = arith.constant 16 : index
      %get3A_1815 = tpu.vector_load %arg10[%get3A_1813, %get3A_1814] {strides = array<i32>} : memref<50x32xf32, #tpu.memory_space<vmem>>, vector<16xf32>,
      %add3A_1816 = arith.addf %add3A_1796, %get3A_1815 : vector<16xf32>
      %get3A_1817 = arith.constant 34 : i32
      %get3A_1818 = arith.index_cast %get3A_1817 : i32 to index
      %get3A_1819 = arith.constant 0 : index
      %get3A_1820 = tpu.vector_load %arg14[%get3A_1818, %get3A_1819] {strides = array<i32>} : memref<50x32xf32, #tpu.memory_space<vmem>>, vector<16xf32>,
      %add3A_1821 = arith.addf %add3A_1801, %get3A_1820 : vector<16xf32>
      %get3A_1822 = arith.constant 34 : i32
      %get3A_1823 = arith.index_cast %get3A_1822 : i32 to index
      %get3A_1824 = arith.constant 16 : index
      %get3A_1825 = tpu.vector_load %arg14[%get3A_1823, %get3A_1824] {strides = array<i32>} : memref<50x32xf32, #tpu.memory_space<vmem>>, vector<16xf32>,
      %add3A_1826 = arith.addf %add3A_1806, %get3A_1825 : vector<16xf32>
      %get3A_1827 = arith.constant 35 : i32
      %get3A_1828 = arith.index_cast %get3A_1827 : i32 to index
      %get3A_1829 = arith.constant 0 : index
      %get3A_1830 = tpu.vector_load %arg10[%get3A_1828, %get3A_1829] {strides = array<i32>} : memref<50x32xf32, #tpu.memory_space<vmem>>, vector<16xf32>,
      %add3A_1831 = arith.addf %add3A_1811, %get3A_1830 : vector<16xf32>
      %get3A_1832 = arith.constant 35 : i32
      %get3A_1833 = arith.index_cast %get3A_1832 : i32 to index
      %get3A_1834 = arith.constant 16 : index
      %get3A_1835 = tpu.vector_load %arg10[%get3A_1833, %get3A_1834] {strides = array<i32>} : memref<50x32xf32, #tpu.memory_space<vmem>>, vector<16xf32>,
      %add3A_1836 = arith.addf %add3A_1816, %get3A_1835 : vector<16xf32>
      %get3A_1837 = arith.constant 35 : i32
      %get3A_1838 = arith.index_cast %get3A_1837 : i32 to index
      %get3A_1839 = arith.constant 0 : index
      %get3A_1840 = tpu.vector_load %arg14[%get3A_1838, %get3A_1839] {strides = array<i32>} : memref<50x32xf32, #tpu.memory_space<vmem>>, vector<16xf32>,
      %add3A_1841 = arith.addf %add3A_1821, %get3A_1840 : vector<16xf32>
      %get3A_1842 = arith.constant 35 : i32
      %get3A_1843 = arith.index_cast %get3A_1842 : i32 to index
      %get3A_1844 = arith.constant 16 : index
      %get3A_1845 = tpu.vector_load %arg14[%get3A_1843, %get3A_1844] {strides = array<i32>} : memref<50x32xf32, #tpu.memory_space<vmem>>, vector<16xf32>,
      %add3A_1846 = arith.addf %add3A_1826, %get3A_1845 : vector<16xf32>
      %get3A_1847 = arith.constant 36 : i32
      %get3A_1848 = arith.index_cast %get3A_1847 : i32 to index
      %get3A_1849 = arith.constant 0 : index
      %get3A_1850 = tpu.vector_load %arg10[%get3A_1848, %get3A_1849] {strides = array<i32>} : memref<50x32xf32, #tpu.memory_space<vmem>>, vector<16xf32>,
      %add3A_1851 = arith.addf %add3A_1831, %get3A_1850 : vector<16xf32>
      %get3A_1852 = arith.constant 36 : i32
      %get3A_1853 = arith.index_cast %get3A_1852 : i32 to index
      %get3A_1854 = arith.constant 16 : index
      %get3A_1855 = tpu.vector_load %arg10[%get3A_1853, %get3A_1854] {strides = array<i32>} : memref<50x32xf32, #tpu.memory_space<vmem>>, vector<16xf32>,
      %add3A_1856 = arith.addf %add3A_1836, %get3A_1855 : vector<16xf32>
      %get3A_1857 = arith.constant 36 : i32
      %get3A_1858 = arith.index_cast %get3A_1857 : i32 to index
      %get3A_1859 = arith.constant 0 : index
      %get3A_1860 = tpu.vector_load %arg14[%get3A_1858, %get3A_1859] {strides = array<i32>} : memref<50x32xf32, #tpu.memory_space<vmem>>, vector<16xf32>,
      %add3A_1861 = arith.addf %add3A_1841, %get3A_1860 : vector<16xf32>
      %get3A_1862 = arith.constant 36 : i32
      %get3A_1863 = arith.index_cast %get3A_1862 : i32 to index
      %get3A_1864 = arith.constant 16 : index
      %get3A_1865 = tpu.vector_load %arg14[%get3A_1863, %get3A_1864] {strides = array<i32>} : memref<50x32xf32, #tpu.memory_space<vmem>>, vector<16xf32>,
      %add3A_1866 = arith.addf %add3A_1846, %get3A_1865 : vector<16xf32>
      %get3A_1867 = arith.constant 37 : i32
      %get3A_1868 = arith.index_cast %get3A_1867 : i32 to index
      %get3A_1869 = arith.constant 0 : index
      %get3A_1870 = tpu.vector_load %arg10[%get3A_1868, %get3A_1869] {strides = array<i32>} : memref<50x32xf32, #tpu.memory_space<vmem>>, vector<16xf32>,
      %add3A_1871 = arith.addf %add3A_1851, %get3A_1870 : vector<16xf32>
      %get3A_1872 = arith.constant 37 : i32
      %get3A_1873 = arith.index_cast %get3A_1872 : i32 to index
      %get3A_1874 = arith.constant 16 : index
      %get3A_1875 = tpu.vector_load %arg10[%get3A_1873, %get3A_1874] {strides = array<i32>} : memref<50x32xf32, #tpu.memory_space<vmem>>, vector<16xf32>,
      %add3A_1876 = arith.addf %add3A_1856, %get3A_1875 : vector<16xf32>
      %get3A_1877 = arith.constant 37 : i32
      %get3A_1878 = arith.index_cast %get3A_1877 : i32 to index
      %get3A_1879 = arith.constant 0 : index
      %get3A_1880 = tpu.vector_load %arg14[%get3A_1878, %get3A_1879] {strides = array<i32>} : memref<50x32xf32, #tpu.memory_space<vmem>>, vector<16xf32>,
      %add3A_1881 = arith.addf %add3A_1861, %get3A_1880 : vector<16xf32>
      %get3A_1882 = arith.constant 37 : i32
      %get3A_1883 = arith.index_cast %get3A_1882 : i32 to index
      %get3A_1884 = arith.constant 16 : index
      %get3A_1885 = tpu.vector_load %arg14[%get3A_1883, %get3A_1884] {strides = array<i32>} : memref<50x32xf32, #tpu.memory_space<vmem>>, vector<16xf32>,
      %add3A_1886 = arith.addf %add3A_1866, %get3A_1885 : vector<16xf32>
      %get3A_1887 = arith.constant 38 : i32
      %get3A_1888 = arith.index_cast %get3A_1887 : i32 to index
      %get3A_1889 = arith.constant 0 : index
      %get3A_1890 = tpu.vector_load %arg10[%get3A_1888, %get3A_1889] {strides = array<i32>} : memref<50x32xf32, #tpu.memory_space<vmem>>, vector<16xf32>,
      %add3A_1891 = arith.addf %add3A_1871, %get3A_1890 : vector<16xf32>
      %get3A_1892 = arith.constant 38 : i32
      %get3A_1893 = arith.index_cast %get3A_1892 : i32 to index
      %get3A_1894 = arith.constant 16 : index
      %get3A_1895 = tpu.vector_load %arg10[%get3A_1893, %get3A_1894] {strides = array<i32>} : memref<50x32xf32, #tpu.memory_space<vmem>>, vector<16xf32>,
      %add3A_1896 = arith.addf %add3A_1876, %get3A_1895 : vector<16xf32>
      %get3A_1897 = arith.constant 38 : i32
      %get3A_1898 = arith.index_cast %get3A_1897 : i32 to index
      %get3A_1899 = arith.constant 0 : index
      %get3A_1900 = tpu.vector_load %arg14[%get3A_1898, %get3A_1899] {strides = array<i32>} : memref<50x32xf32, #tpu.memory_space<vmem>>, vector<16xf32>,
      %add3A_1901 = arith.addf %add3A_1881, %get3A_1900 : vector<16xf32>
      %get3A_1902 = arith.constant 38 : i32
      %get3A_1903 = arith.index_cast %get3A_1902 : i32 to index
      %get3A_1904 = arith.constant 16 : index
      %get3A_1905 = tpu.vector_load %arg14[%get3A_1903, %get3A_1904] {strides = array<i32>} : memref<50x32xf32, #tpu.memory_space<vmem>>, vector<16xf32>,
      %add3A_1906 = arith.addf %add3A_1886, %get3A_1905 : vector<16xf32>
      %get3A_1907 = arith.constant 39 : i32
      %get3A_1908 = arith.index_cast %get3A_1907 : i32 to index
      %get3A_1909 = arith.constant 0 : index
      %get3A_1910 = tpu.vector_load %arg10[%get3A_1908, %get3A_1909] {strides = array<i32>} : memref<50x32xf32, #tpu.memory_space<vmem>>, vector<16xf32>,
      %add3A_1911 = arith.addf %add3A_1891, %get3A_1910 : vector<16xf32>
      %get3A_1912 = arith.constant 39 : i32
      %get3A_1913 = arith.index_cast %get3A_1912 : i32 to index
      %get3A_1914 = arith.constant 16 : index
      %get3A_1915 = tpu.vector_load %arg10[%get3A_1913, %get3A_1914] {strides = array<i32>} : memref<50x32xf32, #tpu.memory_space<vmem>>, vector<16xf32>,
      %add3A_1916 = arith.addf %add3A_1896, %get3A_1915 : vector<16xf32>
      %get3A_1917 = arith.constant 39 : i32
      %get3A_1918 = arith.index_cast %get3A_1917 : i32 to index
      %get3A_1919 = arith.constant 0 : index
      %get3A_1920 = tpu.vector_load %arg14[%get3A_1918, %get3A_1919] {strides = array<i32>} : memref<50x32xf32, #tpu.memory_space<vmem>>, vector<16xf32>,
      %add3A_1921 = arith.addf %add3A_1901, %get3A_1920 : vector<16xf32>
      %get3A_1922 = arith.constant 39 : i32
      %get3A_1923 = arith.index_cast %get3A_1922 : i32 to index
      %get3A_1924 = arith.constant 16 : index
      %get3A_1925 = tpu.vector_load %arg14[%get3A_1923, %get3A_1924] {strides = array<i32>} : memref<50x32xf32, #tpu.memory_space<vmem>>, vector<16xf32>,
      %add3A_1926 = arith.addf %add3A_1906, %get3A_1925 : vector<16xf32>
      %get3A_1927 = arith.constant 40 : i32
      %get3A_1928 = arith.index_cast %get3A_1927 : i32 to index
      %get3A_1929 = arith.constant 0 : index
      %get3A_1930 = tpu.vector_load %arg10[%get3A_1928, %get3A_1929] {strides = array<i32>} : memref<50x32xf32, #tpu.memory_space<vmem>>, vector<16xf32>,
      %add3A_1931 = arith.addf %add3A_1911, %get3A_1930 : vector<16xf32>
      %get3A_1932 = arith.constant 40 : i32
      %get3A_1933 = arith.index_cast %get3A_1932 : i32 to index
      %get3A_1934 = arith.constant 16 : index
      %get3A_1935 = tpu.vector_load %arg10[%get3A_1933, %get3A_1934] {strides = array<i32>} : memref<50x32xf32, #tpu.memory_space<vmem>>, vector<16xf32>,
      %add3A_1936 = arith.addf %add3A_1916, %get3A_1935 : vector<16xf32>
      %get3A_1937 = arith.constant 40 : i32
      %get3A_1938 = arith.index_cast %get3A_1937 : i32 to index
      %get3A_1939 = arith.constant 0 : index
      %get3A_1940 = tpu.vector_load %arg14[%get3A_1938, %get3A_1939] {strides = array<i32>} : memref<50x32xf32, #tpu.memory_space<vmem>>, vector<16xf32>,
      %add3A_1941 = arith.addf %add3A_1921, %get3A_1940 : vector<16xf32>
      %get3A_1942 = arith.constant 40 : i32
      %get3A_1943 = arith.index_cast %get3A_1942 : i32 to index
      %get3A_1944 = arith.constant 16 : index
      %get3A_1945 = tpu.vector_load %arg14[%get3A_1943, %get3A_1944] {strides = array<i32>} : memref<50x32xf32, #tpu.memory_space<vmem>>, vector<16xf32>,
      %add3A_1946 = arith.addf %add3A_1926, %get3A_1945 : vector<16xf32>
      %get3A_1947 = arith.constant 41 : i32
      %get3A_1948 = arith.index_cast %get3A_1947 : i32 to index
      %get3A_1949 = arith.constant 0 : index
      %get3A_1950 = tpu.vector_load %arg10[%get3A_1948, %get3A_1949] {strides = array<i32>} : memref<50x32xf32, #tpu.memory_space<vmem>>, vector<16xf32>,
      %add3A_1951 = arith.addf %add3A_1931, %get3A_1950 : vector<16xf32>
      %get3A_1952 = arith.constant 41 : i32
      %get3A_1953 = arith.index_cast %get3A_1952 : i32 to index
      %get3A_1954 = arith.constant 16 : index
      %get3A_1955 = tpu.vector_load %arg10[%get3A_1953, %get3A_1954] {strides = array<i32>} : memref<50x32xf32, #tpu.memory_space<vmem>>, vector<16xf32>,
      %add3A_1956 = arith.addf %add3A_1936, %get3A_1955 : vector<16xf32>
      %get3A_1957 = arith.constant 41 : i32
      %get3A_1958 = arith.index_cast %get3A_1957 : i32 to index
      %get3A_1959 = arith.constant 0 : index
      %get3A_1960 = tpu.vector_load %arg14[%get3A_1958, %get3A_1959] {strides = array<i32>} : memref<50x32xf32, #tpu.memory_space<vmem>>, vector<16xf32>,
      %add3A_1961 = arith.addf %add3A_1941, %get3A_1960 : vector<16xf32>
      %get3A_1962 = arith.constant 41 : i32
      %get3A_1963 = arith.index_cast %get3A_1962 : i32 to index
      %get3A_1964 = arith.constant 16 : index
      %get3A_1965 = tpu.vector_load %arg14[%get3A_1963, %get3A_1964] {strides = array<i32>} : memref<50x32xf32, #tpu.memory_space<vmem>>, vector<16xf32>,
      %add3A_1966 = arith.addf %add3A_1946, %get3A_1965 : vector<16xf32>
      %get3A_1967 = arith.constant 42 : i32
      %get3A_1968 = arith.index_cast %get3A_1967 : i32 to index
      %get3A_1969 = arith.constant 0 : index
      %get3A_1970 = tpu.vector_load %arg10[%get3A_1968, %get3A_1969] {strides = array<i32>} : memref<50x32xf32, #tpu.memory_space<vmem>>, vector<16xf32>,
      %add3A_1971 = arith.addf %add3A_1951, %get3A_1970 : vector<16xf32>
      %get3A_1972 = arith.constant 42 : i32
      %get3A_1973 = arith.index_cast %get3A_1972 : i32 to index
      %get3A_1974 = arith.constant 16 : index
      %get3A_1975 = tpu.vector_load %arg10[%get3A_1973, %get3A_1974] {strides = array<i32>} : memref<50x32xf32, #tpu.memory_space<vmem>>, vector<16xf32>,
      %add3A_1976 = arith.addf %add3A_1956, %get3A_1975 : vector<16xf32>
      %get3A_1977 = arith.constant 42 : i32
      %get3A_1978 = arith.index_cast %get3A_1977 : i32 to index
      %get3A_1979 = arith.constant 0 : index
      %get3A_1980 = tpu.vector_load %arg14[%get3A_1978, %get3A_1979] {strides = array<i32>} : memref<50x32xf32, #tpu.memory_space<vmem>>, vector<16xf32>,
      %add3A_1981 = arith.addf %add3A_1961, %get3A_1980 : vector<16xf32>
      %get3A_1982 = arith.constant 42 : i32
      %get3A_1983 = arith.index_cast %get3A_1982 : i32 to index
      %get3A_1984 = arith.constant 16 : index
      %get3A_1985 = tpu.vector_load %arg14[%get3A_1983, %get3A_1984] {strides = array<i32>} : memref<50x32xf32, #tpu.memory_space<vmem>>, vector<16xf32>,
      %add3A_1986 = arith.addf %add3A_1966, %get3A_1985 : vector<16xf32>
      %get3A_1987 = arith.constant 43 : i32
      %get3A_1988 = arith.index_cast %get3A_1987 : i32 to index
      %get3A_1989 = arith.constant 0 : index
      %get3A_1990 = tpu.vector_load %arg10[%get3A_1988, %get3A_1989] {strides = array<i32>} : memref<50x32xf32, #tpu.memory_space<vmem>>, vector<16xf32>,
      %add3A_1991 = arith.addf %add3A_1971, %get3A_1990 : vector<16xf32>
      %get3A_1992 = arith.constant 43 : i32
      %get3A_1993 = arith.index_cast %get3A_1992 : i32 to index
      %get3A_1994 = arith.constant 16 : index
      %get3A_1995 = tpu.vector_load %arg10[%get3A_1993, %get3A_1994] {strides = array<i32>} : memref<50x32xf32, #tpu.memory_space<vmem>>, vector<16xf32>,
      %add3A_1996 = arith.addf %add3A_1976, %get3A_1995 : vector<16xf32>
      %get3A_1997 = arith.constant 43 : i32
      %get3A_1998 = arith.index_cast %get3A_1997 : i32 to index
      %get3A_1999 = arith.constant 0 : index
      %get3A_2000 = tpu.vector_load %arg14[%get3A_1998, %get3A_1999] {strides = array<i32>} : memref<50x32xf32, #tpu.memory_space<vmem>>, vector<16xf32>,
      %add3A_2001 = arith.addf %add3A_1981, %get3A_2000 : vector<16xf32>
      %get3A_2002 = arith.constant 43 : i32
      %get3A_2003 = arith.index_cast %get3A_2002 : i32 to index
      %get3A_2004 = arith.constant 16 : index
      %get3A_2005 = tpu.vector_load %arg14[%get3A_2003, %get3A_2004] {strides = array<i32>} : memref<50x32xf32, #tpu.memory_space<vmem>>, vector<16xf32>,
      %add3A_2006 = arith.addf %add3A_1986, %get3A_2005 : vector<16xf32>
      %get3A_2007 = arith.constant 44 : i32
      %get3A_2008 = arith.index_cast %get3A_2007 : i32 to index
      %get3A_2009 = arith.constant 0 : index
      %get3A_2010 = tpu.vector_load %arg10[%get3A_2008, %get3A_2009] {strides = array<i32>} : memref<50x32xf32, #tpu.memory_space<vmem>>, vector<16xf32>,
      %add3A_2011 = arith.addf %add3A_1991, %get3A_2010 : vector<16xf32>
      %get3A_2012 = arith.constant 44 : i32
      %get3A_2013 = arith.index_cast %get3A_2012 : i32 to index
      %get3A_2014 = arith.constant 16 : index
      %get3A_2015 = tpu.vector_load %arg10[%get3A_2013, %get3A_2014] {strides = array<i32>} : memref<50x32xf32, #tpu.memory_space<vmem>>, vector<16xf32>,
      %add3A_2016 = arith.addf %add3A_1996, %get3A_2015 : vector<16xf32>
      %get3A_2017 = arith.constant 44 : i32
      %get3A_2018 = arith.index_cast %get3A_2017 : i32 to index
      %get3A_2019 = arith.constant 0 : index
      %get3A_2020 = tpu.vector_load %arg14[%get3A_2018, %get3A_2019] {strides = array<i32>} : memref<50x32xf32, #tpu.memory_space<vmem>>, vector<16xf32>,
      %add3A_2021 = arith.addf %add3A_2001, %get3A_2020 : vector<16xf32>
      %get3A_2022 = arith.constant 44 : i32
      %get3A_2023 = arith.index_cast %get3A_2022 : i32 to index
      %get3A_2024 = arith.constant 16 : index
      %get3A_2025 = tpu.vector_load %arg14[%get3A_2023, %get3A_2024] {strides = array<i32>} : memref<50x32xf32, #tpu.memory_space<vmem>>, vector<16xf32>,
      %add3A_2026 = arith.addf %add3A_2006, %get3A_2025 : vector<16xf32>
      %get3A_2027 = arith.constant 45 : i32
      %get3A_2028 = arith.index_cast %get3A_2027 : i32 to index
      %get3A_2029 = arith.constant 0 : index
      %get3A_2030 = tpu.vector_load %arg10[%get3A_2028, %get3A_2029] {strides = array<i32>} : memref<50x32xf32, #tpu.memory_space<vmem>>, vector<16xf32>,
      %add3A_2031 = arith.addf %add3A_2011, %get3A_2030 : vector<16xf32>
      %get3A_2032 = arith.constant 45 : i32
      %get3A_2033 = arith.index_cast %get3A_2032 : i32 to index
      %get3A_2034 = arith.constant 16 : index
      %get3A_2035 = tpu.vector_load %arg10[%get3A_2033, %get3A_2034] {strides = array<i32>} : memref<50x32xf32, #tpu.memory_space<vmem>>, vector<16xf32>,
      %add3A_2036 = arith.addf %add3A_2016, %get3A_2035 : vector<16xf32>
      %get3A_2037 = arith.constant 45 : i32
      %get3A_2038 = arith.index_cast %get3A_2037 : i32 to index
      %get3A_2039 = arith.constant 0 : index
      %get3A_2040 = tpu.vector_load %arg14[%get3A_2038, %get3A_2039] {strides = array<i32>} : memref<50x32xf32, #tpu.memory_space<vmem>>, vector<16xf32>,
      %add3A_2041 = arith.addf %add3A_2021, %get3A_2040 : vector<16xf32>
      %get3A_2042 = arith.constant 45 : i32
      %get3A_2043 = arith.index_cast %get3A_2042 : i32 to index
      %get3A_2044 = arith.constant 16 : index
      %get3A_2045 = tpu.vector_load %arg14[%get3A_2043, %get3A_2044] {strides = array<i32>} : memref<50x32xf32, #tpu.memory_space<vmem>>, vector<16xf32>,
      %add3A_2046 = arith.addf %add3A_2026, %get3A_2045 : vector<16xf32>
      %get3A_2047 = arith.constant 46 : i32
      %get3A_2048 = arith.index_cast %get3A_2047 : i32 to index
      %get3A_2049 = arith.constant 0 : index
      %get3A_2050 = tpu.vector_load %arg10[%get3A_2048, %get3A_2049] {strides = array<i32>} : memref<50x32xf32, #tpu.memory_space<vmem>>, vector<16xf32>,
      %add3A_2051 = arith.addf %add3A_2031, %get3A_2050 : vector<16xf32>
      %get3A_2052 = arith.constant 46 : i32
      %get3A_2053 = arith.index_cast %get3A_2052 : i32 to index
      %get3A_2054 = arith.constant 16 : index
      %get3A_2055 = tpu.vector_load %arg10[%get3A_2053, %get3A_2054] {strides = array<i32>} : memref<50x32xf32, #tpu.memory_space<vmem>>, vector<16xf32>,
      %add3A_2056 = arith.addf %add3A_2036, %get3A_2055 : vector<16xf32>
      %get3A_2057 = arith.constant 46 : i32
      %get3A_2058 = arith.index_cast %get3A_2057 : i32 to index
      %get3A_2059 = arith.constant 0 : index
      %get3A_2060 = tpu.vector_load %arg14[%get3A_2058, %get3A_2059] {strides = array<i32>} : memref<50x32xf32, #tpu.memory_space<vmem>>, vector<16xf32>,
      %add3A_2061 = arith.addf %add3A_2041, %get3A_2060 : vector<16xf32>
      %get3A_2062 = arith.constant 46 : i32
      %get3A_2063 = arith.index_cast %get3A_2062 : i32 to index
      %get3A_2064 = arith.constant 16 : index
      %get3A_2065 = tpu.vector_load %arg14[%get3A_2063, %get3A_2064] {strides = array<i32>} : memref<50x32xf32, #tpu.memory_space<vmem>>, vector<16xf32>,
      %add3A_2066 = arith.addf %add3A_2046, %get3A_2065 : vector<16xf32>
      %get3A_2067 = arith.constant 47 : i32
      %get3A_2068 = arith.index_cast %get3A_2067 : i32 to index
      %get3A_2069 = arith.constant 0 : index
      %get3A_2070 = tpu.vector_load %arg10[%get3A_2068, %get3A_2069] {strides = array<i32>} : memref<50x32xf32, #tpu.memory_space<vmem>>, vector<16xf32>,
      %add3A_2071 = arith.addf %add3A_2051, %get3A_2070 : vector<16xf32>
      %get3A_2072 = arith.constant 47 : i32
      %get3A_2073 = arith.index_cast %get3A_2072 : i32 to index
      %get3A_2074 = arith.constant 16 : index
      %get3A_2075 = tpu.vector_load %arg10[%get3A_2073, %get3A_2074] {strides = array<i32>} : memref<50x32xf32, #tpu.memory_space<vmem>>, vector<16xf32>,
      %add3A_2076 = arith.addf %add3A_2056, %get3A_2075 : vector<16xf32>
      %get3A_2077 = arith.constant 47 : i32
      %get3A_2078 = arith.index_cast %get3A_2077 : i32 to index
      %get3A_2079 = arith.constant 0 : index
      %get3A_2080 = tpu.vector_load %arg14[%get3A_2078, %get3A_2079] {strides = array<i32>} : memref<50x32xf32, #tpu.memory_space<vmem>>, vector<16xf32>,
      %add3A_2081 = arith.addf %add3A_2061, %get3A_2080 : vector<16xf32>
      %get3A_2082 = arith.constant 47 : i32
      %get3A_2083 = arith.index_cast %get3A_2082 : i32 to index
      %get3A_2084 = arith.constant 16 : index
      %get3A_2085 = tpu.vector_load %arg14[%get3A_2083, %get3A_2084] {strides = array<i32>} : memref<50x32xf32, #tpu.memory_space<vmem>>, vector<16xf32>,
      %add3A_2086 = arith.addf %add3A_2066, %get3A_2085 : vector<16xf32>
      %get3A_2087 = arith.constant 48 : i32
      %get3A_2088 = arith.index_cast %get3A_2087 : i32 to index
      %get3A_2089 = arith.constant 0 : index
      %get3A_2090 = tpu.vector_load %arg10[%get3A_2088, %get3A_2089] {strides = array<i32>} : memref<50x32xf32, #tpu.memory_space<vmem>>, vector<16xf32>,
      %add3A_2091 = arith.addf %add3A_2071, %get3A_2090 : vector<16xf32>
      %get3A_2092 = arith.constant 48 : i32
      %get3A_2093 = arith.index_cast %get3A_2092 : i32 to index
      %get3A_2094 = arith.constant 16 : index
      %get3A_2095 = tpu.vector_load %arg10[%get3A_2093, %get3A_2094] {strides = array<i32>} : memref<50x32xf32, #tpu.memory_space<vmem>>, vector<16xf32>,
      %add3A_2096 = arith.addf %add3A_2076, %get3A_2095 : vector<16xf32>
      %get3A_2097 = arith.constant 48 : i32
      %get3A_2098 = arith.index_cast %get3A_2097 : i32 to index
      %get3A_2099 = arith.constant 0 : index
      %get3A_2100 = tpu.vector_load %arg14[%get3A_2098, %get3A_2099] {strides = array<i32>} : memref<50x32xf32, #tpu.memory_space<vmem>>, vector<16xf32>,
      %add3A_2101 = arith.addf %add3A_2081, %get3A_2100 : vector<16xf32>
      %get3A_2102 = arith.constant 48 : i32
      %get3A_2103 = arith.index_cast %get3A_2102 : i32 to index
      %get3A_2104 = arith.constant 16 : index
      %get3A_2105 = tpu.vector_load %arg14[%get3A_2103, %get3A_2104] {strides = array<i32>} : memref<50x32xf32, #tpu.memory_space<vmem>>, vector<16xf32>,
      %add3A_2106 = arith.addf %add3A_2086, %get3A_2105 : vector<16xf32>
      %get3A_2107 = arith.constant 49 : i32
      %get3A_2108 = arith.index_cast %get3A_2107 : i32 to index
      %get3A_2109 = arith.constant 0 : index
      %get3A_2110 = tpu.vector_load %arg10[%get3A_2108, %get3A_2109] {strides = array<i32>} : memref<50x32xf32, #tpu.memory_space<vmem>>, vector<16xf32>,
      %add3A_2111 = arith.addf %add3A_2091, %get3A_2110 : vector<16xf32>
      %get3A_2112 = arith.constant 49 : i32
      %get3A_2113 = arith.index_cast %get3A_2112 : i32 to index
      %get3A_2114 = arith.constant 16 : index
      %get3A_2115 = tpu.vector_load %arg10[%get3A_2113, %get3A_2114] {strides = array<i32>} : memref<50x32xf32, #tpu.memory_space<vmem>>, vector<16xf32>,
      %add3A_2116 = arith.addf %add3A_2096, %get3A_2115 : vector<16xf32>
      %get3A_2117 = arith.constant 49 : i32
      %get3A_2118 = arith.index_cast %get3A_2117 : i32 to index
      %get3A_2119 = arith.constant 0 : index
      %get3A_2120 = tpu.vector_load %arg14[%get3A_2118, %get3A_2119] {strides = array<i32>} : memref<50x32xf32, #tpu.memory_space<vmem>>, vector<16xf32>,
      %add3A_2121 = arith.addf %add3A_2101, %get3A_2120 : vector<16xf32>
      %get3A_2122 = arith.constant 49 : i32
      %get3A_2123 = arith.index_cast %get3A_2122 : i32 to index
      %get3A_2124 = arith.constant 16 : index
      %get3A_2125 = tpu.vector_load %arg14[%get3A_2123, %get3A_2124] {strides = array<i32>} : memref<50x32xf32, #tpu.memory_space<vmem>>, vector<16xf32>,
      %add3A_2126 = arith.addf %add3A_2106, %get3A_2125 : vector<16xf32>
      %mul3A_2127 = arith.mulf %add3A_2111, %add3A_2121 : vector<16xf32>
      %mul3A_2128 = arith.mulf %add3A_2116, %add3A_2126 : vector<16xf32>
      %add3A_2129 = arith.addf %mul3A_2127, %mul3A_2128 : vector<16xf32>
      %broadcast_in_dim3A_2130 = arith.constant true
      %broadcast_in_dim3A_2131 = vector.broadcast %broadcast_in_dim3A_2130 : i1 to vector<16xi1>
      %masked_cumsum3A_2132 = tpu.scan <sum>, %add3A_2129 masked %broadcast_in_dim3A_2131 : vector<16xf32>, vector<16xi1> -> vector<16xf32>
      %mul3A_2133 = arith.constant 4.000000e-04 : f32
      %mul3A_2134 = vector.broadcast %mul3A_2133 : f32 to vector<16xf32>
      %mul3A_2135 = arith.mulf %masked_cumsum3A_2132, %mul3A_2134 : vector<16xf32>
      %broadcast_in_dim3A_2136 = vector.broadcast %add3A_1118 : i32 to vector<16xi32>
      tpu.vector_store_idx %arg8[%broadcast_in_dim3A_2136], %mul3A_2135 masked %eq3A_4 : memref<128xf32, #tpu.memory_space<vmem>>[vector<16xi32>], vector<16xf32>, vector<16xi1>
      %dma_wait3A_2137 = arith.constant 0 : i32
      %dma_wait3A_2138 = arith.constant 0 : i32
      %dma_wait3A_2139 = tpu.memref_slice %arg6[%dma_wait3A_2137, %dma_wait3A_2138] : memref<128x50xi32, #tpu.memory_space<vmem>> -> memref<1x50xi32, #tpu.memory_space<vmem>>
      %dma_wait3A_2140 = tpu.memref_squeeze %dma_wait3A_2139 : memref<1x50xi32, #tpu.memory_space<vmem>> -> memref<50xi32, #tpu.memory_space<vmem>>
      %dma_wait3A_2141 = arith.constant 0 : i32
      %dma_wait3A_2142 = arith.constant 0 : i32
      %dma_wait3A_2143 = tpu.memref_slice %arg4[%dma_wait3A_2141, %dma_wait3A_2142] : memref<100000x32xf32, #tpu.memory_space<hbm>> -> memref<100000x32xf32, #tpu.memory_space<hbm>>
      tpu.wait_indirect_dma semaphore(%arg19 : memref<!tpu.dma_semaphore, #tpu.memory_space<semaphore_mem>>) src(%dma_wait3A_2143 : memref<100000x32xf32, #tpu.memory_space<hbm>>) dst(%arg11 : memref<50x32xf32, #tpu.memory_space<vmem>>)
      %dma_wait3A_2144 = arith.constant 0 : i32
      %dma_wait3A_2145 = arith.constant 0 : i32
      %dma_wait3A_2146 = tpu.memref_slice %arg7[%dma_wait3A_2144, %dma_wait3A_2145] : memref<128x50xi32, #tpu.memory_space<vmem>> -> memref<1x50xi32, #tpu.memory_space<vmem>>
      %dma_wait3A_2147 = tpu.memref_squeeze %dma_wait3A_2146 : memref<1x50xi32, #tpu.memory_space<vmem>> -> memref<50xi32, #tpu.memory_space<vmem>>
      %dma_wait3A_2148 = arith.constant 0 : i32
      %dma_wait3A_2149 = arith.constant 0 : i32
      %dma_wait3A_2150 = tpu.memref_slice %arg4[%dma_wait3A_2148, %dma_wait3A_2149] : memref<100000x32xf32, #tpu.memory_space<hbm>> -> memref<100000x32xf32, #tpu.memory_space<hbm>>
      tpu.wait_indirect_dma semaphore(%arg23 : memref<!tpu.dma_semaphore, #tpu.memory_space<semaphore_mem>>) src(%dma_wait3A_2150 : memref<100000x32xf32, #tpu.memory_space<hbm>>) dst(%arg15 : memref<50x32xf32, #tpu.memory_space<vmem>>)
      %add3A_2151 = arith.constant 2 : i32
      %add3A_2152 = arith.addi %add3A_54, %add3A_2151 : i32
      %add3A_2153 = arith.constant 4 : i32
      %add3A_2154 = arith.addi %add3A_2152, %add3A_2153 : i32
      %sub3A_2155 = arith.constant 1 : i32
      %sub3A_2156 = arith.subi %add3A_2154, %sub3A_2155 : i32
      %lt3A_2157 = arith.constant 128 : i32
      %lt3A_2158 = arith.cmpi slt, %sub3A_2156, %lt3A_2157 : i32
      %convert_element_type3A_2159 = arith.extui %lt3A_2158 : i1 to i32
      %cond3A_2160 = arith.constant 0 : i32
      %cond3A_2161 = arith.cmpi ne, %convert_element_type3A_2159, %cond3A_2160 : i32
      scf.if %cond3A_2161 {
        %add3A_4227 = arith.constant 2 : i32
        %add3A_4228 = arith.addi %add3A_54, %add3A_4227 : i32
        %add3A_4229 = arith.constant 4 : i32
        %add3A_4230 = arith.addi %add3A_4228, %add3A_4229 : i32
        %sub3A_4231 = arith.constant 1 : i32
        %sub3A_4232 = arith.subi %add3A_4230, %sub3A_4231 : i32
        %dma_start3A_4233 = arith.constant 0 : i32
        %dma_start3A_4234 = tpu.memref_slice %arg6[%sub3A_4232, %dma_start3A_4233] : memref<128x50xi32, #tpu.memory_space<vmem>> -> memref<1x50xi32, #tpu.memory_space<vmem>>
        %dma_start3A_4235 = tpu.memref_squeeze %dma_start3A_4234 : memref<1x50xi32, #tpu.memory_space<vmem>> -> memref<50xi32, #tpu.memory_space<vmem>>
        %dma_start3A_4236 = arith.constant 0 : i32
        %dma_start3A_4237 = arith.constant 0 : i32
        %dma_start3A_4238 = tpu.memref_slice %arg4[%dma_start3A_4236, %dma_start3A_4237] : memref<100000x32xf32, #tpu.memory_space<hbm>> -> memref<100000x32xf32, #tpu.memory_space<hbm>>
        tpu.enqueue_indirect_dma source(%dma_start3A_4238 : memref<100000x32xf32, #tpu.memory_space<hbm>>) target(%arg10 : memref<50x32xf32, #tpu.memory_space<vmem>>) offsets(%dma_start3A_4235 : memref<50xi32, #tpu.memory_space<vmem>>) semaphore(%arg18 : memref<!tpu.dma_semaphore, #tpu.memory_space<semaphore_mem>>)
        %dma_start3A_4239 = arith.constant 0 : i32
        %dma_start3A_4240 = tpu.memref_slice %arg7[%sub3A_4232, %dma_start3A_4239] : memref<128x50xi32, #tpu.memory_space<vmem>> -> memref<1x50xi32, #tpu.memory_space<vmem>>
        %dma_start3A_4241 = tpu.memref_squeeze %dma_start3A_4240 : memref<1x50xi32, #tpu.memory_space<vmem>> -> memref<50xi32, #tpu.memory_space<vmem>>
        %dma_start3A_4242 = arith.constant 0 : i32
        %dma_start3A_4243 = arith.constant 0 : i32
        %dma_start3A_4244 = tpu.memref_slice %arg4[%dma_start3A_4242, %dma_start3A_4243] : memref<100000x32xf32, #tpu.memory_space<hbm>> -> memref<100000x32xf32, #tpu.memory_space<hbm>>
        tpu.enqueue_indirect_dma source(%dma_start3A_4244 : memref<100000x32xf32, #tpu.memory_space<hbm>>) target(%arg14 : memref<50x32xf32, #tpu.memory_space<vmem>>) offsets(%dma_start3A_4241 : memref<50xi32, #tpu.memory_space<vmem>>) semaphore(%arg22 : memref<!tpu.dma_semaphore, #tpu.memory_space<semaphore_mem>>)
      } else {
      }
      %add3A_2162 = arith.constant 2 : i32
      %add3A_2163 = arith.addi %add3A_54, %add3A_2162 : i32
      %broadcast_in_dim3A_2164 = arith.constant 0.000000e+00 : f32
      %broadcast_in_dim3A_2165 = vector.broadcast %broadcast_in_dim3A_2164 : f32 to vector<16xf32>
      %broadcast_in_dim3A_2166 = arith.constant 0.000000e+00 : f32
      %broadcast_in_dim3A_2167 = vector.broadcast %broadcast_in_dim3A_2166 : f32 to vector<16xf32>
      %broadcast_in_dim3A_2168 = arith.constant 0.000000e+00 : f32
      %broadcast_in_dim3A_2169 = vector.broadcast %broadcast_in_dim3A_2168 : f32 to vector<16xf32>
      %broadcast_in_dim3A_2170 = arith.constant 0.000000e+00 : f32
      %broadcast_in_dim3A_2171 = vector.broadcast %broadcast_in_dim3A_2170 : f32 to vector<16xf32>
      %get3A_2172 = arith.constant 0 : i32
      %get3A_2173 = arith.index_cast %get3A_2172 : i32 to index
      %get3A_2174 = arith.constant 0 : index
      %get3A_2175 = tpu.vector_load %arg11[%get3A_2173, %get3A_2174] {strides = array<i32>} : memref<50x32xf32, #tpu.memory_space<vmem>>, vector<16xf32>,
      %add3A_2176 = arith.addf %broadcast_in_dim3A_2165, %get3A_2175 : vector<16xf32>
      %get3A_2177 = arith.constant 0 : i32
      %get3A_2178 = arith.index_cast %get3A_2177 : i32 to index
      %get3A_2179 = arith.constant 16 : index
      %get3A_2180 = tpu.vector_load %arg11[%get3A_2178, %get3A_2179] {strides = array<i32>} : memref<50x32xf32, #tpu.memory_space<vmem>>, vector<16xf32>,
      %add3A_2181 = arith.addf %broadcast_in_dim3A_2167, %get3A_2180 : vector<16xf32>
      %get3A_2182 = arith.constant 0 : i32
      %get3A_2183 = arith.index_cast %get3A_2182 : i32 to index
      %get3A_2184 = arith.constant 0 : index
      %get3A_2185 = tpu.vector_load %arg15[%get3A_2183, %get3A_2184] {strides = array<i32>} : memref<50x32xf32, #tpu.memory_space<vmem>>, vector<16xf32>,
      %add3A_2186 = arith.addf %broadcast_in_dim3A_2169, %get3A_2185 : vector<16xf32>
      %get3A_2187 = arith.constant 0 : i32
      %get3A_2188 = arith.index_cast %get3A_2187 : i32 to index
      %get3A_2189 = arith.constant 16 : index
      %get3A_2190 = tpu.vector_load %arg15[%get3A_2188, %get3A_2189] {strides = array<i32>} : memref<50x32xf32, #tpu.memory_space<vmem>>, vector<16xf32>,
      %add3A_2191 = arith.addf %broadcast_in_dim3A_2171, %get3A_2190 : vector<16xf32>
      %get3A_2192 = arith.constant 1 : i32
      %get3A_2193 = arith.index_cast %get3A_2192 : i32 to index
      %get3A_2194 = arith.constant 0 : index
      %get3A_2195 = tpu.vector_load %arg11[%get3A_2193, %get3A_2194] {strides = array<i32>} : memref<50x32xf32, #tpu.memory_space<vmem>>, vector<16xf32>,
      %add3A_2196 = arith.addf %add3A_2176, %get3A_2195 : vector<16xf32>
      %get3A_2197 = arith.constant 1 : i32
      %get3A_2198 = arith.index_cast %get3A_2197 : i32 to index
      %get3A_2199 = arith.constant 16 : index
      %get3A_2200 = tpu.vector_load %arg11[%get3A_2198, %get3A_2199] {strides = array<i32>} : memref<50x32xf32, #tpu.memory_space<vmem>>, vector<16xf32>,
      %add3A_2201 = arith.addf %add3A_2181, %get3A_2200 : vector<16xf32>
      %get3A_2202 = arith.constant 1 : i32
      %get3A_2203 = arith.index_cast %get3A_2202 : i32 to index
      %get3A_2204 = arith.constant 0 : index
      %get3A_2205 = tpu.vector_load %arg15[%get3A_2203, %get3A_2204] {strides = array<i32>} : memref<50x32xf32, #tpu.memory_space<vmem>>, vector<16xf32>,
      %add3A_2206 = arith.addf %add3A_2186, %get3A_2205 : vector<16xf32>
      %get3A_2207 = arith.constant 1 : i32
      %get3A_2208 = arith.index_cast %get3A_2207 : i32 to index
      %get3A_2209 = arith.constant 16 : index
      %get3A_2210 = tpu.vector_load %arg15[%get3A_2208, %get3A_2209] {strides = array<i32>} : memref<50x32xf32, #tpu.memory_space<vmem>>, vector<16xf32>,
      %add3A_2211 = arith.addf %add3A_2191, %get3A_2210 : vector<16xf32>
      %get3A_2212 = arith.constant 2 : i32
      %get3A_2213 = arith.index_cast %get3A_2212 : i32 to index
      %get3A_2214 = arith.constant 0 : index
      %get3A_2215 = tpu.vector_load %arg11[%get3A_2213, %get3A_2214] {strides = array<i32>} : memref<50x32xf32, #tpu.memory_space<vmem>>, vector<16xf32>,
      %add3A_2216 = arith.addf %add3A_2196, %get3A_2215 : vector<16xf32>
      %get3A_2217 = arith.constant 2 : i32
      %get3A_2218 = arith.index_cast %get3A_2217 : i32 to index
      %get3A_2219 = arith.constant 16 : index
      %get3A_2220 = tpu.vector_load %arg11[%get3A_2218, %get3A_2219] {strides = array<i32>} : memref<50x32xf32, #tpu.memory_space<vmem>>, vector<16xf32>,
      %add3A_2221 = arith.addf %add3A_2201, %get3A_2220 : vector<16xf32>
      %get3A_2222 = arith.constant 2 : i32
      %get3A_2223 = arith.index_cast %get3A_2222 : i32 to index
      %get3A_2224 = arith.constant 0 : index
      %get3A_2225 = tpu.vector_load %arg15[%get3A_2223, %get3A_2224] {strides = array<i32>} : memref<50x32xf32, #tpu.memory_space<vmem>>, vector<16xf32>,
      %add3A_2226 = arith.addf %add3A_2206, %get3A_2225 : vector<16xf32>
      %get3A_2227 = arith.constant 2 : i32
      %get3A_2228 = arith.index_cast %get3A_2227 : i32 to index
      %get3A_2229 = arith.constant 16 : index
      %get3A_2230 = tpu.vector_load %arg15[%get3A_2228, %get3A_2229] {strides = array<i32>} : memref<50x32xf32, #tpu.memory_space<vmem>>, vector<16xf32>,
      %add3A_2231 = arith.addf %add3A_2211, %get3A_2230 : vector<16xf32>
      %get3A_2232 = arith.constant 3 : i32
      %get3A_2233 = arith.index_cast %get3A_2232 : i32 to index
      %get3A_2234 = arith.constant 0 : index
      %get3A_2235 = tpu.vector_load %arg11[%get3A_2233, %get3A_2234] {strides = array<i32>} : memref<50x32xf32, #tpu.memory_space<vmem>>, vector<16xf32>,
      %add3A_2236 = arith.addf %add3A_2216, %get3A_2235 : vector<16xf32>
      %get3A_2237 = arith.constant 3 : i32
      %get3A_2238 = arith.index_cast %get3A_2237 : i32 to index
      %get3A_2239 = arith.constant 16 : index
      %get3A_2240 = tpu.vector_load %arg11[%get3A_2238, %get3A_2239] {strides = array<i32>} : memref<50x32xf32, #tpu.memory_space<vmem>>, vector<16xf32>,
      %add3A_2241 = arith.addf %add3A_2221, %get3A_2240 : vector<16xf32>
      %get3A_2242 = arith.constant 3 : i32
      %get3A_2243 = arith.index_cast %get3A_2242 : i32 to index
      %get3A_2244 = arith.constant 0 : index
      %get3A_2245 = tpu.vector_load %arg15[%get3A_2243, %get3A_2244] {strides = array<i32>} : memref<50x32xf32, #tpu.memory_space<vmem>>, vector<16xf32>,
      %add3A_2246 = arith.addf %add3A_2226, %get3A_2245 : vector<16xf32>
      %get3A_2247 = arith.constant 3 : i32
      %get3A_2248 = arith.index_cast %get3A_2247 : i32 to index
      %get3A_2249 = arith.constant 16 : index
      %get3A_2250 = tpu.vector_load %arg15[%get3A_2248, %get3A_2249] {strides = array<i32>} : memref<50x32xf32, #tpu.memory_space<vmem>>, vector<16xf32>,
      %add3A_2251 = arith.addf %add3A_2231, %get3A_2250 : vector<16xf32>
      %get3A_2252 = arith.constant 4 : i32
      %get3A_2253 = arith.index_cast %get3A_2252 : i32 to index
      %get3A_2254 = arith.constant 0 : index
      %get3A_2255 = tpu.vector_load %arg11[%get3A_2253, %get3A_2254] {strides = array<i32>} : memref<50x32xf32, #tpu.memory_space<vmem>>, vector<16xf32>,
      %add3A_2256 = arith.addf %add3A_2236, %get3A_2255 : vector<16xf32>
      %get3A_2257 = arith.constant 4 : i32
      %get3A_2258 = arith.index_cast %get3A_2257 : i32 to index
      %get3A_2259 = arith.constant 16 : index
      %get3A_2260 = tpu.vector_load %arg11[%get3A_2258, %get3A_2259] {strides = array<i32>} : memref<50x32xf32, #tpu.memory_space<vmem>>, vector<16xf32>,
      %add3A_2261 = arith.addf %add3A_2241, %get3A_2260 : vector<16xf32>
      %get3A_2262 = arith.constant 4 : i32
      %get3A_2263 = arith.index_cast %get3A_2262 : i32 to index
      %get3A_2264 = arith.constant 0 : index
      %get3A_2265 = tpu.vector_load %arg15[%get3A_2263, %get3A_2264] {strides = array<i32>} : memref<50x32xf32, #tpu.memory_space<vmem>>, vector<16xf32>,
      %add3A_2266 = arith.addf %add3A_2246, %get3A_2265 : vector<16xf32>
      %get3A_2267 = arith.constant 4 : i32
      %get3A_2268 = arith.index_cast %get3A_2267 : i32 to index
      %get3A_2269 = arith.constant 16 : index
      %get3A_2270 = tpu.vector_load %arg15[%get3A_2268, %get3A_2269] {strides = array<i32>} : memref<50x32xf32, #tpu.memory_space<vmem>>, vector<16xf32>,
      %add3A_2271 = arith.addf %add3A_2251, %get3A_2270 : vector<16xf32>
      %get3A_2272 = arith.constant 5 : i32
      %get3A_2273 = arith.index_cast %get3A_2272 : i32 to index
      %get3A_2274 = arith.constant 0 : index
      %get3A_2275 = tpu.vector_load %arg11[%get3A_2273, %get3A_2274] {strides = array<i32>} : memref<50x32xf32, #tpu.memory_space<vmem>>, vector<16xf32>,
      %add3A_2276 = arith.addf %add3A_2256, %get3A_2275 : vector<16xf32>
      %get3A_2277 = arith.constant 5 : i32
      %get3A_2278 = arith.index_cast %get3A_2277 : i32 to index
      %get3A_2279 = arith.constant 16 : index
      %get3A_2280 = tpu.vector_load %arg11[%get3A_2278, %get3A_2279] {strides = array<i32>} : memref<50x32xf32, #tpu.memory_space<vmem>>, vector<16xf32>,
      %add3A_2281 = arith.addf %add3A_2261, %get3A_2280 : vector<16xf32>
      %get3A_2282 = arith.constant 5 : i32
      %get3A_2283 = arith.index_cast %get3A_2282 : i32 to index
      %get3A_2284 = arith.constant 0 : index
      %get3A_2285 = tpu.vector_load %arg15[%get3A_2283, %get3A_2284] {strides = array<i32>} : memref<50x32xf32, #tpu.memory_space<vmem>>, vector<16xf32>,
      %add3A_2286 = arith.addf %add3A_2266, %get3A_2285 : vector<16xf32>
      %get3A_2287 = arith.constant 5 : i32
      %get3A_2288 = arith.index_cast %get3A_2287 : i32 to index
      %get3A_2289 = arith.constant 16 : index
      %get3A_2290 = tpu.vector_load %arg15[%get3A_2288, %get3A_2289] {strides = array<i32>} : memref<50x32xf32, #tpu.memory_space<vmem>>, vector<16xf32>,
      %add3A_2291 = arith.addf %add3A_2271, %get3A_2290 : vector<16xf32>
      %get3A_2292 = arith.constant 6 : i32
      %get3A_2293 = arith.index_cast %get3A_2292 : i32 to index
      %get3A_2294 = arith.constant 0 : index
      %get3A_2295 = tpu.vector_load %arg11[%get3A_2293, %get3A_2294] {strides = array<i32>} : memref<50x32xf32, #tpu.memory_space<vmem>>, vector<16xf32>,
      %add3A_2296 = arith.addf %add3A_2276, %get3A_2295 : vector<16xf32>
      %get3A_2297 = arith.constant 6 : i32
      %get3A_2298 = arith.index_cast %get3A_2297 : i32 to index
      %get3A_2299 = arith.constant 16 : index
      %get3A_2300 = tpu.vector_load %arg11[%get3A_2298, %get3A_2299] {strides = array<i32>} : memref<50x32xf32, #tpu.memory_space<vmem>>, vector<16xf32>,
      %add3A_2301 = arith.addf %add3A_2281, %get3A_2300 : vector<16xf32>
      %get3A_2302 = arith.constant 6 : i32
      %get3A_2303 = arith.index_cast %get3A_2302 : i32 to index
      %get3A_2304 = arith.constant 0 : index
      %get3A_2305 = tpu.vector_load %arg15[%get3A_2303, %get3A_2304] {strides = array<i32>} : memref<50x32xf32, #tpu.memory_space<vmem>>, vector<16xf32>,
      %add3A_2306 = arith.addf %add3A_2286, %get3A_2305 : vector<16xf32>
      %get3A_2307 = arith.constant 6 : i32
      %get3A_2308 = arith.index_cast %get3A_2307 : i32 to index
      %get3A_2309 = arith.constant 16 : index
      %get3A_2310 = tpu.vector_load %arg15[%get3A_2308, %get3A_2309] {strides = array<i32>} : memref<50x32xf32, #tpu.memory_space<vmem>>, vector<16xf32>,
      %add3A_2311 = arith.addf %add3A_2291, %get3A_2310 : vector<16xf32>
      %get3A_2312 = arith.constant 7 : i32
      %get3A_2313 = arith.index_cast %get3A_2312 : i32 to index
      %get3A_2314 = arith.constant 0 : index
      %get3A_2315 = tpu.vector_load %arg11[%get3A_2313, %get3A_2314] {strides = array<i32>} : memref<50x32xf32, #tpu.memory_space<vmem>>, vector<16xf32>,
      %add3A_2316 = arith.addf %add3A_2296, %get3A_2315 : vector<16xf32>
      %get3A_2317 = arith.constant 7 : i32
      %get3A_2318 = arith.index_cast %get3A_2317 : i32 to index
      %get3A_2319 = arith.constant 16 : index
      %get3A_2320 = tpu.vector_load %arg11[%get3A_2318, %get3A_2319] {strides = array<i32>} : memref<50x32xf32, #tpu.memory_space<vmem>>, vector<16xf32>,
      %add3A_2321 = arith.addf %add3A_2301, %get3A_2320 : vector<16xf32>
      %get3A_2322 = arith.constant 7 : i32
      %get3A_2323 = arith.index_cast %get3A_2322 : i32 to index
      %get3A_2324 = arith.constant 0 : index
      %get3A_2325 = tpu.vector_load %arg15[%get3A_2323, %get3A_2324] {strides = array<i32>} : memref<50x32xf32, #tpu.memory_space<vmem>>, vector<16xf32>,
      %add3A_2326 = arith.addf %add3A_2306, %get3A_2325 : vector<16xf32>
      %get3A_2327 = arith.constant 7 : i32
      %get3A_2328 = arith.index_cast %get3A_2327 : i32 to index
      %get3A_2329 = arith.constant 16 : index
      %get3A_2330 = tpu.vector_load %arg15[%get3A_2328, %get3A_2329] {strides = array<i32>} : memref<50x32xf32, #tpu.memory_space<vmem>>, vector<16xf32>,
      %add3A_2331 = arith.addf %add3A_2311, %get3A_2330 : vector<16xf32>
      %get3A_2332 = arith.constant 8 : i32
      %get3A_2333 = arith.index_cast %get3A_2332 : i32 to index
      %get3A_2334 = arith.constant 0 : index
      %get3A_2335 = tpu.vector_load %arg11[%get3A_2333, %get3A_2334] {strides = array<i32>} : memref<50x32xf32, #tpu.memory_space<vmem>>, vector<16xf32>,
      %add3A_2336 = arith.addf %add3A_2316, %get3A_2335 : vector<16xf32>
      %get3A_2337 = arith.constant 8 : i32
      %get3A_2338 = arith.index_cast %get3A_2337 : i32 to index
      %get3A_2339 = arith.constant 16 : index
      %get3A_2340 = tpu.vector_load %arg11[%get3A_2338, %get3A_2339] {strides = array<i32>} : memref<50x32xf32, #tpu.memory_space<vmem>>, vector<16xf32>,
      %add3A_2341 = arith.addf %add3A_2321, %get3A_2340 : vector<16xf32>
      %get3A_2342 = arith.constant 8 : i32
      %get3A_2343 = arith.index_cast %get3A_2342 : i32 to index
      %get3A_2344 = arith.constant 0 : index
      %get3A_2345 = tpu.vector_load %arg15[%get3A_2343, %get3A_2344] {strides = array<i32>} : memref<50x32xf32, #tpu.memory_space<vmem>>, vector<16xf32>,
      %add3A_2346 = arith.addf %add3A_2326, %get3A_2345 : vector<16xf32>
      %get3A_2347 = arith.constant 8 : i32
      %get3A_2348 = arith.index_cast %get3A_2347 : i32 to index
      %get3A_2349 = arith.constant 16 : index
      %get3A_2350 = tpu.vector_load %arg15[%get3A_2348, %get3A_2349] {strides = array<i32>} : memref<50x32xf32, #tpu.memory_space<vmem>>, vector<16xf32>,
      %add3A_2351 = arith.addf %add3A_2331, %get3A_2350 : vector<16xf32>
      %get3A_2352 = arith.constant 9 : i32
      %get3A_2353 = arith.index_cast %get3A_2352 : i32 to index
      %get3A_2354 = arith.constant 0 : index
      %get3A_2355 = tpu.vector_load %arg11[%get3A_2353, %get3A_2354] {strides = array<i32>} : memref<50x32xf32, #tpu.memory_space<vmem>>, vector<16xf32>,
      %add3A_2356 = arith.addf %add3A_2336, %get3A_2355 : vector<16xf32>
      %get3A_2357 = arith.constant 9 : i32
      %get3A_2358 = arith.index_cast %get3A_2357 : i32 to index
      %get3A_2359 = arith.constant 16 : index
      %get3A_2360 = tpu.vector_load %arg11[%get3A_2358, %get3A_2359] {strides = array<i32>} : memref<50x32xf32, #tpu.memory_space<vmem>>, vector<16xf32>,
      %add3A_2361 = arith.addf %add3A_2341, %get3A_2360 : vector<16xf32>
      %get3A_2362 = arith.constant 9 : i32
      %get3A_2363 = arith.index_cast %get3A_2362 : i32 to index
      %get3A_2364 = arith.constant 0 : index
      %get3A_2365 = tpu.vector_load %arg15[%get3A_2363, %get3A_2364] {strides = array<i32>} : memref<50x32xf32, #tpu.memory_space<vmem>>, vector<16xf32>,
      %add3A_2366 = arith.addf %add3A_2346, %get3A_2365 : vector<16xf32>
      %get3A_2367 = arith.constant 9 : i32
      %get3A_2368 = arith.index_cast %get3A_2367 : i32 to index
      %get3A_2369 = arith.constant 16 : index
      %get3A_2370 = tpu.vector_load %arg15[%get3A_2368, %get3A_2369] {strides = array<i32>} : memref<50x32xf32, #tpu.memory_space<vmem>>, vector<16xf32>,
      %add3A_2371 = arith.addf %add3A_2351, %get3A_2370 : vector<16xf32>
      %get3A_2372 = arith.constant 10 : i32
      %get3A_2373 = arith.index_cast %get3A_2372 : i32 to index
      %get3A_2374 = arith.constant 0 : index
      %get3A_2375 = tpu.vector_load %arg11[%get3A_2373, %get3A_2374] {strides = array<i32>} : memref<50x32xf32, #tpu.memory_space<vmem>>, vector<16xf32>,
      %add3A_2376 = arith.addf %add3A_2356, %get3A_2375 : vector<16xf32>
      %get3A_2377 = arith.constant 10 : i32
      %get3A_2378 = arith.index_cast %get3A_2377 : i32 to index
      %get3A_2379 = arith.constant 16 : index
      %get3A_2380 = tpu.vector_load %arg11[%get3A_2378, %get3A_2379] {strides = array<i32>} : memref<50x32xf32, #tpu.memory_space<vmem>>, vector<16xf32>,
      %add3A_2381 = arith.addf %add3A_2361, %get3A_2380 : vector<16xf32>
      %get3A_2382 = arith.constant 10 : i32
      %get3A_2383 = arith.index_cast %get3A_2382 : i32 to index
      %get3A_2384 = arith.constant 0 : index
      %get3A_2385 = tpu.vector_load %arg15[%get3A_2383, %get3A_2384] {strides = array<i32>} : memref<50x32xf32, #tpu.memory_space<vmem>>, vector<16xf32>,
      %add3A_2386 = arith.addf %add3A_2366, %get3A_2385 : vector<16xf32>
      %get3A_2387 = arith.constant 10 : i32
      %get3A_2388 = arith.index_cast %get3A_2387 : i32 to index
      %get3A_2389 = arith.constant 16 : index
      %get3A_2390 = tpu.vector_load %arg15[%get3A_2388, %get3A_2389] {strides = array<i32>} : memref<50x32xf32, #tpu.memory_space<vmem>>, vector<16xf32>,
      %add3A_2391 = arith.addf %add3A_2371, %get3A_2390 : vector<16xf32>
      %get3A_2392 = arith.constant 11 : i32
      %get3A_2393 = arith.index_cast %get3A_2392 : i32 to index
      %get3A_2394 = arith.constant 0 : index
      %get3A_2395 = tpu.vector_load %arg11[%get3A_2393, %get3A_2394] {strides = array<i32>} : memref<50x32xf32, #tpu.memory_space<vmem>>, vector<16xf32>,
      %add3A_2396 = arith.addf %add3A_2376, %get3A_2395 : vector<16xf32>
      %get3A_2397 = arith.constant 11 : i32
      %get3A_2398 = arith.index_cast %get3A_2397 : i32 to index
      %get3A_2399 = arith.constant 16 : index
      %get3A_2400 = tpu.vector_load %arg11[%get3A_2398, %get3A_2399] {strides = array<i32>} : memref<50x32xf32, #tpu.memory_space<vmem>>, vector<16xf32>,
      %add3A_2401 = arith.addf %add3A_2381, %get3A_2400 : vector<16xf32>
      %get3A_2402 = arith.constant 11 : i32
      %get3A_2403 = arith.index_cast %get3A_2402 : i32 to index
      %get3A_2404 = arith.constant 0 : index
      %get3A_2405 = tpu.vector_load %arg15[%get3A_2403, %get3A_2404] {strides = array<i32>} : memref<50x32xf32, #tpu.memory_space<vmem>>, vector<16xf32>,
      %add3A_2406 = arith.addf %add3A_2386, %get3A_2405 : vector<16xf32>
      %get3A_2407 = arith.constant 11 : i32
      %get3A_2408 = arith.index_cast %get3A_2407 : i32 to index
      %get3A_2409 = arith.constant 16 : index
      %get3A_2410 = tpu.vector_load %arg15[%get3A_2408, %get3A_2409] {strides = array<i32>} : memref<50x32xf32, #tpu.memory_space<vmem>>, vector<16xf32>,
      %add3A_2411 = arith.addf %add3A_2391, %get3A_2410 : vector<16xf32>
      %get3A_2412 = arith.constant 12 : i32
      %get3A_2413 = arith.index_cast %get3A_2412 : i32 to index
      %get3A_2414 = arith.constant 0 : index
      %get3A_2415 = tpu.vector_load %arg11[%get3A_2413, %get3A_2414] {strides = array<i32>} : memref<50x32xf32, #tpu.memory_space<vmem>>, vector<16xf32>,
      %add3A_2416 = arith.addf %add3A_2396, %get3A_2415 : vector<16xf32>
      %get3A_2417 = arith.constant 12 : i32
      %get3A_2418 = arith.index_cast %get3A_2417 : i32 to index
      %get3A_2419 = arith.constant 16 : index
      %get3A_2420 = tpu.vector_load %arg11[%get3A_2418, %get3A_2419] {strides = array<i32>} : memref<50x32xf32, #tpu.memory_space<vmem>>, vector<16xf32>,
      %add3A_2421 = arith.addf %add3A_2401, %get3A_2420 : vector<16xf32>
      %get3A_2422 = arith.constant 12 : i32
      %get3A_2423 = arith.index_cast %get3A_2422 : i32 to index
      %get3A_2424 = arith.constant 0 : index
      %get3A_2425 = tpu.vector_load %arg15[%get3A_2423, %get3A_2424] {strides = array<i32>} : memref<50x32xf32, #tpu.memory_space<vmem>>, vector<16xf32>,
      %add3A_2426 = arith.addf %add3A_2406, %get3A_2425 : vector<16xf32>
      %get3A_2427 = arith.constant 12 : i32
      %get3A_2428 = arith.index_cast %get3A_2427 : i32 to index
      %get3A_2429 = arith.constant 16 : index
      %get3A_2430 = tpu.vector_load %arg15[%get3A_2428, %get3A_2429] {strides = array<i32>} : memref<50x32xf32, #tpu.memory_space<vmem>>, vector<16xf32>,
      %add3A_2431 = arith.addf %add3A_2411, %get3A_2430 : vector<16xf32>
      %get3A_2432 = arith.constant 13 : i32
      %get3A_2433 = arith.index_cast %get3A_2432 : i32 to index
      %get3A_2434 = arith.constant 0 : index
      %get3A_2435 = tpu.vector_load %arg11[%get3A_2433, %get3A_2434] {strides = array<i32>} : memref<50x32xf32, #tpu.memory_space<vmem>>, vector<16xf32>,
      %add3A_2436 = arith.addf %add3A_2416, %get3A_2435 : vector<16xf32>
      %get3A_2437 = arith.constant 13 : i32
      %get3A_2438 = arith.index_cast %get3A_2437 : i32 to index
      %get3A_2439 = arith.constant 16 : index
      %get3A_2440 = tpu.vector_load %arg11[%get3A_2438, %get3A_2439] {strides = array<i32>} : memref<50x32xf32, #tpu.memory_space<vmem>>, vector<16xf32>,
      %add3A_2441 = arith.addf %add3A_2421, %get3A_2440 : vector<16xf32>
      %get3A_2442 = arith.constant 13 : i32
      %get3A_2443 = arith.index_cast %get3A_2442 : i32 to index
      %get3A_2444 = arith.constant 0 : index
      %get3A_2445 = tpu.vector_load %arg15[%get3A_2443, %get3A_2444] {strides = array<i32>} : memref<50x32xf32, #tpu.memory_space<vmem>>, vector<16xf32>,
      %add3A_2446 = arith.addf %add3A_2426, %get3A_2445 : vector<16xf32>
      %get3A_2447 = arith.constant 13 : i32
      %get3A_2448 = arith.index_cast %get3A_2447 : i32 to index
      %get3A_2449 = arith.constant 16 : index
      %get3A_2450 = tpu.vector_load %arg15[%get3A_2448, %get3A_2449] {strides = array<i32>} : memref<50x32xf32, #tpu.memory_space<vmem>>, vector<16xf32>,
      %add3A_2451 = arith.addf %add3A_2431, %get3A_2450 : vector<16xf32>
      %get3A_2452 = arith.constant 14 : i32
      %get3A_2453 = arith.index_cast %get3A_2452 : i32 to index
      %get3A_2454 = arith.constant 0 : index
      %get3A_2455 = tpu.vector_load %arg11[%get3A_2453, %get3A_2454] {strides = array<i32>} : memref<50x32xf32, #tpu.memory_space<vmem>>, vector<16xf32>,
      %add3A_2456 = arith.addf %add3A_2436, %get3A_2455 : vector<16xf32>
      %get3A_2457 = arith.constant 14 : i32
      %get3A_2458 = arith.index_cast %get3A_2457 : i32 to index
      %get3A_2459 = arith.constant 16 : index
      %get3A_2460 = tpu.vector_load %arg11[%get3A_2458, %get3A_2459] {strides = array<i32>} : memref<50x32xf32, #tpu.memory_space<vmem>>, vector<16xf32>,
      %add3A_2461 = arith.addf %add3A_2441, %get3A_2460 : vector<16xf32>
      %get3A_2462 = arith.constant 14 : i32
      %get3A_2463 = arith.index_cast %get3A_2462 : i32 to index
      %get3A_2464 = arith.constant 0 : index
      %get3A_2465 = tpu.vector_load %arg15[%get3A_2463, %get3A_2464] {strides = array<i32>} : memref<50x32xf32, #tpu.memory_space<vmem>>, vector<16xf32>,
      %add3A_2466 = arith.addf %add3A_2446, %get3A_2465 : vector<16xf32>
      %get3A_2467 = arith.constant 14 : i32
      %get3A_2468 = arith.index_cast %get3A_2467 : i32 to index
      %get3A_2469 = arith.constant 16 : index
      %get3A_2470 = tpu.vector_load %arg15[%get3A_2468, %get3A_2469] {strides = array<i32>} : memref<50x32xf32, #tpu.memory_space<vmem>>, vector<16xf32>,
      %add3A_2471 = arith.addf %add3A_2451, %get3A_2470 : vector<16xf32>
      %get3A_2472 = arith.constant 15 : i32
      %get3A_2473 = arith.index_cast %get3A_2472 : i32 to index
      %get3A_2474 = arith.constant 0 : index
      %get3A_2475 = tpu.vector_load %arg11[%get3A_2473, %get3A_2474] {strides = array<i32>} : memref<50x32xf32, #tpu.memory_space<vmem>>, vector<16xf32>,
      %add3A_2476 = arith.addf %add3A_2456, %get3A_2475 : vector<16xf32>
      %get3A_2477 = arith.constant 15 : i32
      %get3A_2478 = arith.index_cast %get3A_2477 : i32 to index
      %get3A_2479 = arith.constant 16 : index
      %get3A_2480 = tpu.vector_load %arg11[%get3A_2478, %get3A_2479] {strides = array<i32>} : memref<50x32xf32, #tpu.memory_space<vmem>>, vector<16xf32>,
      %add3A_2481 = arith.addf %add3A_2461, %get3A_2480 : vector<16xf32>
      %get3A_2482 = arith.constant 15 : i32
      %get3A_2483 = arith.index_cast %get3A_2482 : i32 to index
      %get3A_2484 = arith.constant 0 : index
      %get3A_2485 = tpu.vector_load %arg15[%get3A_2483, %get3A_2484] {strides = array<i32>} : memref<50x32xf32, #tpu.memory_space<vmem>>, vector<16xf32>,
      %add3A_2486 = arith.addf %add3A_2466, %get3A_2485 : vector<16xf32>
      %get3A_2487 = arith.constant 15 : i32
      %get3A_2488 = arith.index_cast %get3A_2487 : i32 to index
      %get3A_2489 = arith.constant 16 : index
      %get3A_2490 = tpu.vector_load %arg15[%get3A_2488, %get3A_2489] {strides = array<i32>} : memref<50x32xf32, #tpu.memory_space<vmem>>, vector<16xf32>,
      %add3A_2491 = arith.addf %add3A_2471, %get3A_2490 : vector<16xf32>
      %get3A_2492 = arith.constant 16 : i32
      %get3A_2493 = arith.index_cast %get3A_2492 : i32 to index
      %get3A_2494 = arith.constant 0 : index
      %get3A_2495 = tpu.vector_load %arg11[%get3A_2493, %get3A_2494] {strides = array<i32>} : memref<50x32xf32, #tpu.memory_space<vmem>>, vector<16xf32>,
      %add3A_2496 = arith.addf %add3A_2476, %get3A_2495 : vector<16xf32>
      %get3A_2497 = arith.constant 16 : i32
      %get3A_2498 = arith.index_cast %get3A_2497 : i32 to index
      %get3A_2499 = arith.constant 16 : index
      %get3A_2500 = tpu.vector_load %arg11[%get3A_2498, %get3A_2499] {strides = array<i32>} : memref<50x32xf32, #tpu.memory_space<vmem>>, vector<16xf32>,
      %add3A_2501 = arith.addf %add3A_2481, %get3A_2500 : vector<16xf32>
      %get3A_2502 = arith.constant 16 : i32
      %get3A_2503 = arith.index_cast %get3A_2502 : i32 to index
      %get3A_2504 = arith.constant 0 : index
      %get3A_2505 = tpu.vector_load %arg15[%get3A_2503, %get3A_2504] {strides = array<i32>} : memref<50x32xf32, #tpu.memory_space<vmem>>, vector<16xf32>,
      %add3A_2506 = arith.addf %add3A_2486, %get3A_2505 : vector<16xf32>
      %get3A_2507 = arith.constant 16 : i32
      %get3A_2508 = arith.index_cast %get3A_2507 : i32 to index
      %get3A_2509 = arith.constant 16 : index
      %get3A_2510 = tpu.vector_load %arg15[%get3A_2508, %get3A_2509] {strides = array<i32>} : memref<50x32xf32, #tpu.memory_space<vmem>>, vector<16xf32>,
      %add3A_2511 = arith.addf %add3A_2491, %get3A_2510 : vector<16xf32>
      %get3A_2512 = arith.constant 17 : i32
      %get3A_2513 = arith.index_cast %get3A_2512 : i32 to index
      %get3A_2514 = arith.constant 0 : index
      %get3A_2515 = tpu.vector_load %arg11[%get3A_2513, %get3A_2514] {strides = array<i32>} : memref<50x32xf32, #tpu.memory_space<vmem>>, vector<16xf32>,
      %add3A_2516 = arith.addf %add3A_2496, %get3A_2515 : vector<16xf32>
      %get3A_2517 = arith.constant 17 : i32
      %get3A_2518 = arith.index_cast %get3A_2517 : i32 to index
      %get3A_2519 = arith.constant 16 : index
      %get3A_2520 = tpu.vector_load %arg11[%get3A_2518, %get3A_2519] {strides = array<i32>} : memref<50x32xf32, #tpu.memory_space<vmem>>, vector<16xf32>,
      %add3A_2521 = arith.addf %add3A_2501, %get3A_2520 : vector<16xf32>
      %get3A_2522 = arith.constant 17 : i32
      %get3A_2523 = arith.index_cast %get3A_2522 : i32 to index
      %get3A_2524 = arith.constant 0 : index
      %get3A_2525 = tpu.vector_load %arg15[%get3A_2523, %get3A_2524] {strides = array<i32>} : memref<50x32xf32, #tpu.memory_space<vmem>>, vector<16xf32>,
      %add3A_2526 = arith.addf %add3A_2506, %get3A_2525 : vector<16xf32>
      %get3A_2527 = arith.constant 17 : i32
      %get3A_2528 = arith.index_cast %get3A_2527 : i32 to index
      %get3A_2529 = arith.constant 16 : index
      %get3A_2530 = tpu.vector_load %arg15[%get3A_2528, %get3A_2529] {strides = array<i32>} : memref<50x32xf32, #tpu.memory_space<vmem>>, vector<16xf32>,
      %add3A_2531 = arith.addf %add3A_2511, %get3A_2530 : vector<16xf32>
      %get3A_2532 = arith.constant 18 : i32
      %get3A_2533 = arith.index_cast %get3A_2532 : i32 to index
      %get3A_2534 = arith.constant 0 : index
      %get3A_2535 = tpu.vector_load %arg11[%get3A_2533, %get3A_2534] {strides = array<i32>} : memref<50x32xf32, #tpu.memory_space<vmem>>, vector<16xf32>,
      %add3A_2536 = arith.addf %add3A_2516, %get3A_2535 : vector<16xf32>
      %get3A_2537 = arith.constant 18 : i32
      %get3A_2538 = arith.index_cast %get3A_2537 : i32 to index
      %get3A_2539 = arith.constant 16 : index
      %get3A_2540 = tpu.vector_load %arg11[%get3A_2538, %get3A_2539] {strides = array<i32>} : memref<50x32xf32, #tpu.memory_space<vmem>>, vector<16xf32>,
      %add3A_2541 = arith.addf %add3A_2521, %get3A_2540 : vector<16xf32>
      %get3A_2542 = arith.constant 18 : i32
      %get3A_2543 = arith.index_cast %get3A_2542 : i32 to index
      %get3A_2544 = arith.constant 0 : index
      %get3A_2545 = tpu.vector_load %arg15[%get3A_2543, %get3A_2544] {strides = array<i32>} : memref<50x32xf32, #tpu.memory_space<vmem>>, vector<16xf32>,
      %add3A_2546 = arith.addf %add3A_2526, %get3A_2545 : vector<16xf32>
      %get3A_2547 = arith.constant 18 : i32
      %get3A_2548 = arith.index_cast %get3A_2547 : i32 to index
      %get3A_2549 = arith.constant 16 : index
      %get3A_2550 = tpu.vector_load %arg15[%get3A_2548, %get3A_2549] {strides = array<i32>} : memref<50x32xf32, #tpu.memory_space<vmem>>, vector<16xf32>,
      %add3A_2551 = arith.addf %add3A_2531, %get3A_2550 : vector<16xf32>
      %get3A_2552 = arith.constant 19 : i32
      %get3A_2553 = arith.index_cast %get3A_2552 : i32 to index
      %get3A_2554 = arith.constant 0 : index
      %get3A_2555 = tpu.vector_load %arg11[%get3A_2553, %get3A_2554] {strides = array<i32>} : memref<50x32xf32, #tpu.memory_space<vmem>>, vector<16xf32>,
      %add3A_2556 = arith.addf %add3A_2536, %get3A_2555 : vector<16xf32>
      %get3A_2557 = arith.constant 19 : i32
      %get3A_2558 = arith.index_cast %get3A_2557 : i32 to index
      %get3A_2559 = arith.constant 16 : index
      %get3A_2560 = tpu.vector_load %arg11[%get3A_2558, %get3A_2559] {strides = array<i32>} : memref<50x32xf32, #tpu.memory_space<vmem>>, vector<16xf32>,
      %add3A_2561 = arith.addf %add3A_2541, %get3A_2560 : vector<16xf32>
      %get3A_2562 = arith.constant 19 : i32
      %get3A_2563 = arith.index_cast %get3A_2562 : i32 to index
      %get3A_2564 = arith.constant 0 : index
      %get3A_2565 = tpu.vector_load %arg15[%get3A_2563, %get3A_2564] {strides = array<i32>} : memref<50x32xf32, #tpu.memory_space<vmem>>, vector<16xf32>,
      %add3A_2566 = arith.addf %add3A_2546, %get3A_2565 : vector<16xf32>
      %get3A_2567 = arith.constant 19 : i32
      %get3A_2568 = arith.index_cast %get3A_2567 : i32 to index
      %get3A_2569 = arith.constant 16 : index
      %get3A_2570 = tpu.vector_load %arg15[%get3A_2568, %get3A_2569] {strides = array<i32>} : memref<50x32xf32, #tpu.memory_space<vmem>>, vector<16xf32>,
      %add3A_2571 = arith.addf %add3A_2551, %get3A_2570 : vector<16xf32>
      %get3A_2572 = arith.constant 20 : i32
      %get3A_2573 = arith.index_cast %get3A_2572 : i32 to index
      %get3A_2574 = arith.constant 0 : index
      %get3A_2575 = tpu.vector_load %arg11[%get3A_2573, %get3A_2574] {strides = array<i32>} : memref<50x32xf32, #tpu.memory_space<vmem>>, vector<16xf32>,
      %add3A_2576 = arith.addf %add3A_2556, %get3A_2575 : vector<16xf32>
      %get3A_2577 = arith.constant 20 : i32
      %get3A_2578 = arith.index_cast %get3A_2577 : i32 to index
      %get3A_2579 = arith.constant 16 : index
      %get3A_2580 = tpu.vector_load %arg11[%get3A_2578, %get3A_2579] {strides = array<i32>} : memref<50x32xf32, #tpu.memory_space<vmem>>, vector<16xf32>,
      %add3A_2581 = arith.addf %add3A_2561, %get3A_2580 : vector<16xf32>
      %get3A_2582 = arith.constant 20 : i32
      %get3A_2583 = arith.index_cast %get3A_2582 : i32 to index
      %get3A_2584 = arith.constant 0 : index
      %get3A_2585 = tpu.vector_load %arg15[%get3A_2583, %get3A_2584] {strides = array<i32>} : memref<50x32xf32, #tpu.memory_space<vmem>>, vector<16xf32>,
      %add3A_2586 = arith.addf %add3A_2566, %get3A_2585 : vector<16xf32>
      %get3A_2587 = arith.constant 20 : i32
      %get3A_2588 = arith.index_cast %get3A_2587 : i32 to index
      %get3A_2589 = arith.constant 16 : index
      %get3A_2590 = tpu.vector_load %arg15[%get3A_2588, %get3A_2589] {strides = array<i32>} : memref<50x32xf32, #tpu.memory_space<vmem>>, vector<16xf32>,
      %add3A_2591 = arith.addf %add3A_2571, %get3A_2590 : vector<16xf32>
      %get3A_2592 = arith.constant 21 : i32
      %get3A_2593 = arith.index_cast %get3A_2592 : i32 to index
      %get3A_2594 = arith.constant 0 : index
      %get3A_2595 = tpu.vector_load %arg11[%get3A_2593, %get3A_2594] {strides = array<i32>} : memref<50x32xf32, #tpu.memory_space<vmem>>, vector<16xf32>,
      %add3A_2596 = arith.addf %add3A_2576, %get3A_2595 : vector<16xf32>
      %get3A_2597 = arith.constant 21 : i32
      %get3A_2598 = arith.index_cast %get3A_2597 : i32 to index
      %get3A_2599 = arith.constant 16 : index
      %get3A_2600 = tpu.vector_load %arg11[%get3A_2598, %get3A_2599] {strides = array<i32>} : memref<50x32xf32, #tpu.memory_space<vmem>>, vector<16xf32>,
      %add3A_2601 = arith.addf %add3A_2581, %get3A_2600 : vector<16xf32>
      %get3A_2602 = arith.constant 21 : i32
      %get3A_2603 = arith.index_cast %get3A_2602 : i32 to index
      %get3A_2604 = arith.constant 0 : index
      %get3A_2605 = tpu.vector_load %arg15[%get3A_2603, %get3A_2604] {strides = array<i32>} : memref<50x32xf32, #tpu.memory_space<vmem>>, vector<16xf32>,
      %add3A_2606 = arith.addf %add3A_2586, %get3A_2605 : vector<16xf32>
      %get3A_2607 = arith.constant 21 : i32
      %get3A_2608 = arith.index_cast %get3A_2607 : i32 to index
      %get3A_2609 = arith.constant 16 : index
      %get3A_2610 = tpu.vector_load %arg15[%get3A_2608, %get3A_2609] {strides = array<i32>} : memref<50x32xf32, #tpu.memory_space<vmem>>, vector<16xf32>,
      %add3A_2611 = arith.addf %add3A_2591, %get3A_2610 : vector<16xf32>
      %get3A_2612 = arith.constant 22 : i32
      %get3A_2613 = arith.index_cast %get3A_2612 : i32 to index
      %get3A_2614 = arith.constant 0 : index
      %get3A_2615 = tpu.vector_load %arg11[%get3A_2613, %get3A_2614] {strides = array<i32>} : memref<50x32xf32, #tpu.memory_space<vmem>>, vector<16xf32>,
      %add3A_2616 = arith.addf %add3A_2596, %get3A_2615 : vector<16xf32>
      %get3A_2617 = arith.constant 22 : i32
      %get3A_2618 = arith.index_cast %get3A_2617 : i32 to index
      %get3A_2619 = arith.constant 16 : index
      %get3A_2620 = tpu.vector_load %arg11[%get3A_2618, %get3A_2619] {strides = array<i32>} : memref<50x32xf32, #tpu.memory_space<vmem>>, vector<16xf32>,
      %add3A_2621 = arith.addf %add3A_2601, %get3A_2620 : vector<16xf32>
      %get3A_2622 = arith.constant 22 : i32
      %get3A_2623 = arith.index_cast %get3A_2622 : i32 to index
      %get3A_2624 = arith.constant 0 : index
      %get3A_2625 = tpu.vector_load %arg15[%get3A_2623, %get3A_2624] {strides = array<i32>} : memref<50x32xf32, #tpu.memory_space<vmem>>, vector<16xf32>,
      %add3A_2626 = arith.addf %add3A_2606, %get3A_2625 : vector<16xf32>
      %get3A_2627 = arith.constant 22 : i32
      %get3A_2628 = arith.index_cast %get3A_2627 : i32 to index
      %get3A_2629 = arith.constant 16 : index
      %get3A_2630 = tpu.vector_load %arg15[%get3A_2628, %get3A_2629] {strides = array<i32>} : memref<50x32xf32, #tpu.memory_space<vmem>>, vector<16xf32>,
      %add3A_2631 = arith.addf %add3A_2611, %get3A_2630 : vector<16xf32>
      %get3A_2632 = arith.constant 23 : i32
      %get3A_2633 = arith.index_cast %get3A_2632 : i32 to index
      %get3A_2634 = arith.constant 0 : index
      %get3A_2635 = tpu.vector_load %arg11[%get3A_2633, %get3A_2634] {strides = array<i32>} : memref<50x32xf32, #tpu.memory_space<vmem>>, vector<16xf32>,
      %add3A_2636 = arith.addf %add3A_2616, %get3A_2635 : vector<16xf32>
      %get3A_2637 = arith.constant 23 : i32
      %get3A_2638 = arith.index_cast %get3A_2637 : i32 to index
      %get3A_2639 = arith.constant 16 : index
      %get3A_2640 = tpu.vector_load %arg11[%get3A_2638, %get3A_2639] {strides = array<i32>} : memref<50x32xf32, #tpu.memory_space<vmem>>, vector<16xf32>,
      %add3A_2641 = arith.addf %add3A_2621, %get3A_2640 : vector<16xf32>
      %get3A_2642 = arith.constant 23 : i32
      %get3A_2643 = arith.index_cast %get3A_2642 : i32 to index
      %get3A_2644 = arith.constant 0 : index
      %get3A_2645 = tpu.vector_load %arg15[%get3A_2643, %get3A_2644] {strides = array<i32>} : memref<50x32xf32, #tpu.memory_space<vmem>>, vector<16xf32>,
      %add3A_2646 = arith.addf %add3A_2626, %get3A_2645 : vector<16xf32>
      %get3A_2647 = arith.constant 23 : i32
      %get3A_2648 = arith.index_cast %get3A_2647 : i32 to index
      %get3A_2649 = arith.constant 16 : index
      %get3A_2650 = tpu.vector_load %arg15[%get3A_2648, %get3A_2649] {strides = array<i32>} : memref<50x32xf32, #tpu.memory_space<vmem>>, vector<16xf32>,
      %add3A_2651 = arith.addf %add3A_2631, %get3A_2650 : vector<16xf32>
      %get3A_2652 = arith.constant 24 : i32
      %get3A_2653 = arith.index_cast %get3A_2652 : i32 to index
      %get3A_2654 = arith.constant 0 : index
      %get3A_2655 = tpu.vector_load %arg11[%get3A_2653, %get3A_2654] {strides = array<i32>} : memref<50x32xf32, #tpu.memory_space<vmem>>, vector<16xf32>,
      %add3A_2656 = arith.addf %add3A_2636, %get3A_2655 : vector<16xf32>
      %get3A_2657 = arith.constant 24 : i32
      %get3A_2658 = arith.index_cast %get3A_2657 : i32 to index
      %get3A_2659 = arith.constant 16 : index
      %get3A_2660 = tpu.vector_load %arg11[%get3A_2658, %get3A_2659] {strides = array<i32>} : memref<50x32xf32, #tpu.memory_space<vmem>>, vector<16xf32>,
      %add3A_2661 = arith.addf %add3A_2641, %get3A_2660 : vector<16xf32>
      %get3A_2662 = arith.constant 24 : i32
      %get3A_2663 = arith.index_cast %get3A_2662 : i32 to index
      %get3A_2664 = arith.constant 0 : index
      %get3A_2665 = tpu.vector_load %arg15[%get3A_2663, %get3A_2664] {strides = array<i32>} : memref<50x32xf32, #tpu.memory_space<vmem>>, vector<16xf32>,
      %add3A_2666 = arith.addf %add3A_2646, %get3A_2665 : vector<16xf32>
      %get3A_2667 = arith.constant 24 : i32
      %get3A_2668 = arith.index_cast %get3A_2667 : i32 to index
      %get3A_2669 = arith.constant 16 : index
      %get3A_2670 = tpu.vector_load %arg15[%get3A_2668, %get3A_2669] {strides = array<i32>} : memref<50x32xf32, #tpu.memory_space<vmem>>, vector<16xf32>,
      %add3A_2671 = arith.addf %add3A_2651, %get3A_2670 : vector<16xf32>
      %get3A_2672 = arith.constant 25 : i32
      %get3A_2673 = arith.index_cast %get3A_2672 : i32 to index
      %get3A_2674 = arith.constant 0 : index
      %get3A_2675 = tpu.vector_load %arg11[%get3A_2673, %get3A_2674] {strides = array<i32>} : memref<50x32xf32, #tpu.memory_space<vmem>>, vector<16xf32>,
      %add3A_2676 = arith.addf %add3A_2656, %get3A_2675 : vector<16xf32>
      %get3A_2677 = arith.constant 25 : i32
      %get3A_2678 = arith.index_cast %get3A_2677 : i32 to index
      %get3A_2679 = arith.constant 16 : index
      %get3A_2680 = tpu.vector_load %arg11[%get3A_2678, %get3A_2679] {strides = array<i32>} : memref<50x32xf32, #tpu.memory_space<vmem>>, vector<16xf32>,
      %add3A_2681 = arith.addf %add3A_2661, %get3A_2680 : vector<16xf32>
      %get3A_2682 = arith.constant 25 : i32
      %get3A_2683 = arith.index_cast %get3A_2682 : i32 to index
      %get3A_2684 = arith.constant 0 : index
      %get3A_2685 = tpu.vector_load %arg15[%get3A_2683, %get3A_2684] {strides = array<i32>} : memref<50x32xf32, #tpu.memory_space<vmem>>, vector<16xf32>,
      %add3A_2686 = arith.addf %add3A_2666, %get3A_2685 : vector<16xf32>
      %get3A_2687 = arith.constant 25 : i32
      %get3A_2688 = arith.index_cast %get3A_2687 : i32 to index
      %get3A_2689 = arith.constant 16 : index
      %get3A_2690 = tpu.vector_load %arg15[%get3A_2688, %get3A_2689] {strides = array<i32>} : memref<50x32xf32, #tpu.memory_space<vmem>>, vector<16xf32>,
      %add3A_2691 = arith.addf %add3A_2671, %get3A_2690 : vector<16xf32>
      %get3A_2692 = arith.constant 26 : i32
      %get3A_2693 = arith.index_cast %get3A_2692 : i32 to index
      %get3A_2694 = arith.constant 0 : index
      %get3A_2695 = tpu.vector_load %arg11[%get3A_2693, %get3A_2694] {strides = array<i32>} : memref<50x32xf32, #tpu.memory_space<vmem>>, vector<16xf32>,
      %add3A_2696 = arith.addf %add3A_2676, %get3A_2695 : vector<16xf32>
      %get3A_2697 = arith.constant 26 : i32
      %get3A_2698 = arith.index_cast %get3A_2697 : i32 to index
      %get3A_2699 = arith.constant 16 : index
      %get3A_2700 = tpu.vector_load %arg11[%get3A_2698, %get3A_2699] {strides = array<i32>} : memref<50x32xf32, #tpu.memory_space<vmem>>, vector<16xf32>,
      %add3A_2701 = arith.addf %add3A_2681, %get3A_2700 : vector<16xf32>
      %get3A_2702 = arith.constant 26 : i32
      %get3A_2703 = arith.index_cast %get3A_2702 : i32 to index
      %get3A_2704 = arith.constant 0 : index
      %get3A_2705 = tpu.vector_load %arg15[%get3A_2703, %get3A_2704] {strides = array<i32>} : memref<50x32xf32, #tpu.memory_space<vmem>>, vector<16xf32>,
      %add3A_2706 = arith.addf %add3A_2686, %get3A_2705 : vector<16xf32>
      %get3A_2707 = arith.constant 26 : i32
      %get3A_2708 = arith.index_cast %get3A_2707 : i32 to index
      %get3A_2709 = arith.constant 16 : index
      %get3A_2710 = tpu.vector_load %arg15[%get3A_2708, %get3A_2709] {strides = array<i32>} : memref<50x32xf32, #tpu.memory_space<vmem>>, vector<16xf32>,
      %add3A_2711 = arith.addf %add3A_2691, %get3A_2710 : vector<16xf32>
      %get3A_2712 = arith.constant 27 : i32
      %get3A_2713 = arith.index_cast %get3A_2712 : i32 to index
      %get3A_2714 = arith.constant 0 : index
      %get3A_2715 = tpu.vector_load %arg11[%get3A_2713, %get3A_2714] {strides = array<i32>} : memref<50x32xf32, #tpu.memory_space<vmem>>, vector<16xf32>,
      %add3A_2716 = arith.addf %add3A_2696, %get3A_2715 : vector<16xf32>
      %get3A_2717 = arith.constant 27 : i32
      %get3A_2718 = arith.index_cast %get3A_2717 : i32 to index
      %get3A_2719 = arith.constant 16 : index
      %get3A_2720 = tpu.vector_load %arg11[%get3A_2718, %get3A_2719] {strides = array<i32>} : memref<50x32xf32, #tpu.memory_space<vmem>>, vector<16xf32>,
      %add3A_2721 = arith.addf %add3A_2701, %get3A_2720 : vector<16xf32>
      %get3A_2722 = arith.constant 27 : i32
      %get3A_2723 = arith.index_cast %get3A_2722 : i32 to index
      %get3A_2724 = arith.constant 0 : index
      %get3A_2725 = tpu.vector_load %arg15[%get3A_2723, %get3A_2724] {strides = array<i32>} : memref<50x32xf32, #tpu.memory_space<vmem>>, vector<16xf32>,
      %add3A_2726 = arith.addf %add3A_2706, %get3A_2725 : vector<16xf32>
      %get3A_2727 = arith.constant 27 : i32
      %get3A_2728 = arith.index_cast %get3A_2727 : i32 to index
      %get3A_2729 = arith.constant 16 : index
      %get3A_2730 = tpu.vector_load %arg15[%get3A_2728, %get3A_2729] {strides = array<i32>} : memref<50x32xf32, #tpu.memory_space<vmem>>, vector<16xf32>,
      %add3A_2731 = arith.addf %add3A_2711, %get3A_2730 : vector<16xf32>
      %get3A_2732 = arith.constant 28 : i32
      %get3A_2733 = arith.index_cast %get3A_2732 : i32 to index
      %get3A_2734 = arith.constant 0 : index
      %get3A_2735 = tpu.vector_load %arg11[%get3A_2733, %get3A_2734] {strides = array<i32>} : memref<50x32xf32, #tpu.memory_space<vmem>>, vector<16xf32>,
      %add3A_2736 = arith.addf %add3A_2716, %get3A_2735 : vector<16xf32>
      %get3A_2737 = arith.constant 28 : i32
      %get3A_2738 = arith.index_cast %get3A_2737 : i32 to index
      %get3A_2739 = arith.constant 16 : index
      %get3A_2740 = tpu.vector_load %arg11[%get3A_2738, %get3A_2739] {strides = array<i32>} : memref<50x32xf32, #tpu.memory_space<vmem>>, vector<16xf32>,
      %add3A_2741 = arith.addf %add3A_2721, %get3A_2740 : vector<16xf32>
      %get3A_2742 = arith.constant 28 : i32
      %get3A_2743 = arith.index_cast %get3A_2742 : i32 to index
      %get3A_2744 = arith.constant 0 : index
      %get3A_2745 = tpu.vector_load %arg15[%get3A_2743, %get3A_2744] {strides = array<i32>} : memref<50x32xf32, #tpu.memory_space<vmem>>, vector<16xf32>,
      %add3A_2746 = arith.addf %add3A_2726, %get3A_2745 : vector<16xf32>
      %get3A_2747 = arith.constant 28 : i32
      %get3A_2748 = arith.index_cast %get3A_2747 : i32 to index
      %get3A_2749 = arith.constant 16 : index
      %get3A_2750 = tpu.vector_load %arg15[%get3A_2748, %get3A_2749] {strides = array<i32>} : memref<50x32xf32, #tpu.memory_space<vmem>>, vector<16xf32>,
      %add3A_2751 = arith.addf %add3A_2731, %get3A_2750 : vector<16xf32>
      %get3A_2752 = arith.constant 29 : i32
      %get3A_2753 = arith.index_cast %get3A_2752 : i32 to index
      %get3A_2754 = arith.constant 0 : index
      %get3A_2755 = tpu.vector_load %arg11[%get3A_2753, %get3A_2754] {strides = array<i32>} : memref<50x32xf32, #tpu.memory_space<vmem>>, vector<16xf32>,
      %add3A_2756 = arith.addf %add3A_2736, %get3A_2755 : vector<16xf32>
      %get3A_2757 = arith.constant 29 : i32
      %get3A_2758 = arith.index_cast %get3A_2757 : i32 to index
      %get3A_2759 = arith.constant 16 : index
      %get3A_2760 = tpu.vector_load %arg11[%get3A_2758, %get3A_2759] {strides = array<i32>} : memref<50x32xf32, #tpu.memory_space<vmem>>, vector<16xf32>,
      %add3A_2761 = arith.addf %add3A_2741, %get3A_2760 : vector<16xf32>
      %get3A_2762 = arith.constant 29 : i32
      %get3A_2763 = arith.index_cast %get3A_2762 : i32 to index
      %get3A_2764 = arith.constant 0 : index
      %get3A_2765 = tpu.vector_load %arg15[%get3A_2763, %get3A_2764] {strides = array<i32>} : memref<50x32xf32, #tpu.memory_space<vmem>>, vector<16xf32>,
      %add3A_2766 = arith.addf %add3A_2746, %get3A_2765 : vector<16xf32>
      %get3A_2767 = arith.constant 29 : i32
      %get3A_2768 = arith.index_cast %get3A_2767 : i32 to index
      %get3A_2769 = arith.constant 16 : index
      %get3A_2770 = tpu.vector_load %arg15[%get3A_2768, %get3A_2769] {strides = array<i32>} : memref<50x32xf32, #tpu.memory_space<vmem>>, vector<16xf32>,
      %add3A_2771 = arith.addf %add3A_2751, %get3A_2770 : vector<16xf32>
      %get3A_2772 = arith.constant 30 : i32
      %get3A_2773 = arith.index_cast %get3A_2772 : i32 to index
      %get3A_2774 = arith.constant 0 : index
      %get3A_2775 = tpu.vector_load %arg11[%get3A_2773, %get3A_2774] {strides = array<i32>} : memref<50x32xf32, #tpu.memory_space<vmem>>, vector<16xf32>,
      %add3A_2776 = arith.addf %add3A_2756, %get3A_2775 : vector<16xf32>
      %get3A_2777 = arith.constant 30 : i32
      %get3A_2778 = arith.index_cast %get3A_2777 : i32 to index
      %get3A_2779 = arith.constant 16 : index
      %get3A_2780 = tpu.vector_load %arg11[%get3A_2778, %get3A_2779] {strides = array<i32>} : memref<50x32xf32, #tpu.memory_space<vmem>>, vector<16xf32>,
      %add3A_2781 = arith.addf %add3A_2761, %get3A_2780 : vector<16xf32>
      %get3A_2782 = arith.constant 30 : i32
      %get3A_2783 = arith.index_cast %get3A_2782 : i32 to index
      %get3A_2784 = arith.constant 0 : index
      %get3A_2785 = tpu.vector_load %arg15[%get3A_2783, %get3A_2784] {strides = array<i32>} : memref<50x32xf32, #tpu.memory_space<vmem>>, vector<16xf32>,
      %add3A_2786 = arith.addf %add3A_2766, %get3A_2785 : vector<16xf32>
      %get3A_2787 = arith.constant 30 : i32
      %get3A_2788 = arith.index_cast %get3A_2787 : i32 to index
      %get3A_2789 = arith.constant 16 : index
      %get3A_2790 = tpu.vector_load %arg15[%get3A_2788, %get3A_2789] {strides = array<i32>} : memref<50x32xf32, #tpu.memory_space<vmem>>, vector<16xf32>,
      %add3A_2791 = arith.addf %add3A_2771, %get3A_2790 : vector<16xf32>
      %get3A_2792 = arith.constant 31 : i32
      %get3A_2793 = arith.index_cast %get3A_2792 : i32 to index
      %get3A_2794 = arith.constant 0 : index
      %get3A_2795 = tpu.vector_load %arg11[%get3A_2793, %get3A_2794] {strides = array<i32>} : memref<50x32xf32, #tpu.memory_space<vmem>>, vector<16xf32>,
      %add3A_2796 = arith.addf %add3A_2776, %get3A_2795 : vector<16xf32>
      %get3A_2797 = arith.constant 31 : i32
      %get3A_2798 = arith.index_cast %get3A_2797 : i32 to index
      %get3A_2799 = arith.constant 16 : index
      %get3A_2800 = tpu.vector_load %arg11[%get3A_2798, %get3A_2799] {strides = array<i32>} : memref<50x32xf32, #tpu.memory_space<vmem>>, vector<16xf32>,
      %add3A_2801 = arith.addf %add3A_2781, %get3A_2800 : vector<16xf32>
      %get3A_2802 = arith.constant 31 : i32
      %get3A_2803 = arith.index_cast %get3A_2802 : i32 to index
      %get3A_2804 = arith.constant 0 : index
      %get3A_2805 = tpu.vector_load %arg15[%get3A_2803, %get3A_2804] {strides = array<i32>} : memref<50x32xf32, #tpu.memory_space<vmem>>, vector<16xf32>,
      %add3A_2806 = arith.addf %add3A_2786, %get3A_2805 : vector<16xf32>
      %get3A_2807 = arith.constant 31 : i32
      %get3A_2808 = arith.index_cast %get3A_2807 : i32 to index
      %get3A_2809 = arith.constant 16 : index
      %get3A_2810 = tpu.vector_load %arg15[%get3A_2808, %get3A_2809] {strides = array<i32>} : memref<50x32xf32, #tpu.memory_space<vmem>>, vector<16xf32>,
      %add3A_2811 = arith.addf %add3A_2791, %get3A_2810 : vector<16xf32>
      %get3A_2812 = arith.constant 32 : i32
      %get3A_2813 = arith.index_cast %get3A_2812 : i32 to index
      %get3A_2814 = arith.constant 0 : index
      %get3A_2815 = tpu.vector_load %arg11[%get3A_2813, %get3A_2814] {strides = array<i32>} : memref<50x32xf32, #tpu.memory_space<vmem>>, vector<16xf32>,
      %add3A_2816 = arith.addf %add3A_2796, %get3A_2815 : vector<16xf32>
      %get3A_2817 = arith.constant 32 : i32
      %get3A_2818 = arith.index_cast %get3A_2817 : i32 to index
      %get3A_2819 = arith.constant 16 : index
      %get3A_2820 = tpu.vector_load %arg11[%get3A_2818, %get3A_2819] {strides = array<i32>} : memref<50x32xf32, #tpu.memory_space<vmem>>, vector<16xf32>,
      %add3A_2821 = arith.addf %add3A_2801, %get3A_2820 : vector<16xf32>
      %get3A_2822 = arith.constant 32 : i32
      %get3A_2823 = arith.index_cast %get3A_2822 : i32 to index
      %get3A_2824 = arith.constant 0 : index
      %get3A_2825 = tpu.vector_load %arg15[%get3A_2823, %get3A_2824] {strides = array<i32>} : memref<50x32xf32, #tpu.memory_space<vmem>>, vector<16xf32>,
      %add3A_2826 = arith.addf %add3A_2806, %get3A_2825 : vector<16xf32>
      %get3A_2827 = arith.constant 32 : i32
      %get3A_2828 = arith.index_cast %get3A_2827 : i32 to index
      %get3A_2829 = arith.constant 16 : index
      %get3A_2830 = tpu.vector_load %arg15[%get3A_2828, %get3A_2829] {strides = array<i32>} : memref<50x32xf32, #tpu.memory_space<vmem>>, vector<16xf32>,
      %add3A_2831 = arith.addf %add3A_2811, %get3A_2830 : vector<16xf32>
      %get3A_2832 = arith.constant 33 : i32
      %get3A_2833 = arith.index_cast %get3A_2832 : i32 to index
      %get3A_2834 = arith.constant 0 : index
      %get3A_2835 = tpu.vector_load %arg11[%get3A_2833, %get3A_2834] {strides = array<i32>} : memref<50x32xf32, #tpu.memory_space<vmem>>, vector<16xf32>,
      %add3A_2836 = arith.addf %add3A_2816, %get3A_2835 : vector<16xf32>
      %get3A_2837 = arith.constant 33 : i32
      %get3A_2838 = arith.index_cast %get3A_2837 : i32 to index
      %get3A_2839 = arith.constant 16 : index
      %get3A_2840 = tpu.vector_load %arg11[%get3A_2838, %get3A_2839] {strides = array<i32>} : memref<50x32xf32, #tpu.memory_space<vmem>>, vector<16xf32>,
      %add3A_2841 = arith.addf %add3A_2821, %get3A_2840 : vector<16xf32>
      %get3A_2842 = arith.constant 33 : i32
      %get3A_2843 = arith.index_cast %get3A_2842 : i32 to index
      %get3A_2844 = arith.constant 0 : index
      %get3A_2845 = tpu.vector_load %arg15[%get3A_2843, %get3A_2844] {strides = array<i32>} : memref<50x32xf32, #tpu.memory_space<vmem>>, vector<16xf32>,
      %add3A_2846 = arith.addf %add3A_2826, %get3A_2845 : vector<16xf32>
      %get3A_2847 = arith.constant 33 : i32
      %get3A_2848 = arith.index_cast %get3A_2847 : i32 to index
      %get3A_2849 = arith.constant 16 : index
      %get3A_2850 = tpu.vector_load %arg15[%get3A_2848, %get3A_2849] {strides = array<i32>} : memref<50x32xf32, #tpu.memory_space<vmem>>, vector<16xf32>,
      %add3A_2851 = arith.addf %add3A_2831, %get3A_2850 : vector<16xf32>
      %get3A_2852 = arith.constant 34 : i32
      %get3A_2853 = arith.index_cast %get3A_2852 : i32 to index
      %get3A_2854 = arith.constant 0 : index
      %get3A_2855 = tpu.vector_load %arg11[%get3A_2853, %get3A_2854] {strides = array<i32>} : memref<50x32xf32, #tpu.memory_space<vmem>>, vector<16xf32>,
      %add3A_2856 = arith.addf %add3A_2836, %get3A_2855 : vector<16xf32>
      %get3A_2857 = arith.constant 34 : i32
      %get3A_2858 = arith.index_cast %get3A_2857 : i32 to index
      %get3A_2859 = arith.constant 16 : index
      %get3A_2860 = tpu.vector_load %arg11[%get3A_2858, %get3A_2859] {strides = array<i32>} : memref<50x32xf32, #tpu.memory_space<vmem>>, vector<16xf32>,
      %add3A_2861 = arith.addf %add3A_2841, %get3A_2860 : vector<16xf32>
      %get3A_2862 = arith.constant 34 : i32
      %get3A_2863 = arith.index_cast %get3A_2862 : i32 to index
      %get3A_2864 = arith.constant 0 : index
      %get3A_2865 = tpu.vector_load %arg15[%get3A_2863, %get3A_2864] {strides = array<i32>} : memref<50x32xf32, #tpu.memory_space<vmem>>, vector<16xf32>,
      %add3A_2866 = arith.addf %add3A_2846, %get3A_2865 : vector<16xf32>
      %get3A_2867 = arith.constant 34 : i32
      %get3A_2868 = arith.index_cast %get3A_2867 : i32 to index
      %get3A_2869 = arith.constant 16 : index
      %get3A_2870 = tpu.vector_load %arg15[%get3A_2868, %get3A_2869] {strides = array<i32>} : memref<50x32xf32, #tpu.memory_space<vmem>>, vector<16xf32>,
      %add3A_2871 = arith.addf %add3A_2851, %get3A_2870 : vector<16xf32>
      %get3A_2872 = arith.constant 35 : i32
      %get3A_2873 = arith.index_cast %get3A_2872 : i32 to index
      %get3A_2874 = arith.constant 0 : index
      %get3A_2875 = tpu.vector_load %arg11[%get3A_2873, %get3A_2874] {strides = array<i32>} : memref<50x32xf32, #tpu.memory_space<vmem>>, vector<16xf32>,
      %add3A_2876 = arith.addf %add3A_2856, %get3A_2875 : vector<16xf32>
      %get3A_2877 = arith.constant 35 : i32
      %get3A_2878 = arith.index_cast %get3A_2877 : i32 to index
      %get3A_2879 = arith.constant 16 : index
      %get3A_2880 = tpu.vector_load %arg11[%get3A_2878, %get3A_2879] {strides = array<i32>} : memref<50x32xf32, #tpu.memory_space<vmem>>, vector<16xf32>,
      %add3A_2881 = arith.addf %add3A_2861, %get3A_2880 : vector<16xf32>
      %get3A_2882 = arith.constant 35 : i32
      %get3A_2883 = arith.index_cast %get3A_2882 : i32 to index
      %get3A_2884 = arith.constant 0 : index
      %get3A_2885 = tpu.vector_load %arg15[%get3A_2883, %get3A_2884] {strides = array<i32>} : memref<50x32xf32, #tpu.memory_space<vmem>>, vector<16xf32>,
      %add3A_2886 = arith.addf %add3A_2866, %get3A_2885 : vector<16xf32>
      %get3A_2887 = arith.constant 35 : i32
      %get3A_2888 = arith.index_cast %get3A_2887 : i32 to index
      %get3A_2889 = arith.constant 16 : index
      %get3A_2890 = tpu.vector_load %arg15[%get3A_2888, %get3A_2889] {strides = array<i32>} : memref<50x32xf32, #tpu.memory_space<vmem>>, vector<16xf32>,
      %add3A_2891 = arith.addf %add3A_2871, %get3A_2890 : vector<16xf32>
      %get3A_2892 = arith.constant 36 : i32
      %get3A_2893 = arith.index_cast %get3A_2892 : i32 to index
      %get3A_2894 = arith.constant 0 : index
      %get3A_2895 = tpu.vector_load %arg11[%get3A_2893, %get3A_2894] {strides = array<i32>} : memref<50x32xf32, #tpu.memory_space<vmem>>, vector<16xf32>,
      %add3A_2896 = arith.addf %add3A_2876, %get3A_2895 : vector<16xf32>
      %get3A_2897 = arith.constant 36 : i32
      %get3A_2898 = arith.index_cast %get3A_2897 : i32 to index
      %get3A_2899 = arith.constant 16 : index
      %get3A_2900 = tpu.vector_load %arg11[%get3A_2898, %get3A_2899] {strides = array<i32>} : memref<50x32xf32, #tpu.memory_space<vmem>>, vector<16xf32>,
      %add3A_2901 = arith.addf %add3A_2881, %get3A_2900 : vector<16xf32>
      %get3A_2902 = arith.constant 36 : i32
      %get3A_2903 = arith.index_cast %get3A_2902 : i32 to index
      %get3A_2904 = arith.constant 0 : index
      %get3A_2905 = tpu.vector_load %arg15[%get3A_2903, %get3A_2904] {strides = array<i32>} : memref<50x32xf32, #tpu.memory_space<vmem>>, vector<16xf32>,
      %add3A_2906 = arith.addf %add3A_2886, %get3A_2905 : vector<16xf32>
      %get3A_2907 = arith.constant 36 : i32
      %get3A_2908 = arith.index_cast %get3A_2907 : i32 to index
      %get3A_2909 = arith.constant 16 : index
      %get3A_2910 = tpu.vector_load %arg15[%get3A_2908, %get3A_2909] {strides = array<i32>} : memref<50x32xf32, #tpu.memory_space<vmem>>, vector<16xf32>,
      %add3A_2911 = arith.addf %add3A_2891, %get3A_2910 : vector<16xf32>
      %get3A_2912 = arith.constant 37 : i32
      %get3A_2913 = arith.index_cast %get3A_2912 : i32 to index
      %get3A_2914 = arith.constant 0 : index
      %get3A_2915 = tpu.vector_load %arg11[%get3A_2913, %get3A_2914] {strides = array<i32>} : memref<50x32xf32, #tpu.memory_space<vmem>>, vector<16xf32>,
      %add3A_2916 = arith.addf %add3A_2896, %get3A_2915 : vector<16xf32>
      %get3A_2917 = arith.constant 37 : i32
      %get3A_2918 = arith.index_cast %get3A_2917 : i32 to index
      %get3A_2919 = arith.constant 16 : index
      %get3A_2920 = tpu.vector_load %arg11[%get3A_2918, %get3A_2919] {strides = array<i32>} : memref<50x32xf32, #tpu.memory_space<vmem>>, vector<16xf32>,
      %add3A_2921 = arith.addf %add3A_2901, %get3A_2920 : vector<16xf32>
      %get3A_2922 = arith.constant 37 : i32
      %get3A_2923 = arith.index_cast %get3A_2922 : i32 to index
      %get3A_2924 = arith.constant 0 : index
      %get3A_2925 = tpu.vector_load %arg15[%get3A_2923, %get3A_2924] {strides = array<i32>} : memref<50x32xf32, #tpu.memory_space<vmem>>, vector<16xf32>,
      %add3A_2926 = arith.addf %add3A_2906, %get3A_2925 : vector<16xf32>
      %get3A_2927 = arith.constant 37 : i32
      %get3A_2928 = arith.index_cast %get3A_2927 : i32 to index
      %get3A_2929 = arith.constant 16 : index
      %get3A_2930 = tpu.vector_load %arg15[%get3A_2928, %get3A_2929] {strides = array<i32>} : memref<50x32xf32, #tpu.memory_space<vmem>>, vector<16xf32>,
      %add3A_2931 = arith.addf %add3A_2911, %get3A_2930 : vector<16xf32>
      %get3A_2932 = arith.constant 38 : i32
      %get3A_2933 = arith.index_cast %get3A_2932 : i32 to index
      %get3A_2934 = arith.constant 0 : index
      %get3A_2935 = tpu.vector_load %arg11[%get3A_2933, %get3A_2934] {strides = array<i32>} : memref<50x32xf32, #tpu.memory_space<vmem>>, vector<16xf32>,
      %add3A_2936 = arith.addf %add3A_2916, %get3A_2935 : vector<16xf32>
      %get3A_2937 = arith.constant 38 : i32
      %get3A_2938 = arith.index_cast %get3A_2937 : i32 to index
      %get3A_2939 = arith.constant 16 : index
      %get3A_2940 = tpu.vector_load %arg11[%get3A_2938, %get3A_2939] {strides = array<i32>} : memref<50x32xf32, #tpu.memory_space<vmem>>, vector<16xf32>,
      %add3A_2941 = arith.addf %add3A_2921, %get3A_2940 : vector<16xf32>
      %get3A_2942 = arith.constant 38 : i32
      %get3A_2943 = arith.index_cast %get3A_2942 : i32 to index
      %get3A_2944 = arith.constant 0 : index
      %get3A_2945 = tpu.vector_load %arg15[%get3A_2943, %get3A_2944] {strides = array<i32>} : memref<50x32xf32, #tpu.memory_space<vmem>>, vector<16xf32>,
      %add3A_2946 = arith.addf %add3A_2926, %get3A_2945 : vector<16xf32>
      %get3A_2947 = arith.constant 38 : i32
      %get3A_2948 = arith.index_cast %get3A_2947 : i32 to index
      %get3A_2949 = arith.constant 16 : index
      %get3A_2950 = tpu.vector_load %arg15[%get3A_2948, %get3A_2949] {strides = array<i32>} : memref<50x32xf32, #tpu.memory_space<vmem>>, vector<16xf32>,
      %add3A_2951 = arith.addf %add3A_2931, %get3A_2950 : vector<16xf32>
      %get3A_2952 = arith.constant 39 : i32
      %get3A_2953 = arith.index_cast %get3A_2952 : i32 to index
      %get3A_2954 = arith.constant 0 : index
      %get3A_2955 = tpu.vector_load %arg11[%get3A_2953, %get3A_2954] {strides = array<i32>} : memref<50x32xf32, #tpu.memory_space<vmem>>, vector<16xf32>,
      %add3A_2956 = arith.addf %add3A_2936, %get3A_2955 : vector<16xf32>
      %get3A_2957 = arith.constant 39 : i32
      %get3A_2958 = arith.index_cast %get3A_2957 : i32 to index
      %get3A_2959 = arith.constant 16 : index
      %get3A_2960 = tpu.vector_load %arg11[%get3A_2958, %get3A_2959] {strides = array<i32>} : memref<50x32xf32, #tpu.memory_space<vmem>>, vector<16xf32>,
      %add3A_2961 = arith.addf %add3A_2941, %get3A_2960 : vector<16xf32>
      %get3A_2962 = arith.constant 39 : i32
      %get3A_2963 = arith.index_cast %get3A_2962 : i32 to index
      %get3A_2964 = arith.constant 0 : index
      %get3A_2965 = tpu.vector_load %arg15[%get3A_2963, %get3A_2964] {strides = array<i32>} : memref<50x32xf32, #tpu.memory_space<vmem>>, vector<16xf32>,
      %add3A_2966 = arith.addf %add3A_2946, %get3A_2965 : vector<16xf32>
      %get3A_2967 = arith.constant 39 : i32
      %get3A_2968 = arith.index_cast %get3A_2967 : i32 to index
      %get3A_2969 = arith.constant 16 : index
      %get3A_2970 = tpu.vector_load %arg15[%get3A_2968, %get3A_2969] {strides = array<i32>} : memref<50x32xf32, #tpu.memory_space<vmem>>, vector<16xf32>,
      %add3A_2971 = arith.addf %add3A_2951, %get3A_2970 : vector<16xf32>
      %get3A_2972 = arith.constant 40 : i32
      %get3A_2973 = arith.index_cast %get3A_2972 : i32 to index
      %get3A_2974 = arith.constant 0 : index
      %get3A_2975 = tpu.vector_load %arg11[%get3A_2973, %get3A_2974] {strides = array<i32>} : memref<50x32xf32, #tpu.memory_space<vmem>>, vector<16xf32>,
      %add3A_2976 = arith.addf %add3A_2956, %get3A_2975 : vector<16xf32>
      %get3A_2977 = arith.constant 40 : i32
      %get3A_2978 = arith.index_cast %get3A_2977 : i32 to index
      %get3A_2979 = arith.constant 16 : index
      %get3A_2980 = tpu.vector_load %arg11[%get3A_2978, %get3A_2979] {strides = array<i32>} : memref<50x32xf32, #tpu.memory_space<vmem>>, vector<16xf32>,
      %add3A_2981 = arith.addf %add3A_2961, %get3A_2980 : vector<16xf32>
      %get3A_2982 = arith.constant 40 : i32
      %get3A_2983 = arith.index_cast %get3A_2982 : i32 to index
      %get3A_2984 = arith.constant 0 : index
      %get3A_2985 = tpu.vector_load %arg15[%get3A_2983, %get3A_2984] {strides = array<i32>} : memref<50x32xf32, #tpu.memory_space<vmem>>, vector<16xf32>,
      %add3A_2986 = arith.addf %add3A_2966, %get3A_2985 : vector<16xf32>
      %get3A_2987 = arith.constant 40 : i32
      %get3A_2988 = arith.index_cast %get3A_2987 : i32 to index
      %get3A_2989 = arith.constant 16 : index
      %get3A_2990 = tpu.vector_load %arg15[%get3A_2988, %get3A_2989] {strides = array<i32>} : memref<50x32xf32, #tpu.memory_space<vmem>>, vector<16xf32>,
      %add3A_2991 = arith.addf %add3A_2971, %get3A_2990 : vector<16xf32>
      %get3A_2992 = arith.constant 41 : i32
      %get3A_2993 = arith.index_cast %get3A_2992 : i32 to index
      %get3A_2994 = arith.constant 0 : index
      %get3A_2995 = tpu.vector_load %arg11[%get3A_2993, %get3A_2994] {strides = array<i32>} : memref<50x32xf32, #tpu.memory_space<vmem>>, vector<16xf32>,
      %add3A_2996 = arith.addf %add3A_2976, %get3A_2995 : vector<16xf32>
      %get3A_2997 = arith.constant 41 : i32
      %get3A_2998 = arith.index_cast %get3A_2997 : i32 to index
      %get3A_2999 = arith.constant 16 : index
      %get3A_3000 = tpu.vector_load %arg11[%get3A_2998, %get3A_2999] {strides = array<i32>} : memref<50x32xf32, #tpu.memory_space<vmem>>, vector<16xf32>,
      %add3A_3001 = arith.addf %add3A_2981, %get3A_3000 : vector<16xf32>
      %get3A_3002 = arith.constant 41 : i32
      %get3A_3003 = arith.index_cast %get3A_3002 : i32 to index
      %get3A_3004 = arith.constant 0 : index
      %get3A_3005 = tpu.vector_load %arg15[%get3A_3003, %get3A_3004] {strides = array<i32>} : memref<50x32xf32, #tpu.memory_space<vmem>>, vector<16xf32>,
      %add3A_3006 = arith.addf %add3A_2986, %get3A_3005 : vector<16xf32>
      %get3A_3007 = arith.constant 41 : i32
      %get3A_3008 = arith.index_cast %get3A_3007 : i32 to index
      %get3A_3009 = arith.constant 16 : index
      %get3A_3010 = tpu.vector_load %arg15[%get3A_3008, %get3A_3009] {strides = array<i32>} : memref<50x32xf32, #tpu.memory_space<vmem>>, vector<16xf32>,
      %add3A_3011 = arith.addf %add3A_2991, %get3A_3010 : vector<16xf32>
      %get3A_3012 = arith.constant 42 : i32
      %get3A_3013 = arith.index_cast %get3A_3012 : i32 to index
      %get3A_3014 = arith.constant 0 : index
      %get3A_3015 = tpu.vector_load %arg11[%get3A_3013, %get3A_3014] {strides = array<i32>} : memref<50x32xf32, #tpu.memory_space<vmem>>, vector<16xf32>,
      %add3A_3016 = arith.addf %add3A_2996, %get3A_3015 : vector<16xf32>
      %get3A_3017 = arith.constant 42 : i32
      %get3A_3018 = arith.index_cast %get3A_3017 : i32 to index
      %get3A_3019 = arith.constant 16 : index
      %get3A_3020 = tpu.vector_load %arg11[%get3A_3018, %get3A_3019] {strides = array<i32>} : memref<50x32xf32, #tpu.memory_space<vmem>>, vector<16xf32>,
      %add3A_3021 = arith.addf %add3A_3001, %get3A_3020 : vector<16xf32>
      %get3A_3022 = arith.constant 42 : i32
      %get3A_3023 = arith.index_cast %get3A_3022 : i32 to index
      %get3A_3024 = arith.constant 0 : index
      %get3A_3025 = tpu.vector_load %arg15[%get3A_3023, %get3A_3024] {strides = array<i32>} : memref<50x32xf32, #tpu.memory_space<vmem>>, vector<16xf32>,
      %add3A_3026 = arith.addf %add3A_3006, %get3A_3025 : vector<16xf32>
      %get3A_3027 = arith.constant 42 : i32
      %get3A_3028 = arith.index_cast %get3A_3027 : i32 to index
      %get3A_3029 = arith.constant 16 : index
      %get3A_3030 = tpu.vector_load %arg15[%get3A_3028, %get3A_3029] {strides = array<i32>} : memref<50x32xf32, #tpu.memory_space<vmem>>, vector<16xf32>,
      %add3A_3031 = arith.addf %add3A_3011, %get3A_3030 : vector<16xf32>
      %get3A_3032 = arith.constant 43 : i32
      %get3A_3033 = arith.index_cast %get3A_3032 : i32 to index
      %get3A_3034 = arith.constant 0 : index
      %get3A_3035 = tpu.vector_load %arg11[%get3A_3033, %get3A_3034] {strides = array<i32>} : memref<50x32xf32, #tpu.memory_space<vmem>>, vector<16xf32>,
      %add3A_3036 = arith.addf %add3A_3016, %get3A_3035 : vector<16xf32>
      %get3A_3037 = arith.constant 43 : i32
      %get3A_3038 = arith.index_cast %get3A_3037 : i32 to index
      %get3A_3039 = arith.constant 16 : index
      %get3A_3040 = tpu.vector_load %arg11[%get3A_3038, %get3A_3039] {strides = array<i32>} : memref<50x32xf32, #tpu.memory_space<vmem>>, vector<16xf32>,
      %add3A_3041 = arith.addf %add3A_3021, %get3A_3040 : vector<16xf32>
      %get3A_3042 = arith.constant 43 : i32
      %get3A_3043 = arith.index_cast %get3A_3042 : i32 to index
      %get3A_3044 = arith.constant 0 : index
      %get3A_3045 = tpu.vector_load %arg15[%get3A_3043, %get3A_3044] {strides = array<i32>} : memref<50x32xf32, #tpu.memory_space<vmem>>, vector<16xf32>,
      %add3A_3046 = arith.addf %add3A_3026, %get3A_3045 : vector<16xf32>
      %get3A_3047 = arith.constant 43 : i32
      %get3A_3048 = arith.index_cast %get3A_3047 : i32 to index
      %get3A_3049 = arith.constant 16 : index
      %get3A_3050 = tpu.vector_load %arg15[%get3A_3048, %get3A_3049] {strides = array<i32>} : memref<50x32xf32, #tpu.memory_space<vmem>>, vector<16xf32>,
      %add3A_3051 = arith.addf %add3A_3031, %get3A_3050 : vector<16xf32>
      %get3A_3052 = arith.constant 44 : i32
      %get3A_3053 = arith.index_cast %get3A_3052 : i32 to index
      %get3A_3054 = arith.constant 0 : index
      %get3A_3055 = tpu.vector_load %arg11[%get3A_3053, %get3A_3054] {strides = array<i32>} : memref<50x32xf32, #tpu.memory_space<vmem>>, vector<16xf32>,
      %add3A_3056 = arith.addf %add3A_3036, %get3A_3055 : vector<16xf32>
      %get3A_3057 = arith.constant 44 : i32
      %get3A_3058 = arith.index_cast %get3A_3057 : i32 to index
      %get3A_3059 = arith.constant 16 : index
      %get3A_3060 = tpu.vector_load %arg11[%get3A_3058, %get3A_3059] {strides = array<i32>} : memref<50x32xf32, #tpu.memory_space<vmem>>, vector<16xf32>,
      %add3A_3061 = arith.addf %add3A_3041, %get3A_3060 : vector<16xf32>
      %get3A_3062 = arith.constant 44 : i32
      %get3A_3063 = arith.index_cast %get3A_3062 : i32 to index
      %get3A_3064 = arith.constant 0 : index
      %get3A_3065 = tpu.vector_load %arg15[%get3A_3063, %get3A_3064] {strides = array<i32>} : memref<50x32xf32, #tpu.memory_space<vmem>>, vector<16xf32>,
      %add3A_3066 = arith.addf %add3A_3046, %get3A_3065 : vector<16xf32>
      %get3A_3067 = arith.constant 44 : i32
      %get3A_3068 = arith.index_cast %get3A_3067 : i32 to index
      %get3A_3069 = arith.constant 16 : index
      %get3A_3070 = tpu.vector_load %arg15[%get3A_3068, %get3A_3069] {strides = array<i32>} : memref<50x32xf32, #tpu.memory_space<vmem>>, vector<16xf32>,
      %add3A_3071 = arith.addf %add3A_3051, %get3A_3070 : vector<16xf32>
      %get3A_3072 = arith.constant 45 : i32
      %get3A_3073 = arith.index_cast %get3A_3072 : i32 to index
      %get3A_3074 = arith.constant 0 : index
      %get3A_3075 = tpu.vector_load %arg11[%get3A_3073, %get3A_3074] {strides = array<i32>} : memref<50x32xf32, #tpu.memory_space<vmem>>, vector<16xf32>,
      %add3A_3076 = arith.addf %add3A_3056, %get3A_3075 : vector<16xf32>
      %get3A_3077 = arith.constant 45 : i32
      %get3A_3078 = arith.index_cast %get3A_3077 : i32 to index
      %get3A_3079 = arith.constant 16 : index
      %get3A_3080 = tpu.vector_load %arg11[%get3A_3078, %get3A_3079] {strides = array<i32>} : memref<50x32xf32, #tpu.memory_space<vmem>>, vector<16xf32>,
      %add3A_3081 = arith.addf %add3A_3061, %get3A_3080 : vector<16xf32>
      %get3A_3082 = arith.constant 45 : i32
      %get3A_3083 = arith.index_cast %get3A_3082 : i32 to index
      %get3A_3084 = arith.constant 0 : index
      %get3A_3085 = tpu.vector_load %arg15[%get3A_3083, %get3A_3084] {strides = array<i32>} : memref<50x32xf32, #tpu.memory_space<vmem>>, vector<16xf32>,
      %add3A_3086 = arith.addf %add3A_3066, %get3A_3085 : vector<16xf32>
      %get3A_3087 = arith.constant 45 : i32
      %get3A_3088 = arith.index_cast %get3A_3087 : i32 to index
      %get3A_3089 = arith.constant 16 : index
      %get3A_3090 = tpu.vector_load %arg15[%get3A_3088, %get3A_3089] {strides = array<i32>} : memref<50x32xf32, #tpu.memory_space<vmem>>, vector<16xf32>,
      %add3A_3091 = arith.addf %add3A_3071, %get3A_3090 : vector<16xf32>
      %get3A_3092 = arith.constant 46 : i32
      %get3A_3093 = arith.index_cast %get3A_3092 : i32 to index
      %get3A_3094 = arith.constant 0 : index
      %get3A_3095 = tpu.vector_load %arg11[%get3A_3093, %get3A_3094] {strides = array<i32>} : memref<50x32xf32, #tpu.memory_space<vmem>>, vector<16xf32>,
      %add3A_3096 = arith.addf %add3A_3076, %get3A_3095 : vector<16xf32>
      %get3A_3097 = arith.constant 46 : i32
      %get3A_3098 = arith.index_cast %get3A_3097 : i32 to index
      %get3A_3099 = arith.constant 16 : index
      %get3A_3100 = tpu.vector_load %arg11[%get3A_3098, %get3A_3099] {strides = array<i32>} : memref<50x32xf32, #tpu.memory_space<vmem>>, vector<16xf32>,
      %add3A_3101 = arith.addf %add3A_3081, %get3A_3100 : vector<16xf32>
      %get3A_3102 = arith.constant 46 : i32
      %get3A_3103 = arith.index_cast %get3A_3102 : i32 to index
      %get3A_3104 = arith.constant 0 : index
      %get3A_3105 = tpu.vector_load %arg15[%get3A_3103, %get3A_3104] {strides = array<i32>} : memref<50x32xf32, #tpu.memory_space<vmem>>, vector<16xf32>,
      %add3A_3106 = arith.addf %add3A_3086, %get3A_3105 : vector<16xf32>
      %get3A_3107 = arith.constant 46 : i32
      %get3A_3108 = arith.index_cast %get3A_3107 : i32 to index
      %get3A_3109 = arith.constant 16 : index
      %get3A_3110 = tpu.vector_load %arg15[%get3A_3108, %get3A_3109] {strides = array<i32>} : memref<50x32xf32, #tpu.memory_space<vmem>>, vector<16xf32>,
      %add3A_3111 = arith.addf %add3A_3091, %get3A_3110 : vector<16xf32>
      %get3A_3112 = arith.constant 47 : i32
      %get3A_3113 = arith.index_cast %get3A_3112 : i32 to index
      %get3A_3114 = arith.constant 0 : index
      %get3A_3115 = tpu.vector_load %arg11[%get3A_3113, %get3A_3114] {strides = array<i32>} : memref<50x32xf32, #tpu.memory_space<vmem>>, vector<16xf32>,
      %add3A_3116 = arith.addf %add3A_3096, %get3A_3115 : vector<16xf32>
      %get3A_3117 = arith.constant 47 : i32
      %get3A_3118 = arith.index_cast %get3A_3117 : i32 to index
      %get3A_3119 = arith.constant 16 : index
      %get3A_3120 = tpu.vector_load %arg11[%get3A_3118, %get3A_3119] {strides = array<i32>} : memref<50x32xf32, #tpu.memory_space<vmem>>, vector<16xf32>,
      %add3A_3121 = arith.addf %add3A_3101, %get3A_3120 : vector<16xf32>
      %get3A_3122 = arith.constant 47 : i32
      %get3A_3123 = arith.index_cast %get3A_3122 : i32 to index
      %get3A_3124 = arith.constant 0 : index
      %get3A_3125 = tpu.vector_load %arg15[%get3A_3123, %get3A_3124] {strides = array<i32>} : memref<50x32xf32, #tpu.memory_space<vmem>>, vector<16xf32>,
      %add3A_3126 = arith.addf %add3A_3106, %get3A_3125 : vector<16xf32>
      %get3A_3127 = arith.constant 47 : i32
      %get3A_3128 = arith.index_cast %get3A_3127 : i32 to index
      %get3A_3129 = arith.constant 16 : index
      %get3A_3130 = tpu.vector_load %arg15[%get3A_3128, %get3A_3129] {strides = array<i32>} : memref<50x32xf32, #tpu.memory_space<vmem>>, vector<16xf32>,
      %add3A_3131 = arith.addf %add3A_3111, %get3A_3130 : vector<16xf32>
      %get3A_3132 = arith.constant 48 : i32
      %get3A_3133 = arith.index_cast %get3A_3132 : i32 to index
      %get3A_3134 = arith.constant 0 : index
      %get3A_3135 = tpu.vector_load %arg11[%get3A_3133, %get3A_3134] {strides = array<i32>} : memref<50x32xf32, #tpu.memory_space<vmem>>, vector<16xf32>,
      %add3A_3136 = arith.addf %add3A_3116, %get3A_3135 : vector<16xf32>
      %get3A_3137 = arith.constant 48 : i32
      %get3A_3138 = arith.index_cast %get3A_3137 : i32 to index
      %get3A_3139 = arith.constant 16 : index
      %get3A_3140 = tpu.vector_load %arg11[%get3A_3138, %get3A_3139] {strides = array<i32>} : memref<50x32xf32, #tpu.memory_space<vmem>>, vector<16xf32>,
      %add3A_3141 = arith.addf %add3A_3121, %get3A_3140 : vector<16xf32>
      %get3A_3142 = arith.constant 48 : i32
      %get3A_3143 = arith.index_cast %get3A_3142 : i32 to index
      %get3A_3144 = arith.constant 0 : index
      %get3A_3145 = tpu.vector_load %arg15[%get3A_3143, %get3A_3144] {strides = array<i32>} : memref<50x32xf32, #tpu.memory_space<vmem>>, vector<16xf32>,
      %add3A_3146 = arith.addf %add3A_3126, %get3A_3145 : vector<16xf32>
      %get3A_3147 = arith.constant 48 : i32
      %get3A_3148 = arith.index_cast %get3A_3147 : i32 to index
      %get3A_3149 = arith.constant 16 : index
      %get3A_3150 = tpu.vector_load %arg15[%get3A_3148, %get3A_3149] {strides = array<i32>} : memref<50x32xf32, #tpu.memory_space<vmem>>, vector<16xf32>,
      %add3A_3151 = arith.addf %add3A_3131, %get3A_3150 : vector<16xf32>
      %get3A_3152 = arith.constant 49 : i32
      %get3A_3153 = arith.index_cast %get3A_3152 : i32 to index
      %get3A_3154 = arith.constant 0 : index
      %get3A_3155 = tpu.vector_load %arg11[%get3A_3153, %get3A_3154] {strides = array<i32>} : memref<50x32xf32, #tpu.memory_space<vmem>>, vector<16xf32>,
      %add3A_3156 = arith.addf %add3A_3136, %get3A_3155 : vector<16xf32>
      %get3A_3157 = arith.constant 49 : i32
      %get3A_3158 = arith.index_cast %get3A_3157 : i32 to index
      %get3A_3159 = arith.constant 16 : index
      %get3A_3160 = tpu.vector_load %arg11[%get3A_3158, %get3A_3159] {strides = array<i32>} : memref<50x32xf32, #tpu.memory_space<vmem>>, vector<16xf32>,
      %add3A_3161 = arith.addf %add3A_3141, %get3A_3160 : vector<16xf32>
      %get3A_3162 = arith.constant 49 : i32
      %get3A_3163 = arith.index_cast %get3A_3162 : i32 to index
      %get3A_3164 = arith.constant 0 : index
      %get3A_3165 = tpu.vector_load %arg15[%get3A_3163, %get3A_3164] {strides = array<i32>} : memref<50x32xf32, #tpu.memory_space<vmem>>, vector<16xf32>,
      %add3A_3166 = arith.addf %add3A_3146, %get3A_3165 : vector<16xf32>
      %get3A_3167 = arith.constant 49 : i32
      %get3A_3168 = arith.index_cast %get3A_3167 : i32 to index
      %get3A_3169 = arith.constant 16 : index
      %get3A_3170 = tpu.vector_load %arg15[%get3A_3168, %get3A_3169] {strides = array<i32>} : memref<50x32xf32, #tpu.memory_space<vmem>>, vector<16xf32>,
      %add3A_3171 = arith.addf %add3A_3151, %get3A_3170 : vector<16xf32>
      %mul3A_3172 = arith.mulf %add3A_3156, %add3A_3166 : vector<16xf32>
      %mul3A_3173 = arith.mulf %add3A_3161, %add3A_3171 : vector<16xf32>
      %add3A_3174 = arith.addf %mul3A_3172, %mul3A_3173 : vector<16xf32>
      %broadcast_in_dim3A_3175 = arith.constant true
      %broadcast_in_dim3A_3176 = vector.broadcast %broadcast_in_dim3A_3175 : i1 to vector<16xi1>
      %masked_cumsum3A_3177 = tpu.scan <sum>, %add3A_3174 masked %broadcast_in_dim3A_3176 : vector<16xf32>, vector<16xi1> -> vector<16xf32>
      %mul3A_3178 = arith.constant 4.000000e-04 : f32
      %mul3A_3179 = vector.broadcast %mul3A_3178 : f32 to vector<16xf32>
      %mul3A_3180 = arith.mulf %masked_cumsum3A_3177, %mul3A_3179 : vector<16xf32>
      %broadcast_in_dim3A_3181 = vector.broadcast %add3A_2163 : i32 to vector<16xi32>
      tpu.vector_store_idx %arg8[%broadcast_in_dim3A_3181], %mul3A_3180 masked %eq3A_4 : memref<128xf32, #tpu.memory_space<vmem>>[vector<16xi32>], vector<16xf32>, vector<16xi1>
      %dma_wait3A_3182 = arith.constant 0 : i32
      %dma_wait3A_3183 = arith.constant 0 : i32
      %dma_wait3A_3184 = tpu.memref_slice %arg6[%dma_wait3A_3182, %dma_wait3A_3183] : memref<128x50xi32, #tpu.memory_space<vmem>> -> memref<1x50xi32, #tpu.memory_space<vmem>>
      %dma_wait3A_3185 = tpu.memref_squeeze %dma_wait3A_3184 : memref<1x50xi32, #tpu.memory_space<vmem>> -> memref<50xi32, #tpu.memory_space<vmem>>
      %dma_wait3A_3186 = arith.constant 0 : i32
      %dma_wait3A_3187 = arith.constant 0 : i32
      %dma_wait3A_3188 = tpu.memref_slice %arg4[%dma_wait3A_3186, %dma_wait3A_3187] : memref<100000x32xf32, #tpu.memory_space<hbm>> -> memref<100000x32xf32, #tpu.memory_space<hbm>>
      tpu.wait_indirect_dma semaphore(%arg20 : memref<!tpu.dma_semaphore, #tpu.memory_space<semaphore_mem>>) src(%dma_wait3A_3188 : memref<100000x32xf32, #tpu.memory_space<hbm>>) dst(%arg12 : memref<50x32xf32, #tpu.memory_space<vmem>>)
      %dma_wait3A_3189 = arith.constant 0 : i32
      %dma_wait3A_3190 = arith.constant 0 : i32
      %dma_wait3A_3191 = tpu.memref_slice %arg7[%dma_wait3A_3189, %dma_wait3A_3190] : memref<128x50xi32, #tpu.memory_space<vmem>> -> memref<1x50xi32, #tpu.memory_space<vmem>>
      %dma_wait3A_3192 = tpu.memref_squeeze %dma_wait3A_3191 : memref<1x50xi32, #tpu.memory_space<vmem>> -> memref<50xi32, #tpu.memory_space<vmem>>
      %dma_wait3A_3193 = arith.constant 0 : i32
      %dma_wait3A_3194 = arith.constant 0 : i32
      %dma_wait3A_3195 = tpu.memref_slice %arg4[%dma_wait3A_3193, %dma_wait3A_3194] : memref<100000x32xf32, #tpu.memory_space<hbm>> -> memref<100000x32xf32, #tpu.memory_space<hbm>>
      tpu.wait_indirect_dma semaphore(%arg24 : memref<!tpu.dma_semaphore, #tpu.memory_space<semaphore_mem>>) src(%dma_wait3A_3195 : memref<100000x32xf32, #tpu.memory_space<hbm>>) dst(%arg16 : memref<50x32xf32, #tpu.memory_space<vmem>>)
      %add3A_3196 = arith.constant 3 : i32
      %add3A_3197 = arith.addi %add3A_54, %add3A_3196 : i32
      %add3A_3198 = arith.constant 4 : i32
      %add3A_3199 = arith.addi %add3A_3197, %add3A_3198 : i32
      %sub3A_3200 = arith.constant 1 : i32
      %sub3A_3201 = arith.subi %add3A_3199, %sub3A_3200 : i32
      %lt3A_3202 = arith.constant 128 : i32
      %lt3A_3203 = arith.cmpi slt, %sub3A_3201, %lt3A_3202 : i32
      %convert_element_type3A_3204 = arith.extui %lt3A_3203 : i1 to i32
      %cond3A_3205 = arith.constant 0 : i32
      %cond3A_3206 = arith.cmpi ne, %convert_element_type3A_3204, %cond3A_3205 : i32
      scf.if %cond3A_3206 {
        %add3A_4227 = arith.constant 3 : i32
        %add3A_4228 = arith.addi %add3A_54, %add3A_4227 : i32
        %add3A_4229 = arith.constant 4 : i32
        %add3A_4230 = arith.addi %add3A_4228, %add3A_4229 : i32
        %sub3A_4231 = arith.constant 1 : i32
        %sub3A_4232 = arith.subi %add3A_4230, %sub3A_4231 : i32
        %dma_start3A_4233 = arith.constant 0 : i32
        %dma_start3A_4234 = tpu.memref_slice %arg6[%sub3A_4232, %dma_start3A_4233] : memref<128x50xi32, #tpu.memory_space<vmem>> -> memref<1x50xi32, #tpu.memory_space<vmem>>
        %dma_start3A_4235 = tpu.memref_squeeze %dma_start3A_4234 : memref<1x50xi32, #tpu.memory_space<vmem>> -> memref<50xi32, #tpu.memory_space<vmem>>
        %dma_start3A_4236 = arith.constant 0 : i32
        %dma_start3A_4237 = arith.constant 0 : i32
        %dma_start3A_4238 = tpu.memref_slice %arg4[%dma_start3A_4236, %dma_start3A_4237] : memref<100000x32xf32, #tpu.memory_space<hbm>> -> memref<100000x32xf32, #tpu.memory_space<hbm>>
        tpu.enqueue_indirect_dma source(%dma_start3A_4238 : memref<100000x32xf32, #tpu.memory_space<hbm>>) target(%arg11 : memref<50x32xf32, #tpu.memory_space<vmem>>) offsets(%dma_start3A_4235 : memref<50xi32, #tpu.memory_space<vmem>>) semaphore(%arg19 : memref<!tpu.dma_semaphore, #tpu.memory_space<semaphore_mem>>)
        %dma_start3A_4239 = arith.constant 0 : i32
        %dma_start3A_4240 = tpu.memref_slice %arg7[%sub3A_4232, %dma_start3A_4239] : memref<128x50xi32, #tpu.memory_space<vmem>> -> memref<1x50xi32, #tpu.memory_space<vmem>>
        %dma_start3A_4241 = tpu.memref_squeeze %dma_start3A_4240 : memref<1x50xi32, #tpu.memory_space<vmem>> -> memref<50xi32, #tpu.memory_space<vmem>>
        %dma_start3A_4242 = arith.constant 0 : i32
        %dma_start3A_4243 = arith.constant 0 : i32
        %dma_start3A_4244 = tpu.memref_slice %arg4[%dma_start3A_4242, %dma_start3A_4243] : memref<100000x32xf32, #tpu.memory_space<hbm>> -> memref<100000x32xf32, #tpu.memory_space<hbm>>
        tpu.enqueue_indirect_dma source(%dma_start3A_4244 : memref<100000x32xf32, #tpu.memory_space<hbm>>) target(%arg15 : memref<50x32xf32, #tpu.memory_space<vmem>>) offsets(%dma_start3A_4241 : memref<50xi32, #tpu.memory_space<vmem>>) semaphore(%arg23 : memref<!tpu.dma_semaphore, #tpu.memory_space<semaphore_mem>>)
      } else {
      }
      %add3A_3207 = arith.constant 3 : i32
      %add3A_3208 = arith.addi %add3A_54, %add3A_3207 : i32
      %broadcast_in_dim3A_3209 = arith.constant 0.000000e+00 : f32
      %broadcast_in_dim3A_3210 = vector.broadcast %broadcast_in_dim3A_3209 : f32 to vector<16xf32>
      %broadcast_in_dim3A_3211 = arith.constant 0.000000e+00 : f32
      %broadcast_in_dim3A_3212 = vector.broadcast %broadcast_in_dim3A_3211 : f32 to vector<16xf32>
      %broadcast_in_dim3A_3213 = arith.constant 0.000000e+00 : f32
      %broadcast_in_dim3A_3214 = vector.broadcast %broadcast_in_dim3A_3213 : f32 to vector<16xf32>
      %broadcast_in_dim3A_3215 = arith.constant 0.000000e+00 : f32
      %broadcast_in_dim3A_3216 = vector.broadcast %broadcast_in_dim3A_3215 : f32 to vector<16xf32>
      %get3A_3217 = arith.constant 0 : i32
      %get3A_3218 = arith.index_cast %get3A_3217 : i32 to index
      %get3A_3219 = arith.constant 0 : index
      %get3A_3220 = tpu.vector_load %arg12[%get3A_3218, %get3A_3219] {strides = array<i32>} : memref<50x32xf32, #tpu.memory_space<vmem>>, vector<16xf32>,
      %add3A_3221 = arith.addf %broadcast_in_dim3A_3210, %get3A_3220 : vector<16xf32>
      %get3A_3222 = arith.constant 0 : i32
      %get3A_3223 = arith.index_cast %get3A_3222 : i32 to index
      %get3A_3224 = arith.constant 16 : index
      %get3A_3225 = tpu.vector_load %arg12[%get3A_3223, %get3A_3224] {strides = array<i32>} : memref<50x32xf32, #tpu.memory_space<vmem>>, vector<16xf32>,
      %add3A_3226 = arith.addf %broadcast_in_dim3A_3212, %get3A_3225 : vector<16xf32>
      %get3A_3227 = arith.constant 0 : i32
      %get3A_3228 = arith.index_cast %get3A_3227 : i32 to index
      %get3A_3229 = arith.constant 0 : index
      %get3A_3230 = tpu.vector_load %arg16[%get3A_3228, %get3A_3229] {strides = array<i32>} : memref<50x32xf32, #tpu.memory_space<vmem>>, vector<16xf32>,
      %add3A_3231 = arith.addf %broadcast_in_dim3A_3214, %get3A_3230 : vector<16xf32>
      %get3A_3232 = arith.constant 0 : i32
      %get3A_3233 = arith.index_cast %get3A_3232 : i32 to index
      %get3A_3234 = arith.constant 16 : index
      %get3A_3235 = tpu.vector_load %arg16[%get3A_3233, %get3A_3234] {strides = array<i32>} : memref<50x32xf32, #tpu.memory_space<vmem>>, vector<16xf32>,
      %add3A_3236 = arith.addf %broadcast_in_dim3A_3216, %get3A_3235 : vector<16xf32>
      %get3A_3237 = arith.constant 1 : i32
      %get3A_3238 = arith.index_cast %get3A_3237 : i32 to index
      %get3A_3239 = arith.constant 0 : index
      %get3A_3240 = tpu.vector_load %arg12[%get3A_3238, %get3A_3239] {strides = array<i32>} : memref<50x32xf32, #tpu.memory_space<vmem>>, vector<16xf32>,
      %add3A_3241 = arith.addf %add3A_3221, %get3A_3240 : vector<16xf32>
      %get3A_3242 = arith.constant 1 : i32
      %get3A_3243 = arith.index_cast %get3A_3242 : i32 to index
      %get3A_3244 = arith.constant 16 : index
      %get3A_3245 = tpu.vector_load %arg12[%get3A_3243, %get3A_3244] {strides = array<i32>} : memref<50x32xf32, #tpu.memory_space<vmem>>, vector<16xf32>,
      %add3A_3246 = arith.addf %add3A_3226, %get3A_3245 : vector<16xf32>
      %get3A_3247 = arith.constant 1 : i32
      %get3A_3248 = arith.index_cast %get3A_3247 : i32 to index
      %get3A_3249 = arith.constant 0 : index
      %get3A_3250 = tpu.vector_load %arg16[%get3A_3248, %get3A_3249] {strides = array<i32>} : memref<50x32xf32, #tpu.memory_space<vmem>>, vector<16xf32>,
      %add3A_3251 = arith.addf %add3A_3231, %get3A_3250 : vector<16xf32>
      %get3A_3252 = arith.constant 1 : i32
      %get3A_3253 = arith.index_cast %get3A_3252 : i32 to index
      %get3A_3254 = arith.constant 16 : index
      %get3A_3255 = tpu.vector_load %arg16[%get3A_3253, %get3A_3254] {strides = array<i32>} : memref<50x32xf32, #tpu.memory_space<vmem>>, vector<16xf32>,
      %add3A_3256 = arith.addf %add3A_3236, %get3A_3255 : vector<16xf32>
      %get3A_3257 = arith.constant 2 : i32
      %get3A_3258 = arith.index_cast %get3A_3257 : i32 to index
      %get3A_3259 = arith.constant 0 : index
      %get3A_3260 = tpu.vector_load %arg12[%get3A_3258, %get3A_3259] {strides = array<i32>} : memref<50x32xf32, #tpu.memory_space<vmem>>, vector<16xf32>,
      %add3A_3261 = arith.addf %add3A_3241, %get3A_3260 : vector<16xf32>
      %get3A_3262 = arith.constant 2 : i32
      %get3A_3263 = arith.index_cast %get3A_3262 : i32 to index
      %get3A_3264 = arith.constant 16 : index
      %get3A_3265 = tpu.vector_load %arg12[%get3A_3263, %get3A_3264] {strides = array<i32>} : memref<50x32xf32, #tpu.memory_space<vmem>>, vector<16xf32>,
      %add3A_3266 = arith.addf %add3A_3246, %get3A_3265 : vector<16xf32>
      %get3A_3267 = arith.constant 2 : i32
      %get3A_3268 = arith.index_cast %get3A_3267 : i32 to index
      %get3A_3269 = arith.constant 0 : index
      %get3A_3270 = tpu.vector_load %arg16[%get3A_3268, %get3A_3269] {strides = array<i32>} : memref<50x32xf32, #tpu.memory_space<vmem>>, vector<16xf32>,
      %add3A_3271 = arith.addf %add3A_3251, %get3A_3270 : vector<16xf32>
      %get3A_3272 = arith.constant 2 : i32
      %get3A_3273 = arith.index_cast %get3A_3272 : i32 to index
      %get3A_3274 = arith.constant 16 : index
      %get3A_3275 = tpu.vector_load %arg16[%get3A_3273, %get3A_3274] {strides = array<i32>} : memref<50x32xf32, #tpu.memory_space<vmem>>, vector<16xf32>,
      %add3A_3276 = arith.addf %add3A_3256, %get3A_3275 : vector<16xf32>
      %get3A_3277 = arith.constant 3 : i32
      %get3A_3278 = arith.index_cast %get3A_3277 : i32 to index
      %get3A_3279 = arith.constant 0 : index
      %get3A_3280 = tpu.vector_load %arg12[%get3A_3278, %get3A_3279] {strides = array<i32>} : memref<50x32xf32, #tpu.memory_space<vmem>>, vector<16xf32>,
      %add3A_3281 = arith.addf %add3A_3261, %get3A_3280 : vector<16xf32>
      %get3A_3282 = arith.constant 3 : i32
      %get3A_3283 = arith.index_cast %get3A_3282 : i32 to index
      %get3A_3284 = arith.constant 16 : index
      %get3A_3285 = tpu.vector_load %arg12[%get3A_3283, %get3A_3284] {strides = array<i32>} : memref<50x32xf32, #tpu.memory_space<vmem>>, vector<16xf32>,
      %add3A_3286 = arith.addf %add3A_3266, %get3A_3285 : vector<16xf32>
      %get3A_3287 = arith.constant 3 : i32
      %get3A_3288 = arith.index_cast %get3A_3287 : i32 to index
      %get3A_3289 = arith.constant 0 : index
      %get3A_3290 = tpu.vector_load %arg16[%get3A_3288, %get3A_3289] {strides = array<i32>} : memref<50x32xf32, #tpu.memory_space<vmem>>, vector<16xf32>,
      %add3A_3291 = arith.addf %add3A_3271, %get3A_3290 : vector<16xf32>
      %get3A_3292 = arith.constant 3 : i32
      %get3A_3293 = arith.index_cast %get3A_3292 : i32 to index
      %get3A_3294 = arith.constant 16 : index
      %get3A_3295 = tpu.vector_load %arg16[%get3A_3293, %get3A_3294] {strides = array<i32>} : memref<50x32xf32, #tpu.memory_space<vmem>>, vector<16xf32>,
      %add3A_3296 = arith.addf %add3A_3276, %get3A_3295 : vector<16xf32>
      %get3A_3297 = arith.constant 4 : i32
      %get3A_3298 = arith.index_cast %get3A_3297 : i32 to index
      %get3A_3299 = arith.constant 0 : index
      %get3A_3300 = tpu.vector_load %arg12[%get3A_3298, %get3A_3299] {strides = array<i32>} : memref<50x32xf32, #tpu.memory_space<vmem>>, vector<16xf32>,
      %add3A_3301 = arith.addf %add3A_3281, %get3A_3300 : vector<16xf32>
      %get3A_3302 = arith.constant 4 : i32
      %get3A_3303 = arith.index_cast %get3A_3302 : i32 to index
      %get3A_3304 = arith.constant 16 : index
      %get3A_3305 = tpu.vector_load %arg12[%get3A_3303, %get3A_3304] {strides = array<i32>} : memref<50x32xf32, #tpu.memory_space<vmem>>, vector<16xf32>,
      %add3A_3306 = arith.addf %add3A_3286, %get3A_3305 : vector<16xf32>
      %get3A_3307 = arith.constant 4 : i32
      %get3A_3308 = arith.index_cast %get3A_3307 : i32 to index
      %get3A_3309 = arith.constant 0 : index
      %get3A_3310 = tpu.vector_load %arg16[%get3A_3308, %get3A_3309] {strides = array<i32>} : memref<50x32xf32, #tpu.memory_space<vmem>>, vector<16xf32>,
      %add3A_3311 = arith.addf %add3A_3291, %get3A_3310 : vector<16xf32>
      %get3A_3312 = arith.constant 4 : i32
      %get3A_3313 = arith.index_cast %get3A_3312 : i32 to index
      %get3A_3314 = arith.constant 16 : index
      %get3A_3315 = tpu.vector_load %arg16[%get3A_3313, %get3A_3314] {strides = array<i32>} : memref<50x32xf32, #tpu.memory_space<vmem>>, vector<16xf32>,
      %add3A_3316 = arith.addf %add3A_3296, %get3A_3315 : vector<16xf32>
      %get3A_3317 = arith.constant 5 : i32
      %get3A_3318 = arith.index_cast %get3A_3317 : i32 to index
      %get3A_3319 = arith.constant 0 : index
      %get3A_3320 = tpu.vector_load %arg12[%get3A_3318, %get3A_3319] {strides = array<i32>} : memref<50x32xf32, #tpu.memory_space<vmem>>, vector<16xf32>,
      %add3A_3321 = arith.addf %add3A_3301, %get3A_3320 : vector<16xf32>
      %get3A_3322 = arith.constant 5 : i32
      %get3A_3323 = arith.index_cast %get3A_3322 : i32 to index
      %get3A_3324 = arith.constant 16 : index
      %get3A_3325 = tpu.vector_load %arg12[%get3A_3323, %get3A_3324] {strides = array<i32>} : memref<50x32xf32, #tpu.memory_space<vmem>>, vector<16xf32>,
      %add3A_3326 = arith.addf %add3A_3306, %get3A_3325 : vector<16xf32>
      %get3A_3327 = arith.constant 5 : i32
      %get3A_3328 = arith.index_cast %get3A_3327 : i32 to index
      %get3A_3329 = arith.constant 0 : index
      %get3A_3330 = tpu.vector_load %arg16[%get3A_3328, %get3A_3329] {strides = array<i32>} : memref<50x32xf32, #tpu.memory_space<vmem>>, vector<16xf32>,
      %add3A_3331 = arith.addf %add3A_3311, %get3A_3330 : vector<16xf32>
      %get3A_3332 = arith.constant 5 : i32
      %get3A_3333 = arith.index_cast %get3A_3332 : i32 to index
      %get3A_3334 = arith.constant 16 : index
      %get3A_3335 = tpu.vector_load %arg16[%get3A_3333, %get3A_3334] {strides = array<i32>} : memref<50x32xf32, #tpu.memory_space<vmem>>, vector<16xf32>,
      %add3A_3336 = arith.addf %add3A_3316, %get3A_3335 : vector<16xf32>
      %get3A_3337 = arith.constant 6 : i32
      %get3A_3338 = arith.index_cast %get3A_3337 : i32 to index
      %get3A_3339 = arith.constant 0 : index
      %get3A_3340 = tpu.vector_load %arg12[%get3A_3338, %get3A_3339] {strides = array<i32>} : memref<50x32xf32, #tpu.memory_space<vmem>>, vector<16xf32>,
      %add3A_3341 = arith.addf %add3A_3321, %get3A_3340 : vector<16xf32>
      %get3A_3342 = arith.constant 6 : i32
      %get3A_3343 = arith.index_cast %get3A_3342 : i32 to index
      %get3A_3344 = arith.constant 16 : index
      %get3A_3345 = tpu.vector_load %arg12[%get3A_3343, %get3A_3344] {strides = array<i32>} : memref<50x32xf32, #tpu.memory_space<vmem>>, vector<16xf32>,
      %add3A_3346 = arith.addf %add3A_3326, %get3A_3345 : vector<16xf32>
      %get3A_3347 = arith.constant 6 : i32
      %get3A_3348 = arith.index_cast %get3A_3347 : i32 to index
      %get3A_3349 = arith.constant 0 : index
      %get3A_3350 = tpu.vector_load %arg16[%get3A_3348, %get3A_3349] {strides = array<i32>} : memref<50x32xf32, #tpu.memory_space<vmem>>, vector<16xf32>,
      %add3A_3351 = arith.addf %add3A_3331, %get3A_3350 : vector<16xf32>
      %get3A_3352 = arith.constant 6 : i32
      %get3A_3353 = arith.index_cast %get3A_3352 : i32 to index
      %get3A_3354 = arith.constant 16 : index
      %get3A_3355 = tpu.vector_load %arg16[%get3A_3353, %get3A_3354] {strides = array<i32>} : memref<50x32xf32, #tpu.memory_space<vmem>>, vector<16xf32>,
      %add3A_3356 = arith.addf %add3A_3336, %get3A_3355 : vector<16xf32>
      %get3A_3357 = arith.constant 7 : i32
      %get3A_3358 = arith.index_cast %get3A_3357 : i32 to index
      %get3A_3359 = arith.constant 0 : index
      %get3A_3360 = tpu.vector_load %arg12[%get3A_3358, %get3A_3359] {strides = array<i32>} : memref<50x32xf32, #tpu.memory_space<vmem>>, vector<16xf32>,
      %add3A_3361 = arith.addf %add3A_3341, %get3A_3360 : vector<16xf32>
      %get3A_3362 = arith.constant 7 : i32
      %get3A_3363 = arith.index_cast %get3A_3362 : i32 to index
      %get3A_3364 = arith.constant 16 : index
      %get3A_3365 = tpu.vector_load %arg12[%get3A_3363, %get3A_3364] {strides = array<i32>} : memref<50x32xf32, #tpu.memory_space<vmem>>, vector<16xf32>,
      %add3A_3366 = arith.addf %add3A_3346, %get3A_3365 : vector<16xf32>
      %get3A_3367 = arith.constant 7 : i32
      %get3A_3368 = arith.index_cast %get3A_3367 : i32 to index
      %get3A_3369 = arith.constant 0 : index
      %get3A_3370 = tpu.vector_load %arg16[%get3A_3368, %get3A_3369] {strides = array<i32>} : memref<50x32xf32, #tpu.memory_space<vmem>>, vector<16xf32>,
      %add3A_3371 = arith.addf %add3A_3351, %get3A_3370 : vector<16xf32>
      %get3A_3372 = arith.constant 7 : i32
      %get3A_3373 = arith.index_cast %get3A_3372 : i32 to index
      %get3A_3374 = arith.constant 16 : index
      %get3A_3375 = tpu.vector_load %arg16[%get3A_3373, %get3A_3374] {strides = array<i32>} : memref<50x32xf32, #tpu.memory_space<vmem>>, vector<16xf32>,
      %add3A_3376 = arith.addf %add3A_3356, %get3A_3375 : vector<16xf32>
      %get3A_3377 = arith.constant 8 : i32
      %get3A_3378 = arith.index_cast %get3A_3377 : i32 to index
      %get3A_3379 = arith.constant 0 : index
      %get3A_3380 = tpu.vector_load %arg12[%get3A_3378, %get3A_3379] {strides = array<i32>} : memref<50x32xf32, #tpu.memory_space<vmem>>, vector<16xf32>,
      %add3A_3381 = arith.addf %add3A_3361, %get3A_3380 : vector<16xf32>
      %get3A_3382 = arith.constant 8 : i32
      %get3A_3383 = arith.index_cast %get3A_3382 : i32 to index
      %get3A_3384 = arith.constant 16 : index
      %get3A_3385 = tpu.vector_load %arg12[%get3A_3383, %get3A_3384] {strides = array<i32>} : memref<50x32xf32, #tpu.memory_space<vmem>>, vector<16xf32>,
      %add3A_3386 = arith.addf %add3A_3366, %get3A_3385 : vector<16xf32>
      %get3A_3387 = arith.constant 8 : i32
      %get3A_3388 = arith.index_cast %get3A_3387 : i32 to index
      %get3A_3389 = arith.constant 0 : index
      %get3A_3390 = tpu.vector_load %arg16[%get3A_3388, %get3A_3389] {strides = array<i32>} : memref<50x32xf32, #tpu.memory_space<vmem>>, vector<16xf32>,
      %add3A_3391 = arith.addf %add3A_3371, %get3A_3390 : vector<16xf32>
      %get3A_3392 = arith.constant 8 : i32
      %get3A_3393 = arith.index_cast %get3A_3392 : i32 to index
      %get3A_3394 = arith.constant 16 : index
      %get3A_3395 = tpu.vector_load %arg16[%get3A_3393, %get3A_3394] {strides = array<i32>} : memref<50x32xf32, #tpu.memory_space<vmem>>, vector<16xf32>,
      %add3A_3396 = arith.addf %add3A_3376, %get3A_3395 : vector<16xf32>
      %get3A_3397 = arith.constant 9 : i32
      %get3A_3398 = arith.index_cast %get3A_3397 : i32 to index
      %get3A_3399 = arith.constant 0 : index
      %get3A_3400 = tpu.vector_load %arg12[%get3A_3398, %get3A_3399] {strides = array<i32>} : memref<50x32xf32, #tpu.memory_space<vmem>>, vector<16xf32>,
      %add3A_3401 = arith.addf %add3A_3381, %get3A_3400 : vector<16xf32>
      %get3A_3402 = arith.constant 9 : i32
      %get3A_3403 = arith.index_cast %get3A_3402 : i32 to index
      %get3A_3404 = arith.constant 16 : index
      %get3A_3405 = tpu.vector_load %arg12[%get3A_3403, %get3A_3404] {strides = array<i32>} : memref<50x32xf32, #tpu.memory_space<vmem>>, vector<16xf32>,
      %add3A_3406 = arith.addf %add3A_3386, %get3A_3405 : vector<16xf32>
      %get3A_3407 = arith.constant 9 : i32
      %get3A_3408 = arith.index_cast %get3A_3407 : i32 to index
      %get3A_3409 = arith.constant 0 : index
      %get3A_3410 = tpu.vector_load %arg16[%get3A_3408, %get3A_3409] {strides = array<i32>} : memref<50x32xf32, #tpu.memory_space<vmem>>, vector<16xf32>,
      %add3A_3411 = arith.addf %add3A_3391, %get3A_3410 : vector<16xf32>
      %get3A_3412 = arith.constant 9 : i32
      %get3A_3413 = arith.index_cast %get3A_3412 : i32 to index
      %get3A_3414 = arith.constant 16 : index
      %get3A_3415 = tpu.vector_load %arg16[%get3A_3413, %get3A_3414] {strides = array<i32>} : memref<50x32xf32, #tpu.memory_space<vmem>>, vector<16xf32>,
      %add3A_3416 = arith.addf %add3A_3396, %get3A_3415 : vector<16xf32>
      %get3A_3417 = arith.constant 10 : i32
      %get3A_3418 = arith.index_cast %get3A_3417 : i32 to index
      %get3A_3419 = arith.constant 0 : index
      %get3A_3420 = tpu.vector_load %arg12[%get3A_3418, %get3A_3419] {strides = array<i32>} : memref<50x32xf32, #tpu.memory_space<vmem>>, vector<16xf32>,
      %add3A_3421 = arith.addf %add3A_3401, %get3A_3420 : vector<16xf32>
      %get3A_3422 = arith.constant 10 : i32
      %get3A_3423 = arith.index_cast %get3A_3422 : i32 to index
      %get3A_3424 = arith.constant 16 : index
      %get3A_3425 = tpu.vector_load %arg12[%get3A_3423, %get3A_3424] {strides = array<i32>} : memref<50x32xf32, #tpu.memory_space<vmem>>, vector<16xf32>,
      %add3A_3426 = arith.addf %add3A_3406, %get3A_3425 : vector<16xf32>
      %get3A_3427 = arith.constant 10 : i32
      %get3A_3428 = arith.index_cast %get3A_3427 : i32 to index
      %get3A_3429 = arith.constant 0 : index
      %get3A_3430 = tpu.vector_load %arg16[%get3A_3428, %get3A_3429] {strides = array<i32>} : memref<50x32xf32, #tpu.memory_space<vmem>>, vector<16xf32>,
      %add3A_3431 = arith.addf %add3A_3411, %get3A_3430 : vector<16xf32>
      %get3A_3432 = arith.constant 10 : i32
      %get3A_3433 = arith.index_cast %get3A_3432 : i32 to index
      %get3A_3434 = arith.constant 16 : index
      %get3A_3435 = tpu.vector_load %arg16[%get3A_3433, %get3A_3434] {strides = array<i32>} : memref<50x32xf32, #tpu.memory_space<vmem>>, vector<16xf32>,
      %add3A_3436 = arith.addf %add3A_3416, %get3A_3435 : vector<16xf32>
      %get3A_3437 = arith.constant 11 : i32
      %get3A_3438 = arith.index_cast %get3A_3437 : i32 to index
      %get3A_3439 = arith.constant 0 : index
      %get3A_3440 = tpu.vector_load %arg12[%get3A_3438, %get3A_3439] {strides = array<i32>} : memref<50x32xf32, #tpu.memory_space<vmem>>, vector<16xf32>,
      %add3A_3441 = arith.addf %add3A_3421, %get3A_3440 : vector<16xf32>
      %get3A_3442 = arith.constant 11 : i32
      %get3A_3443 = arith.index_cast %get3A_3442 : i32 to index
      %get3A_3444 = arith.constant 16 : index
      %get3A_3445 = tpu.vector_load %arg12[%get3A_3443, %get3A_3444] {strides = array<i32>} : memref<50x32xf32, #tpu.memory_space<vmem>>, vector<16xf32>,
      %add3A_3446 = arith.addf %add3A_3426, %get3A_3445 : vector<16xf32>
      %get3A_3447 = arith.constant 11 : i32
      %get3A_3448 = arith.index_cast %get3A_3447 : i32 to index
      %get3A_3449 = arith.constant 0 : index
      %get3A_3450 = tpu.vector_load %arg16[%get3A_3448, %get3A_3449] {strides = array<i32>} : memref<50x32xf32, #tpu.memory_space<vmem>>, vector<16xf32>,
      %add3A_3451 = arith.addf %add3A_3431, %get3A_3450 : vector<16xf32>
      %get3A_3452 = arith.constant 11 : i32
      %get3A_3453 = arith.index_cast %get3A_3452 : i32 to index
      %get3A_3454 = arith.constant 16 : index
      %get3A_3455 = tpu.vector_load %arg16[%get3A_3453, %get3A_3454] {strides = array<i32>} : memref<50x32xf32, #tpu.memory_space<vmem>>, vector<16xf32>,
      %add3A_3456 = arith.addf %add3A_3436, %get3A_3455 : vector<16xf32>
      %get3A_3457 = arith.constant 12 : i32
      %get3A_3458 = arith.index_cast %get3A_3457 : i32 to index
      %get3A_3459 = arith.constant 0 : index
      %get3A_3460 = tpu.vector_load %arg12[%get3A_3458, %get3A_3459] {strides = array<i32>} : memref<50x32xf32, #tpu.memory_space<vmem>>, vector<16xf32>,
      %add3A_3461 = arith.addf %add3A_3441, %get3A_3460 : vector<16xf32>
      %get3A_3462 = arith.constant 12 : i32
      %get3A_3463 = arith.index_cast %get3A_3462 : i32 to index
      %get3A_3464 = arith.constant 16 : index
      %get3A_3465 = tpu.vector_load %arg12[%get3A_3463, %get3A_3464] {strides = array<i32>} : memref<50x32xf32, #tpu.memory_space<vmem>>, vector<16xf32>,
      %add3A_3466 = arith.addf %add3A_3446, %get3A_3465 : vector<16xf32>
      %get3A_3467 = arith.constant 12 : i32
      %get3A_3468 = arith.index_cast %get3A_3467 : i32 to index
      %get3A_3469 = arith.constant 0 : index
      %get3A_3470 = tpu.vector_load %arg16[%get3A_3468, %get3A_3469] {strides = array<i32>} : memref<50x32xf32, #tpu.memory_space<vmem>>, vector<16xf32>,
      %add3A_3471 = arith.addf %add3A_3451, %get3A_3470 : vector<16xf32>
      %get3A_3472 = arith.constant 12 : i32
      %get3A_3473 = arith.index_cast %get3A_3472 : i32 to index
      %get3A_3474 = arith.constant 16 : index
      %get3A_3475 = tpu.vector_load %arg16[%get3A_3473, %get3A_3474] {strides = array<i32>} : memref<50x32xf32, #tpu.memory_space<vmem>>, vector<16xf32>,
      %add3A_3476 = arith.addf %add3A_3456, %get3A_3475 : vector<16xf32>
      %get3A_3477 = arith.constant 13 : i32
      %get3A_3478 = arith.index_cast %get3A_3477 : i32 to index
      %get3A_3479 = arith.constant 0 : index
      %get3A_3480 = tpu.vector_load %arg12[%get3A_3478, %get3A_3479] {strides = array<i32>} : memref<50x32xf32, #tpu.memory_space<vmem>>, vector<16xf32>,
      %add3A_3481 = arith.addf %add3A_3461, %get3A_3480 : vector<16xf32>
      %get3A_3482 = arith.constant 13 : i32
      %get3A_3483 = arith.index_cast %get3A_3482 : i32 to index
      %get3A_3484 = arith.constant 16 : index
      %get3A_3485 = tpu.vector_load %arg12[%get3A_3483, %get3A_3484] {strides = array<i32>} : memref<50x32xf32, #tpu.memory_space<vmem>>, vector<16xf32>,
      %add3A_3486 = arith.addf %add3A_3466, %get3A_3485 : vector<16xf32>
      %get3A_3487 = arith.constant 13 : i32
      %get3A_3488 = arith.index_cast %get3A_3487 : i32 to index
      %get3A_3489 = arith.constant 0 : index
      %get3A_3490 = tpu.vector_load %arg16[%get3A_3488, %get3A_3489] {strides = array<i32>} : memref<50x32xf32, #tpu.memory_space<vmem>>, vector<16xf32>,
      %add3A_3491 = arith.addf %add3A_3471, %get3A_3490 : vector<16xf32>
      %get3A_3492 = arith.constant 13 : i32
      %get3A_3493 = arith.index_cast %get3A_3492 : i32 to index
      %get3A_3494 = arith.constant 16 : index
      %get3A_3495 = tpu.vector_load %arg16[%get3A_3493, %get3A_3494] {strides = array<i32>} : memref<50x32xf32, #tpu.memory_space<vmem>>, vector<16xf32>,
      %add3A_3496 = arith.addf %add3A_3476, %get3A_3495 : vector<16xf32>
      %get3A_3497 = arith.constant 14 : i32
      %get3A_3498 = arith.index_cast %get3A_3497 : i32 to index
      %get3A_3499 = arith.constant 0 : index
      %get3A_3500 = tpu.vector_load %arg12[%get3A_3498, %get3A_3499] {strides = array<i32>} : memref<50x32xf32, #tpu.memory_space<vmem>>, vector<16xf32>,
      %add3A_3501 = arith.addf %add3A_3481, %get3A_3500 : vector<16xf32>
      %get3A_3502 = arith.constant 14 : i32
      %get3A_3503 = arith.index_cast %get3A_3502 : i32 to index
      %get3A_3504 = arith.constant 16 : index
      %get3A_3505 = tpu.vector_load %arg12[%get3A_3503, %get3A_3504] {strides = array<i32>} : memref<50x32xf32, #tpu.memory_space<vmem>>, vector<16xf32>,
      %add3A_3506 = arith.addf %add3A_3486, %get3A_3505 : vector<16xf32>
      %get3A_3507 = arith.constant 14 : i32
      %get3A_3508 = arith.index_cast %get3A_3507 : i32 to index
      %get3A_3509 = arith.constant 0 : index
      %get3A_3510 = tpu.vector_load %arg16[%get3A_3508, %get3A_3509] {strides = array<i32>} : memref<50x32xf32, #tpu.memory_space<vmem>>, vector<16xf32>,
      %add3A_3511 = arith.addf %add3A_3491, %get3A_3510 : vector<16xf32>
      %get3A_3512 = arith.constant 14 : i32
      %get3A_3513 = arith.index_cast %get3A_3512 : i32 to index
      %get3A_3514 = arith.constant 16 : index
      %get3A_3515 = tpu.vector_load %arg16[%get3A_3513, %get3A_3514] {strides = array<i32>} : memref<50x32xf32, #tpu.memory_space<vmem>>, vector<16xf32>,
      %add3A_3516 = arith.addf %add3A_3496, %get3A_3515 : vector<16xf32>
      %get3A_3517 = arith.constant 15 : i32
      %get3A_3518 = arith.index_cast %get3A_3517 : i32 to index
      %get3A_3519 = arith.constant 0 : index
      %get3A_3520 = tpu.vector_load %arg12[%get3A_3518, %get3A_3519] {strides = array<i32>} : memref<50x32xf32, #tpu.memory_space<vmem>>, vector<16xf32>,
      %add3A_3521 = arith.addf %add3A_3501, %get3A_3520 : vector<16xf32>
      %get3A_3522 = arith.constant 15 : i32
      %get3A_3523 = arith.index_cast %get3A_3522 : i32 to index
      %get3A_3524 = arith.constant 16 : index
      %get3A_3525 = tpu.vector_load %arg12[%get3A_3523, %get3A_3524] {strides = array<i32>} : memref<50x32xf32, #tpu.memory_space<vmem>>, vector<16xf32>,
      %add3A_3526 = arith.addf %add3A_3506, %get3A_3525 : vector<16xf32>
      %get3A_3527 = arith.constant 15 : i32
      %get3A_3528 = arith.index_cast %get3A_3527 : i32 to index
      %get3A_3529 = arith.constant 0 : index
      %get3A_3530 = tpu.vector_load %arg16[%get3A_3528, %get3A_3529] {strides = array<i32>} : memref<50x32xf32, #tpu.memory_space<vmem>>, vector<16xf32>,
      %add3A_3531 = arith.addf %add3A_3511, %get3A_3530 : vector<16xf32>
      %get3A_3532 = arith.constant 15 : i32
      %get3A_3533 = arith.index_cast %get3A_3532 : i32 to index
      %get3A_3534 = arith.constant 16 : index
      %get3A_3535 = tpu.vector_load %arg16[%get3A_3533, %get3A_3534] {strides = array<i32>} : memref<50x32xf32, #tpu.memory_space<vmem>>, vector<16xf32>,
      %add3A_3536 = arith.addf %add3A_3516, %get3A_3535 : vector<16xf32>
      %get3A_3537 = arith.constant 16 : i32
      %get3A_3538 = arith.index_cast %get3A_3537 : i32 to index
      %get3A_3539 = arith.constant 0 : index
      %get3A_3540 = tpu.vector_load %arg12[%get3A_3538, %get3A_3539] {strides = array<i32>} : memref<50x32xf32, #tpu.memory_space<vmem>>, vector<16xf32>,
      %add3A_3541 = arith.addf %add3A_3521, %get3A_3540 : vector<16xf32>
      %get3A_3542 = arith.constant 16 : i32
      %get3A_3543 = arith.index_cast %get3A_3542 : i32 to index
      %get3A_3544 = arith.constant 16 : index
      %get3A_3545 = tpu.vector_load %arg12[%get3A_3543, %get3A_3544] {strides = array<i32>} : memref<50x32xf32, #tpu.memory_space<vmem>>, vector<16xf32>,
      %add3A_3546 = arith.addf %add3A_3526, %get3A_3545 : vector<16xf32>
      %get3A_3547 = arith.constant 16 : i32
      %get3A_3548 = arith.index_cast %get3A_3547 : i32 to index
      %get3A_3549 = arith.constant 0 : index
      %get3A_3550 = tpu.vector_load %arg16[%get3A_3548, %get3A_3549] {strides = array<i32>} : memref<50x32xf32, #tpu.memory_space<vmem>>, vector<16xf32>,
      %add3A_3551 = arith.addf %add3A_3531, %get3A_3550 : vector<16xf32>
      %get3A_3552 = arith.constant 16 : i32
      %get3A_3553 = arith.index_cast %get3A_3552 : i32 to index
      %get3A_3554 = arith.constant 16 : index
      %get3A_3555 = tpu.vector_load %arg16[%get3A_3553, %get3A_3554] {strides = array<i32>} : memref<50x32xf32, #tpu.memory_space<vmem>>, vector<16xf32>,
      %add3A_3556 = arith.addf %add3A_3536, %get3A_3555 : vector<16xf32>
      %get3A_3557 = arith.constant 17 : i32
      %get3A_3558 = arith.index_cast %get3A_3557 : i32 to index
      %get3A_3559 = arith.constant 0 : index
      %get3A_3560 = tpu.vector_load %arg12[%get3A_3558, %get3A_3559] {strides = array<i32>} : memref<50x32xf32, #tpu.memory_space<vmem>>, vector<16xf32>,
      %add3A_3561 = arith.addf %add3A_3541, %get3A_3560 : vector<16xf32>
      %get3A_3562 = arith.constant 17 : i32
      %get3A_3563 = arith.index_cast %get3A_3562 : i32 to index
      %get3A_3564 = arith.constant 16 : index
      %get3A_3565 = tpu.vector_load %arg12[%get3A_3563, %get3A_3564] {strides = array<i32>} : memref<50x32xf32, #tpu.memory_space<vmem>>, vector<16xf32>,
      %add3A_3566 = arith.addf %add3A_3546, %get3A_3565 : vector<16xf32>
      %get3A_3567 = arith.constant 17 : i32
      %get3A_3568 = arith.index_cast %get3A_3567 : i32 to index
      %get3A_3569 = arith.constant 0 : index
      %get3A_3570 = tpu.vector_load %arg16[%get3A_3568, %get3A_3569] {strides = array<i32>} : memref<50x32xf32, #tpu.memory_space<vmem>>, vector<16xf32>,
      %add3A_3571 = arith.addf %add3A_3551, %get3A_3570 : vector<16xf32>
      %get3A_3572 = arith.constant 17 : i32
      %get3A_3573 = arith.index_cast %get3A_3572 : i32 to index
      %get3A_3574 = arith.constant 16 : index
      %get3A_3575 = tpu.vector_load %arg16[%get3A_3573, %get3A_3574] {strides = array<i32>} : memref<50x32xf32, #tpu.memory_space<vmem>>, vector<16xf32>,
      %add3A_3576 = arith.addf %add3A_3556, %get3A_3575 : vector<16xf32>
      %get3A_3577 = arith.constant 18 : i32
      %get3A_3578 = arith.index_cast %get3A_3577 : i32 to index
      %get3A_3579 = arith.constant 0 : index
      %get3A_3580 = tpu.vector_load %arg12[%get3A_3578, %get3A_3579] {strides = array<i32>} : memref<50x32xf32, #tpu.memory_space<vmem>>, vector<16xf32>,
      %add3A_3581 = arith.addf %add3A_3561, %get3A_3580 : vector<16xf32>
      %get3A_3582 = arith.constant 18 : i32
      %get3A_3583 = arith.index_cast %get3A_3582 : i32 to index
      %get3A_3584 = arith.constant 16 : index
      %get3A_3585 = tpu.vector_load %arg12[%get3A_3583, %get3A_3584] {strides = array<i32>} : memref<50x32xf32, #tpu.memory_space<vmem>>, vector<16xf32>,
      %add3A_3586 = arith.addf %add3A_3566, %get3A_3585 : vector<16xf32>
      %get3A_3587 = arith.constant 18 : i32
      %get3A_3588 = arith.index_cast %get3A_3587 : i32 to index
      %get3A_3589 = arith.constant 0 : index
      %get3A_3590 = tpu.vector_load %arg16[%get3A_3588, %get3A_3589] {strides = array<i32>} : memref<50x32xf32, #tpu.memory_space<vmem>>, vector<16xf32>,
      %add3A_3591 = arith.addf %add3A_3571, %get3A_3590 : vector<16xf32>
      %get3A_3592 = arith.constant 18 : i32
      %get3A_3593 = arith.index_cast %get3A_3592 : i32 to index
      %get3A_3594 = arith.constant 16 : index
      %get3A_3595 = tpu.vector_load %arg16[%get3A_3593, %get3A_3594] {strides = array<i32>} : memref<50x32xf32, #tpu.memory_space<vmem>>, vector<16xf32>,
      %add3A_3596 = arith.addf %add3A_3576, %get3A_3595 : vector<16xf32>
      %get3A_3597 = arith.constant 19 : i32
      %get3A_3598 = arith.index_cast %get3A_3597 : i32 to index
      %get3A_3599 = arith.constant 0 : index
      %get3A_3600 = tpu.vector_load %arg12[%get3A_3598, %get3A_3599] {strides = array<i32>} : memref<50x32xf32, #tpu.memory_space<vmem>>, vector<16xf32>,
      %add3A_3601 = arith.addf %add3A_3581, %get3A_3600 : vector<16xf32>
      %get3A_3602 = arith.constant 19 : i32
      %get3A_3603 = arith.index_cast %get3A_3602 : i32 to index
      %get3A_3604 = arith.constant 16 : index
      %get3A_3605 = tpu.vector_load %arg12[%get3A_3603, %get3A_3604] {strides = array<i32>} : memref<50x32xf32, #tpu.memory_space<vmem>>, vector<16xf32>,
      %add3A_3606 = arith.addf %add3A_3586, %get3A_3605 : vector<16xf32>
      %get3A_3607 = arith.constant 19 : i32
      %get3A_3608 = arith.index_cast %get3A_3607 : i32 to index
      %get3A_3609 = arith.constant 0 : index
      %get3A_3610 = tpu.vector_load %arg16[%get3A_3608, %get3A_3609] {strides = array<i32>} : memref<50x32xf32, #tpu.memory_space<vmem>>, vector<16xf32>,
      %add3A_3611 = arith.addf %add3A_3591, %get3A_3610 : vector<16xf32>
      %get3A_3612 = arith.constant 19 : i32
      %get3A_3613 = arith.index_cast %get3A_3612 : i32 to index
      %get3A_3614 = arith.constant 16 : index
      %get3A_3615 = tpu.vector_load %arg16[%get3A_3613, %get3A_3614] {strides = array<i32>} : memref<50x32xf32, #tpu.memory_space<vmem>>, vector<16xf32>,
      %add3A_3616 = arith.addf %add3A_3596, %get3A_3615 : vector<16xf32>
      %get3A_3617 = arith.constant 20 : i32
      %get3A_3618 = arith.index_cast %get3A_3617 : i32 to index
      %get3A_3619 = arith.constant 0 : index
      %get3A_3620 = tpu.vector_load %arg12[%get3A_3618, %get3A_3619] {strides = array<i32>} : memref<50x32xf32, #tpu.memory_space<vmem>>, vector<16xf32>,
      %add3A_3621 = arith.addf %add3A_3601, %get3A_3620 : vector<16xf32>
      %get3A_3622 = arith.constant 20 : i32
      %get3A_3623 = arith.index_cast %get3A_3622 : i32 to index
      %get3A_3624 = arith.constant 16 : index
      %get3A_3625 = tpu.vector_load %arg12[%get3A_3623, %get3A_3624] {strides = array<i32>} : memref<50x32xf32, #tpu.memory_space<vmem>>, vector<16xf32>,
      %add3A_3626 = arith.addf %add3A_3606, %get3A_3625 : vector<16xf32>
      %get3A_3627 = arith.constant 20 : i32
      %get3A_3628 = arith.index_cast %get3A_3627 : i32 to index
      %get3A_3629 = arith.constant 0 : index
      %get3A_3630 = tpu.vector_load %arg16[%get3A_3628, %get3A_3629] {strides = array<i32>} : memref<50x32xf32, #tpu.memory_space<vmem>>, vector<16xf32>,
      %add3A_3631 = arith.addf %add3A_3611, %get3A_3630 : vector<16xf32>
      %get3A_3632 = arith.constant 20 : i32
      %get3A_3633 = arith.index_cast %get3A_3632 : i32 to index
      %get3A_3634 = arith.constant 16 : index
      %get3A_3635 = tpu.vector_load %arg16[%get3A_3633, %get3A_3634] {strides = array<i32>} : memref<50x32xf32, #tpu.memory_space<vmem>>, vector<16xf32>,
      %add3A_3636 = arith.addf %add3A_3616, %get3A_3635 : vector<16xf32>
      %get3A_3637 = arith.constant 21 : i32
      %get3A_3638 = arith.index_cast %get3A_3637 : i32 to index
      %get3A_3639 = arith.constant 0 : index
      %get3A_3640 = tpu.vector_load %arg12[%get3A_3638, %get3A_3639] {strides = array<i32>} : memref<50x32xf32, #tpu.memory_space<vmem>>, vector<16xf32>,
      %add3A_3641 = arith.addf %add3A_3621, %get3A_3640 : vector<16xf32>
      %get3A_3642 = arith.constant 21 : i32
      %get3A_3643 = arith.index_cast %get3A_3642 : i32 to index
      %get3A_3644 = arith.constant 16 : index
      %get3A_3645 = tpu.vector_load %arg12[%get3A_3643, %get3A_3644] {strides = array<i32>} : memref<50x32xf32, #tpu.memory_space<vmem>>, vector<16xf32>,
      %add3A_3646 = arith.addf %add3A_3626, %get3A_3645 : vector<16xf32>
      %get3A_3647 = arith.constant 21 : i32
      %get3A_3648 = arith.index_cast %get3A_3647 : i32 to index
      %get3A_3649 = arith.constant 0 : index
      %get3A_3650 = tpu.vector_load %arg16[%get3A_3648, %get3A_3649] {strides = array<i32>} : memref<50x32xf32, #tpu.memory_space<vmem>>, vector<16xf32>,
      %add3A_3651 = arith.addf %add3A_3631, %get3A_3650 : vector<16xf32>
      %get3A_3652 = arith.constant 21 : i32
      %get3A_3653 = arith.index_cast %get3A_3652 : i32 to index
      %get3A_3654 = arith.constant 16 : index
      %get3A_3655 = tpu.vector_load %arg16[%get3A_3653, %get3A_3654] {strides = array<i32>} : memref<50x32xf32, #tpu.memory_space<vmem>>, vector<16xf32>,
      %add3A_3656 = arith.addf %add3A_3636, %get3A_3655 : vector<16xf32>
      %get3A_3657 = arith.constant 22 : i32
      %get3A_3658 = arith.index_cast %get3A_3657 : i32 to index
      %get3A_3659 = arith.constant 0 : index
      %get3A_3660 = tpu.vector_load %arg12[%get3A_3658, %get3A_3659] {strides = array<i32>} : memref<50x32xf32, #tpu.memory_space<vmem>>, vector<16xf32>,
      %add3A_3661 = arith.addf %add3A_3641, %get3A_3660 : vector<16xf32>
      %get3A_3662 = arith.constant 22 : i32
      %get3A_3663 = arith.index_cast %get3A_3662 : i32 to index
      %get3A_3664 = arith.constant 16 : index
      %get3A_3665 = tpu.vector_load %arg12[%get3A_3663, %get3A_3664] {strides = array<i32>} : memref<50x32xf32, #tpu.memory_space<vmem>>, vector<16xf32>,
      %add3A_3666 = arith.addf %add3A_3646, %get3A_3665 : vector<16xf32>
      %get3A_3667 = arith.constant 22 : i32
      %get3A_3668 = arith.index_cast %get3A_3667 : i32 to index
      %get3A_3669 = arith.constant 0 : index
      %get3A_3670 = tpu.vector_load %arg16[%get3A_3668, %get3A_3669] {strides = array<i32>} : memref<50x32xf32, #tpu.memory_space<vmem>>, vector<16xf32>,
      %add3A_3671 = arith.addf %add3A_3651, %get3A_3670 : vector<16xf32>
      %get3A_3672 = arith.constant 22 : i32
      %get3A_3673 = arith.index_cast %get3A_3672 : i32 to index
      %get3A_3674 = arith.constant 16 : index
      %get3A_3675 = tpu.vector_load %arg16[%get3A_3673, %get3A_3674] {strides = array<i32>} : memref<50x32xf32, #tpu.memory_space<vmem>>, vector<16xf32>,
      %add3A_3676 = arith.addf %add3A_3656, %get3A_3675 : vector<16xf32>
      %get3A_3677 = arith.constant 23 : i32
      %get3A_3678 = arith.index_cast %get3A_3677 : i32 to index
      %get3A_3679 = arith.constant 0 : index
      %get3A_3680 = tpu.vector_load %arg12[%get3A_3678, %get3A_3679] {strides = array<i32>} : memref<50x32xf32, #tpu.memory_space<vmem>>, vector<16xf32>,
      %add3A_3681 = arith.addf %add3A_3661, %get3A_3680 : vector<16xf32>
      %get3A_3682 = arith.constant 23 : i32
      %get3A_3683 = arith.index_cast %get3A_3682 : i32 to index
      %get3A_3684 = arith.constant 16 : index
      %get3A_3685 = tpu.vector_load %arg12[%get3A_3683, %get3A_3684] {strides = array<i32>} : memref<50x32xf32, #tpu.memory_space<vmem>>, vector<16xf32>,
      %add3A_3686 = arith.addf %add3A_3666, %get3A_3685 : vector<16xf32>
      %get3A_3687 = arith.constant 23 : i32
      %get3A_3688 = arith.index_cast %get3A_3687 : i32 to index
      %get3A_3689 = arith.constant 0 : index
      %get3A_3690 = tpu.vector_load %arg16[%get3A_3688, %get3A_3689] {strides = array<i32>} : memref<50x32xf32, #tpu.memory_space<vmem>>, vector<16xf32>,
      %add3A_3691 = arith.addf %add3A_3671, %get3A_3690 : vector<16xf32>
      %get3A_3692 = arith.constant 23 : i32
      %get3A_3693 = arith.index_cast %get3A_3692 : i32 to index
      %get3A_3694 = arith.constant 16 : index
      %get3A_3695 = tpu.vector_load %arg16[%get3A_3693, %get3A_3694] {strides = array<i32>} : memref<50x32xf32, #tpu.memory_space<vmem>>, vector<16xf32>,
      %add3A_3696 = arith.addf %add3A_3676, %get3A_3695 : vector<16xf32>
      %get3A_3697 = arith.constant 24 : i32
      %get3A_3698 = arith.index_cast %get3A_3697 : i32 to index
      %get3A_3699 = arith.constant 0 : index
      %get3A_3700 = tpu.vector_load %arg12[%get3A_3698, %get3A_3699] {strides = array<i32>} : memref<50x32xf32, #tpu.memory_space<vmem>>, vector<16xf32>,
      %add3A_3701 = arith.addf %add3A_3681, %get3A_3700 : vector<16xf32>
      %get3A_3702 = arith.constant 24 : i32
      %get3A_3703 = arith.index_cast %get3A_3702 : i32 to index
      %get3A_3704 = arith.constant 16 : index
      %get3A_3705 = tpu.vector_load %arg12[%get3A_3703, %get3A_3704] {strides = array<i32>} : memref<50x32xf32, #tpu.memory_space<vmem>>, vector<16xf32>,
      %add3A_3706 = arith.addf %add3A_3686, %get3A_3705 : vector<16xf32>
      %get3A_3707 = arith.constant 24 : i32
      %get3A_3708 = arith.index_cast %get3A_3707 : i32 to index
      %get3A_3709 = arith.constant 0 : index
      %get3A_3710 = tpu.vector_load %arg16[%get3A_3708, %get3A_3709] {strides = array<i32>} : memref<50x32xf32, #tpu.memory_space<vmem>>, vector<16xf32>,
      %add3A_3711 = arith.addf %add3A_3691, %get3A_3710 : vector<16xf32>
      %get3A_3712 = arith.constant 24 : i32
      %get3A_3713 = arith.index_cast %get3A_3712 : i32 to index
      %get3A_3714 = arith.constant 16 : index
      %get3A_3715 = tpu.vector_load %arg16[%get3A_3713, %get3A_3714] {strides = array<i32>} : memref<50x32xf32, #tpu.memory_space<vmem>>, vector<16xf32>,
      %add3A_3716 = arith.addf %add3A_3696, %get3A_3715 : vector<16xf32>
      %get3A_3717 = arith.constant 25 : i32
      %get3A_3718 = arith.index_cast %get3A_3717 : i32 to index
      %get3A_3719 = arith.constant 0 : index
      %get3A_3720 = tpu.vector_load %arg12[%get3A_3718, %get3A_3719] {strides = array<i32>} : memref<50x32xf32, #tpu.memory_space<vmem>>, vector<16xf32>,
      %add3A_3721 = arith.addf %add3A_3701, %get3A_3720 : vector<16xf32>
      %get3A_3722 = arith.constant 25 : i32
      %get3A_3723 = arith.index_cast %get3A_3722 : i32 to index
      %get3A_3724 = arith.constant 16 : index
      %get3A_3725 = tpu.vector_load %arg12[%get3A_3723, %get3A_3724] {strides = array<i32>} : memref<50x32xf32, #tpu.memory_space<vmem>>, vector<16xf32>,
      %add3A_3726 = arith.addf %add3A_3706, %get3A_3725 : vector<16xf32>
      %get3A_3727 = arith.constant 25 : i32
      %get3A_3728 = arith.index_cast %get3A_3727 : i32 to index
      %get3A_3729 = arith.constant 0 : index
      %get3A_3730 = tpu.vector_load %arg16[%get3A_3728, %get3A_3729] {strides = array<i32>} : memref<50x32xf32, #tpu.memory_space<vmem>>, vector<16xf32>,
      %add3A_3731 = arith.addf %add3A_3711, %get3A_3730 : vector<16xf32>
      %get3A_3732 = arith.constant 25 : i32
      %get3A_3733 = arith.index_cast %get3A_3732 : i32 to index
      %get3A_3734 = arith.constant 16 : index
      %get3A_3735 = tpu.vector_load %arg16[%get3A_3733, %get3A_3734] {strides = array<i32>} : memref<50x32xf32, #tpu.memory_space<vmem>>, vector<16xf32>,
      %add3A_3736 = arith.addf %add3A_3716, %get3A_3735 : vector<16xf32>
      %get3A_3737 = arith.constant 26 : i32
      %get3A_3738 = arith.index_cast %get3A_3737 : i32 to index
      %get3A_3739 = arith.constant 0 : index
      %get3A_3740 = tpu.vector_load %arg12[%get3A_3738, %get3A_3739] {strides = array<i32>} : memref<50x32xf32, #tpu.memory_space<vmem>>, vector<16xf32>,
      %add3A_3741 = arith.addf %add3A_3721, %get3A_3740 : vector<16xf32>
      %get3A_3742 = arith.constant 26 : i32
      %get3A_3743 = arith.index_cast %get3A_3742 : i32 to index
      %get3A_3744 = arith.constant 16 : index
      %get3A_3745 = tpu.vector_load %arg12[%get3A_3743, %get3A_3744] {strides = array<i32>} : memref<50x32xf32, #tpu.memory_space<vmem>>, vector<16xf32>,
      %add3A_3746 = arith.addf %add3A_3726, %get3A_3745 : vector<16xf32>
      %get3A_3747 = arith.constant 26 : i32
      %get3A_3748 = arith.index_cast %get3A_3747 : i32 to index
      %get3A_3749 = arith.constant 0 : index
      %get3A_3750 = tpu.vector_load %arg16[%get3A_3748, %get3A_3749] {strides = array<i32>} : memref<50x32xf32, #tpu.memory_space<vmem>>, vector<16xf32>,
      %add3A_3751 = arith.addf %add3A_3731, %get3A_3750 : vector<16xf32>
      %get3A_3752 = arith.constant 26 : i32
      %get3A_3753 = arith.index_cast %get3A_3752 : i32 to index
      %get3A_3754 = arith.constant 16 : index
      %get3A_3755 = tpu.vector_load %arg16[%get3A_3753, %get3A_3754] {strides = array<i32>} : memref<50x32xf32, #tpu.memory_space<vmem>>, vector<16xf32>,
      %add3A_3756 = arith.addf %add3A_3736, %get3A_3755 : vector<16xf32>
      %get3A_3757 = arith.constant 27 : i32
      %get3A_3758 = arith.index_cast %get3A_3757 : i32 to index
      %get3A_3759 = arith.constant 0 : index
      %get3A_3760 = tpu.vector_load %arg12[%get3A_3758, %get3A_3759] {strides = array<i32>} : memref<50x32xf32, #tpu.memory_space<vmem>>, vector<16xf32>,
      %add3A_3761 = arith.addf %add3A_3741, %get3A_3760 : vector<16xf32>
      %get3A_3762 = arith.constant 27 : i32
      %get3A_3763 = arith.index_cast %get3A_3762 : i32 to index
      %get3A_3764 = arith.constant 16 : index
      %get3A_3765 = tpu.vector_load %arg12[%get3A_3763, %get3A_3764] {strides = array<i32>} : memref<50x32xf32, #tpu.memory_space<vmem>>, vector<16xf32>,
      %add3A_3766 = arith.addf %add3A_3746, %get3A_3765 : vector<16xf32>
      %get3A_3767 = arith.constant 27 : i32
      %get3A_3768 = arith.index_cast %get3A_3767 : i32 to index
      %get3A_3769 = arith.constant 0 : index
      %get3A_3770 = tpu.vector_load %arg16[%get3A_3768, %get3A_3769] {strides = array<i32>} : memref<50x32xf32, #tpu.memory_space<vmem>>, vector<16xf32>,
      %add3A_3771 = arith.addf %add3A_3751, %get3A_3770 : vector<16xf32>
      %get3A_3772 = arith.constant 27 : i32
      %get3A_3773 = arith.index_cast %get3A_3772 : i32 to index
      %get3A_3774 = arith.constant 16 : index
      %get3A_3775 = tpu.vector_load %arg16[%get3A_3773, %get3A_3774] {strides = array<i32>} : memref<50x32xf32, #tpu.memory_space<vmem>>, vector<16xf32>,
      %add3A_3776 = arith.addf %add3A_3756, %get3A_3775 : vector<16xf32>
      %get3A_3777 = arith.constant 28 : i32
      %get3A_3778 = arith.index_cast %get3A_3777 : i32 to index
      %get3A_3779 = arith.constant 0 : index
      %get3A_3780 = tpu.vector_load %arg12[%get3A_3778, %get3A_3779] {strides = array<i32>} : memref<50x32xf32, #tpu.memory_space<vmem>>, vector<16xf32>,
      %add3A_3781 = arith.addf %add3A_3761, %get3A_3780 : vector<16xf32>
      %get3A_3782 = arith.constant 28 : i32
      %get3A_3783 = arith.index_cast %get3A_3782 : i32 to index
      %get3A_3784 = arith.constant 16 : index
      %get3A_3785 = tpu.vector_load %arg12[%get3A_3783, %get3A_3784] {strides = array<i32>} : memref<50x32xf32, #tpu.memory_space<vmem>>, vector<16xf32>,
      %add3A_3786 = arith.addf %add3A_3766, %get3A_3785 : vector<16xf32>
      %get3A_3787 = arith.constant 28 : i32
      %get3A_3788 = arith.index_cast %get3A_3787 : i32 to index
      %get3A_3789 = arith.constant 0 : index
      %get3A_3790 = tpu.vector_load %arg16[%get3A_3788, %get3A_3789] {strides = array<i32>} : memref<50x32xf32, #tpu.memory_space<vmem>>, vector<16xf32>,
      %add3A_3791 = arith.addf %add3A_3771, %get3A_3790 : vector<16xf32>
      %get3A_3792 = arith.constant 28 : i32
      %get3A_3793 = arith.index_cast %get3A_3792 : i32 to index
      %get3A_3794 = arith.constant 16 : index
      %get3A_3795 = tpu.vector_load %arg16[%get3A_3793, %get3A_3794] {strides = array<i32>} : memref<50x32xf32, #tpu.memory_space<vmem>>, vector<16xf32>,
      %add3A_3796 = arith.addf %add3A_3776, %get3A_3795 : vector<16xf32>
      %get3A_3797 = arith.constant 29 : i32
      %get3A_3798 = arith.index_cast %get3A_3797 : i32 to index
      %get3A_3799 = arith.constant 0 : index
      %get3A_3800 = tpu.vector_load %arg12[%get3A_3798, %get3A_3799] {strides = array<i32>} : memref<50x32xf32, #tpu.memory_space<vmem>>, vector<16xf32>,
      %add3A_3801 = arith.addf %add3A_3781, %get3A_3800 : vector<16xf32>
      %get3A_3802 = arith.constant 29 : i32
      %get3A_3803 = arith.index_cast %get3A_3802 : i32 to index
      %get3A_3804 = arith.constant 16 : index
      %get3A_3805 = tpu.vector_load %arg12[%get3A_3803, %get3A_3804] {strides = array<i32>} : memref<50x32xf32, #tpu.memory_space<vmem>>, vector<16xf32>,
      %add3A_3806 = arith.addf %add3A_3786, %get3A_3805 : vector<16xf32>
      %get3A_3807 = arith.constant 29 : i32
      %get3A_3808 = arith.index_cast %get3A_3807 : i32 to index
      %get3A_3809 = arith.constant 0 : index
      %get3A_3810 = tpu.vector_load %arg16[%get3A_3808, %get3A_3809] {strides = array<i32>} : memref<50x32xf32, #tpu.memory_space<vmem>>, vector<16xf32>,
      %add3A_3811 = arith.addf %add3A_3791, %get3A_3810 : vector<16xf32>
      %get3A_3812 = arith.constant 29 : i32
      %get3A_3813 = arith.index_cast %get3A_3812 : i32 to index
      %get3A_3814 = arith.constant 16 : index
      %get3A_3815 = tpu.vector_load %arg16[%get3A_3813, %get3A_3814] {strides = array<i32>} : memref<50x32xf32, #tpu.memory_space<vmem>>, vector<16xf32>,
      %add3A_3816 = arith.addf %add3A_3796, %get3A_3815 : vector<16xf32>
      %get3A_3817 = arith.constant 30 : i32
      %get3A_3818 = arith.index_cast %get3A_3817 : i32 to index
      %get3A_3819 = arith.constant 0 : index
      %get3A_3820 = tpu.vector_load %arg12[%get3A_3818, %get3A_3819] {strides = array<i32>} : memref<50x32xf32, #tpu.memory_space<vmem>>, vector<16xf32>,
      %add3A_3821 = arith.addf %add3A_3801, %get3A_3820 : vector<16xf32>
      %get3A_3822 = arith.constant 30 : i32
      %get3A_3823 = arith.index_cast %get3A_3822 : i32 to index
      %get3A_3824 = arith.constant 16 : index
      %get3A_3825 = tpu.vector_load %arg12[%get3A_3823, %get3A_3824] {strides = array<i32>} : memref<50x32xf32, #tpu.memory_space<vmem>>, vector<16xf32>,
      %add3A_3826 = arith.addf %add3A_3806, %get3A_3825 : vector<16xf32>
      %get3A_3827 = arith.constant 30 : i32
      %get3A_3828 = arith.index_cast %get3A_3827 : i32 to index
      %get3A_3829 = arith.constant 0 : index
      %get3A_3830 = tpu.vector_load %arg16[%get3A_3828, %get3A_3829] {strides = array<i32>} : memref<50x32xf32, #tpu.memory_space<vmem>>, vector<16xf32>,
      %add3A_3831 = arith.addf %add3A_3811, %get3A_3830 : vector<16xf32>
      %get3A_3832 = arith.constant 30 : i32
      %get3A_3833 = arith.index_cast %get3A_3832 : i32 to index
      %get3A_3834 = arith.constant 16 : index
      %get3A_3835 = tpu.vector_load %arg16[%get3A_3833, %get3A_3834] {strides = array<i32>} : memref<50x32xf32, #tpu.memory_space<vmem>>, vector<16xf32>,
      %add3A_3836 = arith.addf %add3A_3816, %get3A_3835 : vector<16xf32>
      %get3A_3837 = arith.constant 31 : i32
      %get3A_3838 = arith.index_cast %get3A_3837 : i32 to index
      %get3A_3839 = arith.constant 0 : index
      %get3A_3840 = tpu.vector_load %arg12[%get3A_3838, %get3A_3839] {strides = array<i32>} : memref<50x32xf32, #tpu.memory_space<vmem>>, vector<16xf32>,
      %add3A_3841 = arith.addf %add3A_3821, %get3A_3840 : vector<16xf32>
      %get3A_3842 = arith.constant 31 : i32
      %get3A_3843 = arith.index_cast %get3A_3842 : i32 to index
      %get3A_3844 = arith.constant 16 : index
      %get3A_3845 = tpu.vector_load %arg12[%get3A_3843, %get3A_3844] {strides = array<i32>} : memref<50x32xf32, #tpu.memory_space<vmem>>, vector<16xf32>,
      %add3A_3846 = arith.addf %add3A_3826, %get3A_3845 : vector<16xf32>
      %get3A_3847 = arith.constant 31 : i32
      %get3A_3848 = arith.index_cast %get3A_3847 : i32 to index
      %get3A_3849 = arith.constant 0 : index
      %get3A_3850 = tpu.vector_load %arg16[%get3A_3848, %get3A_3849] {strides = array<i32>} : memref<50x32xf32, #tpu.memory_space<vmem>>, vector<16xf32>,
      %add3A_3851 = arith.addf %add3A_3831, %get3A_3850 : vector<16xf32>
      %get3A_3852 = arith.constant 31 : i32
      %get3A_3853 = arith.index_cast %get3A_3852 : i32 to index
      %get3A_3854 = arith.constant 16 : index
      %get3A_3855 = tpu.vector_load %arg16[%get3A_3853, %get3A_3854] {strides = array<i32>} : memref<50x32xf32, #tpu.memory_space<vmem>>, vector<16xf32>,
      %add3A_3856 = arith.addf %add3A_3836, %get3A_3855 : vector<16xf32>
      %get3A_3857 = arith.constant 32 : i32
      %get3A_3858 = arith.index_cast %get3A_3857 : i32 to index
      %get3A_3859 = arith.constant 0 : index
      %get3A_3860 = tpu.vector_load %arg12[%get3A_3858, %get3A_3859] {strides = array<i32>} : memref<50x32xf32, #tpu.memory_space<vmem>>, vector<16xf32>,
      %add3A_3861 = arith.addf %add3A_3841, %get3A_3860 : vector<16xf32>
      %get3A_3862 = arith.constant 32 : i32
      %get3A_3863 = arith.index_cast %get3A_3862 : i32 to index
      %get3A_3864 = arith.constant 16 : index
      %get3A_3865 = tpu.vector_load %arg12[%get3A_3863, %get3A_3864] {strides = array<i32>} : memref<50x32xf32, #tpu.memory_space<vmem>>, vector<16xf32>,
      %add3A_3866 = arith.addf %add3A_3846, %get3A_3865 : vector<16xf32>
      %get3A_3867 = arith.constant 32 : i32
      %get3A_3868 = arith.index_cast %get3A_3867 : i32 to index
      %get3A_3869 = arith.constant 0 : index
      %get3A_3870 = tpu.vector_load %arg16[%get3A_3868, %get3A_3869] {strides = array<i32>} : memref<50x32xf32, #tpu.memory_space<vmem>>, vector<16xf32>,
      %add3A_3871 = arith.addf %add3A_3851, %get3A_3870 : vector<16xf32>
      %get3A_3872 = arith.constant 32 : i32
      %get3A_3873 = arith.index_cast %get3A_3872 : i32 to index
      %get3A_3874 = arith.constant 16 : index
      %get3A_3875 = tpu.vector_load %arg16[%get3A_3873, %get3A_3874] {strides = array<i32>} : memref<50x32xf32, #tpu.memory_space<vmem>>, vector<16xf32>,
      %add3A_3876 = arith.addf %add3A_3856, %get3A_3875 : vector<16xf32>
      %get3A_3877 = arith.constant 33 : i32
      %get3A_3878 = arith.index_cast %get3A_3877 : i32 to index
      %get3A_3879 = arith.constant 0 : index
      %get3A_3880 = tpu.vector_load %arg12[%get3A_3878, %get3A_3879] {strides = array<i32>} : memref<50x32xf32, #tpu.memory_space<vmem>>, vector<16xf32>,
      %add3A_3881 = arith.addf %add3A_3861, %get3A_3880 : vector<16xf32>
      %get3A_3882 = arith.constant 33 : i32
      %get3A_3883 = arith.index_cast %get3A_3882 : i32 to index
      %get3A_3884 = arith.constant 16 : index
      %get3A_3885 = tpu.vector_load %arg12[%get3A_3883, %get3A_3884] {strides = array<i32>} : memref<50x32xf32, #tpu.memory_space<vmem>>, vector<16xf32>,
      %add3A_3886 = arith.addf %add3A_3866, %get3A_3885 : vector<16xf32>
      %get3A_3887 = arith.constant 33 : i32
      %get3A_3888 = arith.index_cast %get3A_3887 : i32 to index
      %get3A_3889 = arith.constant 0 : index
      %get3A_3890 = tpu.vector_load %arg16[%get3A_3888, %get3A_3889] {strides = array<i32>} : memref<50x32xf32, #tpu.memory_space<vmem>>, vector<16xf32>,
      %add3A_3891 = arith.addf %add3A_3871, %get3A_3890 : vector<16xf32>
      %get3A_3892 = arith.constant 33 : i32
      %get3A_3893 = arith.index_cast %get3A_3892 : i32 to index
      %get3A_3894 = arith.constant 16 : index
      %get3A_3895 = tpu.vector_load %arg16[%get3A_3893, %get3A_3894] {strides = array<i32>} : memref<50x32xf32, #tpu.memory_space<vmem>>, vector<16xf32>,
      %add3A_3896 = arith.addf %add3A_3876, %get3A_3895 : vector<16xf32>
      %get3A_3897 = arith.constant 34 : i32
      %get3A_3898 = arith.index_cast %get3A_3897 : i32 to index
      %get3A_3899 = arith.constant 0 : index
      %get3A_3900 = tpu.vector_load %arg12[%get3A_3898, %get3A_3899] {strides = array<i32>} : memref<50x32xf32, #tpu.memory_space<vmem>>, vector<16xf32>,
      %add3A_3901 = arith.addf %add3A_3881, %get3A_3900 : vector<16xf32>
      %get3A_3902 = arith.constant 34 : i32
      %get3A_3903 = arith.index_cast %get3A_3902 : i32 to index
      %get3A_3904 = arith.constant 16 : index
      %get3A_3905 = tpu.vector_load %arg12[%get3A_3903, %get3A_3904] {strides = array<i32>} : memref<50x32xf32, #tpu.memory_space<vmem>>, vector<16xf32>,
      %add3A_3906 = arith.addf %add3A_3886, %get3A_3905 : vector<16xf32>
      %get3A_3907 = arith.constant 34 : i32
      %get3A_3908 = arith.index_cast %get3A_3907 : i32 to index
      %get3A_3909 = arith.constant 0 : index
      %get3A_3910 = tpu.vector_load %arg16[%get3A_3908, %get3A_3909] {strides = array<i32>} : memref<50x32xf32, #tpu.memory_space<vmem>>, vector<16xf32>,
      %add3A_3911 = arith.addf %add3A_3891, %get3A_3910 : vector<16xf32>
      %get3A_3912 = arith.constant 34 : i32
      %get3A_3913 = arith.index_cast %get3A_3912 : i32 to index
      %get3A_3914 = arith.constant 16 : index
      %get3A_3915 = tpu.vector_load %arg16[%get3A_3913, %get3A_3914] {strides = array<i32>} : memref<50x32xf32, #tpu.memory_space<vmem>>, vector<16xf32>,
      %add3A_3916 = arith.addf %add3A_3896, %get3A_3915 : vector<16xf32>
      %get3A_3917 = arith.constant 35 : i32
      %get3A_3918 = arith.index_cast %get3A_3917 : i32 to index
      %get3A_3919 = arith.constant 0 : index
      %get3A_3920 = tpu.vector_load %arg12[%get3A_3918, %get3A_3919] {strides = array<i32>} : memref<50x32xf32, #tpu.memory_space<vmem>>, vector<16xf32>,
      %add3A_3921 = arith.addf %add3A_3901, %get3A_3920 : vector<16xf32>
      %get3A_3922 = arith.constant 35 : i32
      %get3A_3923 = arith.index_cast %get3A_3922 : i32 to index
      %get3A_3924 = arith.constant 16 : index
      %get3A_3925 = tpu.vector_load %arg12[%get3A_3923, %get3A_3924] {strides = array<i32>} : memref<50x32xf32, #tpu.memory_space<vmem>>, vector<16xf32>,
      %add3A_3926 = arith.addf %add3A_3906, %get3A_3925 : vector<16xf32>
      %get3A_3927 = arith.constant 35 : i32
      %get3A_3928 = arith.index_cast %get3A_3927 : i32 to index
      %get3A_3929 = arith.constant 0 : index
      %get3A_3930 = tpu.vector_load %arg16[%get3A_3928, %get3A_3929] {strides = array<i32>} : memref<50x32xf32, #tpu.memory_space<vmem>>, vector<16xf32>,
      %add3A_3931 = arith.addf %add3A_3911, %get3A_3930 : vector<16xf32>
      %get3A_3932 = arith.constant 35 : i32
      %get3A_3933 = arith.index_cast %get3A_3932 : i32 to index
      %get3A_3934 = arith.constant 16 : index
      %get3A_3935 = tpu.vector_load %arg16[%get3A_3933, %get3A_3934] {strides = array<i32>} : memref<50x32xf32, #tpu.memory_space<vmem>>, vector<16xf32>,
      %add3A_3936 = arith.addf %add3A_3916, %get3A_3935 : vector<16xf32>
      %get3A_3937 = arith.constant 36 : i32
      %get3A_3938 = arith.index_cast %get3A_3937 : i32 to index
      %get3A_3939 = arith.constant 0 : index
      %get3A_3940 = tpu.vector_load %arg12[%get3A_3938, %get3A_3939] {strides = array<i32>} : memref<50x32xf32, #tpu.memory_space<vmem>>, vector<16xf32>,
      %add3A_3941 = arith.addf %add3A_3921, %get3A_3940 : vector<16xf32>
      %get3A_3942 = arith.constant 36 : i32
      %get3A_3943 = arith.index_cast %get3A_3942 : i32 to index
      %get3A_3944 = arith.constant 16 : index
      %get3A_3945 = tpu.vector_load %arg12[%get3A_3943, %get3A_3944] {strides = array<i32>} : memref<50x32xf32, #tpu.memory_space<vmem>>, vector<16xf32>,
      %add3A_3946 = arith.addf %add3A_3926, %get3A_3945 : vector<16xf32>
      %get3A_3947 = arith.constant 36 : i32
      %get3A_3948 = arith.index_cast %get3A_3947 : i32 to index
      %get3A_3949 = arith.constant 0 : index
      %get3A_3950 = tpu.vector_load %arg16[%get3A_3948, %get3A_3949] {strides = array<i32>} : memref<50x32xf32, #tpu.memory_space<vmem>>, vector<16xf32>,
      %add3A_3951 = arith.addf %add3A_3931, %get3A_3950 : vector<16xf32>
      %get3A_3952 = arith.constant 36 : i32
      %get3A_3953 = arith.index_cast %get3A_3952 : i32 to index
      %get3A_3954 = arith.constant 16 : index
      %get3A_3955 = tpu.vector_load %arg16[%get3A_3953, %get3A_3954] {strides = array<i32>} : memref<50x32xf32, #tpu.memory_space<vmem>>, vector<16xf32>,
      %add3A_3956 = arith.addf %add3A_3936, %get3A_3955 : vector<16xf32>
      %get3A_3957 = arith.constant 37 : i32
      %get3A_3958 = arith.index_cast %get3A_3957 : i32 to index
      %get3A_3959 = arith.constant 0 : index
      %get3A_3960 = tpu.vector_load %arg12[%get3A_3958, %get3A_3959] {strides = array<i32>} : memref<50x32xf32, #tpu.memory_space<vmem>>, vector<16xf32>,
      %add3A_3961 = arith.addf %add3A_3941, %get3A_3960 : vector<16xf32>
      %get3A_3962 = arith.constant 37 : i32
      %get3A_3963 = arith.index_cast %get3A_3962 : i32 to index
      %get3A_3964 = arith.constant 16 : index
      %get3A_3965 = tpu.vector_load %arg12[%get3A_3963, %get3A_3964] {strides = array<i32>} : memref<50x32xf32, #tpu.memory_space<vmem>>, vector<16xf32>,
      %add3A_3966 = arith.addf %add3A_3946, %get3A_3965 : vector<16xf32>
      %get3A_3967 = arith.constant 37 : i32
      %get3A_3968 = arith.index_cast %get3A_3967 : i32 to index
      %get3A_3969 = arith.constant 0 : index
      %get3A_3970 = tpu.vector_load %arg16[%get3A_3968, %get3A_3969] {strides = array<i32>} : memref<50x32xf32, #tpu.memory_space<vmem>>, vector<16xf32>,
      %add3A_3971 = arith.addf %add3A_3951, %get3A_3970 : vector<16xf32>
      %get3A_3972 = arith.constant 37 : i32
      %get3A_3973 = arith.index_cast %get3A_3972 : i32 to index
      %get3A_3974 = arith.constant 16 : index
      %get3A_3975 = tpu.vector_load %arg16[%get3A_3973, %get3A_3974] {strides = array<i32>} : memref<50x32xf32, #tpu.memory_space<vmem>>, vector<16xf32>,
      %add3A_3976 = arith.addf %add3A_3956, %get3A_3975 : vector<16xf32>
      %get3A_3977 = arith.constant 38 : i32
      %get3A_3978 = arith.index_cast %get3A_3977 : i32 to index
      %get3A_3979 = arith.constant 0 : index
      %get3A_3980 = tpu.vector_load %arg12[%get3A_3978, %get3A_3979] {strides = array<i32>} : memref<50x32xf32, #tpu.memory_space<vmem>>, vector<16xf32>,
      %add3A_3981 = arith.addf %add3A_3961, %get3A_3980 : vector<16xf32>
      %get3A_3982 = arith.constant 38 : i32
      %get3A_3983 = arith.index_cast %get3A_3982 : i32 to index
      %get3A_3984 = arith.constant 16 : index
      %get3A_3985 = tpu.vector_load %arg12[%get3A_3983, %get3A_3984] {strides = array<i32>} : memref<50x32xf32, #tpu.memory_space<vmem>>, vector<16xf32>,
      %add3A_3986 = arith.addf %add3A_3966, %get3A_3985 : vector<16xf32>
      %get3A_3987 = arith.constant 38 : i32
      %get3A_3988 = arith.index_cast %get3A_3987 : i32 to index
      %get3A_3989 = arith.constant 0 : index
      %get3A_3990 = tpu.vector_load %arg16[%get3A_3988, %get3A_3989] {strides = array<i32>} : memref<50x32xf32, #tpu.memory_space<vmem>>, vector<16xf32>,
      %add3A_3991 = arith.addf %add3A_3971, %get3A_3990 : vector<16xf32>
      %get3A_3992 = arith.constant 38 : i32
      %get3A_3993 = arith.index_cast %get3A_3992 : i32 to index
      %get3A_3994 = arith.constant 16 : index
      %get3A_3995 = tpu.vector_load %arg16[%get3A_3993, %get3A_3994] {strides = array<i32>} : memref<50x32xf32, #tpu.memory_space<vmem>>, vector<16xf32>,
      %add3A_3996 = arith.addf %add3A_3976, %get3A_3995 : vector<16xf32>
      %get3A_3997 = arith.constant 39 : i32
      %get3A_3998 = arith.index_cast %get3A_3997 : i32 to index
      %get3A_3999 = arith.constant 0 : index
      %get3A_4000 = tpu.vector_load %arg12[%get3A_3998, %get3A_3999] {strides = array<i32>} : memref<50x32xf32, #tpu.memory_space<vmem>>, vector<16xf32>,
      %add3A_4001 = arith.addf %add3A_3981, %get3A_4000 : vector<16xf32>
      %get3A_4002 = arith.constant 39 : i32
      %get3A_4003 = arith.index_cast %get3A_4002 : i32 to index
      %get3A_4004 = arith.constant 16 : index
      %get3A_4005 = tpu.vector_load %arg12[%get3A_4003, %get3A_4004] {strides = array<i32>} : memref<50x32xf32, #tpu.memory_space<vmem>>, vector<16xf32>,
      %add3A_4006 = arith.addf %add3A_3986, %get3A_4005 : vector<16xf32>
      %get3A_4007 = arith.constant 39 : i32
      %get3A_4008 = arith.index_cast %get3A_4007 : i32 to index
      %get3A_4009 = arith.constant 0 : index
      %get3A_4010 = tpu.vector_load %arg16[%get3A_4008, %get3A_4009] {strides = array<i32>} : memref<50x32xf32, #tpu.memory_space<vmem>>, vector<16xf32>,
      %add3A_4011 = arith.addf %add3A_3991, %get3A_4010 : vector<16xf32>
      %get3A_4012 = arith.constant 39 : i32
      %get3A_4013 = arith.index_cast %get3A_4012 : i32 to index
      %get3A_4014 = arith.constant 16 : index
      %get3A_4015 = tpu.vector_load %arg16[%get3A_4013, %get3A_4014] {strides = array<i32>} : memref<50x32xf32, #tpu.memory_space<vmem>>, vector<16xf32>,
      %add3A_4016 = arith.addf %add3A_3996, %get3A_4015 : vector<16xf32>
      %get3A_4017 = arith.constant 40 : i32
      %get3A_4018 = arith.index_cast %get3A_4017 : i32 to index
      %get3A_4019 = arith.constant 0 : index
      %get3A_4020 = tpu.vector_load %arg12[%get3A_4018, %get3A_4019] {strides = array<i32>} : memref<50x32xf32, #tpu.memory_space<vmem>>, vector<16xf32>,
      %add3A_4021 = arith.addf %add3A_4001, %get3A_4020 : vector<16xf32>
      %get3A_4022 = arith.constant 40 : i32
      %get3A_4023 = arith.index_cast %get3A_4022 : i32 to index
      %get3A_4024 = arith.constant 16 : index
      %get3A_4025 = tpu.vector_load %arg12[%get3A_4023, %get3A_4024] {strides = array<i32>} : memref<50x32xf32, #tpu.memory_space<vmem>>, vector<16xf32>,
      %add3A_4026 = arith.addf %add3A_4006, %get3A_4025 : vector<16xf32>
      %get3A_4027 = arith.constant 40 : i32
      %get3A_4028 = arith.index_cast %get3A_4027 : i32 to index
      %get3A_4029 = arith.constant 0 : index
      %get3A_4030 = tpu.vector_load %arg16[%get3A_4028, %get3A_4029] {strides = array<i32>} : memref<50x32xf32, #tpu.memory_space<vmem>>, vector<16xf32>,
      %add3A_4031 = arith.addf %add3A_4011, %get3A_4030 : vector<16xf32>
      %get3A_4032 = arith.constant 40 : i32
      %get3A_4033 = arith.index_cast %get3A_4032 : i32 to index
      %get3A_4034 = arith.constant 16 : index
      %get3A_4035 = tpu.vector_load %arg16[%get3A_4033, %get3A_4034] {strides = array<i32>} : memref<50x32xf32, #tpu.memory_space<vmem>>, vector<16xf32>,
      %add3A_4036 = arith.addf %add3A_4016, %get3A_4035 : vector<16xf32>
      %get3A_4037 = arith.constant 41 : i32
      %get3A_4038 = arith.index_cast %get3A_4037 : i32 to index
      %get3A_4039 = arith.constant 0 : index
      %get3A_4040 = tpu.vector_load %arg12[%get3A_4038, %get3A_4039] {strides = array<i32>} : memref<50x32xf32, #tpu.memory_space<vmem>>, vector<16xf32>,
      %add3A_4041 = arith.addf %add3A_4021, %get3A_4040 : vector<16xf32>
      %get3A_4042 = arith.constant 41 : i32
      %get3A_4043 = arith.index_cast %get3A_4042 : i32 to index
      %get3A_4044 = arith.constant 16 : index
      %get3A_4045 = tpu.vector_load %arg12[%get3A_4043, %get3A_4044] {strides = array<i32>} : memref<50x32xf32, #tpu.memory_space<vmem>>, vector<16xf32>,
      %add3A_4046 = arith.addf %add3A_4026, %get3A_4045 : vector<16xf32>
      %get3A_4047 = arith.constant 41 : i32
      %get3A_4048 = arith.index_cast %get3A_4047 : i32 to index
      %get3A_4049 = arith.constant 0 : index
      %get3A_4050 = tpu.vector_load %arg16[%get3A_4048, %get3A_4049] {strides = array<i32>} : memref<50x32xf32, #tpu.memory_space<vmem>>, vector<16xf32>,
      %add3A_4051 = arith.addf %add3A_4031, %get3A_4050 : vector<16xf32>
      %get3A_4052 = arith.constant 41 : i32
      %get3A_4053 = arith.index_cast %get3A_4052 : i32 to index
      %get3A_4054 = arith.constant 16 : index
      %get3A_4055 = tpu.vector_load %arg16[%get3A_4053, %get3A_4054] {strides = array<i32>} : memref<50x32xf32, #tpu.memory_space<vmem>>, vector<16xf32>,
      %add3A_4056 = arith.addf %add3A_4036, %get3A_4055 : vector<16xf32>
      %get3A_4057 = arith.constant 42 : i32
      %get3A_4058 = arith.index_cast %get3A_4057 : i32 to index
      %get3A_4059 = arith.constant 0 : index
      %get3A_4060 = tpu.vector_load %arg12[%get3A_4058, %get3A_4059] {strides = array<i32>} : memref<50x32xf32, #tpu.memory_space<vmem>>, vector<16xf32>,
      %add3A_4061 = arith.addf %add3A_4041, %get3A_4060 : vector<16xf32>
      %get3A_4062 = arith.constant 42 : i32
      %get3A_4063 = arith.index_cast %get3A_4062 : i32 to index
      %get3A_4064 = arith.constant 16 : index
      %get3A_4065 = tpu.vector_load %arg12[%get3A_4063, %get3A_4064] {strides = array<i32>} : memref<50x32xf32, #tpu.memory_space<vmem>>, vector<16xf32>,
      %add3A_4066 = arith.addf %add3A_4046, %get3A_4065 : vector<16xf32>
      %get3A_4067 = arith.constant 42 : i32
      %get3A_4068 = arith.index_cast %get3A_4067 : i32 to index
      %get3A_4069 = arith.constant 0 : index
      %get3A_4070 = tpu.vector_load %arg16[%get3A_4068, %get3A_4069] {strides = array<i32>} : memref<50x32xf32, #tpu.memory_space<vmem>>, vector<16xf32>,
      %add3A_4071 = arith.addf %add3A_4051, %get3A_4070 : vector<16xf32>
      %get3A_4072 = arith.constant 42 : i32
      %get3A_4073 = arith.index_cast %get3A_4072 : i32 to index
      %get3A_4074 = arith.constant 16 : index
      %get3A_4075 = tpu.vector_load %arg16[%get3A_4073, %get3A_4074] {strides = array<i32>} : memref<50x32xf32, #tpu.memory_space<vmem>>, vector<16xf32>,
      %add3A_4076 = arith.addf %add3A_4056, %get3A_4075 : vector<16xf32>
      %get3A_4077 = arith.constant 43 : i32
      %get3A_4078 = arith.index_cast %get3A_4077 : i32 to index
      %get3A_4079 = arith.constant 0 : index
      %get3A_4080 = tpu.vector_load %arg12[%get3A_4078, %get3A_4079] {strides = array<i32>} : memref<50x32xf32, #tpu.memory_space<vmem>>, vector<16xf32>,
      %add3A_4081 = arith.addf %add3A_4061, %get3A_4080 : vector<16xf32>
      %get3A_4082 = arith.constant 43 : i32
      %get3A_4083 = arith.index_cast %get3A_4082 : i32 to index
      %get3A_4084 = arith.constant 16 : index
      %get3A_4085 = tpu.vector_load %arg12[%get3A_4083, %get3A_4084] {strides = array<i32>} : memref<50x32xf32, #tpu.memory_space<vmem>>, vector<16xf32>,
      %add3A_4086 = arith.addf %add3A_4066, %get3A_4085 : vector<16xf32>
      %get3A_4087 = arith.constant 43 : i32
      %get3A_4088 = arith.index_cast %get3A_4087 : i32 to index
      %get3A_4089 = arith.constant 0 : index
      %get3A_4090 = tpu.vector_load %arg16[%get3A_4088, %get3A_4089] {strides = array<i32>} : memref<50x32xf32, #tpu.memory_space<vmem>>, vector<16xf32>,
      %add3A_4091 = arith.addf %add3A_4071, %get3A_4090 : vector<16xf32>
      %get3A_4092 = arith.constant 43 : i32
      %get3A_4093 = arith.index_cast %get3A_4092 : i32 to index
      %get3A_4094 = arith.constant 16 : index
      %get3A_4095 = tpu.vector_load %arg16[%get3A_4093, %get3A_4094] {strides = array<i32>} : memref<50x32xf32, #tpu.memory_space<vmem>>, vector<16xf32>,
      %add3A_4096 = arith.addf %add3A_4076, %get3A_4095 : vector<16xf32>
      %get3A_4097 = arith.constant 44 : i32
      %get3A_4098 = arith.index_cast %get3A_4097 : i32 to index
      %get3A_4099 = arith.constant 0 : index
      %get3A_4100 = tpu.vector_load %arg12[%get3A_4098, %get3A_4099] {strides = array<i32>} : memref<50x32xf32, #tpu.memory_space<vmem>>, vector<16xf32>,
      %add3A_4101 = arith.addf %add3A_4081, %get3A_4100 : vector<16xf32>
      %get3A_4102 = arith.constant 44 : i32
      %get3A_4103 = arith.index_cast %get3A_4102 : i32 to index
      %get3A_4104 = arith.constant 16 : index
      %get3A_4105 = tpu.vector_load %arg12[%get3A_4103, %get3A_4104] {strides = array<i32>} : memref<50x32xf32, #tpu.memory_space<vmem>>, vector<16xf32>,
      %add3A_4106 = arith.addf %add3A_4086, %get3A_4105 : vector<16xf32>
      %get3A_4107 = arith.constant 44 : i32
      %get3A_4108 = arith.index_cast %get3A_4107 : i32 to index
      %get3A_4109 = arith.constant 0 : index
      %get3A_4110 = tpu.vector_load %arg16[%get3A_4108, %get3A_4109] {strides = array<i32>} : memref<50x32xf32, #tpu.memory_space<vmem>>, vector<16xf32>,
      %add3A_4111 = arith.addf %add3A_4091, %get3A_4110 : vector<16xf32>
      %get3A_4112 = arith.constant 44 : i32
      %get3A_4113 = arith.index_cast %get3A_4112 : i32 to index
      %get3A_4114 = arith.constant 16 : index
      %get3A_4115 = tpu.vector_load %arg16[%get3A_4113, %get3A_4114] {strides = array<i32>} : memref<50x32xf32, #tpu.memory_space<vmem>>, vector<16xf32>,
      %add3A_4116 = arith.addf %add3A_4096, %get3A_4115 : vector<16xf32>
      %get3A_4117 = arith.constant 45 : i32
      %get3A_4118 = arith.index_cast %get3A_4117 : i32 to index
      %get3A_4119 = arith.constant 0 : index
      %get3A_4120 = tpu.vector_load %arg12[%get3A_4118, %get3A_4119] {strides = array<i32>} : memref<50x32xf32, #tpu.memory_space<vmem>>, vector<16xf32>,
      %add3A_4121 = arith.addf %add3A_4101, %get3A_4120 : vector<16xf32>
      %get3A_4122 = arith.constant 45 : i32
      %get3A_4123 = arith.index_cast %get3A_4122 : i32 to index
      %get3A_4124 = arith.constant 16 : index
      %get3A_4125 = tpu.vector_load %arg12[%get3A_4123, %get3A_4124] {strides = array<i32>} : memref<50x32xf32, #tpu.memory_space<vmem>>, vector<16xf32>,
      %add3A_4126 = arith.addf %add3A_4106, %get3A_4125 : vector<16xf32>
      %get3A_4127 = arith.constant 45 : i32
      %get3A_4128 = arith.index_cast %get3A_4127 : i32 to index
      %get3A_4129 = arith.constant 0 : index
      %get3A_4130 = tpu.vector_load %arg16[%get3A_4128, %get3A_4129] {strides = array<i32>} : memref<50x32xf32, #tpu.memory_space<vmem>>, vector<16xf32>,
      %add3A_4131 = arith.addf %add3A_4111, %get3A_4130 : vector<16xf32>
      %get3A_4132 = arith.constant 45 : i32
      %get3A_4133 = arith.index_cast %get3A_4132 : i32 to index
      %get3A_4134 = arith.constant 16 : index
      %get3A_4135 = tpu.vector_load %arg16[%get3A_4133, %get3A_4134] {strides = array<i32>} : memref<50x32xf32, #tpu.memory_space<vmem>>, vector<16xf32>,
      %add3A_4136 = arith.addf %add3A_4116, %get3A_4135 : vector<16xf32>
      %get3A_4137 = arith.constant 46 : i32
      %get3A_4138 = arith.index_cast %get3A_4137 : i32 to index
      %get3A_4139 = arith.constant 0 : index
      %get3A_4140 = tpu.vector_load %arg12[%get3A_4138, %get3A_4139] {strides = array<i32>} : memref<50x32xf32, #tpu.memory_space<vmem>>, vector<16xf32>,
      %add3A_4141 = arith.addf %add3A_4121, %get3A_4140 : vector<16xf32>
      %get3A_4142 = arith.constant 46 : i32
      %get3A_4143 = arith.index_cast %get3A_4142 : i32 to index
      %get3A_4144 = arith.constant 16 : index
      %get3A_4145 = tpu.vector_load %arg12[%get3A_4143, %get3A_4144] {strides = array<i32>} : memref<50x32xf32, #tpu.memory_space<vmem>>, vector<16xf32>,
      %add3A_4146 = arith.addf %add3A_4126, %get3A_4145 : vector<16xf32>
      %get3A_4147 = arith.constant 46 : i32
      %get3A_4148 = arith.index_cast %get3A_4147 : i32 to index
      %get3A_4149 = arith.constant 0 : index
      %get3A_4150 = tpu.vector_load %arg16[%get3A_4148, %get3A_4149] {strides = array<i32>} : memref<50x32xf32, #tpu.memory_space<vmem>>, vector<16xf32>,
      %add3A_4151 = arith.addf %add3A_4131, %get3A_4150 : vector<16xf32>
      %get3A_4152 = arith.constant 46 : i32
      %get3A_4153 = arith.index_cast %get3A_4152 : i32 to index
      %get3A_4154 = arith.constant 16 : index
      %get3A_4155 = tpu.vector_load %arg16[%get3A_4153, %get3A_4154] {strides = array<i32>} : memref<50x32xf32, #tpu.memory_space<vmem>>, vector<16xf32>,
      %add3A_4156 = arith.addf %add3A_4136, %get3A_4155 : vector<16xf32>
      %get3A_4157 = arith.constant 47 : i32
      %get3A_4158 = arith.index_cast %get3A_4157 : i32 to index
      %get3A_4159 = arith.constant 0 : index
      %get3A_4160 = tpu.vector_load %arg12[%get3A_4158, %get3A_4159] {strides = array<i32>} : memref<50x32xf32, #tpu.memory_space<vmem>>, vector<16xf32>,
      %add3A_4161 = arith.addf %add3A_4141, %get3A_4160 : vector<16xf32>
      %get3A_4162 = arith.constant 47 : i32
      %get3A_4163 = arith.index_cast %get3A_4162 : i32 to index
      %get3A_4164 = arith.constant 16 : index
      %get3A_4165 = tpu.vector_load %arg12[%get3A_4163, %get3A_4164] {strides = array<i32>} : memref<50x32xf32, #tpu.memory_space<vmem>>, vector<16xf32>,
      %add3A_4166 = arith.addf %add3A_4146, %get3A_4165 : vector<16xf32>
      %get3A_4167 = arith.constant 47 : i32
      %get3A_4168 = arith.index_cast %get3A_4167 : i32 to index
      %get3A_4169 = arith.constant 0 : index
      %get3A_4170 = tpu.vector_load %arg16[%get3A_4168, %get3A_4169] {strides = array<i32>} : memref<50x32xf32, #tpu.memory_space<vmem>>, vector<16xf32>,
      %add3A_4171 = arith.addf %add3A_4151, %get3A_4170 : vector<16xf32>
      %get3A_4172 = arith.constant 47 : i32
      %get3A_4173 = arith.index_cast %get3A_4172 : i32 to index
      %get3A_4174 = arith.constant 16 : index
      %get3A_4175 = tpu.vector_load %arg16[%get3A_4173, %get3A_4174] {strides = array<i32>} : memref<50x32xf32, #tpu.memory_space<vmem>>, vector<16xf32>,
      %add3A_4176 = arith.addf %add3A_4156, %get3A_4175 : vector<16xf32>
      %get3A_4177 = arith.constant 48 : i32
      %get3A_4178 = arith.index_cast %get3A_4177 : i32 to index
      %get3A_4179 = arith.constant 0 : index
      %get3A_4180 = tpu.vector_load %arg12[%get3A_4178, %get3A_4179] {strides = array<i32>} : memref<50x32xf32, #tpu.memory_space<vmem>>, vector<16xf32>,
      %add3A_4181 = arith.addf %add3A_4161, %get3A_4180 : vector<16xf32>
      %get3A_4182 = arith.constant 48 : i32
      %get3A_4183 = arith.index_cast %get3A_4182 : i32 to index
      %get3A_4184 = arith.constant 16 : index
      %get3A_4185 = tpu.vector_load %arg12[%get3A_4183, %get3A_4184] {strides = array<i32>} : memref<50x32xf32, #tpu.memory_space<vmem>>, vector<16xf32>,
      %add3A_4186 = arith.addf %add3A_4166, %get3A_4185 : vector<16xf32>
      %get3A_4187 = arith.constant 48 : i32
      %get3A_4188 = arith.index_cast %get3A_4187 : i32 to index
      %get3A_4189 = arith.constant 0 : index
      %get3A_4190 = tpu.vector_load %arg16[%get3A_4188, %get3A_4189] {strides = array<i32>} : memref<50x32xf32, #tpu.memory_space<vmem>>, vector<16xf32>,
      %add3A_4191 = arith.addf %add3A_4171, %get3A_4190 : vector<16xf32>
      %get3A_4192 = arith.constant 48 : i32
      %get3A_4193 = arith.index_cast %get3A_4192 : i32 to index
      %get3A_4194 = arith.constant 16 : index
      %get3A_4195 = tpu.vector_load %arg16[%get3A_4193, %get3A_4194] {strides = array<i32>} : memref<50x32xf32, #tpu.memory_space<vmem>>, vector<16xf32>,
      %add3A_4196 = arith.addf %add3A_4176, %get3A_4195 : vector<16xf32>
      %get3A_4197 = arith.constant 49 : i32
      %get3A_4198 = arith.index_cast %get3A_4197 : i32 to index
      %get3A_4199 = arith.constant 0 : index
      %get3A_4200 = tpu.vector_load %arg12[%get3A_4198, %get3A_4199] {strides = array<i32>} : memref<50x32xf32, #tpu.memory_space<vmem>>, vector<16xf32>,
      %add3A_4201 = arith.addf %add3A_4181, %get3A_4200 : vector<16xf32>
      %get3A_4202 = arith.constant 49 : i32
      %get3A_4203 = arith.index_cast %get3A_4202 : i32 to index
      %get3A_4204 = arith.constant 16 : index
      %get3A_4205 = tpu.vector_load %arg12[%get3A_4203, %get3A_4204] {strides = array<i32>} : memref<50x32xf32, #tpu.memory_space<vmem>>, vector<16xf32>,
      %add3A_4206 = arith.addf %add3A_4186, %get3A_4205 : vector<16xf32>
      %get3A_4207 = arith.constant 49 : i32
      %get3A_4208 = arith.index_cast %get3A_4207 : i32 to index
      %get3A_4209 = arith.constant 0 : index
      %get3A_4210 = tpu.vector_load %arg16[%get3A_4208, %get3A_4209] {strides = array<i32>} : memref<50x32xf32, #tpu.memory_space<vmem>>, vector<16xf32>,
      %add3A_4211 = arith.addf %add3A_4191, %get3A_4210 : vector<16xf32>
      %get3A_4212 = arith.constant 49 : i32
      %get3A_4213 = arith.index_cast %get3A_4212 : i32 to index
      %get3A_4214 = arith.constant 16 : index
      %get3A_4215 = tpu.vector_load %arg16[%get3A_4213, %get3A_4214] {strides = array<i32>} : memref<50x32xf32, #tpu.memory_space<vmem>>, vector<16xf32>,
      %add3A_4216 = arith.addf %add3A_4196, %get3A_4215 : vector<16xf32>
      %mul3A_4217 = arith.mulf %add3A_4201, %add3A_4211 : vector<16xf32>
      %mul3A_4218 = arith.mulf %add3A_4206, %add3A_4216 : vector<16xf32>
      %add3A_4219 = arith.addf %mul3A_4217, %mul3A_4218 : vector<16xf32>
      %broadcast_in_dim3A_4220 = arith.constant true
      %broadcast_in_dim3A_4221 = vector.broadcast %broadcast_in_dim3A_4220 : i1 to vector<16xi1>
      %masked_cumsum3A_4222 = tpu.scan <sum>, %add3A_4219 masked %broadcast_in_dim3A_4221 : vector<16xf32>, vector<16xi1> -> vector<16xf32>
      %mul3A_4223 = arith.constant 4.000000e-04 : f32
      %mul3A_4224 = vector.broadcast %mul3A_4223 : f32 to vector<16xf32>
      %mul3A_4225 = arith.mulf %masked_cumsum3A_4222, %mul3A_4224 : vector<16xf32>
      %broadcast_in_dim3A_4226 = vector.broadcast %add3A_3208 : i32 to vector<16xi32>
      tpu.vector_store_idx %arg8[%broadcast_in_dim3A_4226], %mul3A_4225 masked %eq3A_4 : memref<128xf32, #tpu.memory_space<vmem>>[vector<16xi32>], vector<16xf32>, vector<16xi1>
    }
    %scan3A_49 = arith.constant 32 : i32
    "tpu.region"() ({
      %run_scoped3A = tpu.sem_alloc : memref<!tpu.dma_semaphore, #tpu.memory_space<semaphore_mem>>
      %dma_start3A_50 = tpu.memref_slice %arg5[%mul3A_2] : memref<4096xf32, #tpu.memory_space<hbm>> -> memref<128xf32, #tpu.memory_space<hbm>>
      %dma_start3A_51 = tpu.memref_slice %arg5[%mul3A_2] : memref<4096xf32, #tpu.memory_space<hbm>> -> memref<128xf32, #tpu.memory_space<hbm>>
      tpu.enqueue_dma source(%arg8 : memref<128xf32, #tpu.memory_space<vmem>>) target(%dma_start3A_51 : memref<128xf32, #tpu.memory_space<hbm>>) target_semaphore(%run_scoped3A : memref<!tpu.dma_semaphore, #tpu.memory_space<semaphore_mem>>)
      %dma_wait3A = tpu.memref_slice %arg5[%mul3A_2] : memref<4096xf32, #tpu.memory_space<hbm>> -> memref<128xf32, #tpu.memory_space<hbm>>
      %dma_wait3A_52 = tpu.memref_slice %arg5[%mul3A_2] : memref<4096xf32, #tpu.memory_space<hbm>> -> memref<128xf32, #tpu.memory_space<hbm>>
      tpu.wait_dma2 semaphore(%run_scoped3A : memref<!tpu.dma_semaphore, #tpu.memory_space<semaphore_mem>>) src(%arg8 : memref<128xf32, #tpu.memory_space<vmem>>) dst(%dma_wait3A_52 : memref<128xf32, #tpu.memory_space<hbm>>)
      tpu.yield
    }) : () -> ()
    return
  }
}

</mosaic_0001>

<sc_bundles>
// kernel: kernel.3.cloned.1.call-start
scs
__scs_entry_jumppad:
0x0: {  	(pc) =	sbr.rel $0x88, $3  }
0x1: {  	(tag) =	ssettag $0x0;
	lr =	simm.s32 $0x1  }
0x2: {  	[smem:$0x3F9E] =	sst lr;
	_ =	strace $0xD0000000  }
0x3: {  	_ = 	snop  }
0x4: {  	_ = 	snop  }
0x5: {  	_ = 	snop  }
0x6: {  	_ = 	snop  }
0x7: {  	_ = 	snop  }
__scs_overlays_trampoline_lowered:
0x8: {  	[smem:$0x3FAD] =	sst s0  }
0x9: {  	[smem:$0x3FAE] =	sst s1  }
0xa: {  	[smem:$0x3FAF] =	sst s2  }
0xb: {  	[smem:$0x3FB0] =	sst s3  }
0xc: {  	[smem:$0x3FB1] =	sst s4  }
0xd: {  	[smem:$0x3FB2] =	sst s5  }
0xe: {  	[smem:$0x3FB3] =	sst s6  }
0xf: {  	[smem:$0x3FB4] =	sst s7  }
0x10: {  	[smem:$0x3FB5] =	sst s8  }
0x11: {  	[smem:$0x3FB6] =	sst s9;
	s0 =	simm.s32 @!p0 $0x0  }
0x12: {  	s1 =	sld [smem:$0x3F9C];
	s0 =	simm.s32 @p0 $0x1  }
0x13: {  	[smem:$0x3FB7] =	sst s0;
	s0 =	simm.s32 @!p1 $0x0  }
0x14: {  	s2 =	sld [smem:$0x3F9B];
	s0 =	simm.s32 @p1 $0x1  }
0x15: {  	[smem:$0x3FB8] =	sst s0;
	s0 =	simm.s32 @!p2 $0x0  }
0x16: {  	s3 =	sld [smem:$0x3FDB];
	s0 =	simm.s32 @p2 $0x1  }
0x17: {  	s4 =	simm.s32 $0x1BF5;
	[smem:$0x3FBA] =	sst s0  }
0x18: {  	s0 =	sld [smem:$0x3F9D];
	_ =	swait.ge [sflag:s4], $0x0  }
0x19: {  	s7 =	sld [smem:$0x3F9E]  }
0x1a: {  	s8 =	sadd.s32 $0xFFFFE003, lr  }
0x1b: {  	s9 =	sadd.s32 $0xFFFFFEF7, lr;
	s5 =	simm.s32 $0xFFFFFFFF;
	p2 =	slt.u32 s8, $0xFFFFF086  }
0x1c: {  	p1 =	slt.u32 s9, $0xF7A;
	s5 =	simm.s32 @!p2 $0x0  }
0x1d: {  	s5 =	simm.s32 @p1 $0x1;
	p0 =	seq.s32 s7, s2  }
0x1e: {  	s7 =	smul.u32 @!p0 $0xF7A, s2;
	p2 =	seq.s32 @!p0 s5, $0x0  }
0x1f: {  	s9 =	smul.u32 $0xF7A, s1;
	s8 =	simm.s32 @!p0 $0x1BF5;
	p2 =	por !p2, p0  }
0x20: {  	[sflag:s8] =	ssyncset.s32 @!p0 $0xFFFFF086;
	s6 =	sadd.s32 @!p0 s3, s7;
	s7 =	simm.s32 @!p0 $0x108  }
0x21: {  	s3 =	sadd.s32 s3, s9;
	s6 =	sadd.s32 @!p0 $0x88, s6;
	s7 =	simm.s32 @p2 $0x1082  }
0x22: {  	[simem:s7], [sflag:s8] =	dma.local @!p0 [hbm:s6], $0xF7A  }
0x23: {  	s9 =	sor.u32 $0xD0000000, s2;
	s6 =	simm.s32 $0x108;
	_ =	swait.ge @!p0 [sflag:s8], $0x0  }
0x24: {  	s3 =	sadd.s32 $0x88, s3;
	s6 =	simm.s32 @!p1 $0x1082;
	[sflag:s4] =	ssyncset.s32 $0xFFFFF086  }
0x25: {  	[simem:s6], [sflag:s4] =	dma.local [hbm:s3], $0xF7A  }
0x26: {  	[smem:$0x3F9E] =	sst s1;
	(tag) =	ssettag s2;
	_ =	strace s9  }
0x27: {  	s1 =	sld [smem:$0x3FAE]  }
0x28: {  	s2 =	sld [smem:$0x3FAF]  }
0x29: {  	s4 =	sld [smem:$0x3FB1]  }
0x2a: {  	p0 =	seq.s32 s5, $0x0;
	s5 =	sld [smem:$0x3FB2]  }
0x2b: {  	s6 =	sld [smem:$0x3FB3]  }
0x2c: {  	s7 =	sld [smem:$0x3FB4]  }
0x2d: {  	s3 =	simm.s32 $0x108;
	s8 =	sld [smem:$0x3FB5]  }
0x2e: {  	s3 =	simm.s32 @!p0 $0x1082;
	s9 =	sld [smem:$0x3FB6]  }
0x2f: {  	lr =	sadd.s32 s0, s3;
	s0 =	sld [smem:$0x3FAD]  }
0x30: {  	s3 =	sld [smem:$0x3FB0]  }
0x31: {  	[smem:$0x3FB9] =	sst s10  }
0x32: {  	s10 =	sld [smem:$0x3FB7];
	_ =	sdelay $0x3  }
0x33: {  	p0 =	seq.s32 s10, $0x1;
	s10 =	sld [smem:$0x3FB9];
	_ =	sdelay $0x3  }
0x34: {  	[smem:$0x3FB9] =	sst s10  }
0x35: {  	s10 =	sld [smem:$0x3FB8];
	_ =	sdelay $0x3  }
0x36: {  	p1 =	seq.s32 s10, $0x1;
	s10 =	sld [smem:$0x3FB9];
	_ =	sdelay $0x3  }
0x37: {  	[smem:$0x3FB9] =	sst s10  }
0x38: {  	s10 =	sld [smem:$0x3FBA]  }
0x39: {  	_ = 	snop;
	(pc) =	sbr.ind lr, $3  }
0x3a: {  	_ = 	snop  }
0x3b: {  	_ = 	snop  }
0x3c: {  	p2 =	seq.s32 s10, $0x1;
	s10 =	sld [smem:$0x3FB9]  }
0x3d: {  	_ =	shalt  }
0x3e: {  	_ =	shalt  }
0x3f: {  	_ =	shalt  }
0x40: {  	_ =	shalt  }
0x41: {  	_ =	shalt  }
0x42: {  	_ =	shalt  }
0x43: {  	_ =	shalt  }
0x44: {  	_ =	shalt  }
0x45: {  	_ =	shalt  }
0x46: {  	_ =	shalt  }
0x47: {  	_ =	shalt  }
0x48: {  	_ =	shalt  }
0x49: {  	_ =	shalt  }
0x4a: {  	_ =	shalt  }
0x4b: {  	_ =	shalt  }
0x4c: {  	_ =	shalt  }
0x4d: {  	_ =	shalt  }
0x4e: {  	_ =	shalt  }
0x4f: {  	_ =	shalt  }
0x50: {  	_ =	shalt  }
0x51: {  	_ =	shalt  }
0x52: {  	_ =	shalt  }
0x53: {  	_ =	shalt  }
0x54: {  	_ =	shalt  }
0x55: {  	_ =	shalt  }
0x56: {  	_ =	shalt  }
0x57: {  	_ =	shalt  }
0x58: {  	_ =	shalt  }
0x59: {  	_ =	shalt  }
0x5a: {  	_ =	shalt  }
0x5b: {  	_ =	shalt  }
0x5c: {  	_ =	shalt  }
0x5d: {  	_ =	shalt  }
0x5e: {  	_ =	shalt  }
0x5f: {  	_ =	shalt  }
0x60: {  	_ =	shalt  }
0x61: {  	_ =	shalt  }
0x62: {  	_ =	shalt  }
0x63: {  	_ =	shalt  }
0x64: {  	_ =	shalt  }
0x65: {  	_ =	shalt  }
0x66: {  	_ =	shalt  }
0x67: {  	_ =	shalt  }
0x68: {  	_ =	shalt  }
0x69: {  	_ =	shalt  }
0x6a: {  	_ =	shalt  }
0x6b: {  	_ =	shalt  }
0x6c: {  	_ =	shalt  }
0x6d: {  	_ =	shalt  }
0x6e: {  	_ =	shalt  }
0x6f: {  	_ =	shalt  }
0x70: {  	_ =	shalt  }
0x71: {  	_ =	shalt  }
0x72: {  	_ =	shalt  }
0x73: {  	_ =	shalt  }
0x74: {  	_ =	shalt  }
0x75: {  	_ =	shalt  }
0x76: {  	_ =	shalt  }
0x77: {  	_ =	shalt  }
0x78: {  	_ =	shalt  }
0x79: {  	_ =	shalt  }
0x7a: {  	_ =	shalt  }
0x7b: {  	_ =	shalt  }
0x7c: {  	_ =	shalt  }
0x7d: {  	_ =	shalt  }
0x7e: {  	_ =	shalt  }
0x7f: {  	_ =	shalt  }
0x80: {  	_ =	shalt  }
0x81: {  	_ =	shalt  }
0x82: {  	_ =	shalt  }
0x83: {  	_ =	shalt  }
0x84: {  	_ =	shalt  }
0x85: {  	_ =	shalt  }
0x86: {  	_ =	shalt  }
0x87: {  	_ =	shalt  }
.Lfunc_end0:
.L_simem_size_0:
called_computation_lowered:
.L_overlay_start_0:
0x88: {  	s2 =	sld [smem:$0x3FD9]  }
0x89: {  	s3 =	sld [smem:$0x3FFE];
	_ =	sdelay $0x1  }
0x8a: {  	s1 =	srdreg.scid  }
0x8b: {  	s0 =	sand.u32 $0x1, s1  }
0x8c: {  	s17 =	sshll.u32 s0, $0xA;
	s2 =	sadd.s32 s3, s2  }
0x8d: {  	s2 =	sadd.s32 s2, s17  }
0x8e: {  	[smem:$0x3FC5] =	sst s2  }
0x8f: {  	_ = 	snop  }
0x90: {  	s2 =	sld [smem:$0x3FD0];
	(tm) =	ssettm $0x1  }
0x91: {  	s18 =	sld [smem:$0x3FFB];
	_ =	sdelay $0x3  }
0x92: {  	_ =	strace s18  }
0x93: {  	s3 =	sld [smem:$0x3FFC];
	_ =	sdelay $0x3  }
0x94: {  	_ =	strace s3  }
0x95: {  	s3 =	sld [smem:$0x3FFD];
	_ =	sdelay $0x3  }
0x96: {  	_ =	strace s3  }
0x97: {  	_ =	strace $0x8FFFFFFF  }
0x98: {  	s19 =	sld [smem:$0x3FDB];
	_ =	sdelay $0x1  }
0x99: {  	s4 =	simm.s32 $_scs_section_size  }
0x9a: {  	s5 =	simm.s32 $_size__tile_overlayer_lowered;
	s6 =	simm.s32 $_tile_overlayer_lowered  }
0x9b: {  	s22 =	simm.s32 $0x1BFF;
	s21 =	sshll.u32 s6, $0x1;
	s3 =	sadd.s32 s4, s19  }
0x9c: {  	s7 =	simm.s32 $0x0;
	s20 =	sshll.u32 s5, $0x1;
	s5 =	sadd.s32 s21, s3  }
0x9d: {  	[timem:s7], [sflag:s22] =	dma.local [hbm:s5], s20  }
0x9e: {  	_ =	swait.ge [sflag:s22], s20  }
0x9f: {  	s4 =	ssub.s32 $0x0, s20;
	[sflag:s22] =	ssyncset.done $0x0  }
0xa0: {  	[sflag:s22] =	ssyncadd.s32 s4;
	_ =	sdelay $0x1  }
0xa1: {  	s23 =	simm.s32 $0x1B8B  }
0xa2: {  	_ =	swait.ge [sflag:s23], $0x1  }
0xa3: {  	[sflag:s23] =	ssyncset.done $0x0  }
0xa4: {  	s25 =	simm.s32 $0x1B8E;
	s24 =	sld [smem:$0x3FFE];
	[sflag:s23] =	ssyncadd.s32 $0xFFFFFFFF  }
0xa5: {  	s26 =	simm.s32 $execute0_lowered;
	[smem:$0x3FD2] =	sst s25  }
0xa6: {  	s5 =	sshll.u32 s26, $0x1;
	_ =	strace $0x80000046;
	[dreg:$0x1] =	wrdreg $0xFFFFFFFF  }
0xa7: {  	s28 =	simm.s32 $_size_execute0_lowered;
	s3 =	sadd.s32 s3, s5;
	[dreg:$0x0] =	wrdreg $0x0  }
0xa8: {  	s5 =	sshll.u32 s28, $0x1;
	[dreg:$0x2] =	wrdreg s3  }
0xa9: {  	[dreg:$0x3] =	wrdreg s5  }
0xaa: {  	[dreg:$0x4] =	wrdreg $0xC0  }
0xab: {  	_ =	task [dreg:s7], $0x5FFFF  }
0xac: {  	[dreg:$0x1] =	wrdreg $0xFFFFFFFF  }
0xad: {  	[dreg:$0x0] =	wrdreg $0x60  }
0xae: {  	[dreg:$0x2] =	wrdreg s24  }
0xaf: {  	[dreg:$0x3] =	wrdreg s2  }
0xb0: {  	[dreg:$0x4] =	wrdreg $0x9  }
0xb1: {  	_ =	task.clear_ibuf [dreg:s7], $0x5FFFF;
	_ =	strace $0x90000046  }
0xb2: {  	s29 =	simm.s32 $0x9;
	_ =	strace $0x80000048  }
0xb3: {  	_ =	swait.ge [sflag:s29], $0x1  }
0xb4: {  	[sflag:s29] =	ssyncadd.s32 $0xFFFFFFFF  }
0xb5: {  	_ =	strace $0x90000048  }
0xb6: {  	_ =	sfence  }
0xb7: {  	s30 =	sld [smem:$0x0];
	_ =	sdelay $0x2  }
0xb8: {  	s31 =	sshll.u32 s1, $0xD;
	s1 =	sshrl.u32 s1, $0x2  }
0xb9: {  	s3 =	sand.u32 $0x4000, s31;
	s1 =	sadd.s32 s1, s30  }
0xba: {  	s0 =	sor.u32 s3, s0;
	s1 =	sshll.u32 s1, $0x11  }
0xbb: {  	s0 =	sor.u32 s1, s0  }
0xbc: {  	s0 =	sadd.s32 $0x8F2B, s0  }
0xbd: {  	[sflag:s0] =	ssyncadd.remote.s32 $0x1  }
0xbe: {  	_ =	sfence.sel $0xFFFF  }
0xbf: {  	[dreg:$0x0] =	wrdreg $0xFFFFFFFF;
	(pc) =	sbr.abs _section_cstart, $3  }
0xc0: {  	[dreg:$0x1] =	wrdreg $0xFFFFFFFF  }
0xc1: {  	_ =	task.clear_ibuf [dreg:s7], $0x2FFFF;
	_ =	strace $0x9FFFFFFF  }
0xc2: {  	(tm) =	ssettm $0x7FFFFFFF  }
0xc3: {  	_ =	shalt  }
tec
execute0_lowered:
.L_overlay_start_1:
0x0: {  	(tag) =	ssettag $0x1  }
0x1: {  	s0 =	srdreg.scid  }
0x2: {  	s1 =	rddreg [dreg:$0x0];
	s2 =	stileid.u32  }
0x3: {  	s6 =	rddreg [dreg:$0x1];
	s8 =	simm.s32 $0x9;
	s9 =	simm.s32 $0x1C00  }
0x4: {  	s10 =	simm.s32 $0x32;
	s15 =	simm.s32 $0x1C38;
	s16 =	simm.s32 $0x57C0  }
0x5: {  	s17 =	simm.s32 $0x70;
	s18 =	simm.s32 $0x4500;
	s19 =	simm.s32 $0x1C70  }
0x6: {  	s20 =	simm.s32 $0x5E00;
	s21 =	simm.s32 $0x1;
	s25 =	simm.s32 $0x4B40  }
0x7: {  	s22 =	simm.s32 $0x5;
	s26 =	simm.s32 $0x6440;
	s28 =	simm.s32 $0x7  }
0x8: {  	s29 =	simm.s32 $0x4;
	s30 =	simm.s32 $0x8;
	s31 =	simm.s32 $0x0  }
0x9: {  	s0 =	sand.u32 $0x1, s0;
	s3 =	sshll.u32 s2, $0x8;
	s2 =	simm.s32 $0x0  }
0xa: {  	s4 =	sshll.u32 s0, $0x7;
	[smem:$0x7FF] =	sst s2;
	s0 =	ssub.s32 $0x2, s0  }
0xb: {  	s5 =	sor.u32 s4, s3;
	_ =	strace $0x80000047;
	[dreg:$0x3] =	wrdreg s25  }
0xc: {  	s23 =	sshrl.u32 s0, $0x1;
	[dreg:$0x4] =	wrdreg s26;
	s25 =	simm.s32 $0x6  }
0xd: {  	s26 =	simm.s32 $0x3;
	s3 =	smul.u32 $0x7, s5;
	s24 =	sshrl.u32 s5, $0x3  }
0xe: {  	s0 =	ssub.s32 s0, s23;
	s23 =	simm.s32 $0x3800;
	s6 =	sadd.s32 s6, s24  }
0xf: {  	s24 =	simm.s32 $0x2;
	s7 =	sadd.s32 s3, s1;
	s3 =	sadd.s32 $0x187200, s1  }
0x10: {  	vm0 =	vcmask $0x3F3C;
	s4 =	sadd.s32 $0x7800, s7;
	s5 =	sadd.s32 $0x800, s7;
	s7 =	smax.u32 s0, $0x1  }
.LBB2_1:
0x11: {  	[tilespmem:s2], [sflag:$0x9] =	stream.linear.gather [hbm4b:s4+s2], $0x1C00, $0x38;
	[tilespmem:$0x6A80] =	vst v63  }
0x12: {  	_ =	swait.ge [sflag:s8], $0x1C00  }
0x13: {  	[sflag:s8] =	ssyncset.done $0x0  }
0x14: {  	[sflag:s8] =	ssyncadd.s32 $0xFFFFE400  }
0x15: {  	[tilespmem:s9], [sflag:$0x9] =	stream.linear.gather [hbm4b:s5+s2], $0x1C00, $0x38;
	[tilespmem:$0x6A80] =	vst v63  }
0x16: {  	_ =	swait.ge [sflag:s8], $0x1C00  }
0x17: {  	[sflag:s8] =	ssyncset.done $0x0  }
0x18: {  	s0 =	simm.s32 $0x3880;
	[sflag:s8] =	ssyncadd.s32 $0xFFFFE400  }
0x19: {  	[tilespmem:s0], [sflag:$0x1] =	stream.indirect.gather [hbm4b:s3+s10], $0x20, s2, s10, $0xb8;
	[tilespmem:$0x6A80] =	vst v63  }
0x1a: {  	s13 =	simm.s32 $0x5180  }
0x1b: {  	[tilespmem:s13], [sflag:$0x5] =	stream.indirect.gather [hbm4b:s3+s10], $0x20, s9, s10, $0xb8;
	[tilespmem:$0x6A80] =	vst v63  }
0x1c: {  	s14 =	simm.s32 $0x38;
	s1 =	simm.s32 $0x3EC0  }
0x1d: {  	[tilespmem:s1], [sflag:$0x2] =	stream.indirect.gather [hbm4b:s3+s10], $0x20, s14, s10, $0xb8;
	[tilespmem:$0x6A80] =	vst v63  }
0x1e: {  	_ = 	snop  }
0x1f: {  	[tilespmem:s16], [sflag:$0x6] =	stream.indirect.gather [hbm4b:s3+s10], $0x20, s15, s10, $0xb8;
	[tilespmem:$0x6A80] =	vst v63  }
0x20: {  	_ = 	snop  }
0x21: {  	[tilespmem:s18], [sflag:$0x3] =	stream.indirect.gather [hbm4b:s3+s10], $0x20, s17, s10, $0xb8;
	[tilespmem:$0x6A80] =	vst v63  }
0x22: {  	s0 =	simm.s32 $0x0;
	s1 =	simm.s32 $0x0  }
0x23: {  	[tilespmem:s20], [sflag:$0x7] =	stream.indirect.gather [hbm4b:s3+s10], $0x20, s19, s10, $0xb8;
	[tilespmem:$0x6A80] =	vst v63  }
.LBB2_2:
0x24: {  	_ =	swait.ge [sflag:s21], $0x640  }
0x25: {  	[sflag:s21] =	ssyncset.done $0x0  }
0x26: {  	[sflag:s21] =	ssyncadd.s32 $0xFFFFF9C0  }
0x27: {  	_ =	swait.ge [sflag:s22], $0x640  }
0x28: {  	s12 =	sshra.s32 s0, $0x2;
	[sflag:s22] =	ssyncset.done $0x0  }
0x29: {  	s13 =	sadd.s32 $0xA8, s12;
	s11 =	rddreg [dreg:$0x3];
	[sflag:s22] =	ssyncadd.s32 $0xFFFFF9C0  }
0x2a: {  	[tilespmem:s11], [sflag:$0x4] =	stream.indirect.gather [hbm4b:s3+s10], $0x20, s13, s10, $0xb8;
	[tilespmem:$0x6A80] =	vst v63  }
0x2b: {  	s14 =	rddreg [dreg:$0x4];
	s13 =	sadd.s32 $0x1CA8, s12  }
0x2c: {  	[tilespmem:s14], [sflag:$0x8] =	stream.indirect.gather [hbm4b:s3+s10], $0x20, s13, s10, $0xb8;
	[tilespmem:$0x6A80] =	vst v63  }
0x2d: {  	v0 =	vld [tilespmem:$0x5360];
	_ =	sdelay $0x4  }
0x2e: {  	[tilespmem:$0x1F500] =	vst v0;
	v0 =	vld [tilespmem:$0x3A80];
	_ =	sdelay $0x4  }
0x2f: {  	[tilespmem:$0x1F510] =	vst v0;
	v0 =	vld [tilespmem:$0x3A90];
	_ =	sdelay $0x4  }
0x30: {  	[tilespmem:$0x1F520] =	vst v0;
	v0 =	vld [tilespmem:$0x5380];
	_ =	sdelay $0x4  }
0x31: {  	[tilespmem:$0x1F530] =	vst v0;
	v0 =	vld [tilespmem:$0x5390];
	_ =	sdelay $0x4  }
0x32: {  	[tilespmem:$0x1F540] =	vst v0;
	v0 =	vld [tilespmem:$0x3AA0];
	_ =	sdelay $0x4  }
0x33: {  	[tilespmem:$0x1F550] =	vst v0;
	v0 =	vld [tilespmem:$0x3AB0];
	_ =	sdelay $0x4  }
0x34: {  	[tilespmem:$0x1F560] =	vst v0;
	v0 =	vld [tilespmem:$0x53A0];
	_ =	sdelay $0x4  }
0x35: {  	[tilespmem:$0x1F570] =	vst v0;
	v0 =	vld [tilespmem:$0x53B0];
	_ =	sdelay $0x4  }
0x36: {  	[tilespmem:$0x1F580] =	vst v0;
	v0 =	vld [tilespmem:$0x3AC0];
	_ =	sdelay $0x4  }
0x37: {  	[tilespmem:$0x1F590] =	vst v0;
	v0 =	vld [tilespmem:$0x3AD0];
	_ =	sdelay $0x4  }
0x38: {  	[tilespmem:$0x1F5A0] =	vst v0;
	v0 =	vld [tilespmem:$0x53C0];
	_ =	sdelay $0x4  }
0x39: {  	[tilespmem:$0x1F5B0] =	vst v0;
	v0 =	vld [tilespmem:$0x53D0];
	_ =	sdelay $0x4  }
0x3a: {  	[tilespmem:$0x1F5C0] =	vst v0;
	v0 =	vld [tilespmem:$0x3AE0];
	_ =	sdelay $0x4  }
0x3b: {  	[tilespmem:$0x1F5D0] =	vst v0;
	v0 =	vld [tilespmem:$0x3AF0];
	_ =	sdelay $0x4  }
0x3c: {  	[tilespmem:$0x1F5E0] =	vst v0;
	v0 =	vld [tilespmem:$0x53E0];
	_ =	sdelay $0x4  }
0x3d: {  	[tilespmem:$0x1F5F0] =	vst v0;
	v0 =	vld [tilespmem:$0x53F0];
	_ =	sdelay $0x4  }
0x3e: {  	[tilespmem:$0x1F600] =	vst v0;
	v0 =	vld [tilespmem:$0x3B00];
	_ =	sdelay $0x4  }
0x3f: {  	[tilespmem:$0x1F610] =	vst v0;
	v0 =	vld [tilespmem:$0x3B10];
	_ =	sdelay $0x4  }
0x40: {  	[tilespmem:$0x1F620] =	vst v0;
	v0 =	vld [tilespmem:$0x5400];
	_ =	sdelay $0x4  }
0x41: {  	[tilespmem:$0x1F630] =	vst v0;
	v0 =	vld [tilespmem:$0x5410];
	_ =	sdelay $0x4  }
0x42: {  	[tilespmem:$0x1F640] =	vst v0;
	v0 =	vld [tilespmem:$0x3B20];
	_ =	sdelay $0x4  }
0x43: {  	[tilespmem:$0x1F650] =	vst v0;
	v0 =	vld [tilespmem:$0x3B30];
	_ =	sdelay $0x4  }
0x44: {  	[tilespmem:$0x1F660] =	vst v0;
	v0 =	vld [tilespmem:$0x5420];
	_ =	sdelay $0x4  }
0x45: {  	[tilespmem:$0x1F670] =	vst v0;
	v0 =	vld [tilespmem:$0x5430];
	_ =	sdelay $0x4  }
0x46: {  	[tilespmem:$0x1F680] =	vst v0;
	v0 =	vld [tilespmem:$0x3B40];
	_ =	sdelay $0x4  }
0x47: {  	[tilespmem:$0x1F690] =	vst v0;
	v0 =	vld [tilespmem:$0x3B50];
	_ =	sdelay $0x3  }
0x48: {  	v2 =	vld [tilespmem:$0x3880]  }
0x49: {  	[tilespmem:$0x1F6A0] =	vst v0;
	v0 =	vld [tilespmem:$0x5440]  }
0x4a: {  	v5 =	vld [tilespmem:$0x3890]  }
0x4b: {  	v10 =	vld [tilespmem:$0x5180]  }
0x4c: {  	v13 =	vld [tilespmem:$0x5190]  }
0x4d: {  	v16 =	vld [tilespmem:$0x38A0]  }
0x4e: {  	[tilespmem:$0x1F6B0] =	vst v0;
	v0 =	vld [tilespmem:$0x5450]  }
0x4f: {  	v21 =	vld [tilespmem:$0x38B0]  }
0x50: {  	v24 =	vld [tilespmem:$0x51A0]  }
0x51: {  	v29 =	vld [tilespmem:$0x51B0]  }
0x52: {  	v32 =	vld [tilespmem:$0x38C0]  }
0x53: {  	[tilespmem:$0x1F6C0] =	vst v0;
	v0 =	vld [tilespmem:$0x3B60]  }
0x54: {  	v37 =	vld [tilespmem:$0x38D0]  }
0x55: {  	v40 =	vld [tilespmem:$0x51C0]  }
0x56: {  	v45 =	vld [tilespmem:$0x51D0]  }
0x57: {  	v48 =	vld [tilespmem:$0x38E0]  }
0x58: {  	[tilespmem:$0x1F6D0] =	vst v0;
	v0 =	vld [tilespmem:$0x3B70]  }
0x59: {  	v53 =	vld [tilespmem:$0x38F0]  }
0x5a: {  	v56 =	vld [tilespmem:$0x51E0]  }
0x5b: {  	v61 =	vld [tilespmem:$0x51F0]  }
0x5c: {  	v3 =	vld [tilespmem:$0x3900]  }
0x5d: {  	[tilespmem:$0x1F6E0] =	vst v0;
	v0 =	vld [tilespmem:$0x5460]  }
0x5e: {  	v1 =	vld [tilespmem:$0x3910]  }
0x5f: {  	v6 =	vld [tilespmem:$0x5200]  }
0x60: {  	v4 =	vld [tilespmem:$0x5210]  }
0x61: {  	v8 =	vld [tilespmem:$0x3920]  }
0x62: {  	[tilespmem:$0x1F6F0] =	vst v0;
	v0 =	vld [tilespmem:$0x5470]  }
0x63: {  	v7 =	vld [tilespmem:$0x3930]  }
0x64: {  	v11 =	vld [tilespmem:$0x5220]  }
0x65: {  	v9 =	vld [tilespmem:$0x5230]  }
0x66: {  	v14 =	vld [tilespmem:$0x3940]  }
0x67: {  	[tilespmem:$0x1F700] =	vst v0;
	v0 =	vld [tilespmem:$0x3B80]  }
0x68: {  	v12 =	vld [tilespmem:$0x3950]  }
0x69: {  	v17 =	vld [tilespmem:$0x5240]  }
0x6a: {  	v15 =	vld [tilespmem:$0x5250]  }
0x6b: {  	v19 =	vld [tilespmem:$0x3960]  }
0x6c: {  	[tilespmem:$0x1F710] =	vst v0;
	v0 =	vld [tilespmem:$0x3B90]  }
0x6d: {  	v18 =	vld [tilespmem:$0x3970]  }
0x6e: {  	v22 =	vld [tilespmem:$0x5260]  }
0x6f: {  	v20 =	vld [tilespmem:$0x5270]  }
0x70: {  	v25 =	vld [tilespmem:$0x3980]  }
0x71: {  	[tilespmem:$0x1F720] =	vst v0;
	v0 =	vld [tilespmem:$0x5480]  }
0x72: {  	v23 =	vld [tilespmem:$0x3990]  }
0x73: {  	v27 =	vld [tilespmem:$0x5280]  }
0x74: {  	v26 =	vld [tilespmem:$0x5290]  }
0x75: {  	v30 =	vld [tilespmem:$0x39A0]  }
0x76: {  	[tilespmem:$0x1F730] =	vst v0;
	v0 =	vld [tilespmem:$0x5490]  }
0x77: {  	v28 =	vld [tilespmem:$0x39B0]  }
0x78: {  	v33 =	vld [tilespmem:$0x52A0]  }
0x79: {  	v31 =	vld [tilespmem:$0x52B0]  }
0x7a: {  	v35 =	vld [tilespmem:$0x39C0]  }
0x7b: {  	[tilespmem:$0x1F740] =	vst v0;
	v0 =	vld [tilespmem:$0x3BA0]  }
0x7c: {  	v34 =	vld [tilespmem:$0x39D0]  }
0x7d: {  	v38 =	vld [tilespmem:$0x52C0]  }
0x7e: {  	v36 =	vld [tilespmem:$0x52D0]  }
0x7f: {  	v41 =	vld [tilespmem:$0x39E0]  }
0x80: {  	[tilespmem:$0x1F750] =	vst v0;
	v0 =	vld [tilespmem:$0x3BB0]  }
0x81: {  	v39 =	vld [tilespmem:$0x39F0]  }
0x82: {  	v43 =	vld [tilespmem:$0x52E0]  }
0x83: {  	v42 =	vld [tilespmem:$0x52F0]  }
0x84: {  	v46 =	vld [tilespmem:$0x3A00]  }
0x85: {  	[tilespmem:$0x1F760] =	vst v0;
	v0 =	vld [tilespmem:$0x54A0]  }
0x86: {  	v44 =	vld [tilespmem:$0x3A10]  }
0x87: {  	v49 =	vld [tilespmem:$0x5300]  }
0x88: {  	v47 =	vld [tilespmem:$0x5310]  }
0x89: {  	v51 =	vld [tilespmem:$0x3A20]  }
0x8a: {  	[tilespmem:$0x1F770] =	vst v0;
	v0 =	vld [tilespmem:$0x54B0]  }
0x8b: {  	v50 =	vld [tilespmem:$0x3A30]  }
0x8c: {  	v54 =	vld [tilespmem:$0x5320]  }
0x8d: {  	v52 =	vld [tilespmem:$0x5330]  }
0x8e: {  	v62 =	vld [tilespmem:$0x3A40]  }
0x8f: {  	[tilespmem:$0x1F780] =	vst v0;
	v0 =	vld [tilespmem:$0x3BC0]  }
0x90: {  	v63 =	vld [tilespmem:$0x3A50]  }
0x91: {  	v59 =	vld [tilespmem:$0x5340]  }
0x92: {  	v60 =	vld [tilespmem:$0x5350]  }
0x93: {  	v57 =	vld [tilespmem:$0x3A60]  }
0x94: {  	[tilespmem:$0x1F790] =	vst v0;
	v0 =	vld [tilespmem:$0x3BD0]  }
0x95: {  	v58 =	vld [tilespmem:$0x3A70];
	v2 =	vadd.f32 $0.0e+00, v2;
	v10 =	vadd.f32 $0.0e+00, v10  }
0x96: {  	v55 =	vld [tilespmem:$0x5370];
	v5 =	vadd.f32 $0.0e+00, v5  }
0x97: {  	v2 =	vadd.f32 v16, v2;
	v10 =	vadd.f32 v24, v10;
	v16 =	vld [tilespmem:$0x3BE0]  }
0x98: {  	v5 =	vadd.f32 v21, v5;
	v21 =	vld [tilespmem:$0x3BF0]  }
0x99: {  	v24 =	vld [tilespmem:$0x54E0];
	v10 =	vadd.f32 v40, v10;
	[tilespmem:$0x1F7A0] =	vst v0;
	v0 =	vadd.f32 $0.0e+00, v13  }
0x9a: {  	v2 =	vadd.f32 v32, v2;
	v5 =	vadd.f32 v37, v5;
	v32 =	vld [tilespmem:$0x3C00]  }
0x9b: {  	v37 =	vld [tilespmem:$0x3C10];
	v10 =	vadd.f32 v56, v10;
	v0 =	vadd.f32 v29, v0  }
0x9c: {  	v40 =	vld [tilespmem:$0x5500];
	v2 =	vadd.f32 v48, v2  }
0x9d: {  	v48 =	vld [tilespmem:$0x3C20];
	v10 =	vadd.f32 v6, v10;
	v0 =	vadd.f32 v45, v0  }
0x9e: {  	v5 =	vadd.f32 v53, v5;
	v53 =	vld [tilespmem:$0x3C30];
	v2 =	vadd.f32 v3, v2  }
0x9f: {  	v56 =	vld [tilespmem:$0x5520];
	v3 =	vadd.f32 v11, v10;
	v0 =	vadd.f32 v61, v0  }
0xa0: {  	v1 =	vadd.f32 v1, v5;
	v5 =	vld [tilespmem:$0x3C50]  }
0xa1: {  	v6 =	vld [tilespmem:$0x5550];
	v3 =	vadd.f32 v17, v3;
	v0 =	vadd.f32 v4, v0  }
0xa2: {  	v1 =	vadd.f32 v7, v1;
	v10 =	vld [tilespmem:$0x3C40]  }
0xa3: {  	v7 =	vld [tilespmem:$0x3C60];
	v3 =	vadd.f32 v22, v3;
	v0 =	vadd.f32 v9, v0  }
0xa4: {  	v2 =	vadd.f32 v8, v2;
	v8 =	vld [tilespmem:$0x3C70]  }
0xa5: {  	v11 =	vld [tilespmem:$0x5570];
	v3 =	vadd.f32 v27, v3;
	v0 =	vadd.f32 v15, v0  }
0xa6: {  	v2 =	vadd.f32 v14, v2;
	v1 =	vadd.f32 v12, v1;
	v12 =	vld [tilespmem:$0x3C80]  }
0xa7: {  	v14 =	vld [tilespmem:$0x3C90];
	v3 =	vadd.f32 v33, v3;
	v0 =	vadd.f32 v20, v0  }
0xa8: {  	v17 =	vld [tilespmem:$0x5590];
	v2 =	vadd.f32 v19, v2;
	v1 =	vadd.f32 v18, v1  }
0xa9: {  	v18 =	vld [tilespmem:$0x3CA0];
	v3 =	vadd.f32 v38, v3;
	v0 =	vadd.f32 v26, v0  }
0xaa: {  	v19 =	vld [tilespmem:$0x3CB0];
	v25 =	vadd.f32 v25, v2  }
0xab: {  	v22 =	vld [tilespmem:$0x55B0];
	v3 =	vadd.f32 v43, v3;
	v0 =	vadd.f32 v31, v0  }
0xac: {  	v1 =	vadd.f32 v23, v1;
	v2 =	vld [tilespmem:$0x5540];
	v4 =	vadd.f32 v30, v25  }
0xad: {  	v3 =	vadd.f32 v49, v3;
	v13 =	vld [tilespmem:$0x54C0];
	v0 =	vadd.f32 v36, v0  }
0xae: {  	v23 =	vld [tilespmem:$0x3CC0];
	v1 =	vadd.f32 v28, v1;
	v4 =	vadd.f32 v35, v4  }
0xaf: {  	v3 =	vadd.f32 v54, v3;
	v54 =	vld [tilespmem:$0x1F500];
	v0 =	vadd.f32 v42, v0  }
0xb0: {  	v1 =	vadd.f32 v34, v1;
	v29 =	vld [tilespmem:$0x54F0];
	v4 =	vadd.f32 v41, v4  }
0xb1: {  	v45 =	vld [tilespmem:$0x5510];
	v0 =	vadd.f32 v47, v0  }
0xb2: {  	v1 =	vadd.f32 v39, v1;
	[tilespmem:$0x1F7B0] =	vst v13;
	v13 =	vld [tilespmem:$0x54D0];
	v4 =	vadd.f32 v46, v4  }
0xb3: {  	v61 =	vld [tilespmem:$0x5530];
	v0 =	vadd.f32 v52, v0  }
0xb4: {  	v1 =	vadd.f32 v44, v1;
	v9 =	vld [tilespmem:$0x5560];
	v4 =	vadd.f32 v51, v4  }
0xb5: {  	v15 =	vld [tilespmem:$0x5580];
	v0 =	vadd.f32 v60, v0  }
0xb6: {  	v1 =	vadd.f32 v50, v1;
	v20 =	vld [tilespmem:$0x55A0];
	v4 =	vadd.f32 v62, v4  }
0xb7: {  	v0 =	vadd.f32 v55, v0;
	v55 =	vld [tilespmem:$0x1F510]  }
0xb8: {  	v1 =	vadd.f32 v63, v1;
	v4 =	vadd.f32 v57, v4;
	v57 =	vld [tilespmem:$0x1F520]  }
0xb9: {  	v25 =	vld [tilespmem:$0x3CD0]  }
0xba: {  	v1 =	vadd.f32 v58, v1;
	v58 =	vld [tilespmem:$0x1F530]  }
0xbb: {  	v3 =	vadd.f32 v59, v3;
	v59 =	vld [tilespmem:$0x1F540]  }
0xbc: {  	v26 =	vld [tilespmem:$0x55C0]  }
0xbd: {  	v60 =	vld [tilespmem:$0x1F550]  }
0xbe: {  	v62 =	vld [tilespmem:$0x1F560]  }
0xbf: {  	v27 =	vld [tilespmem:$0x55D0]  }
0xc0: {  	v63 =	vld [tilespmem:$0x1F570]  }
0xc1: {  	v33 =	vld [tilespmem:$0x1F580]  }
0xc2: {  	v28 =	vld [tilespmem:$0x3CE0]  }
0xc3: {  	v34 =	vld [tilespmem:$0x1F590]  }
0xc4: {  	v35 =	vld [tilespmem:$0x1F5A0]  }
0xc5: {  	v30 =	vld [tilespmem:$0x3CF0]  }
0xc6: {  	v36 =	vld [tilespmem:$0x1F5B0]  }
0xc7: {  	v38 =	vld [tilespmem:$0x1F5C0]  }
0xc8: {  	v31 =	vld [tilespmem:$0x55E0]  }
0xc9: {  	v39 =	vld [tilespmem:$0x1F5D0]  }
0xca: {  	v41 =	vld [tilespmem:$0x1F5E0]  }
0xcb: {  	v42 =	vld [tilespmem:$0x1F5F0]  }
0xcc: {  	v43 =	vld [tilespmem:$0x1F600]  }
0xcd: {  	v44 =	vld [tilespmem:$0x1F610]  }
0xce: {  	v46 =	vld [tilespmem:$0x1F620]  }
0xcf: {  	v47 =	vld [tilespmem:$0x1F630]  }
0xd0: {  	v49 =	vld [tilespmem:$0x1F640]  }
0xd1: {  	v50 =	vld [tilespmem:$0x1F650]  }
0xd2: {  	v51 =	vld [tilespmem:$0x1F660]  }
0xd3: {  	v52 =	vld [tilespmem:$0x1F670]  }
0xd4: {  	v3 =	vadd.f32 v54, v3;
	v54 =	vld [tilespmem:$0x1F680]  }
0xd5: {  	v4 =	vadd.f32 v55, v4;
	v55 =	vld [tilespmem:$0x1F690]  }
0xd6: {  	v1 =	vadd.f32 v57, v1;
	v57 =	vld [tilespmem:$0x1F6A0]  }
0xd7: {  	v3 =	vadd.f32 v58, v3;
	v0 =	vadd.f32 v59, v0;
	v58 =	vld [tilespmem:$0x1F6B0]  }
0xd8: {  	v59 =	vld [tilespmem:$0x1F6C0]  }
0xd9: {  	v0 =	vadd.f32 v33, v0;
	v33 =	vld [tilespmem:$0x55F0]  }
0xda: {  	v4 =	vadd.f32 v60, v4;
	v60 =	vld [tilespmem:$0x1F6D0]  }
0xdb: {  	v1 =	vadd.f32 v62, v1;
	v62 =	vld [tilespmem:$0x1F6E0]  }
0xdc: {  	v3 =	vadd.f32 v63, v3;
	v63 =	vld [tilespmem:$0x1F6F0]  }
0xdd: {  	v4 =	vadd.f32 v34, v4;
	v34 =	vld [tilespmem:$0x3D00]  }
0xde: {  	v1 =	vadd.f32 v35, v1;
	v35 =	vld [tilespmem:$0x3D10]  }
0xdf: {  	v3 =	vadd.f32 v36, v3;
	v36 =	vld [tilespmem:$0x5600]  }
0xe0: {  	v0 =	vadd.f32 v38, v0;
	v38 =	vld [tilespmem:$0x5610]  }
0xe1: {  	v4 =	vadd.f32 v39, v4;
	v39 =	vld [tilespmem:$0x3D20]  }
0xe2: {  	v1 =	vadd.f32 v41, v1;
	v41 =	vld [tilespmem:$0x3D30]  }
0xe3: {  	v3 =	vadd.f32 v42, v3;
	v0 =	vadd.f32 v43, v0;
	v42 =	vld [tilespmem:$0x5620]  }
0xe4: {  	v43 =	vld [tilespmem:$0x5630]  }
0xe5: {  	v0 =	vadd.f32 v49, v0;
	v49 =	vld [tilespmem:$0x1F700]  }
0xe6: {  	v4 =	vadd.f32 v44, v4;
	v44 =	vld [tilespmem:$0x3D40]  }
0xe7: {  	v1 =	vadd.f32 v46, v1;
	v46 =	vld [tilespmem:$0x3D50]  }
0xe8: {  	v3 =	vadd.f32 v47, v3;
	v4 =	vadd.f32 v50, v4;
	v50 =	vld [tilespmem:$0x1F710]  }
0xe9: {  	v1 =	vadd.f32 v51, v1;
	v51 =	vld [tilespmem:$0x1F720]  }
0xea: {  	v3 =	vadd.f32 v52, v3;
	v52 =	vld [tilespmem:$0x1F730]  }
0xeb: {  	v0 =	vadd.f32 v54, v0;
	v54 =	vld [tilespmem:$0x1F740]  }
0xec: {  	v4 =	vadd.f32 v55, v4;
	v55 =	vld [tilespmem:$0x1F750]  }
0xed: {  	v1 =	vadd.f32 v57, v1;
	v57 =	vld [tilespmem:$0x1F760]  }
0xee: {  	v3 =	vadd.f32 v58, v3;
	v58 =	vld [tilespmem:$0x1F770]  }
0xef: {  	v0 =	vadd.f32 v59, v0;
	v59 =	vld [tilespmem:$0x1F780]  }
0xf0: {  	v4 =	vadd.f32 v60, v4;
	v1 =	vadd.f32 v62, v1;
	v60 =	vld [tilespmem:$0x1F790]  }
0xf1: {  	v3 =	vadd.f32 v63, v3;
	v0 =	vadd.f32 v49, v0;
	v62 =	vld [tilespmem:$0x1F7A0]  }
0xf2: {  	v63 =	vld [tilespmem:$0x1F7B0];
	v4 =	vadd.f32 v50, v4;
	v1 =	vadd.f32 v51, v1  }
0xf3: {  	v47 =	vld [tilespmem:$0x5640];
	v3 =	vadd.f32 v52, v3;
	v0 =	vadd.f32 v54, v0  }
0xf4: {  	v49 =	vld [tilespmem:$0x5650];
	v4 =	vadd.f32 v55, v4;
	v1 =	vadd.f32 v57, v1  }
0xf5: {  	v50 =	vld [tilespmem:$0x3D60];
	v3 =	vadd.f32 v58, v3;
	v0 =	vadd.f32 v59, v0  }
0xf6: {  	v51 =	vld [tilespmem:$0x3D70];
	v4 =	vadd.f32 v60, v4;
	v1 =	vadd.f32 v62, v1  }
0xf7: {  	v52 =	vld [tilespmem:$0x56A0];
	v3 =	vadd.f32 v63, v3;
	v0 =	vadd.f32 v13, v0  }
0xf8: {  	v54 =	vld [tilespmem:$0x3DC0];
	v4 =	vadd.f32 v16, v4;
	v1 =	vadd.f32 v21, v1  }
0xf9: {  	v55 =	vld [tilespmem:$0x3DD0];
	v3 =	vadd.f32 v24, v3;
	v0 =	vadd.f32 v29, v0  }
0xfa: {  	v57 =	vld [tilespmem:$0x56D0];
	v4 =	vadd.f32 v32, v4;
	v1 =	vadd.f32 v37, v1  }
0xfb: {  	v58 =	vld [tilespmem:$0x3DE0];
	v3 =	vadd.f32 v40, v3;
	v0 =	vadd.f32 v45, v0  }
0xfc: {  	v59 =	vld [tilespmem:$0x3DF0];
	v4 =	vadd.f32 v48, v4;
	v1 =	vadd.f32 v53, v1  }
0xfd: {  	v13 =	vld [tilespmem:$0x5660];
	v3 =	vadd.f32 v56, v3;
	v0 =	vadd.f32 v61, v0  }
0xfe: {  	v60 =	vld [tilespmem:$0x56E0];
	v4 =	vadd.f32 v10, v4;
	v1 =	vadd.f32 v5, v1  }
0xff: {  	v62 =	vld [tilespmem:$0x3E00];
	v2 =	vadd.f32 v2, v3;
	v0 =	vadd.f32 v6, v0  }
0x100: {  	v63 =	vld [tilespmem:$0x3E10];
	v4 =	vadd.f32 v7, v4;
	v1 =	vadd.f32 v8, v1  }
0x101: {  	v16 =	vld [tilespmem:$0x5670];
	v2 =	vadd.f32 v9, v2;
	v0 =	vadd.f32 v11, v0  }
0x102: {  	v21 =	vld [tilespmem:$0x3D80];
	v4 =	vadd.f32 v12, v4;
	v1 =	vadd.f32 v14, v1  }
0x103: {  	v24 =	vld [tilespmem:$0x3D90];
	v2 =	vadd.f32 v15, v2;
	v0 =	vadd.f32 v17, v0  }
0x104: {  	v29 =	vld [tilespmem:$0x5680];
	v4 =	vadd.f32 v18, v4;
	v1 =	vadd.f32 v19, v1  }
0x105: {  	v40 =	vld [tilespmem:$0x5690];
	v2 =	vadd.f32 v20, v2;
	v0 =	vadd.f32 v22, v0  }
0x106: {  	v45 =	vld [tilespmem:$0x3DA0];
	v4 =	vadd.f32 v23, v4;
	v1 =	vadd.f32 v25, v1  }
0x107: {  	v48 =	vld [tilespmem:$0x3DB0];
	v2 =	vadd.f32 v26, v2;
	v0 =	vadd.f32 v27, v0  }
0x108: {  	v53 =	vld [tilespmem:$0x56B0];
	v4 =	vadd.f32 v28, v4;
	v1 =	vadd.f32 v30, v1  }
0x109: {  	v56 =	vld [tilespmem:$0x56C0];
	v2 =	vadd.f32 v31, v2;
	v0 =	vadd.f32 v33, v0  }
0x10a: {  	v61 =	vld [tilespmem:$0x56F0];
	v4 =	vadd.f32 v34, v4;
	v1 =	vadd.f32 v35, v1  }
0x10b: {  	v28 =	vld [tilespmem:$0x5700];
	v2 =	vadd.f32 v36, v2;
	v0 =	vadd.f32 v38, v0  }
0x10c: {  	v30 =	vld [tilespmem:$0x5710];
	v4 =	vadd.f32 v39, v4;
	v1 =	vadd.f32 v41, v1  }
0x10d: {  	v31 =	vld [tilespmem:$0x3E20];
	v2 =	vadd.f32 v42, v2;
	v0 =	vadd.f32 v43, v0  }
0x10e: {  	v33 =	vld [tilespmem:$0x3E30];
	v4 =	vadd.f32 v44, v4;
	v1 =	vadd.f32 v46, v1  }
0x10f: {  	v34 =	vld [tilespmem:$0x5720];
	v2 =	vadd.f32 v47, v2;
	v0 =	vadd.f32 v49, v0  }
0x110: {  	v35 =	vld [tilespmem:$0x5730];
	v4 =	vadd.f32 v50, v4;
	v1 =	vadd.f32 v51, v1  }
0x111: {  	v36 =	vld [tilespmem:$0x3E40];
	v2 =	vadd.f32 v13, v2;
	v0 =	vadd.f32 v16, v0  }
0x112: {  	v38 =	vld [tilespmem:$0x3E50];
	v4 =	vadd.f32 v21, v4;
	v1 =	vadd.f32 v24, v1  }
0x113: {  	v39 =	vld [tilespmem:$0x5740];
	v2 =	vadd.f32 v29, v2;
	v0 =	vadd.f32 v40, v0  }
0x114: {  	v41 =	vld [tilespmem:$0x3E60];
	v4 =	vadd.f32 v45, v4;
	v1 =	vadd.f32 v48, v1  }
0x115: {  	v42 =	vld [tilespmem:$0x3E70];
	v2 =	vadd.f32 v52, v2;
	v0 =	vadd.f32 v53, v0  }
0x116: {  	v43 =	vld [tilespmem:$0x5760];
	v4 =	vadd.f32 v54, v4;
	v1 =	vadd.f32 v55, v1  }
0x117: {  	v44 =	vld [tilespmem:$0x5770];
	v2 =	vadd.f32 v56, v2;
	v0 =	vadd.f32 v57, v0  }
0x118: {  	v46 =	vld [tilespmem:$0x3E90];
	v4 =	vadd.f32 v58, v4;
	v1 =	vadd.f32 v59, v1  }
0x119: {  	v47 =	vld [tilespmem:$0x5780];
	v2 =	vadd.f32 v60, v2;
	v0 =	vadd.f32 v61, v0  }
0x11a: {  	v40 =	vld [tilespmem:$0x5750];
	v4 =	vadd.f32 v62, v4;
	v1 =	vadd.f32 v63, v1  }
0x11b: {  	v49 =	vld [tilespmem:$0x3EA0];
	v2 =	vadd.f32 v28, v2;
	v0 =	vadd.f32 v30, v0  }
0x11c: {  	v50 =	vld [tilespmem:$0x3EB0];
	v4 =	vadd.f32 v31, v4;
	v1 =	vadd.f32 v33, v1  }
0x11d: {  	v45 =	vld [tilespmem:$0x3E80];
	v2 =	vadd.f32 v34, v2;
	v0 =	vadd.f32 v35, v0  }
0x11e: {  	v48 =	vld [tilespmem:$0x5790];
	v4 =	vadd.f32 v36, v4;
	v1 =	vadd.f32 v38, v1  }
0x11f: {  	v51 =	vld [tilespmem:$0x57A0];
	v2 =	vadd.f32 v39, v2;
	v0 =	vadd.f32 v40, v0  }
0x120: {  	v52 =	vld [tilespmem:$0x57B0];
	v3 =	vadd.f32 v41, v4;
	v1 =	vadd.f32 v42, v1  }
0x121: {  	v2 =	vadd.f32 v43, v2;
	v0 =	vadd.f32 v44, v0  }
0x122: {  	v3 =	vadd.f32 v45, v3;
	v1 =	vadd.f32 v46, v1  }
0x123: {  	v2 =	vadd.f32 v47, v2;
	v0 =	vadd.f32 v48, v0  }
0x124: {  	v3 =	vadd.f32 v49, v3;
	v1 =	vadd.f32 v50, v1  }
0x125: {  	v2 =	vadd.f32 v51, v2;
	v0 =	vadd.f32 v52, v0;
	_ =	sdelay $0x1  }
0x126: {  	v2 =	vmul.f32 v2, v3;
	v0 =	vmul.f32 v0, v1;
	_ =	sdelay $0x1  }
0x127: {  	v0 =	vadd.f32 v0, v2;
	_ =	sdelay $0x1  }
0x128: {  	(xrf2) =	vadd.scan.msk.f32 $0xffff, v0;
	_ =	sdelay $0x4  }
0x129: {  	v53 =	vmov s1  }
0x12a: {  	v0 =	vand.u32 $0xFFFFFFFC, v53  }
0x12b: {  	v0 =	vbroadcast v0, $0x0;
	_ =	sdelay $0x2  }
0x12c: {  	v54, _, _ =	vpop (xrf2)  }
0x12d: {  	v1 =	vmul.f32 $3.999999900e-04, v54;
	_ =	sdelay $0x1  }
0x12e: {  	[tilespmem:v0+s23+$0x0] =	vst.idx.msk vm0, v1  }
0x12f: {  	_ =	swait.ge [sflag:s24], $0x640  }
0x130: {  	[sflag:s24] =	ssyncset.done $0x0  }
0x131: {  	[sflag:s24] =	ssyncadd.s32 $0xFFFFF9C0  }
0x132: {  	p0 =	seq.s32 s0, $0x6C80;
	_ =	swait.ge [sflag:s25], $0x640  }
0x133: {  	s11 =	sshra.s32 @!p0 s0, $0x2;
	s12 =	simm.s32 @!p0 $0x32;
	[sflag:s25] =	ssyncset.done $0x0  }
0x134: {  	s13 =	sadd.s32 @!p0 $0xE0, s11;
	s14 =	simm.s32 @!p0 $0x3880;
	[sflag:s25] =	ssyncadd.s32 $0xFFFFF9C0  }
0x135: {  	[tilespmem:s14], [sflag:$0x1] =	stream.indirect.gather @!p0 [hbm4b:s3+s12], $0x20, s13, s12, $0xb8;
	[tilespmem:$0x6A80] =	vst v63  }
0x136: {  	s13 =	sadd.s32 @!p0 $0x1CE0, s11;
	s14 =	simm.s32 @!p0 $0x5180  }
0x137: {  	[tilespmem:s14], [sflag:$0x5] =	stream.indirect.gather @!p0 [hbm4b:s3+s12], $0x20, s13, s12, $0xb8;
	[tilespmem:$0x6A80] =	vst v63  }
0x138: {  	v0 =	vld [tilespmem:$0x40C0];
	_ =	sdelay $0x4  }
0x139: {  	[tilespmem:$0x1F7D0] =	vst v0;
	v0 =	vld [tilespmem:$0x40D0];
	_ =	sdelay $0x4  }
0x13a: {  	[tilespmem:$0x1F7E0] =	vst v0;
	v0 =	vld [tilespmem:$0x59C0];
	_ =	sdelay $0x4  }
0x13b: {  	[tilespmem:$0x1F7F0] =	vst v0;
	v0 =	vld [tilespmem:$0x59D0];
	_ =	sdelay $0x4  }
0x13c: {  	[tilespmem:$0x1F800] =	vst v0;
	v0 =	vld [tilespmem:$0x40E0];
	_ =	sdelay $0x4  }
0x13d: {  	[tilespmem:$0x1F810] =	vst v0;
	v0 =	vld [tilespmem:$0x40F0];
	_ =	sdelay $0x4  }
0x13e: {  	[tilespmem:$0x1F820] =	vst v0;
	v0 =	vld [tilespmem:$0x59E0];
	_ =	sdelay $0x4  }
0x13f: {  	[tilespmem:$0x1F830] =	vst v0;
	v0 =	vld [tilespmem:$0x59F0];
	_ =	sdelay $0x4  }
0x140: {  	[tilespmem:$0x1F840] =	vst v0;
	v0 =	vld [tilespmem:$0x4100];
	_ =	sdelay $0x4  }
0x141: {  	[tilespmem:$0x1F850] =	vst v0;
	v0 =	vld [tilespmem:$0x4110];
	_ =	sdelay $0x4  }
0x142: {  	[tilespmem:$0x1F860] =	vst v0;
	v0 =	vld [tilespmem:$0x5A00];
	_ =	sdelay $0x4  }
0x143: {  	[tilespmem:$0x1F870] =	vst v0;
	v0 =	vld [tilespmem:$0x5A10];
	_ =	sdelay $0x4  }
0x144: {  	[tilespmem:$0x1F880] =	vst v0;
	v0 =	vld [tilespmem:$0x4120];
	_ =	sdelay $0x4  }
0x145: {  	[tilespmem:$0x1F890] =	vst v0;
	v0 =	vld [tilespmem:$0x4130];
	_ =	sdelay $0x4  }
0x146: {  	[tilespmem:$0x1F8A0] =	vst v0;
	v0 =	vld [tilespmem:$0x5A20];
	_ =	sdelay $0x4  }
0x147: {  	[tilespmem:$0x1F8B0] =	vst v0;
	v0 =	vld [tilespmem:$0x5A30];
	_ =	sdelay $0x4  }
0x148: {  	[tilespmem:$0x1F8C0] =	vst v0;
	v0 =	vld [tilespmem:$0x4140];
	_ =	sdelay $0x4  }
0x149: {  	[tilespmem:$0x1F8D0] =	vst v0;
	v0 =	vld [tilespmem:$0x4150]  }
0x14a: {  	v2 =	vld [tilespmem:$0x3EC0]  }
0x14b: {  	v5 =	vld [tilespmem:$0x3ED0]  }
0x14c: {  	v10 =	vld [tilespmem:$0x57C0]  }
0x14d: {  	v13 =	vld [tilespmem:$0x57D0]  }
0x14e: {  	[tilespmem:$0x1F8E0] =	vst v0;
	v0 =	vld [tilespmem:$0x5A40]  }
0x14f: {  	v16 =	vld [tilespmem:$0x3EE0]  }
0x150: {  	v21 =	vld [tilespmem:$0x3EF0]  }
0x151: {  	v24 =	vld [tilespmem:$0x57E0]  }
0x152: {  	v29 =	vld [tilespmem:$0x57F0]  }
0x153: {  	[tilespmem:$0x1F8F0] =	vst v0;
	v0 =	vld [tilespmem:$0x5A50]  }
0x154: {  	v32 =	vld [tilespmem:$0x3F00]  }
0x155: {  	v37 =	vld [tilespmem:$0x3F10]  }
0x156: {  	v40 =	vld [tilespmem:$0x5800]  }
0x157: {  	v45 =	vld [tilespmem:$0x5810]  }
0x158: {  	[tilespmem:$0x1F900] =	vst v0;
	v0 =	vld [tilespmem:$0x4160]  }
0x159: {  	v48 =	vld [tilespmem:$0x3F20]  }
0x15a: {  	v53 =	vld [tilespmem:$0x3F30]  }
0x15b: {  	v56 =	vld [tilespmem:$0x5820]  }
0x15c: {  	v61 =	vld [tilespmem:$0x5830]  }
0x15d: {  	[tilespmem:$0x1F910] =	vst v0;
	v0 =	vld [tilespmem:$0x4170]  }
0x15e: {  	v3 =	vld [tilespmem:$0x3F40]  }
0x15f: {  	v1 =	vld [tilespmem:$0x3F50]  }
0x160: {  	v6 =	vld [tilespmem:$0x5840]  }
0x161: {  	v4 =	vld [tilespmem:$0x5850]  }
0x162: {  	[tilespmem:$0x1F920] =	vst v0;
	v0 =	vld [tilespmem:$0x5A60]  }
0x163: {  	v8 =	vld [tilespmem:$0x3F60]  }
0x164: {  	v7 =	vld [tilespmem:$0x3F70]  }
0x165: {  	v11 =	vld [tilespmem:$0x5860]  }
0x166: {  	v9 =	vld [tilespmem:$0x5870]  }
0x167: {  	[tilespmem:$0x1F930] =	vst v0;
	v0 =	vld [tilespmem:$0x5A70]  }
0x168: {  	v14 =	vld [tilespmem:$0x3F80]  }
0x169: {  	v12 =	vld [tilespmem:$0x3F90]  }
0x16a: {  	v17 =	vld [tilespmem:$0x5880]  }
0x16b: {  	v15 =	vld [tilespmem:$0x5890]  }
0x16c: {  	[tilespmem:$0x1F940] =	vst v0;
	v0 =	vld [tilespmem:$0x4180]  }
0x16d: {  	v19 =	vld [tilespmem:$0x3FA0]  }
0x16e: {  	v18 =	vld [tilespmem:$0x3FB0]  }
0x16f: {  	v22 =	vld [tilespmem:$0x58A0]  }
0x170: {  	v20 =	vld [tilespmem:$0x58B0]  }
0x171: {  	[tilespmem:$0x1F950] =	vst v0;
	v0 =	vld [tilespmem:$0x4190]  }
0x172: {  	v25 =	vld [tilespmem:$0x3FC0]  }
0x173: {  	v23 =	vld [tilespmem:$0x3FD0]  }
0x174: {  	v27 =	vld [tilespmem:$0x58C0]  }
0x175: {  	v26 =	vld [tilespmem:$0x58D0]  }
0x176: {  	[tilespmem:$0x1F960] =	vst v0;
	v0 =	vld [tilespmem:$0x5A80]  }
0x177: {  	v30 =	vld [tilespmem:$0x3FE0]  }
0x178: {  	v28 =	vld [tilespmem:$0x3FF0]  }
0x179: {  	v33 =	vld [tilespmem:$0x58E0]  }
0x17a: {  	v31 =	vld [tilespmem:$0x58F0]  }
0x17b: {  	[tilespmem:$0x1F970] =	vst v0;
	v0 =	vld [tilespmem:$0x5A90]  }
0x17c: {  	v35 =	vld [tilespmem:$0x4000]  }
0x17d: {  	v34 =	vld [tilespmem:$0x4010]  }
0x17e: {  	v38 =	vld [tilespmem:$0x5900]  }
0x17f: {  	v36 =	vld [tilespmem:$0x5910]  }
0x180: {  	[tilespmem:$0x1F980] =	vst v0;
	v0 =	vld [tilespmem:$0x41A0]  }
0x181: {  	v41 =	vld [tilespmem:$0x4020]  }
0x182: {  	v39 =	vld [tilespmem:$0x4030]  }
0x183: {  	v43 =	vld [tilespmem:$0x5920]  }
0x184: {  	v42 =	vld [tilespmem:$0x5930]  }
0x185: {  	[tilespmem:$0x1F990] =	vst v0;
	v0 =	vld [tilespmem:$0x41B0]  }
0x186: {  	v46 =	vld [tilespmem:$0x4040]  }
0x187: {  	v44 =	vld [tilespmem:$0x4050]  }
0x188: {  	v49 =	vld [tilespmem:$0x5940]  }
0x189: {  	v47 =	vld [tilespmem:$0x5950]  }
0x18a: {  	[tilespmem:$0x1F9A0] =	vst v0;
	v0 =	vld [tilespmem:$0x5AA0]  }
0x18b: {  	v51 =	vld [tilespmem:$0x4060]  }
0x18c: {  	v50 =	vld [tilespmem:$0x4070]  }
0x18d: {  	v54 =	vld [tilespmem:$0x5960]  }
0x18e: {  	v52 =	vld [tilespmem:$0x5970]  }
0x18f: {  	[tilespmem:$0x1F9B0] =	vst v0;
	v0 =	vld [tilespmem:$0x5AB0]  }
0x190: {  	v62 =	vld [tilespmem:$0x4080]  }
0x191: {  	v63 =	vld [tilespmem:$0x4090]  }
0x192: {  	v59 =	vld [tilespmem:$0x5980]  }
0x193: {  	v55 =	vld [tilespmem:$0x59A0]  }
0x194: {  	[tilespmem:$0x1F9C0] =	vst v0;
	v0 =	vld [tilespmem:$0x41C0]  }
0x195: {  	v60 =	vld [tilespmem:$0x5990]  }
0x196: {  	v57 =	vld [tilespmem:$0x40A0]  }
0x197: {  	v58 =	vld [tilespmem:$0x40B0]  }
0x198: {  	[tilespmem:$0x1F7C0] =	vst v55;
	v55 =	vld [tilespmem:$0x59B0];
	v2 =	vadd.f32 $0.0e+00, v2  }
0x199: {  	v5 =	vadd.f32 $0.0e+00, v5;
	[tilespmem:$0x1F9D0] =	vst v0;
	v0 =	vld [tilespmem:$0x41D0]  }
0x19a: {  	v10 =	vadd.f32 $0.0e+00, v10;
	v2 =	vadd.f32 v16, v2;
	v16 =	vld [tilespmem:$0x4220]  }
0x19b: {  	v5 =	vadd.f32 v21, v5;
	v21 =	vld [tilespmem:$0x4230]  }
0x19c: {  	v10 =	vadd.f32 v24, v10;
	v24 =	vld [tilespmem:$0x5B20]  }
0x19d: {  	v2 =	vadd.f32 v32, v2;
	v32 =	vld [tilespmem:$0x4240]  }
0x19e: {  	[tilespmem:$0x1F9E0] =	vst v0;
	v0 =	vld [tilespmem:$0x5AC0]  }
0x19f: {  	v5 =	vadd.f32 v37, v5;
	v37 =	vld [tilespmem:$0x4250]  }
0x1a0: {  	v10 =	vadd.f32 v40, v10;
	v40 =	vld [tilespmem:$0x5B40]  }
0x1a1: {  	v2 =	vadd.f32 v48, v2;
	v48 =	vld [tilespmem:$0x4260]  }
0x1a2: {  	v5 =	vadd.f32 v53, v5;
	v53 =	vld [tilespmem:$0x4270]  }
0x1a3: {  	v10 =	vadd.f32 v56, v10;
	[tilespmem:$0x1F9F0] =	vst v0;
	v0 =	vld [tilespmem:$0x5AD0]  }
0x1a4: {  	v56 =	vld [tilespmem:$0x5B60]  }
0x1a5: {  	v1 =	vadd.f32 v1, v5;
	v10 =	vadd.f32 v6, v10;
	v5 =	vld [tilespmem:$0x4290]  }
0x1a6: {  	v2 =	vadd.f32 v3, v2;
	v6 =	vld [tilespmem:$0x5B90]  }
0x1a7: {  	v1 =	vadd.f32 v7, v1;
	v3 =	vadd.f32 v11, v10;
	v10 =	vld [tilespmem:$0x4280]  }
0x1a8: {  	[tilespmem:$0x1FA00] =	vst v0;
	v0 =	vld [tilespmem:$0x41E0]  }
0x1a9: {  	v7 =	vld [tilespmem:$0x42A0];
	v1 =	vadd.f32 v12, v1  }
0x1aa: {  	v2 =	vadd.f32 v8, v2;
	v8 =	vld [tilespmem:$0x42B0];
	v3 =	vadd.f32 v17, v3  }
0x1ab: {  	v11 =	vld [tilespmem:$0x5BB0];
	v1 =	vadd.f32 v18, v1  }
0x1ac: {  	v12 =	vld [tilespmem:$0x42C0];
	v3 =	vadd.f32 v22, v3  }
0x1ad: {  	v1 =	vadd.f32 v23, v1;
	[tilespmem:$0x1FA10] =	vst v0;
	v0 =	vld [tilespmem:$0x41F0]  }
0x1ae: {  	v2 =	vadd.f32 v14, v2;
	v14 =	vld [tilespmem:$0x42D0];
	v3 =	vadd.f32 v27, v3  }
0x1af: {  	v17 =	vld [tilespmem:$0x5BD0];
	v1 =	vadd.f32 v28, v1  }
0x1b0: {  	v18 =	vld [tilespmem:$0x42E0];
	v3 =	vadd.f32 v33, v3  }
0x1b1: {  	v2 =	vadd.f32 v19, v2;
	v19 =	vld [tilespmem:$0x42F0];
	v1 =	vadd.f32 v34, v1  }
0x1b2: {  	v3 =	vadd.f32 v38, v3;
	[tilespmem:$0x1FA20] =	vst v0;
	v0 =	vld [tilespmem:$0x5AE0]  }
0x1b3: {  	v22 =	vld [tilespmem:$0x5BF0];
	v1 =	vadd.f32 v39, v1  }
0x1b4: {  	v25 =	vadd.f32 v25, v2;
	v2 =	vld [tilespmem:$0x5B80];
	v3 =	vadd.f32 v43, v3  }
0x1b5: {  	v23 =	vld [tilespmem:$0x4300];
	v1 =	vadd.f32 v44, v1  }
0x1b6: {  	v27 =	vld [tilespmem:$0x5C10];
	v3 =	vadd.f32 v49, v3  }
0x1b7: {  	v1 =	vadd.f32 v50, v1;
	[tilespmem:$0x1FA30] =	vst v0;
	v0 =	vld [tilespmem:$0x5AF0]  }
0x1b8: {  	v28 =	vld [tilespmem:$0x4320];
	v3 =	vadd.f32 v54, v3  }
0x1b9: {  	v54 =	vld [tilespmem:$0x1F7C0];
	v1 =	vadd.f32 v63, v1  }
0x1ba: {  	v3 =	vadd.f32 v59, v3;
	v59 =	vld [tilespmem:$0x1F800]  }
0x1bb: {  	v1 =	vadd.f32 v58, v1;
	v58 =	vld [tilespmem:$0x1F7F0]  }
0x1bc: {  	[tilespmem:$0x1FA40] =	vst v0;
	v0 =	vld [tilespmem:$0x4200]  }
0x1bd: {  	v63 =	vld [tilespmem:$0x1F830]  }
0x1be: {  	v33 =	vld [tilespmem:$0x1F840]  }
0x1bf: {  	v34 =	vld [tilespmem:$0x1F850]  }
0x1c0: {  	v38 =	vld [tilespmem:$0x1F880]  }
0x1c1: {  	[tilespmem:$0x1FA50] =	vst v0;
	v0 =	vld [tilespmem:$0x4210]  }
0x1c2: {  	v39 =	vld [tilespmem:$0x1F890]  }
0x1c3: {  	v43 =	vld [tilespmem:$0x1F8C0]  }
0x1c4: {  	v44 =	vld [tilespmem:$0x1F8D0]  }
0x1c5: {  	v49 =	vld [tilespmem:$0x1F900]  }
0x1c6: {  	v3 =	vadd.f32 v54, v3;
	v50 =	vld [tilespmem:$0x1F910];
	[tilespmem:$0x1FA60] =	vst v0;
	v0 =	vadd.f32 $0.0e+00, v13  }
0x1c7: {  	v54 =	vld [tilespmem:$0x1F940]  }
0x1c8: {  	v3 =	vadd.f32 v58, v3;
	v13 =	vld [tilespmem:$0x5B00];
	v0 =	vadd.f32 v29, v0  }
0x1c9: {  	v58 =	vld [tilespmem:$0x1F970]  }
0x1ca: {  	v3 =	vadd.f32 v63, v3;
	v63 =	vld [tilespmem:$0x1F9B0];
	v0 =	vadd.f32 v45, v0  }
0x1cb: {  	v29 =	vld [tilespmem:$0x5B30]  }
0x1cc: {  	v45 =	vld [tilespmem:$0x5B50];
	v0 =	vadd.f32 v61, v0  }
0x1cd: {  	[tilespmem:$0x1FA70] =	vst v13;
	v13 =	vld [tilespmem:$0x5B10]  }
0x1ce: {  	v61 =	vld [tilespmem:$0x5B70];
	v0 =	vadd.f32 v4, v0  }
0x1cf: {  	v4 =	vadd.f32 v30, v25;
	v25 =	vld [tilespmem:$0x4310]  }
0x1d0: {  	v30 =	vld [tilespmem:$0x4330];
	v0 =	vadd.f32 v9, v0  }
0x1d1: {  	v4 =	vadd.f32 v35, v4;
	v9 =	vld [tilespmem:$0x5BA0]  }
0x1d2: {  	v35 =	vld [tilespmem:$0x1F860];
	v0 =	vadd.f32 v15, v0  }
0x1d3: {  	v4 =	vadd.f32 v41, v4;
	v15 =	vld [tilespmem:$0x5BC0]  }
0x1d4: {  	v41 =	vld [tilespmem:$0x1F8A0];
	v0 =	vadd.f32 v20, v0  }
0x1d5: {  	v4 =	vadd.f32 v46, v4;
	v20 =	vld [tilespmem:$0x5BE0]  }
0x1d6: {  	v46 =	vld [tilespmem:$0x1F8E0];
	v0 =	vadd.f32 v26, v0  }
0x1d7: {  	v4 =	vadd.f32 v51, v4;
	v26 =	vld [tilespmem:$0x5C00]  }
0x1d8: {  	v51 =	vld [tilespmem:$0x1F920];
	v0 =	vadd.f32 v31, v0  }
0x1d9: {  	v4 =	vadd.f32 v62, v4;
	v62 =	vld [tilespmem:$0x1F820]  }
0x1da: {  	v0 =	vadd.f32 v36, v0;
	v36 =	vld [tilespmem:$0x1F870]  }
0x1db: {  	v4 =	vadd.f32 v57, v4;
	v57 =	vld [tilespmem:$0x1F7E0]  }
0x1dc: {  	v31 =	vld [tilespmem:$0x5C20];
	v0 =	vadd.f32 v42, v0  }
0x1dd: {  	v42 =	vld [tilespmem:$0x1F8B0]  }
0x1de: {  	v0 =	vadd.f32 v47, v0;
	v47 =	vld [tilespmem:$0x1F8F0]  }
0x1df: {  	v3 =	vadd.f32 v36, v3;
	v36 =	vld [tilespmem:$0x5C40]  }
0x1e0: {  	v1 =	vadd.f32 v57, v1;
	v57 =	vld [tilespmem:$0x1F960]  }
0x1e1: {  	v0 =	vadd.f32 v52, v0;
	v52 =	vld [tilespmem:$0x1F930]  }
0x1e2: {  	v3 =	vadd.f32 v42, v3;
	v42 =	vld [tilespmem:$0x5C60]  }
0x1e3: {  	v1 =	vadd.f32 v62, v1;
	v62 =	vld [tilespmem:$0x1F9A0]  }
0x1e4: {  	v0 =	vadd.f32 v60, v0;
	v60 =	vld [tilespmem:$0x1F810]  }
0x1e5: {  	v1 =	vadd.f32 v35, v1;
	v35 =	vld [tilespmem:$0x4350]  }
0x1e6: {  	v3 =	vadd.f32 v47, v3;
	v47 =	vld [tilespmem:$0x5C80]  }
0x1e7: {  	v0 =	vadd.f32 v55, v0;
	v55 =	vld [tilespmem:$0x1F7D0]  }
0x1e8: {  	v1 =	vadd.f32 v41, v1;
	v41 =	vld [tilespmem:$0x4370]  }
0x1e9: {  	v3 =	vadd.f32 v52, v3;
	v52 =	vld [tilespmem:$0x1F9F0]  }
0x1ea: {  	v0 =	vadd.f32 v59, v0;
	v59 =	vld [tilespmem:$0x1F980]  }
0x1eb: {  	v1 =	vadd.f32 v46, v1;
	v46 =	vld [tilespmem:$0x4390]  }
0x1ec: {  	v3 =	vadd.f32 v58, v3;
	v58 =	vld [tilespmem:$0x1FA30]  }
0x1ed: {  	v0 =	vadd.f32 v33, v0;
	v33 =	vld [tilespmem:$0x5C30]  }
0x1ee: {  	v4 =	vadd.f32 v55, v4;
	v55 =	vld [tilespmem:$0x1F950]  }
0x1ef: {  	v1 =	vadd.f32 v51, v1;
	v51 =	vld [tilespmem:$0x1F9E0]  }
0x1f0: {  	v3 =	vadd.f32 v63, v3;
	v63 =	vld [tilespmem:$0x1FA70];
	v4 =	vadd.f32 v60, v4  }
0x1f1: {  	v0 =	vadd.f32 v38, v0;
	v38 =	vld [tilespmem:$0x5C50]  }
0x1f2: {  	v60 =	vld [tilespmem:$0x1F990];
	v4 =	vadd.f32 v34, v4  }
0x1f3: {  	v1 =	vadd.f32 v57, v1;
	v3 =	vadd.f32 v52, v3;
	v57 =	vld [tilespmem:$0x1FA20]  }
0x1f4: {  	v52 =	vld [tilespmem:$0x5CE0];
	v0 =	vadd.f32 v43, v0;
	v4 =	vadd.f32 v39, v4  }
0x1f5: {  	v43 =	vld [tilespmem:$0x5C70]  }
0x1f6: {  	v34 =	vld [tilespmem:$0x4340];
	v0 =	vadd.f32 v49, v0;
	v4 =	vadd.f32 v44, v4  }
0x1f7: {  	v49 =	vld [tilespmem:$0x1F9C0]  }
0x1f8: {  	v0 =	vadd.f32 v54, v0;
	v54 =	vld [tilespmem:$0x1FA00];
	v4 =	vadd.f32 v50, v4  }
0x1f9: {  	v50 =	vld [tilespmem:$0x1F9D0]  }
0x1fa: {  	v0 =	vadd.f32 v59, v0;
	v59 =	vld [tilespmem:$0x1FA40];
	v4 =	vadd.f32 v55, v4  }
0x1fb: {  	v1 =	vadd.f32 v62, v1;
	v55 =	vld [tilespmem:$0x1FA10]  }
0x1fc: {  	v62 =	vld [tilespmem:$0x1FA60];
	v0 =	vadd.f32 v49, v0;
	v4 =	vadd.f32 v60, v4  }
0x1fd: {  	v3 =	vadd.f32 v58, v3;
	v1 =	vadd.f32 v51, v1;
	v60 =	vld [tilespmem:$0x1FA50]  }
0x1fe: {  	v58 =	vld [tilespmem:$0x4420];
	v0 =	vadd.f32 v54, v0;
	v4 =	vadd.f32 v50, v4  }
0x1ff: {  	v39 =	vld [tilespmem:$0x4360];
	v1 =	vadd.f32 v57, v1  }
0x200: {  	v51 =	vld [tilespmem:$0x43B0];
	v0 =	vadd.f32 v59, v0;
	v4 =	vadd.f32 v55, v4  }
0x201: {  	v3 =	vadd.f32 v63, v3;
	v63 =	vld [tilespmem:$0x4450];
	v1 =	vadd.f32 v62, v1  }
0x202: {  	v44 =	vld [tilespmem:$0x4380];
	v0 =	vadd.f32 v13, v0;
	v4 =	vadd.f32 v60, v4  }
0x203: {  	v3 =	vadd.f32 v24, v3;
	v24 =	vld [tilespmem:$0x43D0];
	v1 =	vadd.f32 v21, v1  }
0x204: {  	v57 =	vld [tilespmem:$0x5D10];
	v0 =	vadd.f32 v29, v0;
	v4 =	vadd.f32 v16, v4  }
0x205: {  	v3 =	vadd.f32 v40, v3;
	v40 =	vld [tilespmem:$0x5CD0];
	v1 =	vadd.f32 v37, v1  }
0x206: {  	v62 =	vld [tilespmem:$0x4440];
	v0 =	vadd.f32 v45, v0;
	v4 =	vadd.f32 v32, v4  }
0x207: {  	v49 =	vld [tilespmem:$0x5C90];
	v3 =	vadd.f32 v56, v3;
	v1 =	vadd.f32 v53, v1  }
0x208: {  	v21 =	vld [tilespmem:$0x43C0];
	v0 =	vadd.f32 v61, v0;
	v4 =	vadd.f32 v48, v4  }
0x209: {  	v56 =	vld [tilespmem:$0x5D00];
	v2 =	vadd.f32 v2, v3;
	v1 =	vadd.f32 v5, v1  }
0x20a: {  	v54 =	vld [tilespmem:$0x4400];
	v0 =	vadd.f32 v6, v0;
	v4 =	vadd.f32 v10, v4  }
0x20b: {  	v59 =	vld [tilespmem:$0x4430];
	v2 =	vadd.f32 v9, v2;
	v1 =	vadd.f32 v8, v1  }
0x20c: {  	v50 =	vld [tilespmem:$0x43A0];
	v0 =	vadd.f32 v11, v0;
	v4 =	vadd.f32 v7, v4  }
0x20d: {  	v53 =	vld [tilespmem:$0x5CF0];
	v2 =	vadd.f32 v15, v2;
	v1 =	vadd.f32 v14, v1  }
0x20e: {  	v13 =	vld [tilespmem:$0x5CA0];
	v0 =	vadd.f32 v17, v0;
	v4 =	vadd.f32 v12, v4  }
0x20f: {  	v55 =	vld [tilespmem:$0x4410];
	v2 =	vadd.f32 v20, v2;
	v1 =	vadd.f32 v19, v1  }
0x210: {  	v29 =	vld [tilespmem:$0x5CC0];
	v0 =	vadd.f32 v22, v0;
	v4 =	vadd.f32 v18, v4  }
0x211: {  	v60 =	vld [tilespmem:$0x5D20];
	v2 =	vadd.f32 v26, v2;
	v1 =	vadd.f32 v25, v1  }
0x212: {  	v45 =	vld [tilespmem:$0x43E0];
	v0 =	vadd.f32 v27, v0;
	v4 =	vadd.f32 v23, v4  }
0x213: {  	v16 =	vld [tilespmem:$0x5CB0];
	v2 =	vadd.f32 v31, v2;
	v1 =	vadd.f32 v30, v1  }
0x214: {  	v61 =	vld [tilespmem:$0x5D30];
	v0 =	vadd.f32 v33, v0;
	v4 =	vadd.f32 v28, v4  }
0x215: {  	v31 =	vld [tilespmem:$0x4460];
	v2 =	vadd.f32 v36, v2;
	v1 =	vadd.f32 v35, v1  }
0x216: {  	v48 =	vld [tilespmem:$0x43F0];
	v0 =	vadd.f32 v38, v0;
	v4 =	vadd.f32 v34, v4  }
0x217: {  	v36 =	vld [tilespmem:$0x4480];
	v2 =	vadd.f32 v42, v2;
	v1 =	vadd.f32 v41, v1  }
0x218: {  	v30 =	vld [tilespmem:$0x5D50];
	v0 =	vadd.f32 v43, v0;
	v4 =	vadd.f32 v39, v4  }
0x219: {  	v42 =	vld [tilespmem:$0x44B0];
	v2 =	vadd.f32 v47, v2;
	v1 =	vadd.f32 v46, v1  }
0x21a: {  	v35 =	vld [tilespmem:$0x5D70];
	v0 =	vadd.f32 v49, v0;
	v4 =	vadd.f32 v44, v4  }
0x21b: {  	v47 =	vld [tilespmem:$0x5DC0];
	v2 =	vadd.f32 v13, v2;
	v1 =	vadd.f32 v51, v1  }
0x21c: {  	v41 =	vld [tilespmem:$0x44A0];
	v0 =	vadd.f32 v16, v0;
	v4 =	vadd.f32 v50, v4  }
0x21d: {  	v2 =	vadd.f32 v29, v2;
	v46 =	vld [tilespmem:$0x44D0];
	v1 =	vadd.f32 v24, v1  }
0x21e: {  	v33 =	vld [tilespmem:$0x4470];
	v0 =	vadd.f32 v40, v0;
	v4 =	vadd.f32 v21, v4  }
0x21f: {  	v2 =	vadd.f32 v52, v2;
	v51 =	vld [tilespmem:$0x5DE0];
	v1 =	vadd.f32 v48, v1  }
0x220: {  	v28 =	vld [tilespmem:$0x5D40];
	v0 =	vadd.f32 v53, v0;
	v4 =	vadd.f32 v45, v4  }
0x221: {  	v52 =	vld [tilespmem:$0x5DF0];
	v2 =	vadd.f32 v56, v2;
	v1 =	vadd.f32 v55, v1  }
0x222: {  	v34 =	vld [tilespmem:$0x5D60];
	v0 =	vadd.f32 v57, v0;
	v4 =	vadd.f32 v54, v4  }
0x223: {  	v38 =	vld [tilespmem:$0x4490];
	v2 =	vadd.f32 v60, v2;
	v1 =	vadd.f32 v59, v1  }
0x224: {  	v39 =	vld [tilespmem:$0x5D80];
	v0 =	vadd.f32 v61, v0;
	v4 =	vadd.f32 v58, v4  }
0x225: {  	v2 =	vadd.f32 v28, v2;
	v40 =	vld [tilespmem:$0x5D90];
	v1 =	vadd.f32 v63, v1  }
0x226: {  	v43 =	vld [tilespmem:$0x5DA0];
	v0 =	vadd.f32 v30, v0;
	v4 =	vadd.f32 v62, v4  }
0x227: {  	v44 =	vld [tilespmem:$0x5DB0];
	v2 =	vadd.f32 v34, v2;
	v1 =	vadd.f32 v33, v1  }
0x228: {  	v48 =	vld [tilespmem:$0x5DD0];
	v0 =	vadd.f32 v35, v0;
	v4 =	vadd.f32 v31, v4  }
0x229: {  	v2 =	vadd.f32 v39, v2;
	v45 =	vld [tilespmem:$0x44C0];
	v1 =	vadd.f32 v38, v1  }
0x22a: {  	v50 =	vld [tilespmem:$0x44F0];
	v0 =	vadd.f32 v40, v0;
	v4 =	vadd.f32 v36, v4  }
0x22b: {  	v49 =	vld [tilespmem:$0x44E0];
	v2 =	vadd.f32 v43, v2;
	v1 =	vadd.f32 v42, v1  }
0x22c: {  	v0 =	vadd.f32 v44, v0;
	v3 =	vadd.f32 v41, v4  }
0x22d: {  	v2 =	vadd.f32 v47, v2;
	v1 =	vadd.f32 v46, v1  }
0x22e: {  	v0 =	vadd.f32 v48, v0;
	v3 =	vadd.f32 v45, v3  }
0x22f: {  	v2 =	vadd.f32 v51, v2;
	v1 =	vadd.f32 v50, v1  }
0x230: {  	v0 =	vadd.f32 v52, v0;
	v3 =	vadd.f32 v49, v3;
	_ =	sdelay $0x1  }
0x231: {  	v0 =	vmul.f32 v0, v1;
	v2 =	vmul.f32 v2, v3;
	_ =	sdelay $0x1  }
0x232: {  	v0 =	vadd.f32 v0, v2;
	_ =	sdelay $0x1  }
0x233: {  	(xrf2) =	vadd.scan.msk.f32 $0xffff, v0;
	_ =	sdelay $0x3  }
0x234: {  	s14 =	sadd.s32 $0x1, s1  }
0x235: {  	v53 =	vmov s14  }
0x236: {  	v0 =	vand.u32 $0xFFFFFFFD, v53  }
0x237: {  	v0 =	vbroadcast v0, $0x0;
	_ =	sdelay $0x2  }
0x238: {  	v54, _, _ =	vpop (xrf2)  }
0x239: {  	v1 =	vmul.f32 $3.999999900e-04, v54;
	_ =	sdelay $0x1  }
0x23a: {  	[tilespmem:v0+s23+$0x0] =	vst.idx.msk vm0, v1  }
0x23b: {  	_ =	swait.ge [sflag:s26], $0x640  }
0x23c: {  	[sflag:s26] =	ssyncset.done $0x0  }
0x23d: {  	[sflag:s26] =	ssyncadd.s32 $0xFFFFF9C0  }
0x23e: {  	_ =	swait.ge [sflag:s28], $0x640  }
0x23f: {  	[sflag:s28] =	ssyncset.done $0x0  }
0x240: {  	s13 =	sadd.s32 @!p0 $0x118, s11;
	s14 =	simm.s32 @!p0 $0x3EC0;
	[sflag:s28] =	ssyncadd.s32 $0xFFFFF9C0  }
0x241: {  	[tilespmem:s14], [sflag:$0x2] =	stream.indirect.gather @!p0 [hbm4b:s3+s12], $0x20, s13, s12, $0xb8;
	[tilespmem:$0x6A80] =	vst v63  }
0x242: {  	s13 =	sadd.s32 @!p0 $0x1D18, s11;
	s14 =	simm.s32 @!p0 $0x57C0  }
0x243: {  	[tilespmem:s14], [sflag:$0x6] =	stream.indirect.gather @!p0 [hbm4b:s3+s12], $0x20, s13, s12, $0xb8;
	[tilespmem:$0x6A80] =	vst v63  }
0x244: {  	v2 =	vld [tilespmem:$0x4500]  }
0x245: {  	v5 =	vld [tilespmem:$0x4510]  }
0x246: {  	v10 =	vld [tilespmem:$0x5E00]  }
0x247: {  	v13 =	vld [tilespmem:$0x5E10]  }
0x248: {  	v16 =	vld [tilespmem:$0x4520]  }
0x249: {  	v21 =	vld [tilespmem:$0x4530]  }
0x24a: {  	v24 =	vld [tilespmem:$0x5E20]  }
0x24b: {  	v29 =	vld [tilespmem:$0x5E30]  }
0x24c: {  	v32 =	vld [tilespmem:$0x4540]  }
0x24d: {  	v37 =	vld [tilespmem:$0x4550]  }
0x24e: {  	v40 =	vld [tilespmem:$0x5E40]  }
0x24f: {  	v45 =	vld [tilespmem:$0x5E50]  }
0x250: {  	v48 =	vld [tilespmem:$0x4560]  }
0x251: {  	v53 =	vld [tilespmem:$0x4570]  }
0x252: {  	v56 =	vld [tilespmem:$0x5E60]  }
0x253: {  	v0 =	vld [tilespmem:$0x4700]  }
0x254: {  	v61 =	vld [tilespmem:$0x5E70]  }
0x255: {  	v3 =	vld [tilespmem:$0x4580]  }
0x256: {  	v1 =	vld [tilespmem:$0x4590]  }
0x257: {  	v6 =	vld [tilespmem:$0x5E80]  }
0x258: {  	[tilespmem:$0x1FA90] =	vst v0;
	v0 =	vld [tilespmem:$0x4710]  }
0x259: {  	v4 =	vld [tilespmem:$0x5E90]  }
0x25a: {  	v8 =	vld [tilespmem:$0x45A0]  }
0x25b: {  	v7 =	vld [tilespmem:$0x45B0]  }
0x25c: {  	v11 =	vld [tilespmem:$0x5EA0]  }
0x25d: {  	[tilespmem:$0x1FAA0] =	vst v0;
	v0 =	vld [tilespmem:$0x6000]  }
0x25e: {  	v9 =	vld [tilespmem:$0x5EB0]  }
0x25f: {  	v14 =	vld [tilespmem:$0x45C0]  }
0x260: {  	v12 =	vld [tilespmem:$0x45D0]  }
0x261: {  	v17 =	vld [tilespmem:$0x5EC0]  }
0x262: {  	[tilespmem:$0x1FAB0] =	vst v0;
	v0 =	vld [tilespmem:$0x6010]  }
0x263: {  	v15 =	vld [tilespmem:$0x5ED0]  }
0x264: {  	v19 =	vld [tilespmem:$0x45E0]  }
0x265: {  	v18 =	vld [tilespmem:$0x45F0]  }
0x266: {  	v22 =	vld [tilespmem:$0x5EE0]  }
0x267: {  	[tilespmem:$0x1FAC0] =	vst v0;
	v0 =	vld [tilespmem:$0x4720]  }
0x268: {  	v20 =	vld [tilespmem:$0x5EF0]  }
0x269: {  	v25 =	vld [tilespmem:$0x4600]  }
0x26a: {  	v23 =	vld [tilespmem:$0x4610]  }
0x26b: {  	v27 =	vld [tilespmem:$0x5F00]  }
0x26c: {  	[tilespmem:$0x1FAD0] =	vst v0;
	v0 =	vld [tilespmem:$0x4730]  }
0x26d: {  	v26 =	vld [tilespmem:$0x5F10]  }
0x26e: {  	v30 =	vld [tilespmem:$0x4620]  }
0x26f: {  	v28 =	vld [tilespmem:$0x4630]  }
0x270: {  	v33 =	vld [tilespmem:$0x5F20]  }
0x271: {  	[tilespmem:$0x1FAE0] =	vst v0;
	v0 =	vld [tilespmem:$0x6020]  }
0x272: {  	v31 =	vld [tilespmem:$0x5F30]  }
0x273: {  	v35 =	vld [tilespmem:$0x4640]  }
0x274: {  	v34 =	vld [tilespmem:$0x4650]  }
0x275: {  	v38 =	vld [tilespmem:$0x5F40]  }
0x276: {  	[tilespmem:$0x1FAF0] =	vst v0;
	v0 =	vld [tilespmem:$0x6030]  }
0x277: {  	v36 =	vld [tilespmem:$0x5F50]  }
0x278: {  	v41 =	vld [tilespmem:$0x4660]  }
0x279: {  	v39 =	vld [tilespmem:$0x4670]  }
0x27a: {  	v43 =	vld [tilespmem:$0x5F60]  }
0x27b: {  	[tilespmem:$0x1FB00] =	vst v0;
	v0 =	vld [tilespmem:$0x4740]  }
0x27c: {  	v42 =	vld [tilespmem:$0x5F70]  }
0x27d: {  	v46 =	vld [tilespmem:$0x4680]  }
0x27e: {  	v44 =	vld [tilespmem:$0x4690]  }
0x27f: {  	v49 =	vld [tilespmem:$0x5F80]  }
0x280: {  	[tilespmem:$0x1FB10] =	vst v0;
	v0 =	vld [tilespmem:$0x4750]  }
0x281: {  	v47 =	vld [tilespmem:$0x5F90]  }
0x282: {  	v51 =	vld [tilespmem:$0x46A0]  }
0x283: {  	v50 =	vld [tilespmem:$0x46B0]  }
0x284: {  	v54 =	vld [tilespmem:$0x5FA0]  }
0x285: {  	[tilespmem:$0x1FB20] =	vst v0;
	v0 =	vld [tilespmem:$0x6040]  }
0x286: {  	v52 =	vld [tilespmem:$0x5FB0]  }
0x287: {  	v62 =	vld [tilespmem:$0x46C0]  }
0x288: {  	v63 =	vld [tilespmem:$0x46D0]  }
0x289: {  	v55 =	vld [tilespmem:$0x5FE0]  }
0x28a: {  	[tilespmem:$0x1FB30] =	vst v0;
	v0 =	vld [tilespmem:$0x6050]  }
0x28b: {  	v59 =	vld [tilespmem:$0x5FC0]  }
0x28c: {  	v60 =	vld [tilespmem:$0x5FD0]  }
0x28d: {  	v57 =	vld [tilespmem:$0x46E0]  }
0x28e: {  	v58 =	vld [tilespmem:$0x46F0];
	[tilespmem:$0x1FA80] =	vst v55  }
0x28f: {  	v55 =	vld [tilespmem:$0x5FF0];
	[tilespmem:$0x1FB40] =	vst v0  }
0x290: {  	v0 =	vld [tilespmem:$0x4760];
	_ =	sdelay $0x4  }
0x291: {  	[tilespmem:$0x1FB50] =	vst v0;
	v0 =	vld [tilespmem:$0x4770];
	_ =	sdelay $0x4  }
0x292: {  	[tilespmem:$0x1FB60] =	vst v0;
	v0 =	vld [tilespmem:$0x6060];
	_ =	sdelay $0x4  }
0x293: {  	[tilespmem:$0x1FB70] =	vst v0;
	v0 =	vld [tilespmem:$0x6070];
	_ =	sdelay $0x4  }
0x294: {  	[tilespmem:$0x1FB80] =	vst v0;
	v0 =	vld [tilespmem:$0x4780];
	_ =	sdelay $0x4  }
0x295: {  	[tilespmem:$0x1FB90] =	vst v0;
	v0 =	vld [tilespmem:$0x4790];
	_ =	sdelay $0x4  }
0x296: {  	[tilespmem:$0x1FBA0] =	vst v0;
	v0 =	vld [tilespmem:$0x6080];
	_ =	sdelay $0x4  }
0x297: {  	[tilespmem:$0x1FBB0] =	vst v0;
	v0 =	vld [tilespmem:$0x6090];
	_ =	sdelay $0x4  }
0x298: {  	[tilespmem:$0x1FBC0] =	vst v0;
	v0 =	vld [tilespmem:$0x47A0];
	_ =	sdelay $0x4  }
0x299: {  	[tilespmem:$0x1FBD0] =	vst v0;
	v0 =	vld [tilespmem:$0x47B0];
	_ =	sdelay $0x4  }
0x29a: {  	[tilespmem:$0x1FBE0] =	vst v0;
	v0 =	vld [tilespmem:$0x60A0];
	_ =	sdelay $0x4  }
0x29b: {  	[tilespmem:$0x1FBF0] =	vst v0;
	v0 =	vld [tilespmem:$0x60B0];
	_ =	sdelay $0x4  }
0x29c: {  	[tilespmem:$0x1FC00] =	vst v0;
	v0 =	vld [tilespmem:$0x47C0];
	_ =	sdelay $0x4  }
0x29d: {  	[tilespmem:$0x1FC10] =	vst v0;
	v0 =	vld [tilespmem:$0x47D0];
	_ =	sdelay $0x4  }
0x29e: {  	[tilespmem:$0x1FC20] =	vst v0;
	v0 =	vld [tilespmem:$0x60C0];
	_ =	sdelay $0x4  }
0x29f: {  	[tilespmem:$0x1FC30] =	vst v0;
	v0 =	vld [tilespmem:$0x60D0];
	_ =	sdelay $0x4  }
0x2a0: {  	[tilespmem:$0x1FC40] =	vst v0;
	v0 =	vld [tilespmem:$0x47E0];
	_ =	sdelay $0x4  }
0x2a1: {  	[tilespmem:$0x1FC50] =	vst v0;
	v0 =	vld [tilespmem:$0x47F0];
	_ =	sdelay $0x4  }
0x2a2: {  	[tilespmem:$0x1FC60] =	vst v0;
	v0 =	vld [tilespmem:$0x60E0];
	_ =	sdelay $0x4  }
0x2a3: {  	[tilespmem:$0x1FC70] =	vst v0;
	v0 =	vld [tilespmem:$0x60F0];
	_ =	sdelay $0x4  }
0x2a4: {  	[tilespmem:$0x1FC80] =	vst v0;
	v0 =	vld [tilespmem:$0x4800];
	_ =	sdelay $0x2  }
0x2a5: {  	v2 =	vadd.f32 $0.0e+00, v2;
	_ =	sdelay $0x1  }
0x2a6: {  	v5 =	vadd.f32 $0.0e+00, v5;
	v2 =	vadd.f32 v16, v2;
	[tilespmem:$0x1FC90] =	vst v0;
	v0 =	vld [tilespmem:$0x4810]  }
0x2a7: {  	v10 =	vadd.f32 $0.0e+00, v10;
	v16 =	vld [tilespmem:$0x4860]  }
0x2a8: {  	v5 =	vadd.f32 v21, v5;
	v2 =	vadd.f32 v32, v2;
	v21 =	vld [tilespmem:$0x4870]  }
0x2a9: {  	v10 =	vadd.f32 v24, v10;
	v24 =	vld [tilespmem:$0x6160]  }
0x2aa: {  	v2 =	vadd.f32 v48, v2;
	v32 =	vld [tilespmem:$0x4880]  }
0x2ab: {  	v5 =	vadd.f32 v37, v5;
	[tilespmem:$0x1FCA0] =	vst v0;
	v0 =	vld [tilespmem:$0x6100]  }
0x2ac: {  	v10 =	vadd.f32 v40, v10;
	v2 =	vadd.f32 v3, v2;
	v37 =	vld [tilespmem:$0x4890]  }
0x2ad: {  	v5 =	vadd.f32 v53, v5;
	v40 =	vld [tilespmem:$0x6180]  }
0x2ae: {  	v10 =	vadd.f32 v56, v10;
	v2 =	vadd.f32 v8, v2;
	v48 =	vld [tilespmem:$0x48A0]  }
0x2af: {  	v1 =	vadd.f32 v1, v5;
	v53 =	vld [tilespmem:$0x48B0]  }
0x2b0: {  	v10 =	vadd.f32 v6, v10;
	v2 =	vadd.f32 v14, v2;
	[tilespmem:$0x1FCB0] =	vst v0;
	v0 =	vld [tilespmem:$0x6110]  }
0x2b1: {  	v1 =	vadd.f32 v7, v1;
	v56 =	vld [tilespmem:$0x61A0]  }
0x2b2: {  	v3 =	vadd.f32 v11, v10;
	v2 =	vadd.f32 v19, v2;
	v10 =	vld [tilespmem:$0x48C0]  }
0x2b3: {  	v1 =	vadd.f32 v12, v1;
	v5 =	vld [tilespmem:$0x48D0]  }
0x2b4: {  	v3 =	vadd.f32 v17, v3;
	v25 =	vadd.f32 v25, v2;
	v2 =	vld [tilespmem:$0x61C0]  }
0x2b5: {  	v1 =	vadd.f32 v18, v1;
	[tilespmem:$0x1FCC0] =	vst v0;
	v0 =	vld [tilespmem:$0x4820]  }
0x2b6: {  	v3 =	vadd.f32 v22, v3;
	v6 =	vld [tilespmem:$0x61D0]  }
0x2b7: {  	v1 =	vadd.f32 v23, v1;
	v7 =	vld [tilespmem:$0x48E0]  }
0x2b8: {  	v3 =	vadd.f32 v27, v3;
	v8 =	vld [tilespmem:$0x48F0]  }
0x2b9: {  	v1 =	vadd.f32 v28, v1;
	v11 =	vld [tilespmem:$0x61F0]  }
0x2ba: {  	v3 =	vadd.f32 v33, v3;
	[tilespmem:$0x1FCD0] =	vst v0;
	v0 =	vld [tilespmem:$0x4830]  }
0x2bb: {  	v1 =	vadd.f32 v34, v1;
	v12 =	vld [tilespmem:$0x4900]  }
0x2bc: {  	v3 =	vadd.f32 v38, v3;
	v14 =	vld [tilespmem:$0x4910]  }
0x2bd: {  	v1 =	vadd.f32 v39, v1;
	v17 =	vld [tilespmem:$0x6210]  }
0x2be: {  	v3 =	vadd.f32 v43, v3;
	v18 =	vld [tilespmem:$0x4920]  }
0x2bf: {  	v1 =	vadd.f32 v44, v1;
	[tilespmem:$0x1FCE0] =	vst v0;
	v0 =	vld [tilespmem:$0x6120]  }
0x2c0: {  	v3 =	vadd.f32 v49, v3;
	v19 =	vld [tilespmem:$0x4930]  }
0x2c1: {  	v1 =	vadd.f32 v50, v1;
	v22 =	vld [tilespmem:$0x6230]  }
0x2c2: {  	v3 =	vadd.f32 v54, v3;
	v54 =	vld [tilespmem:$0x1FA80]  }
0x2c3: {  	v1 =	vadd.f32 v63, v1;
	v23 =	vld [tilespmem:$0x4940]  }
0x2c4: {  	[tilespmem:$0x1FCF0] =	vst v0;
	v0 =	vld [tilespmem:$0x6130]  }
0x2c5: {  	v1 =	vadd.f32 v58, v1;
	v58 =	vld [tilespmem:$0x1FAB0]  }
0x2c6: {  	v3 =	vadd.f32 v59, v3;
	v59 =	vld [tilespmem:$0x1FAC0]  }
0x2c7: {  	v27 =	vld [tilespmem:$0x6250]  }
0x2c8: {  	v63 =	vld [tilespmem:$0x1FAF0]  }
0x2c9: {  	[tilespmem:$0x1FD00] =	vst v0;
	v0 =	vld [tilespmem:$0x4840]  }
0x2ca: {  	v33 =	vld [tilespmem:$0x1FB00]  }
0x2cb: {  	v28 =	vld [tilespmem:$0x4960]  }
0x2cc: {  	v34 =	vld [tilespmem:$0x1FB10]  }
0x2cd: {  	v38 =	vld [tilespmem:$0x1FB40]  }
0x2ce: {  	[tilespmem:$0x1FD10] =	vst v0;
	v0 =	vld [tilespmem:$0x4850]  }
0x2cf: {  	v39 =	vld [tilespmem:$0x1FB50]  }
0x2d0: {  	v43 =	vld [tilespmem:$0x1FB80]  }
0x2d1: {  	v44 =	vld [tilespmem:$0x1FB90]  }
0x2d2: {  	v49 =	vld [tilespmem:$0x1FBC0]  }
0x2d3: {  	v3 =	vadd.f32 v54, v3;
	v50 =	vld [tilespmem:$0x1FBD0];
	[tilespmem:$0x1FD20] =	vst v0;
	v0 =	vadd.f32 $0.0e+00, v13  }
0x2d4: {  	v54 =	vld [tilespmem:$0x1FC00]  }
0x2d5: {  	v3 =	vadd.f32 v58, v3;
	v13 =	vld [tilespmem:$0x6140];
	v0 =	vadd.f32 v29, v0  }
0x2d6: {  	v58 =	vld [tilespmem:$0x1FC30]  }
0x2d7: {  	v3 =	vadd.f32 v63, v3;
	v63 =	vld [tilespmem:$0x1FC70];
	v0 =	vadd.f32 v45, v0  }
0x2d8: {  	v29 =	vld [tilespmem:$0x6170]  }
0x2d9: {  	v45 =	vld [tilespmem:$0x6190];
	v0 =	vadd.f32 v61, v0  }
0x2da: {  	[tilespmem:$0x1FD30] =	vst v13;
	v13 =	vld [tilespmem:$0x6150]  }
0x2db: {  	v61 =	vld [tilespmem:$0x61B0];
	v0 =	vadd.f32 v4, v0  }
0x2dc: {  	v4 =	vadd.f32 v30, v25;
	v25 =	vld [tilespmem:$0x4950]  }
0x2dd: {  	v30 =	vld [tilespmem:$0x4970];
	v0 =	vadd.f32 v9, v0  }
0x2de: {  	v4 =	vadd.f32 v35, v4;
	v9 =	vld [tilespmem:$0x61E0]  }
0x2df: {  	v35 =	vld [tilespmem:$0x1FB20];
	v0 =	vadd.f32 v15, v0  }
0x2e0: {  	v4 =	vadd.f32 v41, v4;
	v15 =	vld [tilespmem:$0x6200]  }
0x2e1: {  	v41 =	vld [tilespmem:$0x1FB60];
	v0 =	vadd.f32 v20, v0  }
0x2e2: {  	v4 =	vadd.f32 v46, v4;
	v20 =	vld [tilespmem:$0x6220]  }
0x2e3: {  	v46 =	vld [tilespmem:$0x1FBA0];
	v0 =	vadd.f32 v26, v0  }
0x2e4: {  	v4 =	vadd.f32 v51, v4;
	v26 =	vld [tilespmem:$0x6240]  }
0x2e5: {  	v51 =	vld [tilespmem:$0x1FBE0];
	v0 =	vadd.f32 v31, v0  }
0x2e6: {  	v4 =	vadd.f32 v62, v4;
	v62 =	vld [tilespmem:$0x1FAE0]  }
0x2e7: {  	v0 =	vadd.f32 v36, v0;
	v36 =	vld [tilespmem:$0x1FB30]  }
0x2e8: {  	v4 =	vadd.f32 v57, v4;
	v57 =	vld [tilespmem:$0x1FAA0]  }
0x2e9: {  	v31 =	vld [tilespmem:$0x6260];
	v0 =	vadd.f32 v42, v0  }
0x2ea: {  	v42 =	vld [tilespmem:$0x1FB70]  }
0x2eb: {  	v0 =	vadd.f32 v47, v0;
	v47 =	vld [tilespmem:$0x1FBB0]  }
0x2ec: {  	v3 =	vadd.f32 v36, v3;
	v36 =	vld [tilespmem:$0x6280]  }
0x2ed: {  	v1 =	vadd.f32 v57, v1;
	v57 =	vld [tilespmem:$0x1FC20]  }
0x2ee: {  	v0 =	vadd.f32 v52, v0;
	v52 =	vld [tilespmem:$0x1FBF0]  }
0x2ef: {  	v3 =	vadd.f32 v42, v3;
	v42 =	vld [tilespmem:$0x62A0]  }
0x2f0: {  	v1 =	vadd.f32 v62, v1;
	v62 =	vld [tilespmem:$0x1FC60]  }
0x2f1: {  	v0 =	vadd.f32 v60, v0;
	v60 =	vld [tilespmem:$0x1FAD0]  }
0x2f2: {  	v1 =	vadd.f32 v35, v1;
	v35 =	vld [tilespmem:$0x4990]  }
0x2f3: {  	v3 =	vadd.f32 v47, v3;
	v47 =	vld [tilespmem:$0x62C0]  }
0x2f4: {  	v0 =	vadd.f32 v55, v0;
	v55 =	vld [tilespmem:$0x1FA90]  }
0x2f5: {  	v1 =	vadd.f32 v41, v1;
	v41 =	vld [tilespmem:$0x49B0]  }
0x2f6: {  	v3 =	vadd.f32 v52, v3;
	v52 =	vld [tilespmem:$0x1FCB0]  }
0x2f7: {  	v0 =	vadd.f32 v59, v0;
	v59 =	vld [tilespmem:$0x1FC40]  }
0x2f8: {  	v1 =	vadd.f32 v46, v1;
	v46 =	vld [tilespmem:$0x49D0]  }
0x2f9: {  	v3 =	vadd.f32 v58, v3;
	v58 =	vld [tilespmem:$0x1FCF0]  }
0x2fa: {  	v0 =	vadd.f32 v33, v0;
	v33 =	vld [tilespmem:$0x6270]  }
0x2fb: {  	v4 =	vadd.f32 v55, v4;
	v55 =	vld [tilespmem:$0x1FC10]  }
0x2fc: {  	v1 =	vadd.f32 v51, v1;
	v51 =	vld [tilespmem:$0x1FCA0]  }
0x2fd: {  	v3 =	vadd.f32 v63, v3;
	v63 =	vld [tilespmem:$0x1FD30];
	v4 =	vadd.f32 v60, v4  }
0x2fe: {  	v0 =	vadd.f32 v38, v0;
	v38 =	vld [tilespmem:$0x6290]  }
0x2ff: {  	v60 =	vld [tilespmem:$0x1FC50];
	v4 =	vadd.f32 v34, v4  }
0x300: {  	v1 =	vadd.f32 v57, v1;
	v3 =	vadd.f32 v52, v3;
	v57 =	vld [tilespmem:$0x1FCE0]  }
0x301: {  	v52 =	vld [tilespmem:$0x6320];
	v0 =	vadd.f32 v43, v0;
	v4 =	vadd.f32 v39, v4  }
0x302: {  	v43 =	vld [tilespmem:$0x62B0]  }
0x303: {  	v34 =	vld [tilespmem:$0x4980];
	v0 =	vadd.f32 v49, v0;
	v4 =	vadd.f32 v44, v4  }
0x304: {  	v49 =	vld [tilespmem:$0x1FC80]  }
0x305: {  	v0 =	vadd.f32 v54, v0;
	v54 =	vld [tilespmem:$0x1FCC0];
	v4 =	vadd.f32 v50, v4  }
0x306: {  	v50 =	vld [tilespmem:$0x1FC90]  }
0x307: {  	v0 =	vadd.f32 v59, v0;
	v59 =	vld [tilespmem:$0x1FD00];
	v4 =	vadd.f32 v55, v4  }
0x308: {  	v1 =	vadd.f32 v62, v1;
	v55 =	vld [tilespmem:$0x1FCD0]  }
0x309: {  	v62 =	vld [tilespmem:$0x1FD20];
	v0 =	vadd.f32 v49, v0;
	v4 =	vadd.f32 v60, v4  }
0x30a: {  	v3 =	vadd.f32 v58, v3;
	v1 =	vadd.f32 v51, v1;
	v60 =	vld [tilespmem:$0x1FD10]  }
0x30b: {  	v58 =	vld [tilespmem:$0x4A60];
	v0 =	vadd.f32 v54, v0;
	v4 =	vadd.f32 v50, v4  }
0x30c: {  	v39 =	vld [tilespmem:$0x49A0];
	v1 =	vadd.f32 v57, v1  }
0x30d: {  	v51 =	vld [tilespmem:$0x49F0];
	v0 =	vadd.f32 v59, v0;
	v4 =	vadd.f32 v55, v4  }
0x30e: {  	v3 =	vadd.f32 v63, v3;
	v63 =	vld [tilespmem:$0x4A90];
	v1 =	vadd.f32 v62, v1  }
0x30f: {  	v44 =	vld [tilespmem:$0x49C0];
	v0 =	vadd.f32 v13, v0;
	v4 =	vadd.f32 v60, v4  }
0x310: {  	v3 =	vadd.f32 v24, v3;
	v24 =	vld [tilespmem:$0x4A10];
	v1 =	vadd.f32 v21, v1  }
0x311: {  	v57 =	vld [tilespmem:$0x6350];
	v0 =	vadd.f32 v29, v0;
	v4 =	vadd.f32 v16, v4  }
0x312: {  	v3 =	vadd.f32 v40, v3;
	v40 =	vld [tilespmem:$0x6310];
	v1 =	vadd.f32 v37, v1  }
0x313: {  	v62 =	vld [tilespmem:$0x4A80];
	v0 =	vadd.f32 v45, v0;
	v4 =	vadd.f32 v32, v4  }
0x314: {  	v49 =	vld [tilespmem:$0x62D0];
	v3 =	vadd.f32 v56, v3;
	v1 =	vadd.f32 v53, v1  }
0x315: {  	v21 =	vld [tilespmem:$0x4A00];
	v0 =	vadd.f32 v61, v0;
	v4 =	vadd.f32 v48, v4  }
0x316: {  	v56 =	vld [tilespmem:$0x6340];
	v2 =	vadd.f32 v2, v3;
	v1 =	vadd.f32 v5, v1  }
0x317: {  	v54 =	vld [tilespmem:$0x4A40];
	v0 =	vadd.f32 v6, v0;
	v4 =	vadd.f32 v10, v4  }
0x318: {  	v59 =	vld [tilespmem:$0x4A70];
	v2 =	vadd.f32 v9, v2;
	v1 =	vadd.f32 v8, v1  }
0x319: {  	v50 =	vld [tilespmem:$0x49E0];
	v0 =	vadd.f32 v11, v0;
	v4 =	vadd.f32 v7, v4  }
0x31a: {  	v53 =	vld [tilespmem:$0x6330];
	v2 =	vadd.f32 v15, v2;
	v1 =	vadd.f32 v14, v1  }
0x31b: {  	v13 =	vld [tilespmem:$0x62E0];
	v0 =	vadd.f32 v17, v0;
	v4 =	vadd.f32 v12, v4  }
0x31c: {  	v55 =	vld [tilespmem:$0x4A50];
	v2 =	vadd.f32 v20, v2;
	v1 =	vadd.f32 v19, v1  }
0x31d: {  	v29 =	vld [tilespmem:$0x6300];
	v0 =	vadd.f32 v22, v0;
	v4 =	vadd.f32 v18, v4  }
0x31e: {  	v60 =	vld [tilespmem:$0x6360];
	v2 =	vadd.f32 v26, v2;
	v1 =	vadd.f32 v25, v1  }
0x31f: {  	v45 =	vld [tilespmem:$0x4A20];
	v0 =	vadd.f32 v27, v0;
	v4 =	vadd.f32 v23, v4  }
0x320: {  	v16 =	vld [tilespmem:$0x62F0];
	v2 =	vadd.f32 v31, v2;
	v1 =	vadd.f32 v30, v1  }
0x321: {  	v61 =	vld [tilespmem:$0x6370];
	v0 =	vadd.f32 v33, v0;
	v4 =	vadd.f32 v28, v4  }
0x322: {  	v31 =	vld [tilespmem:$0x4AA0];
	v2 =	vadd.f32 v36, v2;
	v1 =	vadd.f32 v35, v1  }
0x323: {  	v48 =	vld [tilespmem:$0x4A30];
	v0 =	vadd.f32 v38, v0;
	v4 =	vadd.f32 v34, v4  }
0x324: {  	v36 =	vld [tilespmem:$0x4AC0];
	v2 =	vadd.f32 v42, v2;
	v1 =	vadd.f32 v41, v1  }
0x325: {  	v30 =	vld [tilespmem:$0x6390];
	v0 =	vadd.f32 v43, v0;
	v4 =	vadd.f32 v39, v4  }
0x326: {  	v42 =	vld [tilespmem:$0x4AF0];
	v2 =	vadd.f32 v47, v2;
	v1 =	vadd.f32 v46, v1  }
0x327: {  	v35 =	vld [tilespmem:$0x63B0];
	v0 =	vadd.f32 v49, v0;
	v4 =	vadd.f32 v44, v4  }
0x328: {  	v47 =	vld [tilespmem:$0x6400];
	v2 =	vadd.f32 v13, v2;
	v1 =	vadd.f32 v51, v1  }
0x329: {  	v41 =	vld [tilespmem:$0x4AE0];
	v0 =	vadd.f32 v16, v0;
	v4 =	vadd.f32 v50, v4  }
0x32a: {  	v2 =	vadd.f32 v29, v2;
	v46 =	vld [tilespmem:$0x4B10];
	v1 =	vadd.f32 v24, v1  }
0x32b: {  	v33 =	vld [tilespmem:$0x4AB0];
	v0 =	vadd.f32 v40, v0;
	v4 =	vadd.f32 v21, v4  }
0x32c: {  	v2 =	vadd.f32 v52, v2;
	v51 =	vld [tilespmem:$0x6420];
	v1 =	vadd.f32 v48, v1  }
0x32d: {  	v28 =	vld [tilespmem:$0x6380];
	v0 =	vadd.f32 v53, v0;
	v4 =	vadd.f32 v45, v4  }
0x32e: {  	v52 =	vld [tilespmem:$0x6430];
	v2 =	vadd.f32 v56, v2;
	v1 =	vadd.f32 v55, v1  }
0x32f: {  	v34 =	vld [tilespmem:$0x63A0];
	v0 =	vadd.f32 v57, v0;
	v4 =	vadd.f32 v54, v4  }
0x330: {  	v38 =	vld [tilespmem:$0x4AD0];
	v2 =	vadd.f32 v60, v2;
	v1 =	vadd.f32 v59, v1  }
0x331: {  	v39 =	vld [tilespmem:$0x63C0];
	v0 =	vadd.f32 v61, v0;
	v4 =	vadd.f32 v58, v4  }
0x332: {  	v2 =	vadd.f32 v28, v2;
	v40 =	vld [tilespmem:$0x63D0];
	v1 =	vadd.f32 v63, v1  }
0x333: {  	v43 =	vld [tilespmem:$0x63E0];
	v0 =	vadd.f32 v30, v0;
	v4 =	vadd.f32 v62, v4  }
0x334: {  	v44 =	vld [tilespmem:$0x63F0];
	v2 =	vadd.f32 v34, v2;
	v1 =	vadd.f32 v33, v1  }
0x335: {  	v48 =	vld [tilespmem:$0x6410];
	v0 =	vadd.f32 v35, v0;
	v4 =	vadd.f32 v31, v4  }
0x336: {  	v2 =	vadd.f32 v39, v2;
	v45 =	vld [tilespmem:$0x4B00];
	v1 =	vadd.f32 v38, v1  }
0x337: {  	v50 =	vld [tilespmem:$0x4B30];
	v0 =	vadd.f32 v40, v0;
	v4 =	vadd.f32 v36, v4  }
0x338: {  	v49 =	vld [tilespmem:$0x4B20];
	v2 =	vadd.f32 v43, v2;
	v1 =	vadd.f32 v42, v1  }
0x339: {  	v0 =	vadd.f32 v44, v0;
	v3 =	vadd.f32 v41, v4  }
0x33a: {  	v2 =	vadd.f32 v47, v2;
	v1 =	vadd.f32 v46, v1  }
0x33b: {  	v0 =	vadd.f32 v48, v0;
	v3 =	vadd.f32 v45, v3  }
0x33c: {  	v2 =	vadd.f32 v51, v2;
	v1 =	vadd.f32 v50, v1  }
0x33d: {  	v0 =	vadd.f32 v52, v0;
	v3 =	vadd.f32 v49, v3;
	_ =	sdelay $0x1  }
0x33e: {  	v0 =	vmul.f32 v0, v1;
	v2 =	vmul.f32 v2, v3;
	_ =	sdelay $0x1  }
0x33f: {  	v0 =	vadd.f32 v0, v2;
	_ =	sdelay $0x1  }
0x340: {  	(xrf2) =	vadd.scan.msk.f32 $0xffff, v0;
	_ =	sdelay $0x3  }
0x341: {  	s14 =	sadd.s32 $0x2, s1  }
0x342: {  	v53 =	vmov s14  }
0x343: {  	v0 =	vand.u32 $0xFFFFFFFE, v53  }
0x344: {  	v0 =	vbroadcast v0, $0x0;
	_ =	sdelay $0x2  }
0x345: {  	v54, _, _ =	vpop (xrf2)  }
0x346: {  	v1 =	vmul.f32 $3.999999900e-04, v54;
	_ =	sdelay $0x1  }
0x347: {  	[tilespmem:v0+s23+$0x0] =	vst.idx.msk vm0, v1  }
0x348: {  	_ =	swait.ge [sflag:s29], $0x640  }
0x349: {  	[sflag:s29] =	ssyncset.done $0x0  }
0x34a: {  	[sflag:s29] =	ssyncadd.s32 $0xFFFFF9C0  }
0x34b: {  	_ =	swait.ge [sflag:s30], $0x640  }
0x34c: {  	[sflag:s30] =	ssyncset.done $0x0  }
0x34d: {  	s13 =	sadd.s32 @!p0 $0x150, s11;
	s14 =	simm.s32 @!p0 $0x4500;
	[sflag:s30] =	ssyncadd.s32 $0xFFFFF9C0  }
0x34e: {  	[tilespmem:s14], [sflag:$0x3] =	stream.indirect.gather @!p0 [hbm4b:s3+s12], $0x20, s13, s12, $0xb8;
	[tilespmem:$0x6A80] =	vst v63  }
0x34f: {  	s11 =	sadd.s32 @!p0 $0x1D50, s11;
	s13 =	simm.s32 @!p0 $0x5E00  }
0x350: {  	[tilespmem:s13], [sflag:$0x7] =	stream.indirect.gather @!p0 [hbm4b:s3+s12], $0x20, s11, s12, $0xb8;
	[tilespmem:$0x6A80] =	vst v63  }
0x351: {  	v0 =	vld [tilespmem:$0x4D40];
	_ =	sdelay $0x4  }
0x352: {  	[tilespmem:$0x1FD50] =	vst v0;
	v0 =	vld [tilespmem:$0x4D50];
	_ =	sdelay $0x4  }
0x353: {  	[tilespmem:$0x1FD60] =	vst v0;
	v0 =	vld [tilespmem:$0x6640];
	_ =	sdelay $0x4  }
0x354: {  	[tilespmem:$0x1FD70] =	vst v0;
	v0 =	vld [tilespmem:$0x6650];
	_ =	sdelay $0x4  }
0x355: {  	[tilespmem:$0x1FD80] =	vst v0;
	v0 =	vld [tilespmem:$0x4D60];
	_ =	sdelay $0x4  }
0x356: {  	[tilespmem:$0x1FD90] =	vst v0;
	v0 =	vld [tilespmem:$0x4D70];
	_ =	sdelay $0x4  }
0x357: {  	[tilespmem:$0x1FDA0] =	vst v0;
	v0 =	vld [tilespmem:$0x6660];
	_ =	sdelay $0x4  }
0x358: {  	[tilespmem:$0x1FDB0] =	vst v0;
	v0 =	vld [tilespmem:$0x6670];
	_ =	sdelay $0x4  }
0x359: {  	[tilespmem:$0x1FDC0] =	vst v0;
	v0 =	vld [tilespmem:$0x4D80];
	_ =	sdelay $0x4  }
0x35a: {  	[tilespmem:$0x1FDD0] =	vst v0;
	v0 =	vld [tilespmem:$0x4D90];
	_ =	sdelay $0x4  }
0x35b: {  	[tilespmem:$0x1FDE0] =	vst v0;
	v0 =	vld [tilespmem:$0x6680];
	_ =	sdelay $0x4  }
0x35c: {  	[tilespmem:$0x1FDF0] =	vst v0;
	v0 =	vld [tilespmem:$0x6690];
	_ =	sdelay $0x4  }
0x35d: {  	[tilespmem:$0x1FE00] =	vst v0;
	v0 =	vld [tilespmem:$0x4DA0];
	_ =	sdelay $0x4  }
0x35e: {  	[tilespmem:$0x1FE10] =	vst v0;
	v0 =	vld [tilespmem:$0x4DB0];
	_ =	sdelay $0x4  }
0x35f: {  	[tilespmem:$0x1FE20] =	vst v0;
	v0 =	vld [tilespmem:$0x66A0];
	_ =	sdelay $0x4  }
0x360: {  	[tilespmem:$0x1FE30] =	vst v0;
	v0 =	vld [tilespmem:$0x66B0];
	_ =	sdelay $0x4  }
0x361: {  	[tilespmem:$0x1FE40] =	vst v0;
	v0 =	vld [tilespmem:$0x4DC0];
	_ =	sdelay $0x4  }
0x362: {  	[tilespmem:$0x1FE50] =	vst v0;
	v0 =	vld [tilespmem:$0x4DD0]  }
0x363: {  	v2 =	vld [tilespmem:$0x4B40]  }
0x364: {  	v5 =	vld [tilespmem:$0x4B50]  }
0x365: {  	v10 =	vld [tilespmem:$0x6440]  }
0x366: {  	v13 =	vld [tilespmem:$0x6450]  }
0x367: {  	[tilespmem:$0x1FE60] =	vst v0;
	v0 =	vld [tilespmem:$0x66C0]  }
0x368: {  	v16 =	vld [tilespmem:$0x4B60]  }
0x369: {  	v21 =	vld [tilespmem:$0x4B70]  }
0x36a: {  	v24 =	vld [tilespmem:$0x6460]  }
0x36b: {  	v29 =	vld [tilespmem:$0x6470]  }
0x36c: {  	[tilespmem:$0x1FE70] =	vst v0;
	v0 =	vld [tilespmem:$0x66D0]  }
0x36d: {  	v32 =	vld [tilespmem:$0x4B80]  }
0x36e: {  	v37 =	vld [tilespmem:$0x4B90]  }
0x36f: {  	v40 =	vld [tilespmem:$0x6480]  }
0x370: {  	v45 =	vld [tilespmem:$0x6490]  }
0x371: {  	[tilespmem:$0x1FE80] =	vst v0;
	v0 =	vld [tilespmem:$0x4DE0]  }
0x372: {  	v48 =	vld [tilespmem:$0x4BA0]  }
0x373: {  	v53 =	vld [tilespmem:$0x4BB0]  }
0x374: {  	v56 =	vld [tilespmem:$0x64A0]  }
0x375: {  	v61 =	vld [tilespmem:$0x64B0]  }
0x376: {  	[tilespmem:$0x1FE90] =	vst v0;
	v0 =	vld [tilespmem:$0x4DF0]  }
0x377: {  	v3 =	vld [tilespmem:$0x4BC0]  }
0x378: {  	v1 =	vld [tilespmem:$0x4BD0]  }
0x379: {  	v6 =	vld [tilespmem:$0x64C0]  }
0x37a: {  	v4 =	vld [tilespmem:$0x64D0]  }
0x37b: {  	[tilespmem:$0x1FEA0] =	vst v0;
	v0 =	vld [tilespmem:$0x66E0]  }
0x37c: {  	v8 =	vld [tilespmem:$0x4BE0]  }
0x37d: {  	v7 =	vld [tilespmem:$0x4BF0]  }
0x37e: {  	v11 =	vld [tilespmem:$0x64E0]  }
0x37f: {  	v9 =	vld [tilespmem:$0x64F0]  }
0x380: {  	[tilespmem:$0x1FEB0] =	vst v0;
	v0 =	vld [tilespmem:$0x66F0]  }
0x381: {  	v14 =	vld [tilespmem:$0x4C00]  }
0x382: {  	v12 =	vld [tilespmem:$0x4C10]  }
0x383: {  	v17 =	vld [tilespmem:$0x6500]  }
0x384: {  	v15 =	vld [tilespmem:$0x6510]  }
0x385: {  	[tilespmem:$0x1FEC0] =	vst v0;
	v0 =	vld [tilespmem:$0x4E00]  }
0x386: {  	v19 =	vld [tilespmem:$0x4C20]  }
0x387: {  	v18 =	vld [tilespmem:$0x4C30]  }
0x388: {  	v22 =	vld [tilespmem:$0x6520]  }
0x389: {  	v20 =	vld [tilespmem:$0x6530]  }
0x38a: {  	[tilespmem:$0x1FED0] =	vst v0;
	v0 =	vld [tilespmem:$0x4E10]  }
0x38b: {  	v25 =	vld [tilespmem:$0x4C40]  }
0x38c: {  	v23 =	vld [tilespmem:$0x4C50]  }
0x38d: {  	v27 =	vld [tilespmem:$0x6540]  }
0x38e: {  	v26 =	vld [tilespmem:$0x6550]  }
0x38f: {  	[tilespmem:$0x1FEE0] =	vst v0;
	v0 =	vld [tilespmem:$0x6700]  }
0x390: {  	v30 =	vld [tilespmem:$0x4C60]  }
0x391: {  	v28 =	vld [tilespmem:$0x4C70]  }
0x392: {  	v33 =	vld [tilespmem:$0x6560]  }
0x393: {  	v31 =	vld [tilespmem:$0x6570]  }
0x394: {  	[tilespmem:$0x1FEF0] =	vst v0;
	v0 =	vld [tilespmem:$0x6710]  }
0x395: {  	v35 =	vld [tilespmem:$0x4C80]  }
0x396: {  	v34 =	vld [tilespmem:$0x4C90]  }
0x397: {  	v38 =	vld [tilespmem:$0x6580]  }
0x398: {  	v36 =	vld [tilespmem:$0x6590]  }
0x399: {  	[tilespmem:$0x1FF00] =	vst v0;
	v0 =	vld [tilespmem:$0x4E20]  }
0x39a: {  	v41 =	vld [tilespmem:$0x4CA0]  }
0x39b: {  	v39 =	vld [tilespmem:$0x4CB0]  }
0x39c: {  	v43 =	vld [tilespmem:$0x65A0]  }
0x39d: {  	v42 =	vld [tilespmem:$0x65B0]  }
0x39e: {  	[tilespmem:$0x1FF10] =	vst v0;
	v0 =	vld [tilespmem:$0x4E30]  }
0x39f: {  	v46 =	vld [tilespmem:$0x4CC0]  }
0x3a0: {  	v44 =	vld [tilespmem:$0x4CD0]  }
0x3a1: {  	v49 =	vld [tilespmem:$0x65C0]  }
0x3a2: {  	v47 =	vld [tilespmem:$0x65D0]  }
0x3a3: {  	[tilespmem:$0x1FF20] =	vst v0;
	v0 =	vld [tilespmem:$0x6720]  }
0x3a4: {  	v51 =	vld [tilespmem:$0x4CE0]  }
0x3a5: {  	v50 =	vld [tilespmem:$0x4CF0]  }
0x3a6: {  	v54 =	vld [tilespmem:$0x65E0]  }
0x3a7: {  	v52 =	vld [tilespmem:$0x65F0]  }
0x3a8: {  	[tilespmem:$0x1FF30] =	vst v0;
	v0 =	vld [tilespmem:$0x6730]  }
0x3a9: {  	v62 =	vld [tilespmem:$0x4D00]  }
0x3aa: {  	v63 =	vld [tilespmem:$0x4D10]  }
0x3ab: {  	v59 =	vld [tilespmem:$0x6600]  }
0x3ac: {  	v55 =	vld [tilespmem:$0x6620]  }
0x3ad: {  	[tilespmem:$0x1FF40] =	vst v0;
	v0 =	vld [tilespmem:$0x4E40]  }
0x3ae: {  	v60 =	vld [tilespmem:$0x6610]  }
0x3af: {  	v57 =	vld [tilespmem:$0x4D20]  }
0x3b0: {  	v58 =	vld [tilespmem:$0x4D30]  }
0x3b1: {  	[tilespmem:$0x1FD40] =	vst v55;
	v55 =	vld [tilespmem:$0x6630];
	v2 =	vadd.f32 $0.0e+00, v2  }
0x3b2: {  	v5 =	vadd.f32 $0.0e+00, v5;
	[tilespmem:$0x1FF50] =	vst v0;
	v0 =	vld [tilespmem:$0x4E50]  }
0x3b3: {  	v10 =	vadd.f32 $0.0e+00, v10;
	v2 =	vadd.f32 v16, v2;
	v16 =	vld [tilespmem:$0x4EA0]  }
0x3b4: {  	v5 =	vadd.f32 v21, v5;
	v21 =	vld [tilespmem:$0x4EB0]  }
0x3b5: {  	v10 =	vadd.f32 v24, v10;
	v24 =	vld [tilespmem:$0x67A0]  }
0x3b6: {  	v2 =	vadd.f32 v32, v2;
	v32 =	vld [tilespmem:$0x4EC0]  }
0x3b7: {  	[tilespmem:$0x1FF60] =	vst v0;
	v0 =	vld [tilespmem:$0x6740]  }
0x3b8: {  	v5 =	vadd.f32 v37, v5;
	v37 =	vld [tilespmem:$0x4ED0]  }
0x3b9: {  	v10 =	vadd.f32 v40, v10;
	v40 =	vld [tilespmem:$0x67C0]  }
0x3ba: {  	v2 =	vadd.f32 v48, v2;
	v48 =	vld [tilespmem:$0x4EE0]  }
0x3bb: {  	v5 =	vadd.f32 v53, v5;
	v53 =	vld [tilespmem:$0x4EF0]  }
0x3bc: {  	v10 =	vadd.f32 v56, v10;
	[tilespmem:$0x1FF70] =	vst v0;
	v0 =	vld [tilespmem:$0x6750]  }
0x3bd: {  	v56 =	vld [tilespmem:$0x67E0]  }
0x3be: {  	v1 =	vadd.f32 v1, v5;
	v10 =	vadd.f32 v6, v10;
	v5 =	vld [tilespmem:$0x4F10]  }
0x3bf: {  	v2 =	vadd.f32 v3, v2;
	v6 =	vld [tilespmem:$0x6810]  }
0x3c0: {  	v1 =	vadd.f32 v7, v1;
	v3 =	vadd.f32 v11, v10;
	v10 =	vld [tilespmem:$0x4F00]  }
0x3c1: {  	[tilespmem:$0x1FF80] =	vst v0;
	v0 =	vld [tilespmem:$0x4E60]  }
0x3c2: {  	v7 =	vld [tilespmem:$0x4F20];
	v1 =	vadd.f32 v12, v1  }
0x3c3: {  	v2 =	vadd.f32 v8, v2;
	v8 =	vld [tilespmem:$0x4F30];
	v3 =	vadd.f32 v17, v3  }
0x3c4: {  	v11 =	vld [tilespmem:$0x6830];
	v1 =	vadd.f32 v18, v1  }
0x3c5: {  	v12 =	vld [tilespmem:$0x4F40];
	v3 =	vadd.f32 v22, v3  }
0x3c6: {  	v1 =	vadd.f32 v23, v1;
	[tilespmem:$0x1FF90] =	vst v0;
	v0 =	vld [tilespmem:$0x4E70]  }
0x3c7: {  	v2 =	vadd.f32 v14, v2;
	v14 =	vld [tilespmem:$0x4F50];
	v3 =	vadd.f32 v27, v3  }
0x3c8: {  	v17 =	vld [tilespmem:$0x6850];
	v1 =	vadd.f32 v28, v1  }
0x3c9: {  	v18 =	vld [tilespmem:$0x4F60];
	v3 =	vadd.f32 v33, v3  }
0x3ca: {  	v2 =	vadd.f32 v19, v2;
	v19 =	vld [tilespmem:$0x4F70];
	v1 =	vadd.f32 v34, v1  }
0x3cb: {  	v3 =	vadd.f32 v38, v3;
	[tilespmem:$0x1FFA0] =	vst v0;
	v0 =	vld [tilespmem:$0x6760]  }
0x3cc: {  	v22 =	vld [tilespmem:$0x6870];
	v1 =	vadd.f32 v39, v1  }
0x3cd: {  	v25 =	vadd.f32 v25, v2;
	v2 =	vld [tilespmem:$0x6800];
	v3 =	vadd.f32 v43, v3  }
0x3ce: {  	v23 =	vld [tilespmem:$0x4F80];
	v1 =	vadd.f32 v44, v1  }
0x3cf: {  	v27 =	vld [tilespmem:$0x6890];
	v3 =	vadd.f32 v49, v3  }
0x3d0: {  	v1 =	vadd.f32 v50, v1;
	[tilespmem:$0x1FFB0] =	vst v0;
	v0 =	vld [tilespmem:$0x6770]  }
0x3d1: {  	v28 =	vld [tilespmem:$0x4FA0];
	v3 =	vadd.f32 v54, v3  }
0x3d2: {  	v54 =	vld [tilespmem:$0x1FD40];
	v1 =	vadd.f32 v63, v1  }
0x3d3: {  	v3 =	vadd.f32 v59, v3;
	v59 =	vld [tilespmem:$0x1FD80]  }
0x3d4: {  	v1 =	vadd.f32 v58, v1;
	v58 =	vld [tilespmem:$0x1FD70]  }
0x3d5: {  	[tilespmem:$0x1FFC0] =	vst v0;
	v0 =	vld [tilespmem:$0x4E80]  }
0x3d6: {  	v63 =	vld [tilespmem:$0x1FDB0]  }
0x3d7: {  	v33 =	vld [tilespmem:$0x1FDC0]  }
0x3d8: {  	v34 =	vld [tilespmem:$0x1FDD0]  }
0x3d9: {  	v38 =	vld [tilespmem:$0x1FE00]  }
0x3da: {  	[tilespmem:$0x1FFD0] =	vst v0;
	v0 =	vld [tilespmem:$0x4E90]  }
0x3db: {  	v39 =	vld [tilespmem:$0x1FE10]  }
0x3dc: {  	v43 =	vld [tilespmem:$0x1FE40]  }
0x3dd: {  	v44 =	vld [tilespmem:$0x1FE50]  }
0x3de: {  	v49 =	vld [tilespmem:$0x1FE80]  }
0x3df: {  	v3 =	vadd.f32 v54, v3;
	v50 =	vld [tilespmem:$0x1FE90];
	[tilespmem:$0x1FFE0] =	vst v0;
	v0 =	vadd.f32 $0.0e+00, v13  }
0x3e0: {  	v54 =	vld [tilespmem:$0x1FEC0]  }
0x3e1: {  	v3 =	vadd.f32 v58, v3;
	v13 =	vld [tilespmem:$0x6780];
	v0 =	vadd.f32 v29, v0  }
0x3e2: {  	v58 =	vld [tilespmem:$0x1FEF0]  }
0x3e3: {  	v3 =	vadd.f32 v63, v3;
	v63 =	vld [tilespmem:$0x1FF30];
	v0 =	vadd.f32 v45, v0  }
0x3e4: {  	v29 =	vld [tilespmem:$0x67B0]  }
0x3e5: {  	v45 =	vld [tilespmem:$0x67D0];
	v0 =	vadd.f32 v61, v0  }
0x3e6: {  	[tilespmem:$0x1FFF0] =	vst v13;
	v13 =	vld [tilespmem:$0x6790]  }
0x3e7: {  	v61 =	vld [tilespmem:$0x67F0];
	v0 =	vadd.f32 v4, v0  }
0x3e8: {  	v4 =	vadd.f32 v30, v25;
	v25 =	vld [tilespmem:$0x4F90]  }
0x3e9: {  	v30 =	vld [tilespmem:$0x4FB0];
	v0 =	vadd.f32 v9, v0  }
0x3ea: {  	v4 =	vadd.f32 v35, v4;
	v9 =	vld [tilespmem:$0x6820]  }
0x3eb: {  	v35 =	vld [tilespmem:$0x1FDE0];
	v0 =	vadd.f32 v15, v0  }
0x3ec: {  	v4 =	vadd.f32 v41, v4;
	v15 =	vld [tilespmem:$0x6840]  }
0x3ed: {  	v41 =	vld [tilespmem:$0x1FE20];
	v0 =	vadd.f32 v20, v0  }
0x3ee: {  	v4 =	vadd.f32 v46, v4;
	v20 =	vld [tilespmem:$0x6860]  }
0x3ef: {  	v46 =	vld [tilespmem:$0x1FE60];
	v0 =	vadd.f32 v26, v0  }
0x3f0: {  	v4 =	vadd.f32 v51, v4;
	v26 =	vld [tilespmem:$0x6880]  }
0x3f1: {  	v51 =	vld [tilespmem:$0x1FEA0];
	v0 =	vadd.f32 v31, v0  }
0x3f2: {  	v4 =	vadd.f32 v62, v4;
	v62 =	vld [tilespmem:$0x1FDA0]  }
0x3f3: {  	v0 =	vadd.f32 v36, v0;
	v36 =	vld [tilespmem:$0x1FDF0]  }
0x3f4: {  	v4 =	vadd.f32 v57, v4;
	v57 =	vld [tilespmem:$0x1FD60]  }
0x3f5: {  	v31 =	vld [tilespmem:$0x68A0];
	v0 =	vadd.f32 v42, v0  }
0x3f6: {  	v42 =	vld [tilespmem:$0x1FE30]  }
0x3f7: {  	v0 =	vadd.f32 v47, v0;
	v47 =	vld [tilespmem:$0x1FE70]  }
0x3f8: {  	v3 =	vadd.f32 v36, v3;
	v36 =	vld [tilespmem:$0x68C0]  }
0x3f9: {  	v1 =	vadd.f32 v57, v1;
	v57 =	vld [tilespmem:$0x1FEE0]  }
0x3fa: {  	v0 =	vadd.f32 v52, v0;
	v52 =	vld [tilespmem:$0x1FEB0]  }
0x3fb: {  	v3 =	vadd.f32 v42, v3;
	v42 =	vld [tilespmem:$0x68E0]  }
0x3fc: {  	v1 =	vadd.f32 v62, v1;
	v62 =	vld [tilespmem:$0x1FF20]  }
0x3fd: {  	v0 =	vadd.f32 v60, v0;
	v60 =	vld [tilespmem:$0x1FD90]  }
0x3fe: {  	v1 =	vadd.f32 v35, v1;
	v35 =	vld [tilespmem:$0x4FD0]  }
0x3ff: {  	v3 =	vadd.f32 v47, v3;
	v47 =	vld [tilespmem:$0x6900]  }
0x400: {  	v0 =	vadd.f32 v55, v0;
	v55 =	vld [tilespmem:$0x1FD50]  }
0x401: {  	v1 =	vadd.f32 v41, v1;
	v41 =	vld [tilespmem:$0x4FF0]  }
0x402: {  	v3 =	vadd.f32 v52, v3;
	v52 =	vld [tilespmem:$0x1FF70]  }
0x403: {  	v0 =	vadd.f32 v59, v0;
	v59 =	vld [tilespmem:$0x1FF00]  }
0x404: {  	v1 =	vadd.f32 v46, v1;
	v46 =	vld [tilespmem:$0x5010]  }
0x405: {  	v3 =	vadd.f32 v58, v3;
	v58 =	vld [tilespmem:$0x1FFB0]  }
0x406: {  	v0 =	vadd.f32 v33, v0;
	v33 =	vld [tilespmem:$0x68B0]  }
0x407: {  	v4 =	vadd.f32 v55, v4;
	v55 =	vld [tilespmem:$0x1FED0]  }
0x408: {  	v1 =	vadd.f32 v51, v1;
	v51 =	vld [tilespmem:$0x1FF60]  }
0x409: {  	v3 =	vadd.f32 v63, v3;
	v63 =	vld [tilespmem:$0x1FFF0];
	v4 =	vadd.f32 v60, v4  }
0x40a: {  	v0 =	vadd.f32 v38, v0;
	v38 =	vld [tilespmem:$0x68D0]  }
0x40b: {  	v60 =	vld [tilespmem:$0x1FF10];
	v4 =	vadd.f32 v34, v4  }
0x40c: {  	v1 =	vadd.f32 v57, v1;
	v3 =	vadd.f32 v52, v3;
	v57 =	vld [tilespmem:$0x1FFA0]  }
0x40d: {  	v52 =	vld [tilespmem:$0x6950];
	v0 =	vadd.f32 v43, v0;
	v4 =	vadd.f32 v39, v4  }
0x40e: {  	v43 =	vld [tilespmem:$0x68F0]  }
0x40f: {  	v34 =	vld [tilespmem:$0x4FC0];
	v0 =	vadd.f32 v49, v0;
	v4 =	vadd.f32 v44, v4  }
0x410: {  	v49 =	vld [tilespmem:$0x1FF40]  }
0x411: {  	v0 =	vadd.f32 v54, v0;
	v54 =	vld [tilespmem:$0x1FF80];
	v4 =	vadd.f32 v50, v4  }
0x412: {  	v50 =	vld [tilespmem:$0x1FF50]  }
0x413: {  	v0 =	vadd.f32 v59, v0;
	v59 =	vld [tilespmem:$0x1FFC0];
	v4 =	vadd.f32 v55, v4  }
0x414: {  	v1 =	vadd.f32 v62, v1;
	v55 =	vld [tilespmem:$0x1FF90]  }
0x415: {  	v62 =	vld [tilespmem:$0x1FFE0];
	v0 =	vadd.f32 v49, v0;
	v4 =	vadd.f32 v60, v4  }
0x416: {  	v3 =	vadd.f32 v58, v3;
	v1 =	vadd.f32 v51, v1;
	v60 =	vld [tilespmem:$0x1FFD0]  }
0x417: {  	v58 =	vld [tilespmem:$0x5090];
	v0 =	vadd.f32 v54, v0;
	v4 =	vadd.f32 v50, v4  }
0x418: {  	v39 =	vld [tilespmem:$0x4FE0];
	v3 =	vadd.f32 v63, v3;
	v1 =	vadd.f32 v57, v1  }
0x419: {  	v51 =	vld [tilespmem:$0x5030];
	v0 =	vadd.f32 v59, v0;
	v4 =	vadd.f32 v55, v4  }
0x41a: {  	v63 =	vld [tilespmem:$0x69A0];
	v3 =	vadd.f32 v24, v3;
	v1 =	vadd.f32 v62, v1  }
0x41b: {  	v44 =	vld [tilespmem:$0x5000];
	v0 =	vadd.f32 v13, v0;
	v4 =	vadd.f32 v60, v4  }
0x41c: {  	v24 =	vld [tilespmem:$0x5050];
	v3 =	vadd.f32 v40, v3;
	v1 =	vadd.f32 v21, v1  }
0x41d: {  	v57 =	vld [tilespmem:$0x5080];
	v0 =	vadd.f32 v29, v0;
	v4 =	vadd.f32 v16, v4  }
0x41e: {  	v62 =	vld [tilespmem:$0x50B0];
	v3 =	vadd.f32 v56, v3;
	v1 =	vadd.f32 v37, v1  }
0x41f: {  	v40 =	vld [tilespmem:$0x69C0];
	v0 =	vadd.f32 v45, v0;
	v4 =	vadd.f32 v32, v4  }
0x420: {  	v49 =	vld [tilespmem:$0x6910];
	v2 =	vadd.f32 v2, v3;
	v1 =	vadd.f32 v53, v1  }
0x421: {  	v21 =	vld [tilespmem:$0x5040];
	v0 =	vadd.f32 v61, v0;
	v4 =	vadd.f32 v48, v4  }
0x422: {  	v56 =	vld [tilespmem:$0x6970];
	v2 =	vadd.f32 v9, v2;
	v1 =	vadd.f32 v5, v1  }
0x423: {  	v54 =	vld [tilespmem:$0x5070];
	v0 =	vadd.f32 v6, v0;
	v4 =	vadd.f32 v10, v4  }
0x424: {  	v59 =	vld [tilespmem:$0x6980];
	v2 =	vadd.f32 v15, v2;
	v1 =	vadd.f32 v8, v1  }
0x425: {  	v50 =	vld [tilespmem:$0x5020];
	v0 =	vadd.f32 v11, v0;
	v4 =	vadd.f32 v7, v4  }
0x426: {  	v53 =	vld [tilespmem:$0x5060];
	v2 =	vadd.f32 v20, v2;
	v1 =	vadd.f32 v14, v1  }
0x427: {  	v13 =	vld [tilespmem:$0x6920];
	v0 =	vadd.f32 v17, v0;
	v4 =	vadd.f32 v12, v4  }
0x428: {  	v55 =	vld [tilespmem:$0x6960];
	v2 =	vadd.f32 v26, v2;
	v1 =	vadd.f32 v19, v1  }
0x429: {  	v29 =	vld [tilespmem:$0x6940];
	v0 =	vadd.f32 v22, v0;
	v4 =	vadd.f32 v18, v4  }
0x42a: {  	v60 =	vld [tilespmem:$0x6990];
	v2 =	vadd.f32 v31, v2;
	v1 =	vadd.f32 v25, v1  }
0x42b: {  	v45 =	vld [tilespmem:$0x69F0];
	v0 =	vadd.f32 v27, v0;
	v4 =	vadd.f32 v23, v4  }
0x42c: {  	v16 =	vld [tilespmem:$0x6930];
	v2 =	vadd.f32 v36, v2;
	v1 =	vadd.f32 v30, v1  }
0x42d: {  	v61 =	vld [tilespmem:$0x50A0];
	v0 =	vadd.f32 v33, v0;
	v4 =	vadd.f32 v28, v4  }
0x42e: {  	v48 =	vld [tilespmem:$0x6A00];
	v2 =	vadd.f32 v42, v2;
	v1 =	vadd.f32 v35, v1  }
0x42f: {  	v30 =	vld [tilespmem:$0x69B0];
	v0 =	vadd.f32 v38, v0;
	v4 =	vadd.f32 v34, v4  }
0x430: {  	v42 =	vld [tilespmem:$0x50E0];
	v2 =	vadd.f32 v47, v2;
	v1 =	vadd.f32 v41, v1  }
0x431: {  	v35 =	vld [tilespmem:$0x50D0];
	v0 =	vadd.f32 v43, v0;
	v4 =	vadd.f32 v39, v4  }
0x432: {  	v47 =	vld [tilespmem:$0x5110];
	v2 =	vadd.f32 v13, v2;
	v1 =	vadd.f32 v46, v1  }
0x433: {  	v41 =	vld [tilespmem:$0x69D0];
	v0 =	vadd.f32 v49, v0;
	v4 =	vadd.f32 v44, v4  }
0x434: {  	v46 =	vld [tilespmem:$0x5100];
	v2 =	vadd.f32 v29, v2;
	v1 =	vadd.f32 v51, v1  }
0x435: {  	v33 =	vld [tilespmem:$0x50C0];
	v0 =	vadd.f32 v16, v0;
	v4 =	vadd.f32 v50, v4  }
0x436: {  	v2 =	vadd.f32 v55, v2;
	v51 =	vld [tilespmem:$0x5130];
	v1 =	vadd.f32 v24, v1  }
0x437: {  	v55 =	vld [tilespmem:$0x5150];
	v0 =	vadd.f32 v52, v0;
	v4 =	vadd.f32 v21, v4  }
0x438: {  	v2 =	vadd.f32 v59, v2;
	v59 =	vld [tilespmem:$0x5170];
	v1 =	vadd.f32 v54, v1  }
0x439: {  	v43 =	vld [tilespmem:$0x50F0];
	v0 =	vadd.f32 v56, v0;
	v4 =	vadd.f32 v53, v4  }
0x43a: {  	v54 =	vld [tilespmem:$0x5140];
	v1 =	vadd.f32 v58, v1  }
0x43b: {  	v44 =	vld [tilespmem:$0x69E0];
	v0 =	vadd.f32 v60, v0;
	v4 =	vadd.f32 v57, v4  }
0x43c: {  	v2 =	vadd.f32 v63, v2;
	v49 =	vld [tilespmem:$0x6A10];
	v1 =	vadd.f32 v62, v1  }
0x43d: {  	v58 =	vld [tilespmem:$0x5160];
	v0 =	vadd.f32 v30, v0;
	v4 =	vadd.f32 v61, v4  }
0x43e: {  	v2 =	vadd.f32 v40, v2;
	v52 =	vld [tilespmem:$0x6A20];
	v1 =	vadd.f32 v35, v1  }
0x43f: {  	v50 =	vld [tilespmem:$0x5120];
	v0 =	vadd.f32 v41, v0;
	v4 =	vadd.f32 v33, v4  }
0x440: {  	v1 =	vadd.f32 v43, v1;
	v2 =	vadd.f32 v44, v2;
	v53 =	vld [tilespmem:$0x6A30]  }
0x441: {  	v56 =	vld [tilespmem:$0x6A40];
	v0 =	vadd.f32 v45, v0;
	v4 =	vadd.f32 v42, v4  }
0x442: {  	v1 =	vadd.f32 v47, v1;
	v2 =	vadd.f32 v48, v2;
	v57 =	vld [tilespmem:$0x6A50]  }
0x443: {  	v60 =	vld [tilespmem:$0x6A60];
	v0 =	vadd.f32 v49, v0;
	v4 =	vadd.f32 v46, v4  }
0x444: {  	v1 =	vadd.f32 v51, v1;
	v2 =	vadd.f32 v52, v2;
	v61 =	vld [tilespmem:$0x6A70]  }
0x445: {  	v0 =	vadd.f32 v53, v0;
	v3 =	vadd.f32 v50, v4  }
0x446: {  	v1 =	vadd.f32 v55, v1;
	v2 =	vadd.f32 v56, v2  }
0x447: {  	v0 =	vadd.f32 v57, v0;
	v3 =	vadd.f32 v54, v3  }
0x448: {  	v1 =	vadd.f32 v59, v1;
	v2 =	vadd.f32 v60, v2  }
0x449: {  	v0 =	vadd.f32 v61, v0;
	v3 =	vadd.f32 v58, v3;
	_ =	sdelay $0x1  }
0x44a: {  	v0 =	vmul.f32 v0, v1;
	v2 =	vmul.f32 v2, v3;
	_ =	sdelay $0x1  }
0x44b: {  	v0 =	vadd.f32 v0, v2;
	_ =	sdelay $0x1  }
0x44c: {  	(xrf2) =	vadd.scan.msk.f32 $0xffff, v0;
	_ =	sdelay $0x6  }
0x44d: {  	s0 =	sadd.s32 $0x380, s0;
	s14 =	sadd.s32 $0x3, s1  }
0x44e: {  	p0 =	sne.s32 s0, $0x7000;
	v62 =	vmov s14  }
.Ltmp0:
0x44f: {  	_ = 	snop;
	(pc) =	sbr.rel @p0 .LBB2_2-.Ltmp0, $3  }
0x450: {  	v63, _, _ =	vpop (xrf2)  }
0x451: {  	v1 =	vmul.f32 $3.999999900e-04, v63;
	_ =	sdelay $0x1  }
0x452: {  	s1 =	sadd.s32 $0x4, s1;
	[tilespmem:v62+s23+$0x0] =	vst.idx.msk vm0, v1  }
0x453: {  	s31 =	sadd.s32 $0x1, s31  }
0x454: {  	p0 =	sne.s32 s31, s7  }
.Ltmp1:
0x455: {  	_ = 	snop;
	(pc) =	sbr.rel @p0 .LBB2_1-.Ltmp1, $4  }
0x456: {  	[hbm4b:s6+s2] =	stream.linear.scatter [tilespmem:s23], [sflag:$0x9], $0x80, $0x38;
	[tilespmem:$0x6A80] =	vst v63  }
0x457: {  	_ =	swait.ge [sflag:s8], $0x80  }
0x458: {  	[sflag:s8] =	ssyncset.done $0x0  }
0x459: {  	[sflag:s8] =	ssyncadd.s32 $0xFFFFFF80  }
0x45a: {  	_ =	sfence.sel $0x180000  }
0x45b: {  	[bflag:$0x0] =	sbarrier.arrive $0xFFFF  }
0x45c: {  	_ =	strace $0x90000047  }
0x45d: {  	s0 =	stileid.u32;
	[bflag:$0x2] =	sbarrier.arrive $0xFFFF  }
0x45e: {  	p0 =	sne.s32 s0, $0x0;
	s0 =	rddreg [dreg:$0x2]  }
0x45f: {  	s0 =	sadd.s32 @!p0 $0x100000, s0  }
0x460: {  	[sflag:s0] =	ssyncadd.tile.s32 @!p0 $0x1;
	_ =	shalt  }
.Lfunc_end2:
_tile_overlayer_lowered:
.L_overlay_start_2:
0x461: {  	(tag) =	ssettag $0x2  }
0x462: {  	s0 =	rddreg [dreg:$0x0];
	s2 =	stileid.u32  }
0x463: {  	s1 =	rddreg [dreg:$0x1];
	p0 =	sne.s32 s2, $0x0  }
0x464: {  	s3 =	rddreg [dreg:$0x2];
	[bflag:$0x3] =	sbarrier.arrive $0xFFFF;
	s2 =	simm.s32 @!p0 $0x1C09  }
0x465: {  	[timem:s3], [sflag:s2] =	dma.local @!p0 [hbm:s0], s1  }
0x466: {  	s0 =	simm.s32 @!p0 $0x9  }
0x467: {  	_ =	swait.ge @!p0 [sflag:s0], s1  }
0x468: {  	s1 =	ssub.s32 @!p0 $0x0, s1;
	[sflag:s0] =	ssyncset.done @!p0 $0x0  }
0x469: {  	[sflag:s0] =	ssyncadd.s32 @!p0 s1  }
0x46a: {  	[bflag:$0x3] =	sbarrier.arrive $0xFFFF  }
0x46b: {  	_ =	shalt  }

</sc_bundles>
